<compile_context>
chip_gen: v7x
topology: tpu7x:2x2x1
jax: 0.10.2.dev20260603
libtpu: 0.0.44.dev20260713+nightly
codegen_flags: <defaults>
</compile_context>

<pallas_src>
import functools

import jax
import jax.numpy as jnp
from jax import lax
from jax.experimental import pallas as pl
from jax.experimental.pallas import tpu as pltpu
from jax.experimental.pallas import tpu_sc as plsc

N = 10000
E = 320000
D = 128
DE = 16
STEPS = 3

NC = 2
NS = 16
NW = NC * NS
EW = E // NW
K = 125
CH = EW // K
NBUF = 2
NP = 10240
NPT = NP // NS
E8 = E * DE // 128

BT = 2000
BN = 2000

_F32 = jnp.float32



def _edge_pre_body(ea_ref, bde_ref, bda_ref, be8_ref, ce_ref, t0_ref):
    ea = ea_ref[...].reshape(BT, 128)
    ce = jnp.dot(ea, bde_ref[...], preferred_element_type=_F32) + be8_ref[...]
    ce_ref[...] = ce.reshape(BT * 128)
    t0 = ce + jnp.dot(ea, bda_ref[...], preferred_element_type=_F32)
    t0_ref[...] = t0.reshape(BT * 128)


def _edge_pre(eaf, bd_e, bd_a, be8):
    nb = E8 // BT
    return pl.pallas_call(
        _edge_pre_body,
        grid=(nb,),
        in_specs=[
            pl.BlockSpec((BT * 128,), lambda i: (i,)),
            pl.BlockSpec((128, 128), lambda i: (0, 0)),
            pl.BlockSpec((128, 128), lambda i: (0, 0)),
            pl.BlockSpec((1, 128), lambda i: (0, 0)),
        ],
        out_specs=(
            pl.BlockSpec((BT * 128,), lambda i: (i,)),
            pl.BlockSpec((BT * 128,), lambda i: (i,)),
        ),
        out_shape=(
            jax.ShapeDtypeStruct((E * DE,), _F32),
            jax.ShapeDtypeStruct((E * DE,), _F32),
        ),
    )(eaf, bd_e, bd_a, be8)


def _edge_t_body(msg_ref, ce_ref, bda_ref, t_ref):
    m = msg_ref[...].reshape(BT, 128)
    t = (jnp.dot(m, bda_ref[...], preferred_element_type=_F32)
         + ce_ref[...].reshape(BT, 128))
    t_ref[...] = t.reshape(BT * 128)


def _edge_t(msgf, cef, bd_a):
    nb = E8 // BT
    return pl.pallas_call(
        _edge_t_body,
        grid=(nb,),
        in_specs=[
            pl.BlockSpec((BT * 128,), lambda i: (i,)),
            pl.BlockSpec((BT * 128,), lambda i: (i,)),
            pl.BlockSpec((128, 128), lambda i: (0, 0)),
        ],
        out_specs=pl.BlockSpec((BT * 128,), lambda i: (i,)),
        out_shape=jax.ShapeDtypeStruct((E * DE,), _F32),
    )(msgf, cef, bd_a)


def _node_pre_body(x_ref, wne_ref, bn_ref, wer_ref, wec_ref,
                   cn_ref, pr_ref, pc_ref):
    x = x_ref[...]
    cn_ref[...] = jnp.dot(x, wne_ref[...], preferred_element_type=_F32) + bn_ref[...]
    pr_ref[...] = jnp.dot(x, wer_ref[...], preferred_element_type=_F32)
    pc_ref[...] = jnp.dot(x, wec_ref[...], preferred_element_type=_F32)


def _node_pre(x, wn_e, bn, we_r, we_c):
    nb = N // BN
    return pl.pallas_call(
        _node_pre_body,
        grid=(nb,),
        in_specs=[
            pl.BlockSpec((BN, D), lambda i: (i, 0)),
            pl.BlockSpec((D, D), lambda i: (0, 0)),
            pl.BlockSpec((1, D), lambda i: (0, 0)),
            pl.BlockSpec((D, DE), lambda i: (0, 0)),
            pl.BlockSpec((D, DE), lambda i: (0, 0)),
        ],
        out_specs=(
            pl.BlockSpec((BN, D), lambda i: (i, 0)),
            pl.BlockSpec((BN, DE), lambda i: (i, 0)),
            pl.BlockSpec((BN, DE), lambda i: (i, 0)),
        ),
        out_shape=(
            jax.ShapeDtypeStruct((N, D), _F32),
            jax.ShapeDtypeStruct((N, DE), _F32),
            jax.ShapeDtypeStruct((N, DE), _F32),
        ),
    )(x, wn_e, bn, we_r, we_c)


def _node_body(x_ref, a2_ref, cn_ref, wnx_ref, wna_ref, wer_ref, wec_ref,
               xo_ref, pr_ref, pc_ref):
    x = x_ref[...]
    agg = a2_ref[0] + a2_ref[1]
    h = jnp.dot(x, wnx_ref[...], preferred_element_type=_F32)
    h = h + jnp.dot(agg, wna_ref[...], preferred_element_type=_F32)
    h = h + cn_ref[...]
    xo = jnp.maximum(h, 0.0)
    xo_ref[...] = xo
    pr_ref[...] = jnp.dot(xo, wer_ref[...], preferred_element_type=_F32)
    pc_ref[...] = jnp.dot(xo, wec_ref[...], preferred_element_type=_F32)


def _node(x, agg2, cn, wn_x, wn_a, we_r, we_c):
    nb = N // BN
    return pl.pallas_call(
        _node_body,
        grid=(nb,),
        in_specs=[
            pl.BlockSpec((BN, D), lambda i: (i, 0)),
            pl.BlockSpec((NC, BN, DE), lambda i: (0, i, 0)),
            pl.BlockSpec((BN, D), lambda i: (i, 0)),
            pl.BlockSpec((D, D), lambda i: (0, 0)),
            pl.BlockSpec((DE, D), lambda i: (0, 0)),
            pl.BlockSpec((D, DE), lambda i: (0, 0)),
            pl.BlockSpec((D, DE), lambda i: (0, 0)),
        ],
        out_specs=(
            pl.BlockSpec((BN, D), lambda i: (i, 0)),
            pl.BlockSpec((BN, DE), lambda i: (i, 0)),
            pl.BlockSpec((BN, DE), lambda i: (i, 0)),
        ),
        out_shape=(
            jax.ShapeDtypeStruct((N, D), _F32),
            jax.ShapeDtypeStruct((N, DE), _F32),
            jax.ShapeDtypeStruct((N, DE), _F32),
        ),
    )(x, agg2, cn, wn_x, wn_a, we_r, we_c)



def _sc_edge_body(row_ref, col_ref, pr_ref, pc_ref, t_ref,
                  msg_ref, agg_ref,
                  rowv, colv, av, bv, tv, mv, mvf, zb, agg_sh,
                  sem0, sem1, osem0, osem1):
    c = lax.axis_index("c")
    s = lax.axis_index("s")
    wid = s * NC + c
    ebase = wid * EW

    pltpu.sync_copy(row_ref.at[wid], rowv)
    pltpu.sync_copy(col_ref.at[wid], colv)

    def _zset(j, carry):
        zb[j] = jnp.zeros((DE,), _F32)
        return carry
    lax.fori_loop(0, NPT, _zset, None)
    nodebase = s * NPT
    pltpu.sync_copy(zb, agg_sh.at[pl.ds(nodebase, NPT)])
    plsc.subcore_barrier()

    sems = (sem0, sem1)
    osems = (osem0, osem1)

    def in_copies(ch, b):
        f0 = (ebase + ch * K) * DE
        return (
            pltpu.make_async_copy(t_ref.at[pl.ds(f0, K * DE)], tv.at[b],
                                  sems[b]),
            pltpu.make_async_copy(pr_ref.at[rowv.at[ch]], av.at[b], sems[b]),
            pltpu.make_async_copy(pc_ref.at[colv.at[ch]], bv.at[b], sems[b]),
        )

    def out_copies(ch, b):
        f0 = (ebase + ch * K) * DE
        return (
            pltpu.make_async_copy(mvf.at[b], msg_ref.at[pl.ds(f0, K * DE)],
                                  osems[b]),
        )

    def start_outs(ch, b):
        f0 = (ebase + ch * K) * DE
        pltpu.async_copy(mvf.at[b], msg_ref.at[pl.ds(f0, K * DE)], osems[b])
        pltpu.sync_copy(mv.at[b], agg_sh.at[colv.at[ch]], add=True)

    def compute(b):
        def _crow(j, cc):
            v = av[b, j] + bv[b, j] + tv[b, pl.ds(j * DE, DE)]
            m = jnp.maximum(v, 0.0)
            mv[b, j] = m
            mvf[b, pl.ds(j * DE, DE)] = m
            return cc
        lax.fori_loop(0, K, _crow, None)

    for d in in_copies(0, 0):
        d.start()
    for d in in_copies(1, 1):
        d.start()

    for b in range(2):
        for d in in_copies(b, b):
            d.wait()
        compute(b)
        for d in in_copies(b + 2, b):
            d.start()
        start_outs(b, b)

    def outer(i, carry):
        for b in range(2):
            ch = 2 * i + b
            for d in in_copies(ch, b):
                d.wait()
            for d in out_copies(ch - 2, b):
                d.wait()
            compute(b)
            for d in in_copies(ch + 2, b):
                d.start()
            start_outs(ch, b)
        return carry

    lax.fori_loop(1, CH // 2 - 1, outer, None)

    for b in range(2):
        ch = CH - 2 + b
        for d in in_copies(ch, b):
            d.wait()
        for d in out_copies(ch - 2, b):
            d.wait()
        compute(b)
        start_outs(ch, b)
    for b in range(2):
        for d in out_copies(CH - 2 + b, b):
            d.wait()
    plsc.subcore_barrier()

    pltpu.sync_copy(agg_sh.at[pl.ds(nodebase, NPT)], zb)
    pltpu.sync_copy(zb, agg_ref.at[c, pl.ds(nodebase, NPT)])


@functools.cache
def _make_sc_edge():
    return pl.kernel(
        _sc_edge_body,
        out_type=(
            jax.ShapeDtypeStruct((E * DE,), _F32),
            jax.ShapeDtypeStruct((NC, NP, DE), _F32),
        ),
        mesh=plsc.VectorSubcoreMesh(core_axis_name="c", subcore_axis_name="s",
                                    num_cores=NC, num_subcores=NS),
        compiler_params=pltpu.CompilerParams(use_tc_tiling_on_sc=False),
        scratch_types=[
            pltpu.VMEM((CH, K), jnp.int32),
            pltpu.VMEM((CH, K), jnp.int32),
            pltpu.VMEM((NBUF, K, DE), _F32),
            pltpu.VMEM((NBUF, K, DE), _F32),
            pltpu.VMEM((NBUF, K * DE), _F32),
            pltpu.VMEM((NBUF, K, DE), _F32),
            pltpu.VMEM((NBUF, K * DE), _F32),
            pltpu.VMEM((NPT, DE), _F32),
            pltpu.VMEM_SHARED((NP, DE), _F32),
            pltpu.SemaphoreType.DMA,
            pltpu.SemaphoreType.DMA,
            pltpu.SemaphoreType.DMA,
            pltpu.SemaphoreType.DMA,
        ],
    )


def _sc_edge(row3, col3, prt, pct, tt):
    return _make_sc_edge()(row3, col3, prt, pct, tt)



def kernel(x, edge_index, edge_attr, W_e, b_e, W_n, b_n):
    row = edge_index[0].reshape(NW, CH, K)
    col = edge_index[1].reshape(NW, CH, K)

    we_r = W_e[0:D]
    we_c = W_e[D:2 * D]
    we_a = W_e[2 * D:2 * D + DE]
    we_e = W_e[2 * D + DE:]
    eye8 = jnp.eye(8, dtype=_F32)
    bd_a = jnp.kron(eye8, we_a)
    bd_e = jnp.kron(eye8, we_e)
    be8 = jnp.tile(b_e, 8).reshape(1, 128)

    wn_x = W_n[0:D]
    wn_a = W_n[D:D + DE]
    wn_e = W_n[D + DE:]

    eaf = edge_attr.reshape(E * DE)
    cef, t = _edge_pre(eaf, bd_e, bd_a, be8)
    cn, pr, pc = _node_pre(x, wn_e, b_n.reshape(1, D), we_r, we_c)

    msg = None
    for step in range(STEPS):
        msg, agg2 = _sc_edge(row, col, pr, pc, t)
        x, pr, pc = _node(x, agg2, cn, wn_x, wn_a, we_r, we_c)
        if step < STEPS - 1:
            t = _edge_t(msg, cef, bd_a)
    return (x, msg.reshape(E, DE))

# --- scband reference (transcript-rebuilt; emitter-appended) ---
"""Pipeline reference for scband-iterative-layers-24412594111265 (READ-ONLY COPY).

The authoritative reference and input builder live on the scoring server;
editing this copy changes nothing except your own understanding.
"""

import jax, jax.numpy as jnp
import numpy as np

N = 10000
E = 320000
D = 128
DE = 16
STEPS = 3


def setup_inputs(seed: int = 0) -> dict:
    key = jax.random.key(seed)
    ks = jax.random.split(key, 8)
    x = jax.random.normal(ks[0], (N, D), dtype=jnp.float32)
    edge_index = jax.random.randint(ks[1], (2, E), 0, N, dtype=jnp.int32)
    edge_attr = jax.random.normal(ks[2], (E, DE), dtype=jnp.float32)
    # edge model: Linear(2*D + 2*DE -> DE)
    W_e = jax.random.normal(ks[3], (2 * D + 2 * DE, DE), dtype=jnp.float32) * 0.05
    b_e = jnp.zeros((DE,), dtype=jnp.float32)
    # node model: Linear(D + DE + D -> D)
    W_n = jax.random.normal(ks[4], (D + DE + D, D), dtype=jnp.float32) * 0.05
    b_n = jnp.zeros((D,), dtype=jnp.float32)
    return {"x": x, "edge_index": edge_index, "edge_attr": edge_attr,
            "W_e": W_e, "b_e": b_e, "W_n": W_n, "b_n": b_n}


def reference(x, edge_index, edge_attr, W_e, b_e, W_n, b_n):
    row = edge_index[0]
    col = edge_index[1]
    encoded_x = x
    encoded_edge = edge_attr
    for _ in range(STEPS):
        # edge_model(x[row], x[col], edge_attr, encoded_edge, batch)
        e_in = jnp.concatenate([x[row], x[col], edge_attr, encoded_edge], axis=-1)
        edge_attr = jax.nn.relu(e_in @ W_e + b_e)
        # node_model(x, edge_index, edge_attr, encoded_x, batch):
        # aggregate incoming edge messages via scatter-add on dst nodes
        agg = jax.ops.segment_sum(edge_attr, col, num_segments=N)
        n_in = jnp.concatenate([x, agg, encoded_x], axis=-1)
        x = jax.nn.relu(n_in @ W_n + b_n)
    return (x, edge_attr)

if __name__ == "__main__":
    import jax
    _d = setup_inputs()
    print(jax.jit(kernel)(*tuple(_d.values())))

</pallas_src>

<mosaic_0001>
#map = affine_map<(d0, d1) -> (0, 0, 0)>
#map1 = affine_map<(d0, d1) -> (0, 0)>
#map2 = affine_map<(d0, d1) -> (0)>
module attributes {stable_mosaic.version = 14 : i64} {
  func.func @_sc_edge_body(%arg0: i32, %arg1: i32, %arg2: memref<32x80x125xi32, #tpu.memory_space<hbm>>, %arg3: memref<32x80x125xi32, #tpu.memory_space<hbm>>, %arg4: memref<10000x16xf32, #tpu.memory_space<hbm>>, %arg5: memref<10000x16xf32, #tpu.memory_space<hbm>>, %arg6: memref<5120000xf32, #tpu.memory_space<hbm>>, %arg7: memref<5120000xf32, #tpu.memory_space<hbm>>, %arg8: memref<2x10240x16xf32, #tpu.memory_space<hbm>>, %arg9: memref<80x125xi32, #tpu.memory_space<vmem>>, %arg10: memref<80x125xi32, #tpu.memory_space<vmem>>, %arg11: memref<2x125x16xf32, #tpu.memory_space<vmem>>, %arg12: memref<2x125x16xf32, #tpu.memory_space<vmem>>, %arg13: memref<2x2000xf32, #tpu.memory_space<vmem>>, %arg14: memref<2x125x16xf32, #tpu.memory_space<vmem>>, %arg15: memref<2x2000xf32, #tpu.memory_space<vmem>>, %arg16: memref<640x16xf32, #tpu.memory_space<vmem>>, %arg17: memref<10240x16xf32, #tpu.memory_space<vmem_shared>>, %arg18: memref<!tpu.dma_semaphore, #tpu.memory_space<semaphore_mem>>, %arg19: memref<!tpu.dma_semaphore, #tpu.memory_space<semaphore_mem>>, %arg20: memref<!tpu.dma_semaphore, #tpu.memory_space<semaphore_mem>>, %arg21: memref<!tpu.dma_semaphore, #tpu.memory_space<semaphore_mem>>) attributes {dimension_semantics = [#tpu.dimension_semantics<core_parallel>, #tpu.dimension_semantics<subcore_parallel>], iteration_bounds = array<i64: 2, 16>, scalar_prefetch = 0 : i64, scratch_operands = 13 : i64, tpu.core_type = #tpu.core_type<sc_vector_subcore>, window_params = [{transform_indices = #map}, {transform_indices = #map}, {transform_indices = #map1}, {transform_indices = #map1}, {transform_indices = #map2}, {transform_indices = #map2}, {transform_indices = #map}]} {
    %mul3A = arith.constant 2 : i32
    %mul3A_0 = arith.muli %arg1, %mul3A : i32
    %add3A = arith.addi %mul3A_0, %arg0 : i32
    %mul3A_1 = arith.constant 10000 : i32
    %mul3A_2 = arith.muli %add3A, %mul3A_1 : i32
    "tpu.region"() ({
      %run_scoped3A_440 = tpu.sem_alloc : memref<!tpu.dma_semaphore, #tpu.memory_space<semaphore_mem>>
      %dma_start3A_441 = arith.constant 0 : i32
      %dma_start3A_442 = arith.constant 0 : i32
      %dma_start3A_443 = tpu.memref_slice %arg2[%add3A, %dma_start3A_441, %dma_start3A_442] : memref<32x80x125xi32, #tpu.memory_space<hbm>> -> memref<1x80x125xi32, #tpu.memory_space<hbm>>
      %dma_start3A_444 = tpu.memref_squeeze %dma_start3A_443 : memref<1x80x125xi32, #tpu.memory_space<hbm>> -> memref<80x125xi32, #tpu.memory_space<hbm>>
      %dma_start3A_445 = arith.constant 0 : i32
      %dma_start3A_446 = arith.constant 0 : i32
      %dma_start3A_447 = tpu.memref_slice %arg2[%add3A, %dma_start3A_445, %dma_start3A_446] : memref<32x80x125xi32, #tpu.memory_space<hbm>> -> memref<1x80x125xi32, #tpu.memory_space<hbm>>
      %dma_start3A_448 = tpu.memref_squeeze %dma_start3A_447 : memref<1x80x125xi32, #tpu.memory_space<hbm>> -> memref<80x125xi32, #tpu.memory_space<hbm>>
      tpu.enqueue_dma source(%dma_start3A_448 : memref<80x125xi32, #tpu.memory_space<hbm>>) target(%arg9 : memref<80x125xi32, #tpu.memory_space<vmem>>) target_semaphore(%run_scoped3A_440 : memref<!tpu.dma_semaphore, #tpu.memory_space<semaphore_mem>>)
      %dma_wait3A_449 = arith.constant 0 : i32
      %dma_wait3A_450 = arith.constant 0 : i32
      %dma_wait3A_451 = tpu.memref_slice %arg2[%add3A, %dma_wait3A_449, %dma_wait3A_450] : memref<32x80x125xi32, #tpu.memory_space<hbm>> -> memref<1x80x125xi32, #tpu.memory_space<hbm>>
      %dma_wait3A_452 = tpu.memref_squeeze %dma_wait3A_451 : memref<1x80x125xi32, #tpu.memory_space<hbm>> -> memref<80x125xi32, #tpu.memory_space<hbm>>
      %dma_wait3A_453 = arith.constant 0 : i32
      %dma_wait3A_454 = arith.constant 0 : i32
      %dma_wait3A_455 = tpu.memref_slice %arg2[%add3A, %dma_wait3A_453, %dma_wait3A_454] : memref<32x80x125xi32, #tpu.memory_space<hbm>> -> memref<1x80x125xi32, #tpu.memory_space<hbm>>
      %dma_wait3A_456 = tpu.memref_squeeze %dma_wait3A_455 : memref<1x80x125xi32, #tpu.memory_space<hbm>> -> memref<80x125xi32, #tpu.memory_space<hbm>>
      tpu.wait_dma2 semaphore(%run_scoped3A_440 : memref<!tpu.dma_semaphore, #tpu.memory_space<semaphore_mem>>) src(%dma_wait3A_456 : memref<80x125xi32, #tpu.memory_space<hbm>>) dst(%arg9 : memref<80x125xi32, #tpu.memory_space<vmem>>)
      tpu.yield
    }) : () -> ()
    "tpu.region"() ({
      %run_scoped3A_440 = tpu.sem_alloc : memref<!tpu.dma_semaphore, #tpu.memory_space<semaphore_mem>>
      %dma_start3A_441 = arith.constant 0 : i32
      %dma_start3A_442 = arith.constant 0 : i32
      %dma_start3A_443 = tpu.memref_slice %arg3[%add3A, %dma_start3A_441, %dma_start3A_442] : memref<32x80x125xi32, #tpu.memory_space<hbm>> -> memref<1x80x125xi32, #tpu.memory_space<hbm>>
      %dma_start3A_444 = tpu.memref_squeeze %dma_start3A_443 : memref<1x80x125xi32, #tpu.memory_space<hbm>> -> memref<80x125xi32, #tpu.memory_space<hbm>>
      %dma_start3A_445 = arith.constant 0 : i32
      %dma_start3A_446 = arith.constant 0 : i32
      %dma_start3A_447 = tpu.memref_slice %arg3[%add3A, %dma_start3A_445, %dma_start3A_446] : memref<32x80x125xi32, #tpu.memory_space<hbm>> -> memref<1x80x125xi32, #tpu.memory_space<hbm>>
      %dma_start3A_448 = tpu.memref_squeeze %dma_start3A_447 : memref<1x80x125xi32, #tpu.memory_space<hbm>> -> memref<80x125xi32, #tpu.memory_space<hbm>>
      tpu.enqueue_dma source(%dma_start3A_448 : memref<80x125xi32, #tpu.memory_space<hbm>>) target(%arg10 : memref<80x125xi32, #tpu.memory_space<vmem>>) target_semaphore(%run_scoped3A_440 : memref<!tpu.dma_semaphore, #tpu.memory_space<semaphore_mem>>)
      %dma_wait3A_449 = arith.constant 0 : i32
      %dma_wait3A_450 = arith.constant 0 : i32
      %dma_wait3A_451 = tpu.memref_slice %arg3[%add3A, %dma_wait3A_449, %dma_wait3A_450] : memref<32x80x125xi32, #tpu.memory_space<hbm>> -> memref<1x80x125xi32, #tpu.memory_space<hbm>>
      %dma_wait3A_452 = tpu.memref_squeeze %dma_wait3A_451 : memref<1x80x125xi32, #tpu.memory_space<hbm>> -> memref<80x125xi32, #tpu.memory_space<hbm>>
      %dma_wait3A_453 = arith.constant 0 : i32
      %dma_wait3A_454 = arith.constant 0 : i32
      %dma_wait3A_455 = tpu.memref_slice %arg3[%add3A, %dma_wait3A_453, %dma_wait3A_454] : memref<32x80x125xi32, #tpu.memory_space<hbm>> -> memref<1x80x125xi32, #tpu.memory_space<hbm>>
      %dma_wait3A_456 = tpu.memref_squeeze %dma_wait3A_455 : memref<1x80x125xi32, #tpu.memory_space<hbm>> -> memref<80x125xi32, #tpu.memory_space<hbm>>
      tpu.wait_dma2 semaphore(%run_scoped3A_440 : memref<!tpu.dma_semaphore, #tpu.memory_space<semaphore_mem>>) src(%dma_wait3A_456 : memref<80x125xi32, #tpu.memory_space<hbm>>) dst(%arg10 : memref<80x125xi32, #tpu.memory_space<vmem>>)
      tpu.yield
    }) : () -> ()
    %scan3A = arith.constant 0 : i32
    %scan3A_3 = arith.constant 640 : i32
    %scan3A_4 = arith.addi %scan3A, %scan3A_3 : i32
    %scan3A_5 = arith.constant 1 : i32
    scf.for %scan3A_440 = %scan3A to %scan3A_4 step %scan3A_5  : i32 {
      %broadcast_in_dim3A = arith.constant 0.000000e+00 : f32
      %broadcast_in_dim3A_441 = vector.broadcast %broadcast_in_dim3A : f32 to vector<16xf32>
      %swap3A = arith.index_cast %scan3A_440 : i32 to index
      %swap3A_442 = arith.constant 0 : index
      %swap3A_443 = tpu.vector_load %arg16[%swap3A, %swap3A_442] {strides = array<i32>} : memref<640x16xf32, #tpu.memory_space<vmem>>, vector<1x16xf32>,
      %swap3A_444 = vector.shape_cast %swap3A_443 : vector<1x16xf32> to vector<16xf32>
      %swap3A_445 = vector.shape_cast %broadcast_in_dim3A_441 : vector<16xf32> to vector<1x16xf32>
      tpu.vector_store %arg16[%swap3A, %swap3A_442], %swap3A_445 {strides = array<i32>} : memref<640x16xf32, #tpu.memory_space<vmem>>, vector<1x16xf32>,
    }
    %scan3A_6 = arith.constant 640 : i32
    %mul3A_7 = arith.constant 640 : i32
    %mul3A_8 = arith.muli %arg1, %mul3A_7 : i32
    "tpu.region"() ({
      %run_scoped3A_440 = tpu.sem_alloc : memref<!tpu.dma_semaphore, #tpu.memory_space<semaphore_mem>>
      %dma_start3A_441 = arith.constant 0 : i32
      %dma_start3A_442 = tpu.memref_slice %arg17[%mul3A_8, %dma_start3A_441] : memref<10240x16xf32, #tpu.memory_space<vmem_shared>> -> memref<640x16xf32, #tpu.memory_space<vmem_shared>>
      %dma_start3A_443 = arith.constant 0 : i32
      %dma_start3A_444 = tpu.memref_slice %arg17[%mul3A_8, %dma_start3A_443] : memref<10240x16xf32, #tpu.memory_space<vmem_shared>> -> memref<640x16xf32, #tpu.memory_space<vmem_shared>>
      tpu.enqueue_dma source(%arg16 : memref<640x16xf32, #tpu.memory_space<vmem>>) target(%dma_start3A_444 : memref<640x16xf32, #tpu.memory_space<vmem_shared>>) target_semaphore(%run_scoped3A_440 : memref<!tpu.dma_semaphore, #tpu.memory_space<semaphore_mem>>)
      %dma_wait3A_445 = arith.constant 0 : i32
      %dma_wait3A_446 = tpu.memref_slice %arg17[%mul3A_8, %dma_wait3A_445] : memref<10240x16xf32, #tpu.memory_space<vmem_shared>> -> memref<640x16xf32, #tpu.memory_space<vmem_shared>>
      %dma_wait3A_447 = arith.constant 0 : i32
      %dma_wait3A_448 = tpu.memref_slice %arg17[%mul3A_8, %dma_wait3A_447] : memref<10240x16xf32, #tpu.memory_space<vmem_shared>> -> memref<640x16xf32, #tpu.memory_space<vmem_shared>>
      tpu.wait_dma2 semaphore(%run_scoped3A_440 : memref<!tpu.dma_semaphore, #tpu.memory_space<semaphore_mem>>) src(%arg16 : memref<640x16xf32, #tpu.memory_space<vmem>>) dst(%dma_wait3A_448 : memref<640x16xf32, #tpu.memory_space<vmem_shared>>)
      tpu.yield
    }) : () -> ()
    %barrier3A = arith.constant 0 : index
    tpu.barrier barrier_id(%barrier3A)
    %add3A_9 = arith.constant 0 : i32
    %add3A_10 = arith.addi %mul3A_2, %add3A_9 : i32
    %mul3A_11 = arith.constant 16 : i32
    %mul3A_12 = arith.muli %add3A_10, %mul3A_11 : i32
    %dma_start3A = arith.constant 0 : i32
    %dma_start3A_13 = arith.constant 0 : i32
    %dma_start3A_14 = tpu.memref_slice %arg13[%dma_start3A, %dma_start3A_13] : memref<2x2000xf32, #tpu.memory_space<vmem>> -> memref<1x2000xf32, #tpu.memory_space<vmem>>
    %dma_start3A_15 = tpu.memref_squeeze %dma_start3A_14 : memref<1x2000xf32, #tpu.memory_space<vmem>> -> memref<2000xf32, #tpu.memory_space<vmem>>
    %dma_start3A_16 = tpu.memref_slice %arg6[%mul3A_12] : memref<5120000xf32, #tpu.memory_space<hbm>> -> memref<2000xf32, #tpu.memory_space<hbm>>
    %dma_start3A_17 = arith.constant 0 : i32
    %dma_start3A_18 = tpu.memref_slice %arg13[%dma_start3A, %dma_start3A_17] : memref<2x2000xf32, #tpu.memory_space<vmem>> -> memref<1x2000xf32, #tpu.memory_space<vmem>>
    %dma_start3A_19 = tpu.memref_squeeze %dma_start3A_18 : memref<1x2000xf32, #tpu.memory_space<vmem>> -> memref<2000xf32, #tpu.memory_space<vmem>>
    %dma_start3A_20 = tpu.memref_slice %arg6[%mul3A_12] : memref<5120000xf32, #tpu.memory_space<hbm>> -> memref<2000xf32, #tpu.memory_space<hbm>>
    tpu.enqueue_dma source(%dma_start3A_20 : memref<2000xf32, #tpu.memory_space<hbm>>) target(%dma_start3A_19 : memref<2000xf32, #tpu.memory_space<vmem>>) target_semaphore(%arg18 : memref<!tpu.dma_semaphore, #tpu.memory_space<semaphore_mem>>)
    %dma_start3A_21 = arith.constant 0 : i32
    %dma_start3A_22 = arith.constant 0 : i32
    %dma_start3A_23 = arith.constant 0 : i32
    %dma_start3A_24 = arith.constant 0 : i32
    %dma_start3A_25 = tpu.memref_slice %arg11[%dma_start3A_22, %dma_start3A_23, %dma_start3A_24] : memref<2x125x16xf32, #tpu.memory_space<vmem>> -> memref<1x125x16xf32, #tpu.memory_space<vmem>>
    %dma_start3A_26 = tpu.memref_squeeze %dma_start3A_25 : memref<1x125x16xf32, #tpu.memory_space<vmem>> -> memref<125x16xf32, #tpu.memory_space<vmem>>
    %dma_start3A_27 = arith.constant 0 : i32
    %dma_start3A_28 = tpu.memref_slice %arg9[%dma_start3A_21, %dma_start3A_27] : memref<80x125xi32, #tpu.memory_space<vmem>> -> memref<1x125xi32, #tpu.memory_space<vmem>>
    %dma_start3A_29 = tpu.memref_squeeze %dma_start3A_28 : memref<1x125xi32, #tpu.memory_space<vmem>> -> memref<125xi32, #tpu.memory_space<vmem>>
    %dma_start3A_30 = arith.constant 0 : i32
    %dma_start3A_31 = arith.constant 0 : i32
    %dma_start3A_32 = tpu.memref_slice %arg4[%dma_start3A_30, %dma_start3A_31] : memref<10000x16xf32, #tpu.memory_space<hbm>> -> memref<10000x16xf32, #tpu.memory_space<hbm>>
    tpu.enqueue_indirect_dma source(%dma_start3A_32 : memref<10000x16xf32, #tpu.memory_space<hbm>>) target(%dma_start3A_26 : memref<125x16xf32, #tpu.memory_space<vmem>>) offsets(%dma_start3A_29 : memref<125xi32, #tpu.memory_space<vmem>>) semaphore(%arg18 : memref<!tpu.dma_semaphore, #tpu.memory_space<semaphore_mem>>)
    %dma_start3A_33 = arith.constant 0 : i32
    %dma_start3A_34 = arith.constant 0 : i32
    %dma_start3A_35 = arith.constant 0 : i32
    %dma_start3A_36 = arith.constant 0 : i32
    %dma_start3A_37 = tpu.memref_slice %arg12[%dma_start3A_34, %dma_start3A_35, %dma_start3A_36] : memref<2x125x16xf32, #tpu.memory_space<vmem>> -> memref<1x125x16xf32, #tpu.memory_space<vmem>>
    %dma_start3A_38 = tpu.memref_squeeze %dma_start3A_37 : memref<1x125x16xf32, #tpu.memory_space<vmem>> -> memref<125x16xf32, #tpu.memory_space<vmem>>
    %dma_start3A_39 = arith.constant 0 : i32
    %dma_start3A_40 = tpu.memref_slice %arg10[%dma_start3A_33, %dma_start3A_39] : memref<80x125xi32, #tpu.memory_space<vmem>> -> memref<1x125xi32, #tpu.memory_space<vmem>>
    %dma_start3A_41 = tpu.memref_squeeze %dma_start3A_40 : memref<1x125xi32, #tpu.memory_space<vmem>> -> memref<125xi32, #tpu.memory_space<vmem>>
    %dma_start3A_42 = arith.constant 0 : i32
    %dma_start3A_43 = arith.constant 0 : i32
    %dma_start3A_44 = tpu.memref_slice %arg5[%dma_start3A_42, %dma_start3A_43] : memref<10000x16xf32, #tpu.memory_space<hbm>> -> memref<10000x16xf32, #tpu.memory_space<hbm>>
    tpu.enqueue_indirect_dma source(%dma_start3A_44 : memref<10000x16xf32, #tpu.memory_space<hbm>>) target(%dma_start3A_38 : memref<125x16xf32, #tpu.memory_space<vmem>>) offsets(%dma_start3A_41 : memref<125xi32, #tpu.memory_space<vmem>>) semaphore(%arg18 : memref<!tpu.dma_semaphore, #tpu.memory_space<semaphore_mem>>)
    %add3A_45 = arith.constant 125 : i32
    %add3A_46 = arith.addi %mul3A_2, %add3A_45 : i32
    %mul3A_47 = arith.constant 16 : i32
    %mul3A_48 = arith.muli %add3A_46, %mul3A_47 : i32
    %dma_start3A_49 = arith.constant 1 : i32
    %dma_start3A_50 = arith.constant 0 : i32
    %dma_start3A_51 = tpu.memref_slice %arg13[%dma_start3A_49, %dma_start3A_50] : memref<2x2000xf32, #tpu.memory_space<vmem>> -> memref<1x2000xf32, #tpu.memory_space<vmem>>
    %dma_start3A_52 = tpu.memref_squeeze %dma_start3A_51 : memref<1x2000xf32, #tpu.memory_space<vmem>> -> memref<2000xf32, #tpu.memory_space<vmem>>
    %dma_start3A_53 = tpu.memref_slice %arg6[%mul3A_48] : memref<5120000xf32, #tpu.memory_space<hbm>> -> memref<2000xf32, #tpu.memory_space<hbm>>
    %dma_start3A_54 = arith.constant 0 : i32
    %dma_start3A_55 = tpu.memref_slice %arg13[%dma_start3A_49, %dma_start3A_54] : memref<2x2000xf32, #tpu.memory_space<vmem>> -> memref<1x2000xf32, #tpu.memory_space<vmem>>
    %dma_start3A_56 = tpu.memref_squeeze %dma_start3A_55 : memref<1x2000xf32, #tpu.memory_space<vmem>> -> memref<2000xf32, #tpu.memory_space<vmem>>
    %dma_start3A_57 = tpu.memref_slice %arg6[%mul3A_48] : memref<5120000xf32, #tpu.memory_space<hbm>> -> memref<2000xf32, #tpu.memory_space<hbm>>
    tpu.enqueue_dma source(%dma_start3A_57 : memref<2000xf32, #tpu.memory_space<hbm>>) target(%dma_start3A_56 : memref<2000xf32, #tpu.memory_space<vmem>>) target_semaphore(%arg19 : memref<!tpu.dma_semaphore, #tpu.memory_space<semaphore_mem>>)
    %dma_start3A_58 = arith.constant 1 : i32
    %dma_start3A_59 = arith.constant 1 : i32
    %dma_start3A_60 = arith.constant 0 : i32
    %dma_start3A_61 = arith.constant 0 : i32
    %dma_start3A_62 = tpu.memref_slice %arg11[%dma_start3A_59, %dma_start3A_60, %dma_start3A_61] : memref<2x125x16xf32, #tpu.memory_space<vmem>> -> memref<1x125x16xf32, #tpu.memory_space<vmem>>
    %dma_start3A_63 = tpu.memref_squeeze %dma_start3A_62 : memref<1x125x16xf32, #tpu.memory_space<vmem>> -> memref<125x16xf32, #tpu.memory_space<vmem>>
    %dma_start3A_64 = arith.constant 0 : i32
    %dma_start3A_65 = tpu.memref_slice %arg9[%dma_start3A_58, %dma_start3A_64] : memref<80x125xi32, #tpu.memory_space<vmem>> -> memref<1x125xi32, #tpu.memory_space<vmem>>
    %dma_start3A_66 = tpu.memref_squeeze %dma_start3A_65 : memref<1x125xi32, #tpu.memory_space<vmem>> -> memref<125xi32, #tpu.memory_space<vmem>>
    %dma_start3A_67 = arith.constant 0 : i32
    %dma_start3A_68 = arith.constant 0 : i32
    %dma_start3A_69 = tpu.memref_slice %arg4[%dma_start3A_67, %dma_start3A_68] : memref<10000x16xf32, #tpu.memory_space<hbm>> -> memref<10000x16xf32, #tpu.memory_space<hbm>>
    tpu.enqueue_indirect_dma source(%dma_start3A_69 : memref<10000x16xf32, #tpu.memory_space<hbm>>) target(%dma_start3A_63 : memref<125x16xf32, #tpu.memory_space<vmem>>) offsets(%dma_start3A_66 : memref<125xi32, #tpu.memory_space<vmem>>) semaphore(%arg19 : memref<!tpu.dma_semaphore, #tpu.memory_space<semaphore_mem>>)
    %dma_start3A_70 = arith.constant 1 : i32
    %dma_start3A_71 = arith.constant 1 : i32
    %dma_start3A_72 = arith.constant 0 : i32
    %dma_start3A_73 = arith.constant 0 : i32
    %dma_start3A_74 = tpu.memref_slice %arg12[%dma_start3A_71, %dma_start3A_72, %dma_start3A_73] : memref<2x125x16xf32, #tpu.memory_space<vmem>> -> memref<1x125x16xf32, #tpu.memory_space<vmem>>
    %dma_start3A_75 = tpu.memref_squeeze %dma_start3A_74 : memref<1x125x16xf32, #tpu.memory_space<vmem>> -> memref<125x16xf32, #tpu.memory_space<vmem>>
    %dma_start3A_76 = arith.constant 0 : i32
    %dma_start3A_77 = tpu.memref_slice %arg10[%dma_start3A_70, %dma_start3A_76] : memref<80x125xi32, #tpu.memory_space<vmem>> -> memref<1x125xi32, #tpu.memory_space<vmem>>
    %dma_start3A_78 = tpu.memref_squeeze %dma_start3A_77 : memref<1x125xi32, #tpu.memory_space<vmem>> -> memref<125xi32, #tpu.memory_space<vmem>>
    %dma_start3A_79 = arith.constant 0 : i32
    %dma_start3A_80 = arith.constant 0 : i32
    %dma_start3A_81 = tpu.memref_slice %arg5[%dma_start3A_79, %dma_start3A_80] : memref<10000x16xf32, #tpu.memory_space<hbm>> -> memref<10000x16xf32, #tpu.memory_space<hbm>>
    tpu.enqueue_indirect_dma source(%dma_start3A_81 : memref<10000x16xf32, #tpu.memory_space<hbm>>) target(%dma_start3A_75 : memref<125x16xf32, #tpu.memory_space<vmem>>) offsets(%dma_start3A_78 : memref<125xi32, #tpu.memory_space<vmem>>) semaphore(%arg19 : memref<!tpu.dma_semaphore, #tpu.memory_space<semaphore_mem>>)
    %add3A_82 = arith.constant 0 : i32
    %add3A_83 = arith.addi %mul3A_2, %add3A_82 : i32
    %mul3A_84 = arith.constant 16 : i32
    %mul3A_85 = arith.muli %add3A_83, %mul3A_84 : i32
    %dma_wait3A = arith.constant 0 : i32
    %dma_wait3A_86 = arith.constant 0 : i32
    %dma_wait3A_87 = tpu.memref_slice %arg13[%dma_wait3A, %dma_wait3A_86] : memref<2x2000xf32, #tpu.memory_space<vmem>> -> memref<1x2000xf32, #tpu.memory_space<vmem>>
    %dma_wait3A_88 = tpu.memref_squeeze %dma_wait3A_87 : memref<1x2000xf32, #tpu.memory_space<vmem>> -> memref<2000xf32, #tpu.memory_space<vmem>>
    %dma_wait3A_89 = tpu.memref_slice %arg6[%mul3A_85] : memref<5120000xf32, #tpu.memory_space<hbm>> -> memref<2000xf32, #tpu.memory_space<hbm>>
    %dma_wait3A_90 = arith.constant 0 : i32
    %dma_wait3A_91 = tpu.memref_slice %arg13[%dma_wait3A, %dma_wait3A_90] : memref<2x2000xf32, #tpu.memory_space<vmem>> -> memref<1x2000xf32, #tpu.memory_space<vmem>>
    %dma_wait3A_92 = tpu.memref_squeeze %dma_wait3A_91 : memref<1x2000xf32, #tpu.memory_space<vmem>> -> memref<2000xf32, #tpu.memory_space<vmem>>
    %dma_wait3A_93 = tpu.memref_slice %arg6[%mul3A_85] : memref<5120000xf32, #tpu.memory_space<hbm>> -> memref<2000xf32, #tpu.memory_space<hbm>>
    tpu.wait_dma2 semaphore(%arg18 : memref<!tpu.dma_semaphore, #tpu.memory_space<semaphore_mem>>) src(%dma_wait3A_93 : memref<2000xf32, #tpu.memory_space<hbm>>) dst(%dma_wait3A_92 : memref<2000xf32, #tpu.memory_space<vmem>>)
    %dma_wait3A_94 = arith.constant 0 : i32
    %dma_wait3A_95 = arith.constant 0 : i32
    %dma_wait3A_96 = arith.constant 0 : i32
    %dma_wait3A_97 = arith.constant 0 : i32
    %dma_wait3A_98 = tpu.memref_slice %arg11[%dma_wait3A_95, %dma_wait3A_96, %dma_wait3A_97] : memref<2x125x16xf32, #tpu.memory_space<vmem>> -> memref<1x125x16xf32, #tpu.memory_space<vmem>>
    %dma_wait3A_99 = tpu.memref_squeeze %dma_wait3A_98 : memref<1x125x16xf32, #tpu.memory_space<vmem>> -> memref<125x16xf32, #tpu.memory_space<vmem>>
    %dma_wait3A_100 = arith.constant 0 : i32
    %dma_wait3A_101 = tpu.memref_slice %arg9[%dma_wait3A_94, %dma_wait3A_100] : memref<80x125xi32, #tpu.memory_space<vmem>> -> memref<1x125xi32, #tpu.memory_space<vmem>>
    %dma_wait3A_102 = tpu.memref_squeeze %dma_wait3A_101 : memref<1x125xi32, #tpu.memory_space<vmem>> -> memref<125xi32, #tpu.memory_space<vmem>>
    %dma_wait3A_103 = arith.constant 0 : i32
    %dma_wait3A_104 = arith.constant 0 : i32
    %dma_wait3A_105 = tpu.memref_slice %arg4[%dma_wait3A_103, %dma_wait3A_104] : memref<10000x16xf32, #tpu.memory_space<hbm>> -> memref<10000x16xf32, #tpu.memory_space<hbm>>
    tpu.wait_indirect_dma semaphore(%arg18 : memref<!tpu.dma_semaphore, #tpu.memory_space<semaphore_mem>>) src(%dma_wait3A_105 : memref<10000x16xf32, #tpu.memory_space<hbm>>) dst(%dma_wait3A_99 : memref<125x16xf32, #tpu.memory_space<vmem>>)
    %dma_wait3A_106 = arith.constant 0 : i32
    %dma_wait3A_107 = arith.constant 0 : i32
    %dma_wait3A_108 = arith.constant 0 : i32
    %dma_wait3A_109 = arith.constant 0 : i32
    %dma_wait3A_110 = tpu.memref_slice %arg12[%dma_wait3A_107, %dma_wait3A_108, %dma_wait3A_109] : memref<2x125x16xf32, #tpu.memory_space<vmem>> -> memref<1x125x16xf32, #tpu.memory_space<vmem>>
    %dma_wait3A_111 = tpu.memref_squeeze %dma_wait3A_110 : memref<1x125x16xf32, #tpu.memory_space<vmem>> -> memref<125x16xf32, #tpu.memory_space<vmem>>
    %dma_wait3A_112 = arith.constant 0 : i32
    %dma_wait3A_113 = tpu.memref_slice %arg10[%dma_wait3A_106, %dma_wait3A_112] : memref<80x125xi32, #tpu.memory_space<vmem>> -> memref<1x125xi32, #tpu.memory_space<vmem>>
    %dma_wait3A_114 = tpu.memref_squeeze %dma_wait3A_113 : memref<1x125xi32, #tpu.memory_space<vmem>> -> memref<125xi32, #tpu.memory_space<vmem>>
    %dma_wait3A_115 = arith.constant 0 : i32
    %dma_wait3A_116 = arith.constant 0 : i32
    %dma_wait3A_117 = tpu.memref_slice %arg5[%dma_wait3A_115, %dma_wait3A_116] : memref<10000x16xf32, #tpu.memory_space<hbm>> -> memref<10000x16xf32, #tpu.memory_space<hbm>>
    tpu.wait_indirect_dma semaphore(%arg18 : memref<!tpu.dma_semaphore, #tpu.memory_space<semaphore_mem>>) src(%dma_wait3A_117 : memref<10000x16xf32, #tpu.memory_space<hbm>>) dst(%dma_wait3A_111 : memref<125x16xf32, #tpu.memory_space<vmem>>)
    %scan3A_118 = arith.constant 0 : i32
    %scan3A_119 = arith.constant 125 : i32
    %scan3A_120 = arith.addi %scan3A_118, %scan3A_119 : i32
    %scan3A_121 = arith.constant 1 : i32
    scf.for %scan3A_440 = %scan3A_118 to %scan3A_120 step %scan3A_121  : i32 {
      %get3A = arith.constant 0 : i32
      %get3A_441 = arith.index_cast %get3A : i32 to index
      %get3A_442 = arith.index_cast %scan3A_440 : i32 to index
      %get3A_443 = arith.constant 0 : index
      %get3A_444 = tpu.vector_load %arg11[%get3A_441, %get3A_442, %get3A_443] {strides = array<i32>} : memref<2x125x16xf32, #tpu.memory_space<vmem>>, vector<1x1x16xf32>,
      %get3A_445 = vector.shape_cast %get3A_444 : vector<1x1x16xf32> to vector<16xf32>
      %get3A_446 = arith.constant 0 : i32
      %get3A_447 = arith.index_cast %get3A_446 : i32 to index
      %get3A_448 = arith.index_cast %scan3A_440 : i32 to index
      %get3A_449 = arith.constant 0 : index
      %get3A_450 = tpu.vector_load %arg12[%get3A_447, %get3A_448, %get3A_449] {strides = array<i32>} : memref<2x125x16xf32, #tpu.memory_space<vmem>>, vector<1x1x16xf32>,
      %get3A_451 = vector.shape_cast %get3A_450 : vector<1x1x16xf32> to vector<16xf32>
      %add3A_452 = arith.addf %get3A_445, %get3A_451 : vector<16xf32>
      %mul3A_453 = arith.constant 16 : i32
      %mul3A_454 = arith.muli %scan3A_440, %mul3A_453 : i32
      %get3A_455 = arith.constant 0 : i32
      %get3A_456 = arith.index_cast %get3A_455 : i32 to index
      %get3A_457 = arith.index_cast %mul3A_454 : i32 to index
      %get3A_458 = tpu.vector_load %arg13[%get3A_456, %get3A_457] {strides = array<i32>} : memref<2x2000xf32, #tpu.memory_space<vmem>>, vector<1x16xf32>,
      %get3A_459 = vector.shape_cast %get3A_458 : vector<1x16xf32> to vector<16xf32>
      %add3A_460 = arith.addf %add3A_452, %get3A_459 : vector<16xf32>
      %max3A = arith.constant 0.000000e+00 : f32
      %max3A_461 = vector.broadcast %max3A : f32 to vector<16xf32>
      %max3A_462 = arith.maximumf %add3A_460, %max3A_461 : vector<16xf32>
      %swap3A = arith.constant 0 : i32
      %swap3A_463 = arith.index_cast %swap3A : i32 to index
      %swap3A_464 = arith.index_cast %scan3A_440 : i32 to index
      %swap3A_465 = arith.constant 0 : index
      %swap3A_466 = tpu.vector_load %arg14[%swap3A_463, %swap3A_464, %swap3A_465] {strides = array<i32>} : memref<2x125x16xf32, #tpu.memory_space<vmem>>, vector<1x1x16xf32>,
      %swap3A_467 = vector.shape_cast %swap3A_466 : vector<1x1x16xf32> to vector<16xf32>
      %swap3A_468 = vector.shape_cast %max3A_462 : vector<16xf32> to vector<1x1x16xf32>
      tpu.vector_store %arg14[%swap3A_463, %swap3A_464, %swap3A_465], %swap3A_468 {strides = array<i32>} : memref<2x125x16xf32, #tpu.memory_space<vmem>>, vector<1x1x16xf32>,
      %mul3A_469 = arith.constant 16 : i32
      %mul3A_470 = arith.muli %scan3A_440, %mul3A_469 : i32
      %swap3A_471 = arith.constant 0 : i32
      %swap3A_472 = arith.index_cast %swap3A_471 : i32 to index
      %swap3A_473 = arith.index_cast %mul3A_470 : i32 to index
      %swap3A_474 = tpu.vector_load %arg15[%swap3A_472, %swap3A_473] {strides = array<i32>} : memref<2x2000xf32, #tpu.memory_space<vmem>>, vector<1x16xf32>,
      %swap3A_475 = vector.shape_cast %swap3A_474 : vector<1x16xf32> to vector<16xf32>
      %swap3A_476 = vector.shape_cast %max3A_462 : vector<16xf32> to vector<1x16xf32>
      tpu.vector_store %arg15[%swap3A_472, %swap3A_473], %swap3A_476 {strides = array<i32>} : memref<2x2000xf32, #tpu.memory_space<vmem>>, vector<1x16xf32>,
    }
    %scan3A_122 = arith.constant 125 : i32
    %add3A_123 = arith.constant 250 : i32
    %add3A_124 = arith.addi %mul3A_2, %add3A_123 : i32
    %mul3A_125 = arith.constant 16 : i32
    %mul3A_126 = arith.muli %add3A_124, %mul3A_125 : i32
    %dma_start3A_127 = arith.constant 0 : i32
    %dma_start3A_128 = arith.constant 0 : i32
    %dma_start3A_129 = tpu.memref_slice %arg13[%dma_start3A_127, %dma_start3A_128] : memref<2x2000xf32, #tpu.memory_space<vmem>> -> memref<1x2000xf32, #tpu.memory_space<vmem>>
    %dma_start3A_130 = tpu.memref_squeeze %dma_start3A_129 : memref<1x2000xf32, #tpu.memory_space<vmem>> -> memref<2000xf32, #tpu.memory_space<vmem>>
    %dma_start3A_131 = tpu.memref_slice %arg6[%mul3A_126] : memref<5120000xf32, #tpu.memory_space<hbm>> -> memref<2000xf32, #tpu.memory_space<hbm>>
    %dma_start3A_132 = arith.constant 0 : i32
    %dma_start3A_133 = tpu.memref_slice %arg13[%dma_start3A_127, %dma_start3A_132] : memref<2x2000xf32, #tpu.memory_space<vmem>> -> memref<1x2000xf32, #tpu.memory_space<vmem>>
    %dma_start3A_134 = tpu.memref_squeeze %dma_start3A_133 : memref<1x2000xf32, #tpu.memory_space<vmem>> -> memref<2000xf32, #tpu.memory_space<vmem>>
    %dma_start3A_135 = tpu.memref_slice %arg6[%mul3A_126] : memref<5120000xf32, #tpu.memory_space<hbm>> -> memref<2000xf32, #tpu.memory_space<hbm>>
    tpu.enqueue_dma source(%dma_start3A_135 : memref<2000xf32, #tpu.memory_space<hbm>>) target(%dma_start3A_134 : memref<2000xf32, #tpu.memory_space<vmem>>) target_semaphore(%arg18 : memref<!tpu.dma_semaphore, #tpu.memory_space<semaphore_mem>>)
    %dma_start3A_136 = arith.constant 2 : i32
    %dma_start3A_137 = arith.constant 0 : i32
    %dma_start3A_138 = arith.constant 0 : i32
    %dma_start3A_139 = arith.constant 0 : i32
    %dma_start3A_140 = tpu.memref_slice %arg11[%dma_start3A_137, %dma_start3A_138, %dma_start3A_139] : memref<2x125x16xf32, #tpu.memory_space<vmem>> -> memref<1x125x16xf32, #tpu.memory_space<vmem>>
    %dma_start3A_141 = tpu.memref_squeeze %dma_start3A_140 : memref<1x125x16xf32, #tpu.memory_space<vmem>> -> memref<125x16xf32, #tpu.memory_space<vmem>>
    %dma_start3A_142 = arith.constant 0 : i32
    %dma_start3A_143 = tpu.memref_slice %arg9[%dma_start3A_136, %dma_start3A_142] : memref<80x125xi32, #tpu.memory_space<vmem>> -> memref<1x125xi32, #tpu.memory_space<vmem>>
    %dma_start3A_144 = tpu.memref_squeeze %dma_start3A_143 : memref<1x125xi32, #tpu.memory_space<vmem>> -> memref<125xi32, #tpu.memory_space<vmem>>
    %dma_start3A_145 = arith.constant 0 : i32
    %dma_start3A_146 = arith.constant 0 : i32
    %dma_start3A_147 = tpu.memref_slice %arg4[%dma_start3A_145, %dma_start3A_146] : memref<10000x16xf32, #tpu.memory_space<hbm>> -> memref<10000x16xf32, #tpu.memory_space<hbm>>
    tpu.enqueue_indirect_dma source(%dma_start3A_147 : memref<10000x16xf32, #tpu.memory_space<hbm>>) target(%dma_start3A_141 : memref<125x16xf32, #tpu.memory_space<vmem>>) offsets(%dma_start3A_144 : memref<125xi32, #tpu.memory_space<vmem>>) semaphore(%arg18 : memref<!tpu.dma_semaphore, #tpu.memory_space<semaphore_mem>>)
    %dma_start3A_148 = arith.constant 2 : i32
    %dma_start3A_149 = arith.constant 0 : i32
    %dma_start3A_150 = arith.constant 0 : i32
    %dma_start3A_151 = arith.constant 0 : i32
    %dma_start3A_152 = tpu.memref_slice %arg12[%dma_start3A_149, %dma_start3A_150, %dma_start3A_151] : memref<2x125x16xf32, #tpu.memory_space<vmem>> -> memref<1x125x16xf32, #tpu.memory_space<vmem>>
    %dma_start3A_153 = tpu.memref_squeeze %dma_start3A_152 : memref<1x125x16xf32, #tpu.memory_space<vmem>> -> memref<125x16xf32, #tpu.memory_space<vmem>>
    %dma_start3A_154 = arith.constant 0 : i32
    %dma_start3A_155 = tpu.memref_slice %arg10[%dma_start3A_148, %dma_start3A_154] : memref<80x125xi32, #tpu.memory_space<vmem>> -> memref<1x125xi32, #tpu.memory_space<vmem>>
    %dma_start3A_156 = tpu.memref_squeeze %dma_start3A_155 : memref<1x125xi32, #tpu.memory_space<vmem>> -> memref<125xi32, #tpu.memory_space<vmem>>
    %dma_start3A_157 = arith.constant 0 : i32
    %dma_start3A_158 = arith.constant 0 : i32
    %dma_start3A_159 = tpu.memref_slice %arg5[%dma_start3A_157, %dma_start3A_158] : memref<10000x16xf32, #tpu.memory_space<hbm>> -> memref<10000x16xf32, #tpu.memory_space<hbm>>
    tpu.enqueue_indirect_dma source(%dma_start3A_159 : memref<10000x16xf32, #tpu.memory_space<hbm>>) target(%dma_start3A_153 : memref<125x16xf32, #tpu.memory_space<vmem>>) offsets(%dma_start3A_156 : memref<125xi32, #tpu.memory_space<vmem>>) semaphore(%arg18 : memref<!tpu.dma_semaphore, #tpu.memory_space<semaphore_mem>>)
    %add3A_160 = arith.constant 0 : i32
    %add3A_161 = arith.addi %mul3A_2, %add3A_160 : i32
    %mul3A_162 = arith.constant 16 : i32
    %mul3A_163 = arith.muli %add3A_161, %mul3A_162 : i32
    %dma_start3A_164 = arith.constant 0 : i32
    %dma_start3A_165 = arith.constant 0 : i32
    %dma_start3A_166 = tpu.memref_slice %arg15[%dma_start3A_164, %dma_start3A_165] : memref<2x2000xf32, #tpu.memory_space<vmem>> -> memref<1x2000xf32, #tpu.memory_space<vmem>>
    %dma_start3A_167 = tpu.memref_squeeze %dma_start3A_166 : memref<1x2000xf32, #tpu.memory_space<vmem>> -> memref<2000xf32, #tpu.memory_space<vmem>>
    %dma_start3A_168 = tpu.memref_slice %arg7[%mul3A_163] : memref<5120000xf32, #tpu.memory_space<hbm>> -> memref<2000xf32, #tpu.memory_space<hbm>>
    %dma_start3A_169 = tpu.memref_slice %arg7[%mul3A_163] : memref<5120000xf32, #tpu.memory_space<hbm>> -> memref<2000xf32, #tpu.memory_space<hbm>>
    %dma_start3A_170 = arith.constant 0 : i32
    %dma_start3A_171 = tpu.memref_slice %arg15[%dma_start3A_164, %dma_start3A_170] : memref<2x2000xf32, #tpu.memory_space<vmem>> -> memref<1x2000xf32, #tpu.memory_space<vmem>>
    %dma_start3A_172 = tpu.memref_squeeze %dma_start3A_171 : memref<1x2000xf32, #tpu.memory_space<vmem>> -> memref<2000xf32, #tpu.memory_space<vmem>>
    tpu.enqueue_dma source(%dma_start3A_172 : memref<2000xf32, #tpu.memory_space<vmem>>) target(%dma_start3A_169 : memref<2000xf32, #tpu.memory_space<hbm>>) target_semaphore(%arg20 : memref<!tpu.dma_semaphore, #tpu.memory_space<semaphore_mem>>)
    %run_scoped3A = arith.constant 0 : i32
    %run_scoped3A_173 = arith.constant 0 : i32
    "tpu.region"() ({
      %run_scoped3A_440 = tpu.sem_alloc : memref<!tpu.dma_semaphore, #tpu.memory_space<semaphore_mem>>
      %dma_start3A_441 = arith.constant 0 : i32
      %dma_start3A_442 = arith.constant 0 : i32
      %dma_start3A_443 = tpu.memref_slice %arg14[%run_scoped3A, %dma_start3A_441, %dma_start3A_442] : memref<2x125x16xf32, #tpu.memory_space<vmem>> -> memref<1x125x16xf32, #tpu.memory_space<vmem>>
      %dma_start3A_444 = tpu.memref_squeeze %dma_start3A_443 : memref<1x125x16xf32, #tpu.memory_space<vmem>> -> memref<125x16xf32, #tpu.memory_space<vmem>>
      %dma_start3A_445 = arith.constant 0 : i32
      %dma_start3A_446 = tpu.memref_slice %arg10[%run_scoped3A_173, %dma_start3A_445] : memref<80x125xi32, #tpu.memory_space<vmem>> -> memref<1x125xi32, #tpu.memory_space<vmem>>
      %dma_start3A_447 = tpu.memref_squeeze %dma_start3A_446 : memref<1x125xi32, #tpu.memory_space<vmem>> -> memref<125xi32, #tpu.memory_space<vmem>>
      %dma_start3A_448 = arith.constant 0 : i32
      %dma_start3A_449 = arith.constant 0 : i32
      %dma_start3A_450 = tpu.memref_slice %arg17[%dma_start3A_448, %dma_start3A_449] : memref<10240x16xf32, #tpu.memory_space<vmem_shared>> -> memref<10240x16xf32, #tpu.memory_space<vmem_shared>>
      tpu.enqueue_indirect_dma source(%dma_start3A_444 : memref<125x16xf32, #tpu.memory_space<vmem>>) target(%dma_start3A_450 : memref<10240x16xf32, #tpu.memory_space<vmem_shared>>) offsets(%dma_start3A_447 : memref<125xi32, #tpu.memory_space<vmem>>) semaphore(%run_scoped3A_440 : memref<!tpu.dma_semaphore, #tpu.memory_space<semaphore_mem>>) {add = true}
      %dma_wait3A_451 = arith.constant 0 : i32
      %dma_wait3A_452 = arith.constant 0 : i32
      %dma_wait3A_453 = tpu.memref_slice %arg14[%run_scoped3A, %dma_wait3A_451, %dma_wait3A_452] : memref<2x125x16xf32, #tpu.memory_space<vmem>> -> memref<1x125x16xf32, #tpu.memory_space<vmem>>
      %dma_wait3A_454 = tpu.memref_squeeze %dma_wait3A_453 : memref<1x125x16xf32, #tpu.memory_space<vmem>> -> memref<125x16xf32, #tpu.memory_space<vmem>>
      %dma_wait3A_455 = arith.constant 0 : i32
      %dma_wait3A_456 = tpu.memref_slice %arg10[%run_scoped3A_173, %dma_wait3A_455] : memref<80x125xi32, #tpu.memory_space<vmem>> -> memref<1x125xi32, #tpu.memory_space<vmem>>
      %dma_wait3A_457 = tpu.memref_squeeze %dma_wait3A_456 : memref<1x125xi32, #tpu.memory_space<vmem>> -> memref<125xi32, #tpu.memory_space<vmem>>
      %dma_wait3A_458 = arith.constant 0 : i32
      %dma_wait3A_459 = arith.constant 0 : i32
      %dma_wait3A_460 = tpu.memref_slice %arg17[%dma_wait3A_458, %dma_wait3A_459] : memref<10240x16xf32, #tpu.memory_space<vmem_shared>> -> memref<10240x16xf32, #tpu.memory_space<vmem_shared>>
      tpu.wait_indirect_dma semaphore(%run_scoped3A_440 : memref<!tpu.dma_semaphore, #tpu.memory_space<semaphore_mem>>) src(%dma_wait3A_454 : memref<125x16xf32, #tpu.memory_space<vmem>>) dst(%dma_wait3A_460 : memref<10240x16xf32, #tpu.memory_space<vmem_shared>>)
      tpu.yield
    }) : () -> ()
    %add3A_174 = arith.constant 125 : i32
    %add3A_175 = arith.addi %mul3A_2, %add3A_174 : i32
    %mul3A_176 = arith.constant 16 : i32
    %mul3A_177 = arith.muli %add3A_175, %mul3A_176 : i32
    %dma_wait3A_178 = arith.constant 1 : i32
    %dma_wait3A_179 = arith.constant 0 : i32
    %dma_wait3A_180 = tpu.memref_slice %arg13[%dma_wait3A_178, %dma_wait3A_179] : memref<2x2000xf32, #tpu.memory_space<vmem>> -> memref<1x2000xf32, #tpu.memory_space<vmem>>
    %dma_wait3A_181 = tpu.memref_squeeze %dma_wait3A_180 : memref<1x2000xf32, #tpu.memory_space<vmem>> -> memref<2000xf32, #tpu.memory_space<vmem>>
    %dma_wait3A_182 = tpu.memref_slice %arg6[%mul3A_177] : memref<5120000xf32, #tpu.memory_space<hbm>> -> memref<2000xf32, #tpu.memory_space<hbm>>
    %dma_wait3A_183 = arith.constant 0 : i32
    %dma_wait3A_184 = tpu.memref_slice %arg13[%dma_wait3A_178, %dma_wait3A_183] : memref<2x2000xf32, #tpu.memory_space<vmem>> -> memref<1x2000xf32, #tpu.memory_space<vmem>>
    %dma_wait3A_185 = tpu.memref_squeeze %dma_wait3A_184 : memref<1x2000xf32, #tpu.memory_space<vmem>> -> memref<2000xf32, #tpu.memory_space<vmem>>
    %dma_wait3A_186 = tpu.memref_slice %arg6[%mul3A_177] : memref<5120000xf32, #tpu.memory_space<hbm>> -> memref<2000xf32, #tpu.memory_space<hbm>>
    tpu.wait_dma2 semaphore(%arg19 : memref<!tpu.dma_semaphore, #tpu.memory_space<semaphore_mem>>) src(%dma_wait3A_186 : memref<2000xf32, #tpu.memory_space<hbm>>) dst(%dma_wait3A_185 : memref<2000xf32, #tpu.memory_space<vmem>>)
    %dma_wait3A_187 = arith.constant 1 : i32
    %dma_wait3A_188 = arith.constant 1 : i32
    %dma_wait3A_189 = arith.constant 0 : i32
    %dma_wait3A_190 = arith.constant 0 : i32
    %dma_wait3A_191 = tpu.memref_slice %arg11[%dma_wait3A_188, %dma_wait3A_189, %dma_wait3A_190] : memref<2x125x16xf32, #tpu.memory_space<vmem>> -> memref<1x125x16xf32, #tpu.memory_space<vmem>>
    %dma_wait3A_192 = tpu.memref_squeeze %dma_wait3A_191 : memref<1x125x16xf32, #tpu.memory_space<vmem>> -> memref<125x16xf32, #tpu.memory_space<vmem>>
    %dma_wait3A_193 = arith.constant 0 : i32
    %dma_wait3A_194 = tpu.memref_slice %arg9[%dma_wait3A_187, %dma_wait3A_193] : memref<80x125xi32, #tpu.memory_space<vmem>> -> memref<1x125xi32, #tpu.memory_space<vmem>>
    %dma_wait3A_195 = tpu.memref_squeeze %dma_wait3A_194 : memref<1x125xi32, #tpu.memory_space<vmem>> -> memref<125xi32, #tpu.memory_space<vmem>>
    %dma_wait3A_196 = arith.constant 0 : i32
    %dma_wait3A_197 = arith.constant 0 : i32
    %dma_wait3A_198 = tpu.memref_slice %arg4[%dma_wait3A_196, %dma_wait3A_197] : memref<10000x16xf32, #tpu.memory_space<hbm>> -> memref<10000x16xf32, #tpu.memory_space<hbm>>
    tpu.wait_indirect_dma semaphore(%arg19 : memref<!tpu.dma_semaphore, #tpu.memory_space<semaphore_mem>>) src(%dma_wait3A_198 : memref<10000x16xf32, #tpu.memory_space<hbm>>) dst(%dma_wait3A_192 : memref<125x16xf32, #tpu.memory_space<vmem>>)
    %dma_wait3A_199 = arith.constant 1 : i32
    %dma_wait3A_200 = arith.constant 1 : i32
    %dma_wait3A_201 = arith.constant 0 : i32
    %dma_wait3A_202 = arith.constant 0 : i32
    %dma_wait3A_203 = tpu.memref_slice %arg12[%dma_wait3A_200, %dma_wait3A_201, %dma_wait3A_202] : memref<2x125x16xf32, #tpu.memory_space<vmem>> -> memref<1x125x16xf32, #tpu.memory_space<vmem>>
    %dma_wait3A_204 = tpu.memref_squeeze %dma_wait3A_203 : memref<1x125x16xf32, #tpu.memory_space<vmem>> -> memref<125x16xf32, #tpu.memory_space<vmem>>
    %dma_wait3A_205 = arith.constant 0 : i32
    %dma_wait3A_206 = tpu.memref_slice %arg10[%dma_wait3A_199, %dma_wait3A_205] : memref<80x125xi32, #tpu.memory_space<vmem>> -> memref<1x125xi32, #tpu.memory_space<vmem>>
    %dma_wait3A_207 = tpu.memref_squeeze %dma_wait3A_206 : memref<1x125xi32, #tpu.memory_space<vmem>> -> memref<125xi32, #tpu.memory_space<vmem>>
    %dma_wait3A_208 = arith.constant 0 : i32
    %dma_wait3A_209 = arith.constant 0 : i32
    %dma_wait3A_210 = tpu.memref_slice %arg5[%dma_wait3A_208, %dma_wait3A_209] : memref<10000x16xf32, #tpu.memory_space<hbm>> -> memref<10000x16xf32, #tpu.memory_space<hbm>>
    tpu.wait_indirect_dma semaphore(%arg19 : memref<!tpu.dma_semaphore, #tpu.memory_space<semaphore_mem>>) src(%dma_wait3A_210 : memref<10000x16xf32, #tpu.memory_space<hbm>>) dst(%dma_wait3A_204 : memref<125x16xf32, #tpu.memory_space<vmem>>)
    %scan3A_211 = arith.constant 0 : i32
    %scan3A_212 = arith.constant 125 : i32
    %scan3A_213 = arith.addi %scan3A_211, %scan3A_212 : i32
    %scan3A_214 = arith.constant 1 : i32
    scf.for %scan3A_440 = %scan3A_211 to %scan3A_213 step %scan3A_214  : i32 {
      %get3A = arith.constant 1 : i32
      %get3A_441 = arith.index_cast %get3A : i32 to index
      %get3A_442 = arith.index_cast %scan3A_440 : i32 to index
      %get3A_443 = arith.constant 0 : index
      %get3A_444 = tpu.vector_load %arg11[%get3A_441, %get3A_442, %get3A_443] {strides = array<i32>} : memref<2x125x16xf32, #tpu.memory_space<vmem>>, vector<1x1x16xf32>,
      %get3A_445 = vector.shape_cast %get3A_444 : vector<1x1x16xf32> to vector<16xf32>
      %get3A_446 = arith.constant 1 : i32
      %get3A_447 = arith.index_cast %get3A_446 : i32 to index
      %get3A_448 = arith.index_cast %scan3A_440 : i32 to index
      %get3A_449 = arith.constant 0 : index
      %get3A_450 = tpu.vector_load %arg12[%get3A_447, %get3A_448, %get3A_449] {strides = array<i32>} : memref<2x125x16xf32, #tpu.memory_space<vmem>>, vector<1x1x16xf32>,
      %get3A_451 = vector.shape_cast %get3A_450 : vector<1x1x16xf32> to vector<16xf32>
      %add3A_452 = arith.addf %get3A_445, %get3A_451 : vector<16xf32>
      %mul3A_453 = arith.constant 16 : i32
      %mul3A_454 = arith.muli %scan3A_440, %mul3A_453 : i32
      %get3A_455 = arith.constant 1 : i32
      %get3A_456 = arith.index_cast %get3A_455 : i32 to index
      %get3A_457 = arith.index_cast %mul3A_454 : i32 to index
      %get3A_458 = tpu.vector_load %arg13[%get3A_456, %get3A_457] {strides = array<i32>} : memref<2x2000xf32, #tpu.memory_space<vmem>>, vector<1x16xf32>,
      %get3A_459 = vector.shape_cast %get3A_458 : vector<1x16xf32> to vector<16xf32>
      %add3A_460 = arith.addf %add3A_452, %get3A_459 : vector<16xf32>
      %max3A = arith.constant 0.000000e+00 : f32
      %max3A_461 = vector.broadcast %max3A : f32 to vector<16xf32>
      %max3A_462 = arith.maximumf %add3A_460, %max3A_461 : vector<16xf32>
      %swap3A = arith.constant 1 : i32
      %swap3A_463 = arith.index_cast %swap3A : i32 to index
      %swap3A_464 = arith.index_cast %scan3A_440 : i32 to index
      %swap3A_465 = arith.constant 0 : index
      %swap3A_466 = tpu.vector_load %arg14[%swap3A_463, %swap3A_464, %swap3A_465] {strides = array<i32>} : memref<2x125x16xf32, #tpu.memory_space<vmem>>, vector<1x1x16xf32>,
      %swap3A_467 = vector.shape_cast %swap3A_466 : vector<1x1x16xf32> to vector<16xf32>
      %swap3A_468 = vector.shape_cast %max3A_462 : vector<16xf32> to vector<1x1x16xf32>
      tpu.vector_store %arg14[%swap3A_463, %swap3A_464, %swap3A_465], %swap3A_468 {strides = array<i32>} : memref<2x125x16xf32, #tpu.memory_space<vmem>>, vector<1x1x16xf32>,
      %mul3A_469 = arith.constant 16 : i32
      %mul3A_470 = arith.muli %scan3A_440, %mul3A_469 : i32
      %swap3A_471 = arith.constant 1 : i32
      %swap3A_472 = arith.index_cast %swap3A_471 : i32 to index
      %swap3A_473 = arith.index_cast %mul3A_470 : i32 to index
      %swap3A_474 = tpu.vector_load %arg15[%swap3A_472, %swap3A_473] {strides = array<i32>} : memref<2x2000xf32, #tpu.memory_space<vmem>>, vector<1x16xf32>,
      %swap3A_475 = vector.shape_cast %swap3A_474 : vector<1x16xf32> to vector<16xf32>
      %swap3A_476 = vector.shape_cast %max3A_462 : vector<16xf32> to vector<1x16xf32>
      tpu.vector_store %arg15[%swap3A_472, %swap3A_473], %swap3A_476 {strides = array<i32>} : memref<2x2000xf32, #tpu.memory_space<vmem>>, vector<1x16xf32>,
    }
    %scan3A_215 = arith.constant 125 : i32
    %add3A_216 = arith.constant 375 : i32
    %add3A_217 = arith.addi %mul3A_2, %add3A_216 : i32
    %mul3A_218 = arith.constant 16 : i32
    %mul3A_219 = arith.muli %add3A_217, %mul3A_218 : i32
    %dma_start3A_220 = arith.constant 1 : i32
    %dma_start3A_221 = arith.constant 0 : i32
    %dma_start3A_222 = tpu.memref_slice %arg13[%dma_start3A_220, %dma_start3A_221] : memref<2x2000xf32, #tpu.memory_space<vmem>> -> memref<1x2000xf32, #tpu.memory_space<vmem>>
    %dma_start3A_223 = tpu.memref_squeeze %dma_start3A_222 : memref<1x2000xf32, #tpu.memory_space<vmem>> -> memref<2000xf32, #tpu.memory_space<vmem>>
    %dma_start3A_224 = tpu.memref_slice %arg6[%mul3A_219] : memref<5120000xf32, #tpu.memory_space<hbm>> -> memref<2000xf32, #tpu.memory_space<hbm>>
    %dma_start3A_225 = arith.constant 0 : i32
    %dma_start3A_226 = tpu.memref_slice %arg13[%dma_start3A_220, %dma_start3A_225] : memref<2x2000xf32, #tpu.memory_space<vmem>> -> memref<1x2000xf32, #tpu.memory_space<vmem>>
    %dma_start3A_227 = tpu.memref_squeeze %dma_start3A_226 : memref<1x2000xf32, #tpu.memory_space<vmem>> -> memref<2000xf32, #tpu.memory_space<vmem>>
    %dma_start3A_228 = tpu.memref_slice %arg6[%mul3A_219] : memref<5120000xf32, #tpu.memory_space<hbm>> -> memref<2000xf32, #tpu.memory_space<hbm>>
    tpu.enqueue_dma source(%dma_start3A_228 : memref<2000xf32, #tpu.memory_space<hbm>>) target(%dma_start3A_227 : memref<2000xf32, #tpu.memory_space<vmem>>) target_semaphore(%arg19 : memref<!tpu.dma_semaphore, #tpu.memory_space<semaphore_mem>>)
    %dma_start3A_229 = arith.constant 3 : i32
    %dma_start3A_230 = arith.constant 1 : i32
    %dma_start3A_231 = arith.constant 0 : i32
    %dma_start3A_232 = arith.constant 0 : i32
    %dma_start3A_233 = tpu.memref_slice %arg11[%dma_start3A_230, %dma_start3A_231, %dma_start3A_232] : memref<2x125x16xf32, #tpu.memory_space<vmem>> -> memref<1x125x16xf32, #tpu.memory_space<vmem>>
    %dma_start3A_234 = tpu.memref_squeeze %dma_start3A_233 : memref<1x125x16xf32, #tpu.memory_space<vmem>> -> memref<125x16xf32, #tpu.memory_space<vmem>>
    %dma_start3A_235 = arith.constant 0 : i32
    %dma_start3A_236 = tpu.memref_slice %arg9[%dma_start3A_229, %dma_start3A_235] : memref<80x125xi32, #tpu.memory_space<vmem>> -> memref<1x125xi32, #tpu.memory_space<vmem>>
    %dma_start3A_237 = tpu.memref_squeeze %dma_start3A_236 : memref<1x125xi32, #tpu.memory_space<vmem>> -> memref<125xi32, #tpu.memory_space<vmem>>
    %dma_start3A_238 = arith.constant 0 : i32
    %dma_start3A_239 = arith.constant 0 : i32
    %dma_start3A_240 = tpu.memref_slice %arg4[%dma_start3A_238, %dma_start3A_239] : memref<10000x16xf32, #tpu.memory_space<hbm>> -> memref<10000x16xf32, #tpu.memory_space<hbm>>
    tpu.enqueue_indirect_dma source(%dma_start3A_240 : memref<10000x16xf32, #tpu.memory_space<hbm>>) target(%dma_start3A_234 : memref<125x16xf32, #tpu.memory_space<vmem>>) offsets(%dma_start3A_237 : memref<125xi32, #tpu.memory_space<vmem>>) semaphore(%arg19 : memref<!tpu.dma_semaphore, #tpu.memory_space<semaphore_mem>>)
    %dma_start3A_241 = arith.constant 3 : i32
    %dma_start3A_242 = arith.constant 1 : i32
    %dma_start3A_243 = arith.constant 0 : i32
    %dma_start3A_244 = arith.constant 0 : i32
    %dma_start3A_245 = tpu.memref_slice %arg12[%dma_start3A_242, %dma_start3A_243, %dma_start3A_244] : memref<2x125x16xf32, #tpu.memory_space<vmem>> -> memref<1x125x16xf32, #tpu.memory_space<vmem>>
    %dma_start3A_246 = tpu.memref_squeeze %dma_start3A_245 : memref<1x125x16xf32, #tpu.memory_space<vmem>> -> memref<125x16xf32, #tpu.memory_space<vmem>>
    %dma_start3A_247 = arith.constant 0 : i32
    %dma_start3A_248 = tpu.memref_slice %arg10[%dma_start3A_241, %dma_start3A_247] : memref<80x125xi32, #tpu.memory_space<vmem>> -> memref<1x125xi32, #tpu.memory_space<vmem>>
    %dma_start3A_249 = tpu.memref_squeeze %dma_start3A_248 : memref<1x125xi32, #tpu.memory_space<vmem>> -> memref<125xi32, #tpu.memory_space<vmem>>
    %dma_start3A_250 = arith.constant 0 : i32
    %dma_start3A_251 = arith.constant 0 : i32
    %dma_start3A_252 = tpu.memref_slice %arg5[%dma_start3A_250, %dma_start3A_251] : memref<10000x16xf32, #tpu.memory_space<hbm>> -> memref<10000x16xf32, #tpu.memory_space<hbm>>
    tpu.enqueue_indirect_dma source(%dma_start3A_252 : memref<10000x16xf32, #tpu.memory_space<hbm>>) target(%dma_start3A_246 : memref<125x16xf32, #tpu.memory_space<vmem>>) offsets(%dma_start3A_249 : memref<125xi32, #tpu.memory_space<vmem>>) semaphore(%arg19 : memref<!tpu.dma_semaphore, #tpu.memory_space<semaphore_mem>>)
    %add3A_253 = arith.constant 125 : i32
    %add3A_254 = arith.addi %mul3A_2, %add3A_253 : i32
    %mul3A_255 = arith.constant 16 : i32
    %mul3A_256 = arith.muli %add3A_254, %mul3A_255 : i32
    %dma_start3A_257 = arith.constant 1 : i32
    %dma_start3A_258 = arith.constant 0 : i32
    %dma_start3A_259 = tpu.memref_slice %arg15[%dma_start3A_257, %dma_start3A_258] : memref<2x2000xf32, #tpu.memory_space<vmem>> -> memref<1x2000xf32, #tpu.memory_space<vmem>>
    %dma_start3A_260 = tpu.memref_squeeze %dma_start3A_259 : memref<1x2000xf32, #tpu.memory_space<vmem>> -> memref<2000xf32, #tpu.memory_space<vmem>>
    %dma_start3A_261 = tpu.memref_slice %arg7[%mul3A_256] : memref<5120000xf32, #tpu.memory_space<hbm>> -> memref<2000xf32, #tpu.memory_space<hbm>>
    %dma_start3A_262 = tpu.memref_slice %arg7[%mul3A_256] : memref<5120000xf32, #tpu.memory_space<hbm>> -> memref<2000xf32, #tpu.memory_space<hbm>>
    %dma_start3A_263 = arith.constant 0 : i32
    %dma_start3A_264 = tpu.memref_slice %arg15[%dma_start3A_257, %dma_start3A_263] : memref<2x2000xf32, #tpu.memory_space<vmem>> -> memref<1x2000xf32, #tpu.memory_space<vmem>>
    %dma_start3A_265 = tpu.memref_squeeze %dma_start3A_264 : memref<1x2000xf32, #tpu.memory_space<vmem>> -> memref<2000xf32, #tpu.memory_space<vmem>>
    tpu.enqueue_dma source(%dma_start3A_265 : memref<2000xf32, #tpu.memory_space<vmem>>) target(%dma_start3A_262 : memref<2000xf32, #tpu.memory_space<hbm>>) target_semaphore(%arg21 : memref<!tpu.dma_semaphore, #tpu.memory_space<semaphore_mem>>)
    %run_scoped3A_266 = arith.constant 1 : i32
    %run_scoped3A_267 = arith.constant 1 : i32
    "tpu.region"() ({
      %run_scoped3A_440 = tpu.sem_alloc : memref<!tpu.dma_semaphore, #tpu.memory_space<semaphore_mem>>
      %dma_start3A_441 = arith.constant 0 : i32
      %dma_start3A_442 = arith.constant 0 : i32
      %dma_start3A_443 = tpu.memref_slice %arg14[%run_scoped3A_266, %dma_start3A_441, %dma_start3A_442] : memref<2x125x16xf32, #tpu.memory_space<vmem>> -> memref<1x125x16xf32, #tpu.memory_space<vmem>>
      %dma_start3A_444 = tpu.memref_squeeze %dma_start3A_443 : memref<1x125x16xf32, #tpu.memory_space<vmem>> -> memref<125x16xf32, #tpu.memory_space<vmem>>
      %dma_start3A_445 = arith.constant 0 : i32
      %dma_start3A_446 = tpu.memref_slice %arg10[%run_scoped3A_267, %dma_start3A_445] : memref<80x125xi32, #tpu.memory_space<vmem>> -> memref<1x125xi32, #tpu.memory_space<vmem>>
      %dma_start3A_447 = tpu.memref_squeeze %dma_start3A_446 : memref<1x125xi32, #tpu.memory_space<vmem>> -> memref<125xi32, #tpu.memory_space<vmem>>
      %dma_start3A_448 = arith.constant 0 : i32
      %dma_start3A_449 = arith.constant 0 : i32
      %dma_start3A_450 = tpu.memref_slice %arg17[%dma_start3A_448, %dma_start3A_449] : memref<10240x16xf32, #tpu.memory_space<vmem_shared>> -> memref<10240x16xf32, #tpu.memory_space<vmem_shared>>
      tpu.enqueue_indirect_dma source(%dma_start3A_444 : memref<125x16xf32, #tpu.memory_space<vmem>>) target(%dma_start3A_450 : memref<10240x16xf32, #tpu.memory_space<vmem_shared>>) offsets(%dma_start3A_447 : memref<125xi32, #tpu.memory_space<vmem>>) semaphore(%run_scoped3A_440 : memref<!tpu.dma_semaphore, #tpu.memory_space<semaphore_mem>>) {add = true}
      %dma_wait3A_451 = arith.constant 0 : i32
      %dma_wait3A_452 = arith.constant 0 : i32
      %dma_wait3A_453 = tpu.memref_slice %arg14[%run_scoped3A_266, %dma_wait3A_451, %dma_wait3A_452] : memref<2x125x16xf32, #tpu.memory_space<vmem>> -> memref<1x125x16xf32, #tpu.memory_space<vmem>>
      %dma_wait3A_454 = tpu.memref_squeeze %dma_wait3A_453 : memref<1x125x16xf32, #tpu.memory_space<vmem>> -> memref<125x16xf32, #tpu.memory_space<vmem>>
      %dma_wait3A_455 = arith.constant 0 : i32
      %dma_wait3A_456 = tpu.memref_slice %arg10[%run_scoped3A_267, %dma_wait3A_455] : memref<80x125xi32, #tpu.memory_space<vmem>> -> memref<1x125xi32, #tpu.memory_space<vmem>>
      %dma_wait3A_457 = tpu.memref_squeeze %dma_wait3A_456 : memref<1x125xi32, #tpu.memory_space<vmem>> -> memref<125xi32, #tpu.memory_space<vmem>>
      %dma_wait3A_458 = arith.constant 0 : i32
      %dma_wait3A_459 = arith.constant 0 : i32
      %dma_wait3A_460 = tpu.memref_slice %arg17[%dma_wait3A_458, %dma_wait3A_459] : memref<10240x16xf32, #tpu.memory_space<vmem_shared>> -> memref<10240x16xf32, #tpu.memory_space<vmem_shared>>
      tpu.wait_indirect_dma semaphore(%run_scoped3A_440 : memref<!tpu.dma_semaphore, #tpu.memory_space<semaphore_mem>>) src(%dma_wait3A_454 : memref<125x16xf32, #tpu.memory_space<vmem>>) dst(%dma_wait3A_460 : memref<10240x16xf32, #tpu.memory_space<vmem_shared>>)
      tpu.yield
    }) : () -> ()
    %scan3A_268 = arith.constant 1 : i32
    %scan3A_269 = arith.constant 38 : i32
    %scan3A_270 = arith.addi %scan3A_268, %scan3A_269 : i32
    %scan3A_271 = arith.constant 1 : i32
    scf.for %scan3A_440 = %scan3A_268 to %scan3A_270 step %scan3A_271  : i32 {
      %mul3A_441 = arith.constant 2 : i32
      %mul3A_442 = arith.muli %mul3A_441, %scan3A_440 : i32
      %add3A_443 = arith.constant 0 : i32
      %add3A_444 = arith.addi %mul3A_442, %add3A_443 : i32
      %mul3A_445 = arith.constant 125 : i32
      %mul3A_446 = arith.muli %add3A_444, %mul3A_445 : i32
      %add3A_447 = arith.addi %mul3A_2, %mul3A_446 : i32
      %mul3A_448 = arith.constant 16 : i32
      %mul3A_449 = arith.muli %add3A_447, %mul3A_448 : i32
      %dma_wait3A_450 = arith.constant 0 : i32
      %dma_wait3A_451 = arith.constant 0 : i32
      %dma_wait3A_452 = tpu.memref_slice %arg13[%dma_wait3A_450, %dma_wait3A_451] : memref<2x2000xf32, #tpu.memory_space<vmem>> -> memref<1x2000xf32, #tpu.memory_space<vmem>>
      %dma_wait3A_453 = tpu.memref_squeeze %dma_wait3A_452 : memref<1x2000xf32, #tpu.memory_space<vmem>> -> memref<2000xf32, #tpu.memory_space<vmem>>
      %dma_wait3A_454 = tpu.memref_slice %arg6[%mul3A_449] : memref<5120000xf32, #tpu.memory_space<hbm>> -> memref<2000xf32, #tpu.memory_space<hbm>>
      %dma_wait3A_455 = arith.constant 0 : i32
      %dma_wait3A_456 = tpu.memref_slice %arg13[%dma_wait3A_450, %dma_wait3A_455] : memref<2x2000xf32, #tpu.memory_space<vmem>> -> memref<1x2000xf32, #tpu.memory_space<vmem>>
      %dma_wait3A_457 = tpu.memref_squeeze %dma_wait3A_456 : memref<1x2000xf32, #tpu.memory_space<vmem>> -> memref<2000xf32, #tpu.memory_space<vmem>>
      %dma_wait3A_458 = tpu.memref_slice %arg6[%mul3A_449] : memref<5120000xf32, #tpu.memory_space<hbm>> -> memref<2000xf32, #tpu.memory_space<hbm>>
      tpu.wait_dma2 semaphore(%arg18 : memref<!tpu.dma_semaphore, #tpu.memory_space<semaphore_mem>>) src(%dma_wait3A_458 : memref<2000xf32, #tpu.memory_space<hbm>>) dst(%dma_wait3A_457 : memref<2000xf32, #tpu.memory_space<vmem>>)
      %dma_wait3A_459 = arith.constant 0 : i32
      %dma_wait3A_460 = arith.constant 0 : i32
      %dma_wait3A_461 = arith.constant 0 : i32
      %dma_wait3A_462 = tpu.memref_slice %arg11[%dma_wait3A_459, %dma_wait3A_460, %dma_wait3A_461] : memref<2x125x16xf32, #tpu.memory_space<vmem>> -> memref<1x125x16xf32, #tpu.memory_space<vmem>>
      %dma_wait3A_463 = tpu.memref_squeeze %dma_wait3A_462 : memref<1x125x16xf32, #tpu.memory_space<vmem>> -> memref<125x16xf32, #tpu.memory_space<vmem>>
      %dma_wait3A_464 = arith.constant 0 : i32
      %dma_wait3A_465 = tpu.memref_slice %arg9[%add3A_444, %dma_wait3A_464] : memref<80x125xi32, #tpu.memory_space<vmem>> -> memref<1x125xi32, #tpu.memory_space<vmem>>
      %dma_wait3A_466 = tpu.memref_squeeze %dma_wait3A_465 : memref<1x125xi32, #tpu.memory_space<vmem>> -> memref<125xi32, #tpu.memory_space<vmem>>
      %dma_wait3A_467 = arith.constant 0 : i32
      %dma_wait3A_468 = arith.constant 0 : i32
      %dma_wait3A_469 = tpu.memref_slice %arg4[%dma_wait3A_467, %dma_wait3A_468] : memref<10000x16xf32, #tpu.memory_space<hbm>> -> memref<10000x16xf32, #tpu.memory_space<hbm>>
      tpu.wait_indirect_dma semaphore(%arg18 : memref<!tpu.dma_semaphore, #tpu.memory_space<semaphore_mem>>) src(%dma_wait3A_469 : memref<10000x16xf32, #tpu.memory_space<hbm>>) dst(%dma_wait3A_463 : memref<125x16xf32, #tpu.memory_space<vmem>>)
      %dma_wait3A_470 = arith.constant 0 : i32
      %dma_wait3A_471 = arith.constant 0 : i32
      %dma_wait3A_472 = arith.constant 0 : i32
      %dma_wait3A_473 = tpu.memref_slice %arg12[%dma_wait3A_470, %dma_wait3A_471, %dma_wait3A_472] : memref<2x125x16xf32, #tpu.memory_space<vmem>> -> memref<1x125x16xf32, #tpu.memory_space<vmem>>
      %dma_wait3A_474 = tpu.memref_squeeze %dma_wait3A_473 : memref<1x125x16xf32, #tpu.memory_space<vmem>> -> memref<125x16xf32, #tpu.memory_space<vmem>>
      %dma_wait3A_475 = arith.constant 0 : i32
      %dma_wait3A_476 = tpu.memref_slice %arg10[%add3A_444, %dma_wait3A_475] : memref<80x125xi32, #tpu.memory_space<vmem>> -> memref<1x125xi32, #tpu.memory_space<vmem>>
      %dma_wait3A_477 = tpu.memref_squeeze %dma_wait3A_476 : memref<1x125xi32, #tpu.memory_space<vmem>> -> memref<125xi32, #tpu.memory_space<vmem>>
      %dma_wait3A_478 = arith.constant 0 : i32
      %dma_wait3A_479 = arith.constant 0 : i32
      %dma_wait3A_480 = tpu.memref_slice %arg5[%dma_wait3A_478, %dma_wait3A_479] : memref<10000x16xf32, #tpu.memory_space<hbm>> -> memref<10000x16xf32, #tpu.memory_space<hbm>>
      tpu.wait_indirect_dma semaphore(%arg18 : memref<!tpu.dma_semaphore, #tpu.memory_space<semaphore_mem>>) src(%dma_wait3A_480 : memref<10000x16xf32, #tpu.memory_space<hbm>>) dst(%dma_wait3A_474 : memref<125x16xf32, #tpu.memory_space<vmem>>)
      %sub3A = arith.constant 2 : i32
      %sub3A_481 = arith.subi %add3A_444, %sub3A : i32
      %mul3A_482 = arith.constant 125 : i32
      %mul3A_483 = arith.muli %sub3A_481, %mul3A_482 : i32
      %add3A_484 = arith.addi %mul3A_2, %mul3A_483 : i32
      %mul3A_485 = arith.constant 16 : i32
      %mul3A_486 = arith.muli %add3A_484, %mul3A_485 : i32
      %dma_wait3A_487 = arith.constant 0 : i32
      %dma_wait3A_488 = arith.constant 0 : i32
      %dma_wait3A_489 = tpu.memref_slice %arg15[%dma_wait3A_487, %dma_wait3A_488] : memref<2x2000xf32, #tpu.memory_space<vmem>> -> memref<1x2000xf32, #tpu.memory_space<vmem>>
      %dma_wait3A_490 = tpu.memref_squeeze %dma_wait3A_489 : memref<1x2000xf32, #tpu.memory_space<vmem>> -> memref<2000xf32, #tpu.memory_space<vmem>>
      %dma_wait3A_491 = tpu.memref_slice %arg7[%mul3A_486] : memref<5120000xf32, #tpu.memory_space<hbm>> -> memref<2000xf32, #tpu.memory_space<hbm>>
      %dma_wait3A_492 = tpu.memref_slice %arg7[%mul3A_486] : memref<5120000xf32, #tpu.memory_space<hbm>> -> memref<2000xf32, #tpu.memory_space<hbm>>
      %dma_wait3A_493 = arith.constant 0 : i32
      %dma_wait3A_494 = tpu.memref_slice %arg15[%dma_wait3A_487, %dma_wait3A_493] : memref<2x2000xf32, #tpu.memory_space<vmem>> -> memref<1x2000xf32, #tpu.memory_space<vmem>>
      %dma_wait3A_495 = tpu.memref_squeeze %dma_wait3A_494 : memref<1x2000xf32, #tpu.memory_space<vmem>> -> memref<2000xf32, #tpu.memory_space<vmem>>
      tpu.wait_dma2 semaphore(%arg20 : memref<!tpu.dma_semaphore, #tpu.memory_space<semaphore_mem>>) src(%dma_wait3A_495 : memref<2000xf32, #tpu.memory_space<vmem>>) dst(%dma_wait3A_492 : memref<2000xf32, #tpu.memory_space<hbm>>)
      %scan3A_496 = arith.constant 0 : i32
      %scan3A_497 = arith.constant 125 : i32
      %scan3A_498 = arith.addi %scan3A_496, %scan3A_497 : i32
      %scan3A_499 = arith.constant 1 : i32
      scf.for %scan3A_668 = %scan3A_496 to %scan3A_498 step %scan3A_499  : i32 {
        %get3A = arith.constant 0 : i32
        %get3A_669 = arith.index_cast %get3A : i32 to index
        %get3A_670 = arith.index_cast %scan3A_668 : i32 to index
        %get3A_671 = arith.constant 0 : index
        %get3A_672 = tpu.vector_load %arg11[%get3A_669, %get3A_670, %get3A_671] {strides = array<i32>} : memref<2x125x16xf32, #tpu.memory_space<vmem>>, vector<1x1x16xf32>,
        %get3A_673 = vector.shape_cast %get3A_672 : vector<1x1x16xf32> to vector<16xf32>
        %get3A_674 = arith.constant 0 : i32
        %get3A_675 = arith.index_cast %get3A_674 : i32 to index
        %get3A_676 = arith.index_cast %scan3A_668 : i32 to index
        %get3A_677 = arith.constant 0 : index
        %get3A_678 = tpu.vector_load %arg12[%get3A_675, %get3A_676, %get3A_677] {strides = array<i32>} : memref<2x125x16xf32, #tpu.memory_space<vmem>>, vector<1x1x16xf32>,
        %get3A_679 = vector.shape_cast %get3A_678 : vector<1x1x16xf32> to vector<16xf32>
        %add3A_680 = arith.addf %get3A_673, %get3A_679 : vector<16xf32>
        %mul3A_681 = arith.constant 16 : i32
        %mul3A_682 = arith.muli %scan3A_668, %mul3A_681 : i32
        %get3A_683 = arith.constant 0 : i32
        %get3A_684 = arith.index_cast %get3A_683 : i32 to index
        %get3A_685 = arith.index_cast %mul3A_682 : i32 to index
        %get3A_686 = tpu.vector_load %arg13[%get3A_684, %get3A_685] {strides = array<i32>} : memref<2x2000xf32, #tpu.memory_space<vmem>>, vector<1x16xf32>,
        %get3A_687 = vector.shape_cast %get3A_686 : vector<1x16xf32> to vector<16xf32>
        %add3A_688 = arith.addf %add3A_680, %get3A_687 : vector<16xf32>
        %max3A = arith.constant 0.000000e+00 : f32
        %max3A_689 = vector.broadcast %max3A : f32 to vector<16xf32>
        %max3A_690 = arith.maximumf %add3A_688, %max3A_689 : vector<16xf32>
        %swap3A = arith.constant 0 : i32
        %swap3A_691 = arith.index_cast %swap3A : i32 to index
        %swap3A_692 = arith.index_cast %scan3A_668 : i32 to index
        %swap3A_693 = arith.constant 0 : index
        %swap3A_694 = tpu.vector_load %arg14[%swap3A_691, %swap3A_692, %swap3A_693] {strides = array<i32>} : memref<2x125x16xf32, #tpu.memory_space<vmem>>, vector<1x1x16xf32>,
        %swap3A_695 = vector.shape_cast %swap3A_694 : vector<1x1x16xf32> to vector<16xf32>
        %swap3A_696 = vector.shape_cast %max3A_690 : vector<16xf32> to vector<1x1x16xf32>
        tpu.vector_store %arg14[%swap3A_691, %swap3A_692, %swap3A_693], %swap3A_696 {strides = array<i32>} : memref<2x125x16xf32, #tpu.memory_space<vmem>>, vector<1x1x16xf32>,
        %mul3A_697 = arith.constant 16 : i32
        %mul3A_698 = arith.muli %scan3A_668, %mul3A_697 : i32
        %swap3A_699 = arith.constant 0 : i32
        %swap3A_700 = arith.index_cast %swap3A_699 : i32 to index
        %swap3A_701 = arith.index_cast %mul3A_698 : i32 to index
        %swap3A_702 = tpu.vector_load %arg15[%swap3A_700, %swap3A_701] {strides = array<i32>} : memref<2x2000xf32, #tpu.memory_space<vmem>>, vector<1x16xf32>,
        %swap3A_703 = vector.shape_cast %swap3A_702 : vector<1x16xf32> to vector<16xf32>
        %swap3A_704 = vector.shape_cast %max3A_690 : vector<16xf32> to vector<1x16xf32>
        tpu.vector_store %arg15[%swap3A_700, %swap3A_701], %swap3A_704 {strides = array<i32>} : memref<2x2000xf32, #tpu.memory_space<vmem>>, vector<1x16xf32>,
      }
      %scan3A_500 = arith.constant 125 : i32
      %add3A_501 = arith.constant 2 : i32
      %add3A_502 = arith.addi %add3A_444, %add3A_501 : i32
      %mul3A_503 = arith.constant 125 : i32
      %mul3A_504 = arith.muli %add3A_502, %mul3A_503 : i32
      %add3A_505 = arith.addi %mul3A_2, %mul3A_504 : i32
      %mul3A_506 = arith.constant 16 : i32
      %mul3A_507 = arith.muli %add3A_505, %mul3A_506 : i32
      %dma_start3A_508 = arith.constant 0 : i32
      %dma_start3A_509 = arith.constant 0 : i32
      %dma_start3A_510 = tpu.memref_slice %arg13[%dma_start3A_508, %dma_start3A_509] : memref<2x2000xf32, #tpu.memory_space<vmem>> -> memref<1x2000xf32, #tpu.memory_space<vmem>>
      %dma_start3A_511 = tpu.memref_squeeze %dma_start3A_510 : memref<1x2000xf32, #tpu.memory_space<vmem>> -> memref<2000xf32, #tpu.memory_space<vmem>>
      %dma_start3A_512 = tpu.memref_slice %arg6[%mul3A_507] : memref<5120000xf32, #tpu.memory_space<hbm>> -> memref<2000xf32, #tpu.memory_space<hbm>>
      %dma_start3A_513 = arith.constant 0 : i32
      %dma_start3A_514 = tpu.memref_slice %arg13[%dma_start3A_508, %dma_start3A_513] : memref<2x2000xf32, #tpu.memory_space<vmem>> -> memref<1x2000xf32, #tpu.memory_space<vmem>>
      %dma_start3A_515 = tpu.memref_squeeze %dma_start3A_514 : memref<1x2000xf32, #tpu.memory_space<vmem>> -> memref<2000xf32, #tpu.memory_space<vmem>>
      %dma_start3A_516 = tpu.memref_slice %arg6[%mul3A_507] : memref<5120000xf32, #tpu.memory_space<hbm>> -> memref<2000xf32, #tpu.memory_space<hbm>>
      tpu.enqueue_dma source(%dma_start3A_516 : memref<2000xf32, #tpu.memory_space<hbm>>) target(%dma_start3A_515 : memref<2000xf32, #tpu.memory_space<vmem>>) target_semaphore(%arg18 : memref<!tpu.dma_semaphore, #tpu.memory_space<semaphore_mem>>)
      %dma_start3A_517 = arith.constant 0 : i32
      %dma_start3A_518 = arith.constant 0 : i32
      %dma_start3A_519 = arith.constant 0 : i32
      %dma_start3A_520 = tpu.memref_slice %arg11[%dma_start3A_517, %dma_start3A_518, %dma_start3A_519] : memref<2x125x16xf32, #tpu.memory_space<vmem>> -> memref<1x125x16xf32, #tpu.memory_space<vmem>>
      %dma_start3A_521 = tpu.memref_squeeze %dma_start3A_520 : memref<1x125x16xf32, #tpu.memory_space<vmem>> -> memref<125x16xf32, #tpu.memory_space<vmem>>
      %dma_start3A_522 = arith.constant 0 : i32
      %dma_start3A_523 = tpu.memref_slice %arg9[%add3A_502, %dma_start3A_522] : memref<80x125xi32, #tpu.memory_space<vmem>> -> memref<1x125xi32, #tpu.memory_space<vmem>>
      %dma_start3A_524 = tpu.memref_squeeze %dma_start3A_523 : memref<1x125xi32, #tpu.memory_space<vmem>> -> memref<125xi32, #tpu.memory_space<vmem>>
      %dma_start3A_525 = arith.constant 0 : i32
      %dma_start3A_526 = arith.constant 0 : i32
      %dma_start3A_527 = tpu.memref_slice %arg4[%dma_start3A_525, %dma_start3A_526] : memref<10000x16xf32, #tpu.memory_space<hbm>> -> memref<10000x16xf32, #tpu.memory_space<hbm>>
      tpu.enqueue_indirect_dma source(%dma_start3A_527 : memref<10000x16xf32, #tpu.memory_space<hbm>>) target(%dma_start3A_521 : memref<125x16xf32, #tpu.memory_space<vmem>>) offsets(%dma_start3A_524 : memref<125xi32, #tpu.memory_space<vmem>>) semaphore(%arg18 : memref<!tpu.dma_semaphore, #tpu.memory_space<semaphore_mem>>)
      %dma_start3A_528 = arith.constant 0 : i32
      %dma_start3A_529 = arith.constant 0 : i32
      %dma_start3A_530 = arith.constant 0 : i32
      %dma_start3A_531 = tpu.memref_slice %arg12[%dma_start3A_528, %dma_start3A_529, %dma_start3A_530] : memref<2x125x16xf32, #tpu.memory_space<vmem>> -> memref<1x125x16xf32, #tpu.memory_space<vmem>>
      %dma_start3A_532 = tpu.memref_squeeze %dma_start3A_531 : memref<1x125x16xf32, #tpu.memory_space<vmem>> -> memref<125x16xf32, #tpu.memory_space<vmem>>
      %dma_start3A_533 = arith.constant 0 : i32
      %dma_start3A_534 = tpu.memref_slice %arg10[%add3A_502, %dma_start3A_533] : memref<80x125xi32, #tpu.memory_space<vmem>> -> memref<1x125xi32, #tpu.memory_space<vmem>>
      %dma_start3A_535 = tpu.memref_squeeze %dma_start3A_534 : memref<1x125xi32, #tpu.memory_space<vmem>> -> memref<125xi32, #tpu.memory_space<vmem>>
      %dma_start3A_536 = arith.constant 0 : i32
      %dma_start3A_537 = arith.constant 0 : i32
      %dma_start3A_538 = tpu.memref_slice %arg5[%dma_start3A_536, %dma_start3A_537] : memref<10000x16xf32, #tpu.memory_space<hbm>> -> memref<10000x16xf32, #tpu.memory_space<hbm>>
      tpu.enqueue_indirect_dma source(%dma_start3A_538 : memref<10000x16xf32, #tpu.memory_space<hbm>>) target(%dma_start3A_532 : memref<125x16xf32, #tpu.memory_space<vmem>>) offsets(%dma_start3A_535 : memref<125xi32, #tpu.memory_space<vmem>>) semaphore(%arg18 : memref<!tpu.dma_semaphore, #tpu.memory_space<semaphore_mem>>)
      %mul3A_539 = arith.constant 125 : i32
      %mul3A_540 = arith.muli %add3A_444, %mul3A_539 : i32
      %add3A_541 = arith.addi %mul3A_2, %mul3A_540 : i32
      %mul3A_542 = arith.constant 16 : i32
      %mul3A_543 = arith.muli %add3A_541, %mul3A_542 : i32
      %dma_start3A_544 = arith.constant 0 : i32
      %dma_start3A_545 = arith.constant 0 : i32
      %dma_start3A_546 = tpu.memref_slice %arg15[%dma_start3A_544, %dma_start3A_545] : memref<2x2000xf32, #tpu.memory_space<vmem>> -> memref<1x2000xf32, #tpu.memory_space<vmem>>
      %dma_start3A_547 = tpu.memref_squeeze %dma_start3A_546 : memref<1x2000xf32, #tpu.memory_space<vmem>> -> memref<2000xf32, #tpu.memory_space<vmem>>
      %dma_start3A_548 = tpu.memref_slice %arg7[%mul3A_543] : memref<5120000xf32, #tpu.memory_space<hbm>> -> memref<2000xf32, #tpu.memory_space<hbm>>
      %dma_start3A_549 = tpu.memref_slice %arg7[%mul3A_543] : memref<5120000xf32, #tpu.memory_space<hbm>> -> memref<2000xf32, #tpu.memory_space<hbm>>
      %dma_start3A_550 = arith.constant 0 : i32
      %dma_start3A_551 = tpu.memref_slice %arg15[%dma_start3A_544, %dma_start3A_550] : memref<2x2000xf32, #tpu.memory_space<vmem>> -> memref<1x2000xf32, #tpu.memory_space<vmem>>
      %dma_start3A_552 = tpu.memref_squeeze %dma_start3A_551 : memref<1x2000xf32, #tpu.memory_space<vmem>> -> memref<2000xf32, #tpu.memory_space<vmem>>
      tpu.enqueue_dma source(%dma_start3A_552 : memref<2000xf32, #tpu.memory_space<vmem>>) target(%dma_start3A_549 : memref<2000xf32, #tpu.memory_space<hbm>>) target_semaphore(%arg20 : memref<!tpu.dma_semaphore, #tpu.memory_space<semaphore_mem>>)
      %run_scoped3A_553 = arith.constant 0 : i32
      "tpu.region"() ({
        %run_scoped3A_668 = tpu.sem_alloc : memref<!tpu.dma_semaphore, #tpu.memory_space<semaphore_mem>>
        %dma_start3A_669 = arith.constant 0 : i32
        %dma_start3A_670 = arith.constant 0 : i32
        %dma_start3A_671 = tpu.memref_slice %arg14[%run_scoped3A_553, %dma_start3A_669, %dma_start3A_670] : memref<2x125x16xf32, #tpu.memory_space<vmem>> -> memref<1x125x16xf32, #tpu.memory_space<vmem>>
        %dma_start3A_672 = tpu.memref_squeeze %dma_start3A_671 : memref<1x125x16xf32, #tpu.memory_space<vmem>> -> memref<125x16xf32, #tpu.memory_space<vmem>>
        %dma_start3A_673 = arith.constant 0 : i32
        %dma_start3A_674 = tpu.memref_slice %arg10[%add3A_444, %dma_start3A_673] : memref<80x125xi32, #tpu.memory_space<vmem>> -> memref<1x125xi32, #tpu.memory_space<vmem>>
        %dma_start3A_675 = tpu.memref_squeeze %dma_start3A_674 : memref<1x125xi32, #tpu.memory_space<vmem>> -> memref<125xi32, #tpu.memory_space<vmem>>
        %dma_start3A_676 = arith.constant 0 : i32
        %dma_start3A_677 = arith.constant 0 : i32
        %dma_start3A_678 = tpu.memref_slice %arg17[%dma_start3A_676, %dma_start3A_677] : memref<10240x16xf32, #tpu.memory_space<vmem_shared>> -> memref<10240x16xf32, #tpu.memory_space<vmem_shared>>
        tpu.enqueue_indirect_dma source(%dma_start3A_672 : memref<125x16xf32, #tpu.memory_space<vmem>>) target(%dma_start3A_678 : memref<10240x16xf32, #tpu.memory_space<vmem_shared>>) offsets(%dma_start3A_675 : memref<125xi32, #tpu.memory_space<vmem>>) semaphore(%run_scoped3A_668 : memref<!tpu.dma_semaphore, #tpu.memory_space<semaphore_mem>>) {add = true}
        %dma_wait3A_679 = arith.constant 0 : i32
        %dma_wait3A_680 = arith.constant 0 : i32
        %dma_wait3A_681 = tpu.memref_slice %arg14[%run_scoped3A_553, %dma_wait3A_679, %dma_wait3A_680] : memref<2x125x16xf32, #tpu.memory_space<vmem>> -> memref<1x125x16xf32, #tpu.memory_space<vmem>>
        %dma_wait3A_682 = tpu.memref_squeeze %dma_wait3A_681 : memref<1x125x16xf32, #tpu.memory_space<vmem>> -> memref<125x16xf32, #tpu.memory_space<vmem>>
        %dma_wait3A_683 = arith.constant 0 : i32
        %dma_wait3A_684 = tpu.memref_slice %arg10[%add3A_444, %dma_wait3A_683] : memref<80x125xi32, #tpu.memory_space<vmem>> -> memref<1x125xi32, #tpu.memory_space<vmem>>
        %dma_wait3A_685 = tpu.memref_squeeze %dma_wait3A_684 : memref<1x125xi32, #tpu.memory_space<vmem>> -> memref<125xi32, #tpu.memory_space<vmem>>
        %dma_wait3A_686 = arith.constant 0 : i32
        %dma_wait3A_687 = arith.constant 0 : i32
        %dma_wait3A_688 = tpu.memref_slice %arg17[%dma_wait3A_686, %dma_wait3A_687] : memref<10240x16xf32, #tpu.memory_space<vmem_shared>> -> memref<10240x16xf32, #tpu.memory_space<vmem_shared>>
        tpu.wait_indirect_dma semaphore(%run_scoped3A_668 : memref<!tpu.dma_semaphore, #tpu.memory_space<semaphore_mem>>) src(%dma_wait3A_682 : memref<125x16xf32, #tpu.memory_space<vmem>>) dst(%dma_wait3A_688 : memref<10240x16xf32, #tpu.memory_space<vmem_shared>>)
        tpu.yield
      }) : () -> ()
      %mul3A_554 = arith.constant 2 : i32
      %mul3A_555 = arith.muli %mul3A_554, %scan3A_440 : i32
      %add3A_556 = arith.constant 1 : i32
      %add3A_557 = arith.addi %mul3A_555, %add3A_556 : i32
      %mul3A_558 = arith.constant 125 : i32
      %mul3A_559 = arith.muli %add3A_557, %mul3A_558 : i32
      %add3A_560 = arith.addi %mul3A_2, %mul3A_559 : i32
      %mul3A_561 = arith.constant 16 : i32
      %mul3A_562 = arith.muli %add3A_560, %mul3A_561 : i32
      %dma_wait3A_563 = arith.constant 1 : i32
      %dma_wait3A_564 = arith.constant 0 : i32
      %dma_wait3A_565 = tpu.memref_slice %arg13[%dma_wait3A_563, %dma_wait3A_564] : memref<2x2000xf32, #tpu.memory_space<vmem>> -> memref<1x2000xf32, #tpu.memory_space<vmem>>
      %dma_wait3A_566 = tpu.memref_squeeze %dma_wait3A_565 : memref<1x2000xf32, #tpu.memory_space<vmem>> -> memref<2000xf32, #tpu.memory_space<vmem>>
      %dma_wait3A_567 = tpu.memref_slice %arg6[%mul3A_562] : memref<5120000xf32, #tpu.memory_space<hbm>> -> memref<2000xf32, #tpu.memory_space<hbm>>
      %dma_wait3A_568 = arith.constant 0 : i32
      %dma_wait3A_569 = tpu.memref_slice %arg13[%dma_wait3A_563, %dma_wait3A_568] : memref<2x2000xf32, #tpu.memory_space<vmem>> -> memref<1x2000xf32, #tpu.memory_space<vmem>>
      %dma_wait3A_570 = tpu.memref_squeeze %dma_wait3A_569 : memref<1x2000xf32, #tpu.memory_space<vmem>> -> memref<2000xf32, #tpu.memory_space<vmem>>
      %dma_wait3A_571 = tpu.memref_slice %arg6[%mul3A_562] : memref<5120000xf32, #tpu.memory_space<hbm>> -> memref<2000xf32, #tpu.memory_space<hbm>>
      tpu.wait_dma2 semaphore(%arg19 : memref<!tpu.dma_semaphore, #tpu.memory_space<semaphore_mem>>) src(%dma_wait3A_571 : memref<2000xf32, #tpu.memory_space<hbm>>) dst(%dma_wait3A_570 : memref<2000xf32, #tpu.memory_space<vmem>>)
      %dma_wait3A_572 = arith.constant 1 : i32
      %dma_wait3A_573 = arith.constant 0 : i32
      %dma_wait3A_574 = arith.constant 0 : i32
      %dma_wait3A_575 = tpu.memref_slice %arg11[%dma_wait3A_572, %dma_wait3A_573, %dma_wait3A_574] : memref<2x125x16xf32, #tpu.memory_space<vmem>> -> memref<1x125x16xf32, #tpu.memory_space<vmem>>
      %dma_wait3A_576 = tpu.memref_squeeze %dma_wait3A_575 : memref<1x125x16xf32, #tpu.memory_space<vmem>> -> memref<125x16xf32, #tpu.memory_space<vmem>>
      %dma_wait3A_577 = arith.constant 0 : i32
      %dma_wait3A_578 = tpu.memref_slice %arg9[%add3A_557, %dma_wait3A_577] : memref<80x125xi32, #tpu.memory_space<vmem>> -> memref<1x125xi32, #tpu.memory_space<vmem>>
      %dma_wait3A_579 = tpu.memref_squeeze %dma_wait3A_578 : memref<1x125xi32, #tpu.memory_space<vmem>> -> memref<125xi32, #tpu.memory_space<vmem>>
      %dma_wait3A_580 = arith.constant 0 : i32
      %dma_wait3A_581 = arith.constant 0 : i32
      %dma_wait3A_582 = tpu.memref_slice %arg4[%dma_wait3A_580, %dma_wait3A_581] : memref<10000x16xf32, #tpu.memory_space<hbm>> -> memref<10000x16xf32, #tpu.memory_space<hbm>>
      tpu.wait_indirect_dma semaphore(%arg19 : memref<!tpu.dma_semaphore, #tpu.memory_space<semaphore_mem>>) src(%dma_wait3A_582 : memref<10000x16xf32, #tpu.memory_space<hbm>>) dst(%dma_wait3A_576 : memref<125x16xf32, #tpu.memory_space<vmem>>)
      %dma_wait3A_583 = arith.constant 1 : i32
      %dma_wait3A_584 = arith.constant 0 : i32
      %dma_wait3A_585 = arith.constant 0 : i32
      %dma_wait3A_586 = tpu.memref_slice %arg12[%dma_wait3A_583, %dma_wait3A_584, %dma_wait3A_585] : memref<2x125x16xf32, #tpu.memory_space<vmem>> -> memref<1x125x16xf32, #tpu.memory_space<vmem>>
      %dma_wait3A_587 = tpu.memref_squeeze %dma_wait3A_586 : memref<1x125x16xf32, #tpu.memory_space<vmem>> -> memref<125x16xf32, #tpu.memory_space<vmem>>
      %dma_wait3A_588 = arith.constant 0 : i32
      %dma_wait3A_589 = tpu.memref_slice %arg10[%add3A_557, %dma_wait3A_588] : memref<80x125xi32, #tpu.memory_space<vmem>> -> memref<1x125xi32, #tpu.memory_space<vmem>>
      %dma_wait3A_590 = tpu.memref_squeeze %dma_wait3A_589 : memref<1x125xi32, #tpu.memory_space<vmem>> -> memref<125xi32, #tpu.memory_space<vmem>>
      %dma_wait3A_591 = arith.constant 0 : i32
      %dma_wait3A_592 = arith.constant 0 : i32
      %dma_wait3A_593 = tpu.memref_slice %arg5[%dma_wait3A_591, %dma_wait3A_592] : memref<10000x16xf32, #tpu.memory_space<hbm>> -> memref<10000x16xf32, #tpu.memory_space<hbm>>
      tpu.wait_indirect_dma semaphore(%arg19 : memref<!tpu.dma_semaphore, #tpu.memory_space<semaphore_mem>>) src(%dma_wait3A_593 : memref<10000x16xf32, #tpu.memory_space<hbm>>) dst(%dma_wait3A_587 : memref<125x16xf32, #tpu.memory_space<vmem>>)
      %sub3A_594 = arith.constant 2 : i32
      %sub3A_595 = arith.subi %add3A_557, %sub3A_594 : i32
      %mul3A_596 = arith.constant 125 : i32
      %mul3A_597 = arith.muli %sub3A_595, %mul3A_596 : i32
      %add3A_598 = arith.addi %mul3A_2, %mul3A_597 : i32
      %mul3A_599 = arith.constant 16 : i32
      %mul3A_600 = arith.muli %add3A_598, %mul3A_599 : i32
      %dma_wait3A_601 = arith.constant 1 : i32
      %dma_wait3A_602 = arith.constant 0 : i32
      %dma_wait3A_603 = tpu.memref_slice %arg15[%dma_wait3A_601, %dma_wait3A_602] : memref<2x2000xf32, #tpu.memory_space<vmem>> -> memref<1x2000xf32, #tpu.memory_space<vmem>>
      %dma_wait3A_604 = tpu.memref_squeeze %dma_wait3A_603 : memref<1x2000xf32, #tpu.memory_space<vmem>> -> memref<2000xf32, #tpu.memory_space<vmem>>
      %dma_wait3A_605 = tpu.memref_slice %arg7[%mul3A_600] : memref<5120000xf32, #tpu.memory_space<hbm>> -> memref<2000xf32, #tpu.memory_space<hbm>>
      %dma_wait3A_606 = tpu.memref_slice %arg7[%mul3A_600] : memref<5120000xf32, #tpu.memory_space<hbm>> -> memref<2000xf32, #tpu.memory_space<hbm>>
      %dma_wait3A_607 = arith.constant 0 : i32
      %dma_wait3A_608 = tpu.memref_slice %arg15[%dma_wait3A_601, %dma_wait3A_607] : memref<2x2000xf32, #tpu.memory_space<vmem>> -> memref<1x2000xf32, #tpu.memory_space<vmem>>
      %dma_wait3A_609 = tpu.memref_squeeze %dma_wait3A_608 : memref<1x2000xf32, #tpu.memory_space<vmem>> -> memref<2000xf32, #tpu.memory_space<vmem>>
      tpu.wait_dma2 semaphore(%arg21 : memref<!tpu.dma_semaphore, #tpu.memory_space<semaphore_mem>>) src(%dma_wait3A_609 : memref<2000xf32, #tpu.memory_space<vmem>>) dst(%dma_wait3A_606 : memref<2000xf32, #tpu.memory_space<hbm>>)
      %scan3A_610 = arith.constant 0 : i32
      %scan3A_611 = arith.constant 125 : i32
      %scan3A_612 = arith.addi %scan3A_610, %scan3A_611 : i32
      %scan3A_613 = arith.constant 1 : i32
      scf.for %scan3A_668 = %scan3A_610 to %scan3A_612 step %scan3A_613  : i32 {
        %get3A = arith.constant 1 : i32
        %get3A_669 = arith.index_cast %get3A : i32 to index
        %get3A_670 = arith.index_cast %scan3A_668 : i32 to index
        %get3A_671 = arith.constant 0 : index
        %get3A_672 = tpu.vector_load %arg11[%get3A_669, %get3A_670, %get3A_671] {strides = array<i32>} : memref<2x125x16xf32, #tpu.memory_space<vmem>>, vector<1x1x16xf32>,
        %get3A_673 = vector.shape_cast %get3A_672 : vector<1x1x16xf32> to vector<16xf32>
        %get3A_674 = arith.constant 1 : i32
        %get3A_675 = arith.index_cast %get3A_674 : i32 to index
        %get3A_676 = arith.index_cast %scan3A_668 : i32 to index
        %get3A_677 = arith.constant 0 : index
        %get3A_678 = tpu.vector_load %arg12[%get3A_675, %get3A_676, %get3A_677] {strides = array<i32>} : memref<2x125x16xf32, #tpu.memory_space<vmem>>, vector<1x1x16xf32>,
        %get3A_679 = vector.shape_cast %get3A_678 : vector<1x1x16xf32> to vector<16xf32>
        %add3A_680 = arith.addf %get3A_673, %get3A_679 : vector<16xf32>
        %mul3A_681 = arith.constant 16 : i32
        %mul3A_682 = arith.muli %scan3A_668, %mul3A_681 : i32
        %get3A_683 = arith.constant 1 : i32
        %get3A_684 = arith.index_cast %get3A_683 : i32 to index
        %get3A_685 = arith.index_cast %mul3A_682 : i32 to index
        %get3A_686 = tpu.vector_load %arg13[%get3A_684, %get3A_685] {strides = array<i32>} : memref<2x2000xf32, #tpu.memory_space<vmem>>, vector<1x16xf32>,
        %get3A_687 = vector.shape_cast %get3A_686 : vector<1x16xf32> to vector<16xf32>
        %add3A_688 = arith.addf %add3A_680, %get3A_687 : vector<16xf32>
        %max3A = arith.constant 0.000000e+00 : f32
        %max3A_689 = vector.broadcast %max3A : f32 to vector<16xf32>
        %max3A_690 = arith.maximumf %add3A_688, %max3A_689 : vector<16xf32>
        %swap3A = arith.constant 1 : i32
        %swap3A_691 = arith.index_cast %swap3A : i32 to index
        %swap3A_692 = arith.index_cast %scan3A_668 : i32 to index
        %swap3A_693 = arith.constant 0 : index
        %swap3A_694 = tpu.vector_load %arg14[%swap3A_691, %swap3A_692, %swap3A_693] {strides = array<i32>} : memref<2x125x16xf32, #tpu.memory_space<vmem>>, vector<1x1x16xf32>,
        %swap3A_695 = vector.shape_cast %swap3A_694 : vector<1x1x16xf32> to vector<16xf32>
        %swap3A_696 = vector.shape_cast %max3A_690 : vector<16xf32> to vector<1x1x16xf32>
        tpu.vector_store %arg14[%swap3A_691, %swap3A_692, %swap3A_693], %swap3A_696 {strides = array<i32>} : memref<2x125x16xf32, #tpu.memory_space<vmem>>, vector<1x1x16xf32>,
        %mul3A_697 = arith.constant 16 : i32
        %mul3A_698 = arith.muli %scan3A_668, %mul3A_697 : i32
        %swap3A_699 = arith.constant 1 : i32
        %swap3A_700 = arith.index_cast %swap3A_699 : i32 to index
        %swap3A_701 = arith.index_cast %mul3A_698 : i32 to index
        %swap3A_702 = tpu.vector_load %arg15[%swap3A_700, %swap3A_701] {strides = array<i32>} : memref<2x2000xf32, #tpu.memory_space<vmem>>, vector<1x16xf32>,
        %swap3A_703 = vector.shape_cast %swap3A_702 : vector<1x16xf32> to vector<16xf32>
        %swap3A_704 = vector.shape_cast %max3A_690 : vector<16xf32> to vector<1x16xf32>
        tpu.vector_store %arg15[%swap3A_700, %swap3A_701], %swap3A_704 {strides = array<i32>} : memref<2x2000xf32, #tpu.memory_space<vmem>>, vector<1x16xf32>,
      }
      %scan3A_614 = arith.constant 125 : i32
      %add3A_615 = arith.constant 2 : i32
      %add3A_616 = arith.addi %add3A_557, %add3A_615 : i32
      %mul3A_617 = arith.constant 125 : i32
      %mul3A_618 = arith.muli %add3A_616, %mul3A_617 : i32
      %add3A_619 = arith.addi %mul3A_2, %mul3A_618 : i32
      %mul3A_620 = arith.constant 16 : i32
      %mul3A_621 = arith.muli %add3A_619, %mul3A_620 : i32
      %dma_start3A_622 = arith.constant 1 : i32
      %dma_start3A_623 = arith.constant 0 : i32
      %dma_start3A_624 = tpu.memref_slice %arg13[%dma_start3A_622, %dma_start3A_623] : memref<2x2000xf32, #tpu.memory_space<vmem>> -> memref<1x2000xf32, #tpu.memory_space<vmem>>
      %dma_start3A_625 = tpu.memref_squeeze %dma_start3A_624 : memref<1x2000xf32, #tpu.memory_space<vmem>> -> memref<2000xf32, #tpu.memory_space<vmem>>
      %dma_start3A_626 = tpu.memref_slice %arg6[%mul3A_621] : memref<5120000xf32, #tpu.memory_space<hbm>> -> memref<2000xf32, #tpu.memory_space<hbm>>
      %dma_start3A_627 = arith.constant 0 : i32
      %dma_start3A_628 = tpu.memref_slice %arg13[%dma_start3A_622, %dma_start3A_627] : memref<2x2000xf32, #tpu.memory_space<vmem>> -> memref<1x2000xf32, #tpu.memory_space<vmem>>
      %dma_start3A_629 = tpu.memref_squeeze %dma_start3A_628 : memref<1x2000xf32, #tpu.memory_space<vmem>> -> memref<2000xf32, #tpu.memory_space<vmem>>
      %dma_start3A_630 = tpu.memref_slice %arg6[%mul3A_621] : memref<5120000xf32, #tpu.memory_space<hbm>> -> memref<2000xf32, #tpu.memory_space<hbm>>
      tpu.enqueue_dma source(%dma_start3A_630 : memref<2000xf32, #tpu.memory_space<hbm>>) target(%dma_start3A_629 : memref<2000xf32, #tpu.memory_space<vmem>>) target_semaphore(%arg19 : memref<!tpu.dma_semaphore, #tpu.memory_space<semaphore_mem>>)
      %dma_start3A_631 = arith.constant 1 : i32
      %dma_start3A_632 = arith.constant 0 : i32
      %dma_start3A_633 = arith.constant 0 : i32
      %dma_start3A_634 = tpu.memref_slice %arg11[%dma_start3A_631, %dma_start3A_632, %dma_start3A_633] : memref<2x125x16xf32, #tpu.memory_space<vmem>> -> memref<1x125x16xf32, #tpu.memory_space<vmem>>
      %dma_start3A_635 = tpu.memref_squeeze %dma_start3A_634 : memref<1x125x16xf32, #tpu.memory_space<vmem>> -> memref<125x16xf32, #tpu.memory_space<vmem>>
      %dma_start3A_636 = arith.constant 0 : i32
      %dma_start3A_637 = tpu.memref_slice %arg9[%add3A_616, %dma_start3A_636] : memref<80x125xi32, #tpu.memory_space<vmem>> -> memref<1x125xi32, #tpu.memory_space<vmem>>
      %dma_start3A_638 = tpu.memref_squeeze %dma_start3A_637 : memref<1x125xi32, #tpu.memory_space<vmem>> -> memref<125xi32, #tpu.memory_space<vmem>>
      %dma_start3A_639 = arith.constant 0 : i32
      %dma_start3A_640 = arith.constant 0 : i32
      %dma_start3A_641 = tpu.memref_slice %arg4[%dma_start3A_639, %dma_start3A_640] : memref<10000x16xf32, #tpu.memory_space<hbm>> -> memref<10000x16xf32, #tpu.memory_space<hbm>>
      tpu.enqueue_indirect_dma source(%dma_start3A_641 : memref<10000x16xf32, #tpu.memory_space<hbm>>) target(%dma_start3A_635 : memref<125x16xf32, #tpu.memory_space<vmem>>) offsets(%dma_start3A_638 : memref<125xi32, #tpu.memory_space<vmem>>) semaphore(%arg19 : memref<!tpu.dma_semaphore, #tpu.memory_space<semaphore_mem>>)
      %dma_start3A_642 = arith.constant 1 : i32
      %dma_start3A_643 = arith.constant 0 : i32
      %dma_start3A_644 = arith.constant 0 : i32
      %dma_start3A_645 = tpu.memref_slice %arg12[%dma_start3A_642, %dma_start3A_643, %dma_start3A_644] : memref<2x125x16xf32, #tpu.memory_space<vmem>> -> memref<1x125x16xf32, #tpu.memory_space<vmem>>
      %dma_start3A_646 = tpu.memref_squeeze %dma_start3A_645 : memref<1x125x16xf32, #tpu.memory_space<vmem>> -> memref<125x16xf32, #tpu.memory_space<vmem>>
      %dma_start3A_647 = arith.constant 0 : i32
      %dma_start3A_648 = tpu.memref_slice %arg10[%add3A_616, %dma_start3A_647] : memref<80x125xi32, #tpu.memory_space<vmem>> -> memref<1x125xi32, #tpu.memory_space<vmem>>
      %dma_start3A_649 = tpu.memref_squeeze %dma_start3A_648 : memref<1x125xi32, #tpu.memory_space<vmem>> -> memref<125xi32, #tpu.memory_space<vmem>>
      %dma_start3A_650 = arith.constant 0 : i32
      %dma_start3A_651 = arith.constant 0 : i32
      %dma_start3A_652 = tpu.memref_slice %arg5[%dma_start3A_650, %dma_start3A_651] : memref<10000x16xf32, #tpu.memory_space<hbm>> -> memref<10000x16xf32, #tpu.memory_space<hbm>>
      tpu.enqueue_indirect_dma source(%dma_start3A_652 : memref<10000x16xf32, #tpu.memory_space<hbm>>) target(%dma_start3A_646 : memref<125x16xf32, #tpu.memory_space<vmem>>) offsets(%dma_start3A_649 : memref<125xi32, #tpu.memory_space<vmem>>) semaphore(%arg19 : memref<!tpu.dma_semaphore, #tpu.memory_space<semaphore_mem>>)
      %mul3A_653 = arith.constant 125 : i32
      %mul3A_654 = arith.muli %add3A_557, %mul3A_653 : i32
      %add3A_655 = arith.addi %mul3A_2, %mul3A_654 : i32
      %mul3A_656 = arith.constant 16 : i32
      %mul3A_657 = arith.muli %add3A_655, %mul3A_656 : i32
      %dma_start3A_658 = arith.constant 1 : i32
      %dma_start3A_659 = arith.constant 0 : i32
      %dma_start3A_660 = tpu.memref_slice %arg15[%dma_start3A_658, %dma_start3A_659] : memref<2x2000xf32, #tpu.memory_space<vmem>> -> memref<1x2000xf32, #tpu.memory_space<vmem>>
      %dma_start3A_661 = tpu.memref_squeeze %dma_start3A_660 : memref<1x2000xf32, #tpu.memory_space<vmem>> -> memref<2000xf32, #tpu.memory_space<vmem>>
      %dma_start3A_662 = tpu.memref_slice %arg7[%mul3A_657] : memref<5120000xf32, #tpu.memory_space<hbm>> -> memref<2000xf32, #tpu.memory_space<hbm>>
      %dma_start3A_663 = tpu.memref_slice %arg7[%mul3A_657] : memref<5120000xf32, #tpu.memory_space<hbm>> -> memref<2000xf32, #tpu.memory_space<hbm>>
      %dma_start3A_664 = arith.constant 0 : i32
      %dma_start3A_665 = tpu.memref_slice %arg15[%dma_start3A_658, %dma_start3A_664] : memref<2x2000xf32, #tpu.memory_space<vmem>> -> memref<1x2000xf32, #tpu.memory_space<vmem>>
      %dma_start3A_666 = tpu.memref_squeeze %dma_start3A_665 : memref<1x2000xf32, #tpu.memory_space<vmem>> -> memref<2000xf32, #tpu.memory_space<vmem>>
      tpu.enqueue_dma source(%dma_start3A_666 : memref<2000xf32, #tpu.memory_space<vmem>>) target(%dma_start3A_663 : memref<2000xf32, #tpu.memory_space<hbm>>) target_semaphore(%arg21 : memref<!tpu.dma_semaphore, #tpu.memory_space<semaphore_mem>>)
      %run_scoped3A_667 = arith.constant 1 : i32
      "tpu.region"() ({
        %run_scoped3A_668 = tpu.sem_alloc : memref<!tpu.dma_semaphore, #tpu.memory_space<semaphore_mem>>
        %dma_start3A_669 = arith.constant 0 : i32
        %dma_start3A_670 = arith.constant 0 : i32
        %dma_start3A_671 = tpu.memref_slice %arg14[%run_scoped3A_667, %dma_start3A_669, %dma_start3A_670] : memref<2x125x16xf32, #tpu.memory_space<vmem>> -> memref<1x125x16xf32, #tpu.memory_space<vmem>>
        %dma_start3A_672 = tpu.memref_squeeze %dma_start3A_671 : memref<1x125x16xf32, #tpu.memory_space<vmem>> -> memref<125x16xf32, #tpu.memory_space<vmem>>
        %dma_start3A_673 = arith.constant 0 : i32
        %dma_start3A_674 = tpu.memref_slice %arg10[%add3A_557, %dma_start3A_673] : memref<80x125xi32, #tpu.memory_space<vmem>> -> memref<1x125xi32, #tpu.memory_space<vmem>>
        %dma_start3A_675 = tpu.memref_squeeze %dma_start3A_674 : memref<1x125xi32, #tpu.memory_space<vmem>> -> memref<125xi32, #tpu.memory_space<vmem>>
        %dma_start3A_676 = arith.constant 0 : i32
        %dma_start3A_677 = arith.constant 0 : i32
        %dma_start3A_678 = tpu.memref_slice %arg17[%dma_start3A_676, %dma_start3A_677] : memref<10240x16xf32, #tpu.memory_space<vmem_shared>> -> memref<10240x16xf32, #tpu.memory_space<vmem_shared>>
        tpu.enqueue_indirect_dma source(%dma_start3A_672 : memref<125x16xf32, #tpu.memory_space<vmem>>) target(%dma_start3A_678 : memref<10240x16xf32, #tpu.memory_space<vmem_shared>>) offsets(%dma_start3A_675 : memref<125xi32, #tpu.memory_space<vmem>>) semaphore(%run_scoped3A_668 : memref<!tpu.dma_semaphore, #tpu.memory_space<semaphore_mem>>) {add = true}
        %dma_wait3A_679 = arith.constant 0 : i32
        %dma_wait3A_680 = arith.constant 0 : i32
        %dma_wait3A_681 = tpu.memref_slice %arg14[%run_scoped3A_667, %dma_wait3A_679, %dma_wait3A_680] : memref<2x125x16xf32, #tpu.memory_space<vmem>> -> memref<1x125x16xf32, #tpu.memory_space<vmem>>
        %dma_wait3A_682 = tpu.memref_squeeze %dma_wait3A_681 : memref<1x125x16xf32, #tpu.memory_space<vmem>> -> memref<125x16xf32, #tpu.memory_space<vmem>>
        %dma_wait3A_683 = arith.constant 0 : i32
        %dma_wait3A_684 = tpu.memref_slice %arg10[%add3A_557, %dma_wait3A_683] : memref<80x125xi32, #tpu.memory_space<vmem>> -> memref<1x125xi32, #tpu.memory_space<vmem>>
        %dma_wait3A_685 = tpu.memref_squeeze %dma_wait3A_684 : memref<1x125xi32, #tpu.memory_space<vmem>> -> memref<125xi32, #tpu.memory_space<vmem>>
        %dma_wait3A_686 = arith.constant 0 : i32
        %dma_wait3A_687 = arith.constant 0 : i32
        %dma_wait3A_688 = tpu.memref_slice %arg17[%dma_wait3A_686, %dma_wait3A_687] : memref<10240x16xf32, #tpu.memory_space<vmem_shared>> -> memref<10240x16xf32, #tpu.memory_space<vmem_shared>>
        tpu.wait_indirect_dma semaphore(%run_scoped3A_668 : memref<!tpu.dma_semaphore, #tpu.memory_space<semaphore_mem>>) src(%dma_wait3A_682 : memref<125x16xf32, #tpu.memory_space<vmem>>) dst(%dma_wait3A_688 : memref<10240x16xf32, #tpu.memory_space<vmem_shared>>)
        tpu.yield
      }) : () -> ()
    }
    %scan3A_272 = arith.constant 38 : i32
    %add3A_273 = arith.constant 9750 : i32
    %add3A_274 = arith.addi %mul3A_2, %add3A_273 : i32
    %mul3A_275 = arith.constant 16 : i32
    %mul3A_276 = arith.muli %add3A_274, %mul3A_275 : i32
    %dma_wait3A_277 = arith.constant 0 : i32
    %dma_wait3A_278 = arith.constant 0 : i32
    %dma_wait3A_279 = tpu.memref_slice %arg13[%dma_wait3A_277, %dma_wait3A_278] : memref<2x2000xf32, #tpu.memory_space<vmem>> -> memref<1x2000xf32, #tpu.memory_space<vmem>>
    %dma_wait3A_280 = tpu.memref_squeeze %dma_wait3A_279 : memref<1x2000xf32, #tpu.memory_space<vmem>> -> memref<2000xf32, #tpu.memory_space<vmem>>
    %dma_wait3A_281 = tpu.memref_slice %arg6[%mul3A_276] : memref<5120000xf32, #tpu.memory_space<hbm>> -> memref<2000xf32, #tpu.memory_space<hbm>>
    %dma_wait3A_282 = arith.constant 0 : i32
    %dma_wait3A_283 = tpu.memref_slice %arg13[%dma_wait3A_277, %dma_wait3A_282] : memref<2x2000xf32, #tpu.memory_space<vmem>> -> memref<1x2000xf32, #tpu.memory_space<vmem>>
    %dma_wait3A_284 = tpu.memref_squeeze %dma_wait3A_283 : memref<1x2000xf32, #tpu.memory_space<vmem>> -> memref<2000xf32, #tpu.memory_space<vmem>>
    %dma_wait3A_285 = tpu.memref_slice %arg6[%mul3A_276] : memref<5120000xf32, #tpu.memory_space<hbm>> -> memref<2000xf32, #tpu.memory_space<hbm>>
    tpu.wait_dma2 semaphore(%arg18 : memref<!tpu.dma_semaphore, #tpu.memory_space<semaphore_mem>>) src(%dma_wait3A_285 : memref<2000xf32, #tpu.memory_space<hbm>>) dst(%dma_wait3A_284 : memref<2000xf32, #tpu.memory_space<vmem>>)
    %dma_wait3A_286 = arith.constant 78 : i32
    %dma_wait3A_287 = arith.constant 0 : i32
    %dma_wait3A_288 = arith.constant 0 : i32
    %dma_wait3A_289 = arith.constant 0 : i32
    %dma_wait3A_290 = tpu.memref_slice %arg11[%dma_wait3A_287, %dma_wait3A_288, %dma_wait3A_289] : memref<2x125x16xf32, #tpu.memory_space<vmem>> -> memref<1x125x16xf32, #tpu.memory_space<vmem>>
    %dma_wait3A_291 = tpu.memref_squeeze %dma_wait3A_290 : memref<1x125x16xf32, #tpu.memory_space<vmem>> -> memref<125x16xf32, #tpu.memory_space<vmem>>
    %dma_wait3A_292 = arith.constant 0 : i32
    %dma_wait3A_293 = tpu.memref_slice %arg9[%dma_wait3A_286, %dma_wait3A_292] : memref<80x125xi32, #tpu.memory_space<vmem>> -> memref<1x125xi32, #tpu.memory_space<vmem>>
    %dma_wait3A_294 = tpu.memref_squeeze %dma_wait3A_293 : memref<1x125xi32, #tpu.memory_space<vmem>> -> memref<125xi32, #tpu.memory_space<vmem>>
    %dma_wait3A_295 = arith.constant 0 : i32
    %dma_wait3A_296 = arith.constant 0 : i32
    %dma_wait3A_297 = tpu.memref_slice %arg4[%dma_wait3A_295, %dma_wait3A_296] : memref<10000x16xf32, #tpu.memory_space<hbm>> -> memref<10000x16xf32, #tpu.memory_space<hbm>>
    tpu.wait_indirect_dma semaphore(%arg18 : memref<!tpu.dma_semaphore, #tpu.memory_space<semaphore_mem>>) src(%dma_wait3A_297 : memref<10000x16xf32, #tpu.memory_space<hbm>>) dst(%dma_wait3A_291 : memref<125x16xf32, #tpu.memory_space<vmem>>)
    %dma_wait3A_298 = arith.constant 78 : i32
    %dma_wait3A_299 = arith.constant 0 : i32
    %dma_wait3A_300 = arith.constant 0 : i32
    %dma_wait3A_301 = arith.constant 0 : i32
    %dma_wait3A_302 = tpu.memref_slice %arg12[%dma_wait3A_299, %dma_wait3A_300, %dma_wait3A_301] : memref<2x125x16xf32, #tpu.memory_space<vmem>> -> memref<1x125x16xf32, #tpu.memory_space<vmem>>
    %dma_wait3A_303 = tpu.memref_squeeze %dma_wait3A_302 : memref<1x125x16xf32, #tpu.memory_space<vmem>> -> memref<125x16xf32, #tpu.memory_space<vmem>>
    %dma_wait3A_304 = arith.constant 0 : i32
    %dma_wait3A_305 = tpu.memref_slice %arg10[%dma_wait3A_298, %dma_wait3A_304] : memref<80x125xi32, #tpu.memory_space<vmem>> -> memref<1x125xi32, #tpu.memory_space<vmem>>
    %dma_wait3A_306 = tpu.memref_squeeze %dma_wait3A_305 : memref<1x125xi32, #tpu.memory_space<vmem>> -> memref<125xi32, #tpu.memory_space<vmem>>
    %dma_wait3A_307 = arith.constant 0 : i32
    %dma_wait3A_308 = arith.constant 0 : i32
    %dma_wait3A_309 = tpu.memref_slice %arg5[%dma_wait3A_307, %dma_wait3A_308] : memref<10000x16xf32, #tpu.memory_space<hbm>> -> memref<10000x16xf32, #tpu.memory_space<hbm>>
    tpu.wait_indirect_dma semaphore(%arg18 : memref<!tpu.dma_semaphore, #tpu.memory_space<semaphore_mem>>) src(%dma_wait3A_309 : memref<10000x16xf32, #tpu.memory_space<hbm>>) dst(%dma_wait3A_303 : memref<125x16xf32, #tpu.memory_space<vmem>>)
    %add3A_310 = arith.constant 9500 : i32
    %add3A_311 = arith.addi %mul3A_2, %add3A_310 : i32
    %mul3A_312 = arith.constant 16 : i32
    %mul3A_313 = arith.muli %add3A_311, %mul3A_312 : i32
    %dma_wait3A_314 = arith.constant 0 : i32
    %dma_wait3A_315 = arith.constant 0 : i32
    %dma_wait3A_316 = tpu.memref_slice %arg15[%dma_wait3A_314, %dma_wait3A_315] : memref<2x2000xf32, #tpu.memory_space<vmem>> -> memref<1x2000xf32, #tpu.memory_space<vmem>>
    %dma_wait3A_317 = tpu.memref_squeeze %dma_wait3A_316 : memref<1x2000xf32, #tpu.memory_space<vmem>> -> memref<2000xf32, #tpu.memory_space<vmem>>
    %dma_wait3A_318 = tpu.memref_slice %arg7[%mul3A_313] : memref<5120000xf32, #tpu.memory_space<hbm>> -> memref<2000xf32, #tpu.memory_space<hbm>>
    %dma_wait3A_319 = tpu.memref_slice %arg7[%mul3A_313] : memref<5120000xf32, #tpu.memory_space<hbm>> -> memref<2000xf32, #tpu.memory_space<hbm>>
    %dma_wait3A_320 = arith.constant 0 : i32
    %dma_wait3A_321 = tpu.memref_slice %arg15[%dma_wait3A_314, %dma_wait3A_320] : memref<2x2000xf32, #tpu.memory_space<vmem>> -> memref<1x2000xf32, #tpu.memory_space<vmem>>
    %dma_wait3A_322 = tpu.memref_squeeze %dma_wait3A_321 : memref<1x2000xf32, #tpu.memory_space<vmem>> -> memref<2000xf32, #tpu.memory_space<vmem>>
    tpu.wait_dma2 semaphore(%arg20 : memref<!tpu.dma_semaphore, #tpu.memory_space<semaphore_mem>>) src(%dma_wait3A_322 : memref<2000xf32, #tpu.memory_space<vmem>>) dst(%dma_wait3A_319 : memref<2000xf32, #tpu.memory_space<hbm>>)
    %scan3A_323 = arith.constant 0 : i32
    %scan3A_324 = arith.constant 125 : i32
    %scan3A_325 = arith.addi %scan3A_323, %scan3A_324 : i32
    %scan3A_326 = arith.constant 1 : i32
    scf.for %scan3A_440 = %scan3A_323 to %scan3A_325 step %scan3A_326  : i32 {
      %get3A = arith.constant 0 : i32
      %get3A_441 = arith.index_cast %get3A : i32 to index
      %get3A_442 = arith.index_cast %scan3A_440 : i32 to index
      %get3A_443 = arith.constant 0 : index
      %get3A_444 = tpu.vector_load %arg11[%get3A_441, %get3A_442, %get3A_443] {strides = array<i32>} : memref<2x125x16xf32, #tpu.memory_space<vmem>>, vector<1x1x16xf32>,
      %get3A_445 = vector.shape_cast %get3A_444 : vector<1x1x16xf32> to vector<16xf32>
      %get3A_446 = arith.constant 0 : i32
      %get3A_447 = arith.index_cast %get3A_446 : i32 to index
      %get3A_448 = arith.index_cast %scan3A_440 : i32 to index
      %get3A_449 = arith.constant 0 : index
      %get3A_450 = tpu.vector_load %arg12[%get3A_447, %get3A_448, %get3A_449] {strides = array<i32>} : memref<2x125x16xf32, #tpu.memory_space<vmem>>, vector<1x1x16xf32>,
      %get3A_451 = vector.shape_cast %get3A_450 : vector<1x1x16xf32> to vector<16xf32>
      %add3A_452 = arith.addf %get3A_445, %get3A_451 : vector<16xf32>
      %mul3A_453 = arith.constant 16 : i32
      %mul3A_454 = arith.muli %scan3A_440, %mul3A_453 : i32
      %get3A_455 = arith.constant 0 : i32
      %get3A_456 = arith.index_cast %get3A_455 : i32 to index
      %get3A_457 = arith.index_cast %mul3A_454 : i32 to index
      %get3A_458 = tpu.vector_load %arg13[%get3A_456, %get3A_457] {strides = array<i32>} : memref<2x2000xf32, #tpu.memory_space<vmem>>, vector<1x16xf32>,
      %get3A_459 = vector.shape_cast %get3A_458 : vector<1x16xf32> to vector<16xf32>
      %add3A_460 = arith.addf %add3A_452, %get3A_459 : vector<16xf32>
      %max3A = arith.constant 0.000000e+00 : f32
      %max3A_461 = vector.broadcast %max3A : f32 to vector<16xf32>
      %max3A_462 = arith.maximumf %add3A_460, %max3A_461 : vector<16xf32>
      %swap3A = arith.constant 0 : i32
      %swap3A_463 = arith.index_cast %swap3A : i32 to index
      %swap3A_464 = arith.index_cast %scan3A_440 : i32 to index
      %swap3A_465 = arith.constant 0 : index
      %swap3A_466 = tpu.vector_load %arg14[%swap3A_463, %swap3A_464, %swap3A_465] {strides = array<i32>} : memref<2x125x16xf32, #tpu.memory_space<vmem>>, vector<1x1x16xf32>,
      %swap3A_467 = vector.shape_cast %swap3A_466 : vector<1x1x16xf32> to vector<16xf32>
      %swap3A_468 = vector.shape_cast %max3A_462 : vector<16xf32> to vector<1x1x16xf32>
      tpu.vector_store %arg14[%swap3A_463, %swap3A_464, %swap3A_465], %swap3A_468 {strides = array<i32>} : memref<2x125x16xf32, #tpu.memory_space<vmem>>, vector<1x1x16xf32>,
      %mul3A_469 = arith.constant 16 : i32
      %mul3A_470 = arith.muli %scan3A_440, %mul3A_469 : i32
      %swap3A_471 = arith.constant 0 : i32
      %swap3A_472 = arith.index_cast %swap3A_471 : i32 to index
      %swap3A_473 = arith.index_cast %mul3A_470 : i32 to index
      %swap3A_474 = tpu.vector_load %arg15[%swap3A_472, %swap3A_473] {strides = array<i32>} : memref<2x2000xf32, #tpu.memory_space<vmem>>, vector<1x16xf32>,
      %swap3A_475 = vector.shape_cast %swap3A_474 : vector<1x16xf32> to vector<16xf32>
      %swap3A_476 = vector.shape_cast %max3A_462 : vector<16xf32> to vector<1x16xf32>
      tpu.vector_store %arg15[%swap3A_472, %swap3A_473], %swap3A_476 {strides = array<i32>} : memref<2x2000xf32, #tpu.memory_space<vmem>>, vector<1x16xf32>,
    }
    %scan3A_327 = arith.constant 125 : i32
    %add3A_328 = arith.constant 9750 : i32
    %add3A_329 = arith.addi %mul3A_2, %add3A_328 : i32
    %mul3A_330 = arith.constant 16 : i32
    %mul3A_331 = arith.muli %add3A_329, %mul3A_330 : i32
    %dma_start3A_332 = arith.constant 0 : i32
    %dma_start3A_333 = arith.constant 0 : i32
    %dma_start3A_334 = tpu.memref_slice %arg15[%dma_start3A_332, %dma_start3A_333] : memref<2x2000xf32, #tpu.memory_space<vmem>> -> memref<1x2000xf32, #tpu.memory_space<vmem>>
    %dma_start3A_335 = tpu.memref_squeeze %dma_start3A_334 : memref<1x2000xf32, #tpu.memory_space<vmem>> -> memref<2000xf32, #tpu.memory_space<vmem>>
    %dma_start3A_336 = tpu.memref_slice %arg7[%mul3A_331] : memref<5120000xf32, #tpu.memory_space<hbm>> -> memref<2000xf32, #tpu.memory_space<hbm>>
    %dma_start3A_337 = tpu.memref_slice %arg7[%mul3A_331] : memref<5120000xf32, #tpu.memory_space<hbm>> -> memref<2000xf32, #tpu.memory_space<hbm>>
    %dma_start3A_338 = arith.constant 0 : i32
    %dma_start3A_339 = tpu.memref_slice %arg15[%dma_start3A_332, %dma_start3A_338] : memref<2x2000xf32, #tpu.memory_space<vmem>> -> memref<1x2000xf32, #tpu.memory_space<vmem>>
    %dma_start3A_340 = tpu.memref_squeeze %dma_start3A_339 : memref<1x2000xf32, #tpu.memory_space<vmem>> -> memref<2000xf32, #tpu.memory_space<vmem>>
    tpu.enqueue_dma source(%dma_start3A_340 : memref<2000xf32, #tpu.memory_space<vmem>>) target(%dma_start3A_337 : memref<2000xf32, #tpu.memory_space<hbm>>) target_semaphore(%arg20 : memref<!tpu.dma_semaphore, #tpu.memory_space<semaphore_mem>>)
    %run_scoped3A_341 = arith.constant 0 : i32
    %run_scoped3A_342 = arith.constant 78 : i32
    "tpu.region"() ({
      %run_scoped3A_440 = tpu.sem_alloc : memref<!tpu.dma_semaphore, #tpu.memory_space<semaphore_mem>>
      %dma_start3A_441 = arith.constant 0 : i32
      %dma_start3A_442 = arith.constant 0 : i32
      %dma_start3A_443 = tpu.memref_slice %arg14[%run_scoped3A_341, %dma_start3A_441, %dma_start3A_442] : memref<2x125x16xf32, #tpu.memory_space<vmem>> -> memref<1x125x16xf32, #tpu.memory_space<vmem>>
      %dma_start3A_444 = tpu.memref_squeeze %dma_start3A_443 : memref<1x125x16xf32, #tpu.memory_space<vmem>> -> memref<125x16xf32, #tpu.memory_space<vmem>>
      %dma_start3A_445 = arith.constant 0 : i32
      %dma_start3A_446 = tpu.memref_slice %arg10[%run_scoped3A_342, %dma_start3A_445] : memref<80x125xi32, #tpu.memory_space<vmem>> -> memref<1x125xi32, #tpu.memory_space<vmem>>
      %dma_start3A_447 = tpu.memref_squeeze %dma_start3A_446 : memref<1x125xi32, #tpu.memory_space<vmem>> -> memref<125xi32, #tpu.memory_space<vmem>>
      %dma_start3A_448 = arith.constant 0 : i32
      %dma_start3A_449 = arith.constant 0 : i32
      %dma_start3A_450 = tpu.memref_slice %arg17[%dma_start3A_448, %dma_start3A_449] : memref<10240x16xf32, #tpu.memory_space<vmem_shared>> -> memref<10240x16xf32, #tpu.memory_space<vmem_shared>>
      tpu.enqueue_indirect_dma source(%dma_start3A_444 : memref<125x16xf32, #tpu.memory_space<vmem>>) target(%dma_start3A_450 : memref<10240x16xf32, #tpu.memory_space<vmem_shared>>) offsets(%dma_start3A_447 : memref<125xi32, #tpu.memory_space<vmem>>) semaphore(%run_scoped3A_440 : memref<!tpu.dma_semaphore, #tpu.memory_space<semaphore_mem>>) {add = true}
      %dma_wait3A_451 = arith.constant 0 : i32
      %dma_wait3A_452 = arith.constant 0 : i32
      %dma_wait3A_453 = tpu.memref_slice %arg14[%run_scoped3A_341, %dma_wait3A_451, %dma_wait3A_452] : memref<2x125x16xf32, #tpu.memory_space<vmem>> -> memref<1x125x16xf32, #tpu.memory_space<vmem>>
      %dma_wait3A_454 = tpu.memref_squeeze %dma_wait3A_453 : memref<1x125x16xf32, #tpu.memory_space<vmem>> -> memref<125x16xf32, #tpu.memory_space<vmem>>
      %dma_wait3A_455 = arith.constant 0 : i32
      %dma_wait3A_456 = tpu.memref_slice %arg10[%run_scoped3A_342, %dma_wait3A_455] : memref<80x125xi32, #tpu.memory_space<vmem>> -> memref<1x125xi32, #tpu.memory_space<vmem>>
      %dma_wait3A_457 = tpu.memref_squeeze %dma_wait3A_456 : memref<1x125xi32, #tpu.memory_space<vmem>> -> memref<125xi32, #tpu.memory_space<vmem>>
      %dma_wait3A_458 = arith.constant 0 : i32
      %dma_wait3A_459 = arith.constant 0 : i32
      %dma_wait3A_460 = tpu.memref_slice %arg17[%dma_wait3A_458, %dma_wait3A_459] : memref<10240x16xf32, #tpu.memory_space<vmem_shared>> -> memref<10240x16xf32, #tpu.memory_space<vmem_shared>>
      tpu.wait_indirect_dma semaphore(%run_scoped3A_440 : memref<!tpu.dma_semaphore, #tpu.memory_space<semaphore_mem>>) src(%dma_wait3A_454 : memref<125x16xf32, #tpu.memory_space<vmem>>) dst(%dma_wait3A_460 : memref<10240x16xf32, #tpu.memory_space<vmem_shared>>)
      tpu.yield
    }) : () -> ()
    %add3A_343 = arith.constant 9875 : i32
    %add3A_344 = arith.addi %mul3A_2, %add3A_343 : i32
    %mul3A_345 = arith.constant 16 : i32
    %mul3A_346 = arith.muli %add3A_344, %mul3A_345 : i32
    %dma_wait3A_347 = arith.constant 1 : i32
    %dma_wait3A_348 = arith.constant 0 : i32
    %dma_wait3A_349 = tpu.memref_slice %arg13[%dma_wait3A_347, %dma_wait3A_348] : memref<2x2000xf32, #tpu.memory_space<vmem>> -> memref<1x2000xf32, #tpu.memory_space<vmem>>
    %dma_wait3A_350 = tpu.memref_squeeze %dma_wait3A_349 : memref<1x2000xf32, #tpu.memory_space<vmem>> -> memref<2000xf32, #tpu.memory_space<vmem>>
    %dma_wait3A_351 = tpu.memref_slice %arg6[%mul3A_346] : memref<5120000xf32, #tpu.memory_space<hbm>> -> memref<2000xf32, #tpu.memory_space<hbm>>
    %dma_wait3A_352 = arith.constant 0 : i32
    %dma_wait3A_353 = tpu.memref_slice %arg13[%dma_wait3A_347, %dma_wait3A_352] : memref<2x2000xf32, #tpu.memory_space<vmem>> -> memref<1x2000xf32, #tpu.memory_space<vmem>>
    %dma_wait3A_354 = tpu.memref_squeeze %dma_wait3A_353 : memref<1x2000xf32, #tpu.memory_space<vmem>> -> memref<2000xf32, #tpu.memory_space<vmem>>
    %dma_wait3A_355 = tpu.memref_slice %arg6[%mul3A_346] : memref<5120000xf32, #tpu.memory_space<hbm>> -> memref<2000xf32, #tpu.memory_space<hbm>>
    tpu.wait_dma2 semaphore(%arg19 : memref<!tpu.dma_semaphore, #tpu.memory_space<semaphore_mem>>) src(%dma_wait3A_355 : memref<2000xf32, #tpu.memory_space<hbm>>) dst(%dma_wait3A_354 : memref<2000xf32, #tpu.memory_space<vmem>>)
    %dma_wait3A_356 = arith.constant 79 : i32
    %dma_wait3A_357 = arith.constant 1 : i32
    %dma_wait3A_358 = arith.constant 0 : i32
    %dma_wait3A_359 = arith.constant 0 : i32
    %dma_wait3A_360 = tpu.memref_slice %arg11[%dma_wait3A_357, %dma_wait3A_358, %dma_wait3A_359] : memref<2x125x16xf32, #tpu.memory_space<vmem>> -> memref<1x125x16xf32, #tpu.memory_space<vmem>>
    %dma_wait3A_361 = tpu.memref_squeeze %dma_wait3A_360 : memref<1x125x16xf32, #tpu.memory_space<vmem>> -> memref<125x16xf32, #tpu.memory_space<vmem>>
    %dma_wait3A_362 = arith.constant 0 : i32
    %dma_wait3A_363 = tpu.memref_slice %arg9[%dma_wait3A_356, %dma_wait3A_362] : memref<80x125xi32, #tpu.memory_space<vmem>> -> memref<1x125xi32, #tpu.memory_space<vmem>>
    %dma_wait3A_364 = tpu.memref_squeeze %dma_wait3A_363 : memref<1x125xi32, #tpu.memory_space<vmem>> -> memref<125xi32, #tpu.memory_space<vmem>>
    %dma_wait3A_365 = arith.constant 0 : i32
    %dma_wait3A_366 = arith.constant 0 : i32
    %dma_wait3A_367 = tpu.memref_slice %arg4[%dma_wait3A_365, %dma_wait3A_366] : memref<10000x16xf32, #tpu.memory_space<hbm>> -> memref<10000x16xf32, #tpu.memory_space<hbm>>
    tpu.wait_indirect_dma semaphore(%arg19 : memref<!tpu.dma_semaphore, #tpu.memory_space<semaphore_mem>>) src(%dma_wait3A_367 : memref<10000x16xf32, #tpu.memory_space<hbm>>) dst(%dma_wait3A_361 : memref<125x16xf32, #tpu.memory_space<vmem>>)
    %dma_wait3A_368 = arith.constant 79 : i32
    %dma_wait3A_369 = arith.constant 1 : i32
    %dma_wait3A_370 = arith.constant 0 : i32
    %dma_wait3A_371 = arith.constant 0 : i32
    %dma_wait3A_372 = tpu.memref_slice %arg12[%dma_wait3A_369, %dma_wait3A_370, %dma_wait3A_371] : memref<2x125x16xf32, #tpu.memory_space<vmem>> -> memref<1x125x16xf32, #tpu.memory_space<vmem>>
    %dma_wait3A_373 = tpu.memref_squeeze %dma_wait3A_372 : memref<1x125x16xf32, #tpu.memory_space<vmem>> -> memref<125x16xf32, #tpu.memory_space<vmem>>
    %dma_wait3A_374 = arith.constant 0 : i32
    %dma_wait3A_375 = tpu.memref_slice %arg10[%dma_wait3A_368, %dma_wait3A_374] : memref<80x125xi32, #tpu.memory_space<vmem>> -> memref<1x125xi32, #tpu.memory_space<vmem>>
    %dma_wait3A_376 = tpu.memref_squeeze %dma_wait3A_375 : memref<1x125xi32, #tpu.memory_space<vmem>> -> memref<125xi32, #tpu.memory_space<vmem>>
    %dma_wait3A_377 = arith.constant 0 : i32
    %dma_wait3A_378 = arith.constant 0 : i32
    %dma_wait3A_379 = tpu.memref_slice %arg5[%dma_wait3A_377, %dma_wait3A_378] : memref<10000x16xf32, #tpu.memory_space<hbm>> -> memref<10000x16xf32, #tpu.memory_space<hbm>>
    tpu.wait_indirect_dma semaphore(%arg19 : memref<!tpu.dma_semaphore, #tpu.memory_space<semaphore_mem>>) src(%dma_wait3A_379 : memref<10000x16xf32, #tpu.memory_space<hbm>>) dst(%dma_wait3A_373 : memref<125x16xf32, #tpu.memory_space<vmem>>)
    %add3A_380 = arith.constant 9625 : i32
    %add3A_381 = arith.addi %mul3A_2, %add3A_380 : i32
    %mul3A_382 = arith.constant 16 : i32
    %mul3A_383 = arith.muli %add3A_381, %mul3A_382 : i32
    %dma_wait3A_384 = arith.constant 1 : i32
    %dma_wait3A_385 = arith.constant 0 : i32
    %dma_wait3A_386 = tpu.memref_slice %arg15[%dma_wait3A_384, %dma_wait3A_385] : memref<2x2000xf32, #tpu.memory_space<vmem>> -> memref<1x2000xf32, #tpu.memory_space<vmem>>
    %dma_wait3A_387 = tpu.memref_squeeze %dma_wait3A_386 : memref<1x2000xf32, #tpu.memory_space<vmem>> -> memref<2000xf32, #tpu.memory_space<vmem>>
    %dma_wait3A_388 = tpu.memref_slice %arg7[%mul3A_383] : memref<5120000xf32, #tpu.memory_space<hbm>> -> memref<2000xf32, #tpu.memory_space<hbm>>
    %dma_wait3A_389 = tpu.memref_slice %arg7[%mul3A_383] : memref<5120000xf32, #tpu.memory_space<hbm>> -> memref<2000xf32, #tpu.memory_space<hbm>>
    %dma_wait3A_390 = arith.constant 0 : i32
    %dma_wait3A_391 = tpu.memref_slice %arg15[%dma_wait3A_384, %dma_wait3A_390] : memref<2x2000xf32, #tpu.memory_space<vmem>> -> memref<1x2000xf32, #tpu.memory_space<vmem>>
    %dma_wait3A_392 = tpu.memref_squeeze %dma_wait3A_391 : memref<1x2000xf32, #tpu.memory_space<vmem>> -> memref<2000xf32, #tpu.memory_space<vmem>>
    tpu.wait_dma2 semaphore(%arg21 : memref<!tpu.dma_semaphore, #tpu.memory_space<semaphore_mem>>) src(%dma_wait3A_392 : memref<2000xf32, #tpu.memory_space<vmem>>) dst(%dma_wait3A_389 : memref<2000xf32, #tpu.memory_space<hbm>>)
    %scan3A_393 = arith.constant 0 : i32
    %scan3A_394 = arith.constant 125 : i32
    %scan3A_395 = arith.addi %scan3A_393, %scan3A_394 : i32
    %scan3A_396 = arith.constant 1 : i32
    scf.for %scan3A_440 = %scan3A_393 to %scan3A_395 step %scan3A_396  : i32 {
      %get3A = arith.constant 1 : i32
      %get3A_441 = arith.index_cast %get3A : i32 to index
      %get3A_442 = arith.index_cast %scan3A_440 : i32 to index
      %get3A_443 = arith.constant 0 : index
      %get3A_444 = tpu.vector_load %arg11[%get3A_441, %get3A_442, %get3A_443] {strides = array<i32>} : memref<2x125x16xf32, #tpu.memory_space<vmem>>, vector<1x1x16xf32>,
      %get3A_445 = vector.shape_cast %get3A_444 : vector<1x1x16xf32> to vector<16xf32>
      %get3A_446 = arith.constant 1 : i32
      %get3A_447 = arith.index_cast %get3A_446 : i32 to index
      %get3A_448 = arith.index_cast %scan3A_440 : i32 to index
      %get3A_449 = arith.constant 0 : index
      %get3A_450 = tpu.vector_load %arg12[%get3A_447, %get3A_448, %get3A_449] {strides = array<i32>} : memref<2x125x16xf32, #tpu.memory_space<vmem>>, vector<1x1x16xf32>,
      %get3A_451 = vector.shape_cast %get3A_450 : vector<1x1x16xf32> to vector<16xf32>
      %add3A_452 = arith.addf %get3A_445, %get3A_451 : vector<16xf32>
      %mul3A_453 = arith.constant 16 : i32
      %mul3A_454 = arith.muli %scan3A_440, %mul3A_453 : i32
      %get3A_455 = arith.constant 1 : i32
      %get3A_456 = arith.index_cast %get3A_455 : i32 to index
      %get3A_457 = arith.index_cast %mul3A_454 : i32 to index
      %get3A_458 = tpu.vector_load %arg13[%get3A_456, %get3A_457] {strides = array<i32>} : memref<2x2000xf32, #tpu.memory_space<vmem>>, vector<1x16xf32>,
      %get3A_459 = vector.shape_cast %get3A_458 : vector<1x16xf32> to vector<16xf32>
      %add3A_460 = arith.addf %add3A_452, %get3A_459 : vector<16xf32>
      %max3A = arith.constant 0.000000e+00 : f32
      %max3A_461 = vector.broadcast %max3A : f32 to vector<16xf32>
      %max3A_462 = arith.maximumf %add3A_460, %max3A_461 : vector<16xf32>
      %swap3A = arith.constant 1 : i32
      %swap3A_463 = arith.index_cast %swap3A : i32 to index
      %swap3A_464 = arith.index_cast %scan3A_440 : i32 to index
      %swap3A_465 = arith.constant 0 : index
      %swap3A_466 = tpu.vector_load %arg14[%swap3A_463, %swap3A_464, %swap3A_465] {strides = array<i32>} : memref<2x125x16xf32, #tpu.memory_space<vmem>>, vector<1x1x16xf32>,
      %swap3A_467 = vector.shape_cast %swap3A_466 : vector<1x1x16xf32> to vector<16xf32>
      %swap3A_468 = vector.shape_cast %max3A_462 : vector<16xf32> to vector<1x1x16xf32>
      tpu.vector_store %arg14[%swap3A_463, %swap3A_464, %swap3A_465], %swap3A_468 {strides = array<i32>} : memref<2x125x16xf32, #tpu.memory_space<vmem>>, vector<1x1x16xf32>,
      %mul3A_469 = arith.constant 16 : i32
      %mul3A_470 = arith.muli %scan3A_440, %mul3A_469 : i32
      %swap3A_471 = arith.constant 1 : i32
      %swap3A_472 = arith.index_cast %swap3A_471 : i32 to index
      %swap3A_473 = arith.index_cast %mul3A_470 : i32 to index
      %swap3A_474 = tpu.vector_load %arg15[%swap3A_472, %swap3A_473] {strides = array<i32>} : memref<2x2000xf32, #tpu.memory_space<vmem>>, vector<1x16xf32>,
      %swap3A_475 = vector.shape_cast %swap3A_474 : vector<1x16xf32> to vector<16xf32>
      %swap3A_476 = vector.shape_cast %max3A_462 : vector<16xf32> to vector<1x16xf32>
      tpu.vector_store %arg15[%swap3A_472, %swap3A_473], %swap3A_476 {strides = array<i32>} : memref<2x2000xf32, #tpu.memory_space<vmem>>, vector<1x16xf32>,
    }
    %scan3A_397 = arith.constant 125 : i32
    %add3A_398 = arith.constant 9875 : i32
    %add3A_399 = arith.addi %mul3A_2, %add3A_398 : i32
    %mul3A_400 = arith.constant 16 : i32
    %mul3A_401 = arith.muli %add3A_399, %mul3A_400 : i32
    %dma_start3A_402 = arith.constant 1 : i32
    %dma_start3A_403 = arith.constant 0 : i32
    %dma_start3A_404 = tpu.memref_slice %arg15[%dma_start3A_402, %dma_start3A_403] : memref<2x2000xf32, #tpu.memory_space<vmem>> -> memref<1x2000xf32, #tpu.memory_space<vmem>>
    %dma_start3A_405 = tpu.memref_squeeze %dma_start3A_404 : memref<1x2000xf32, #tpu.memory_space<vmem>> -> memref<2000xf32, #tpu.memory_space<vmem>>
    %dma_start3A_406 = tpu.memref_slice %arg7[%mul3A_401] : memref<5120000xf32, #tpu.memory_space<hbm>> -> memref<2000xf32, #tpu.memory_space<hbm>>
    %dma_start3A_407 = tpu.memref_slice %arg7[%mul3A_401] : memref<5120000xf32, #tpu.memory_space<hbm>> -> memref<2000xf32, #tpu.memory_space<hbm>>
    %dma_start3A_408 = arith.constant 0 : i32
    %dma_start3A_409 = tpu.memref_slice %arg15[%dma_start3A_402, %dma_start3A_408] : memref<2x2000xf32, #tpu.memory_space<vmem>> -> memref<1x2000xf32, #tpu.memory_space<vmem>>
    %dma_start3A_410 = tpu.memref_squeeze %dma_start3A_409 : memref<1x2000xf32, #tpu.memory_space<vmem>> -> memref<2000xf32, #tpu.memory_space<vmem>>
    tpu.enqueue_dma source(%dma_start3A_410 : memref<2000xf32, #tpu.memory_space<vmem>>) target(%dma_start3A_407 : memref<2000xf32, #tpu.memory_space<hbm>>) target_semaphore(%arg21 : memref<!tpu.dma_semaphore, #tpu.memory_space<semaphore_mem>>)
    %run_scoped3A_411 = arith.constant 1 : i32
    %run_scoped3A_412 = arith.constant 79 : i32
    "tpu.region"() ({
      %run_scoped3A_440 = tpu.sem_alloc : memref<!tpu.dma_semaphore, #tpu.memory_space<semaphore_mem>>
      %dma_start3A_441 = arith.constant 0 : i32
      %dma_start3A_442 = arith.constant 0 : i32
      %dma_start3A_443 = tpu.memref_slice %arg14[%run_scoped3A_411, %dma_start3A_441, %dma_start3A_442] : memref<2x125x16xf32, #tpu.memory_space<vmem>> -> memref<1x125x16xf32, #tpu.memory_space<vmem>>
      %dma_start3A_444 = tpu.memref_squeeze %dma_start3A_443 : memref<1x125x16xf32, #tpu.memory_space<vmem>> -> memref<125x16xf32, #tpu.memory_space<vmem>>
      %dma_start3A_445 = arith.constant 0 : i32
      %dma_start3A_446 = tpu.memref_slice %arg10[%run_scoped3A_412, %dma_start3A_445] : memref<80x125xi32, #tpu.memory_space<vmem>> -> memref<1x125xi32, #tpu.memory_space<vmem>>
      %dma_start3A_447 = tpu.memref_squeeze %dma_start3A_446 : memref<1x125xi32, #tpu.memory_space<vmem>> -> memref<125xi32, #tpu.memory_space<vmem>>
      %dma_start3A_448 = arith.constant 0 : i32
      %dma_start3A_449 = arith.constant 0 : i32
      %dma_start3A_450 = tpu.memref_slice %arg17[%dma_start3A_448, %dma_start3A_449] : memref<10240x16xf32, #tpu.memory_space<vmem_shared>> -> memref<10240x16xf32, #tpu.memory_space<vmem_shared>>
      tpu.enqueue_indirect_dma source(%dma_start3A_444 : memref<125x16xf32, #tpu.memory_space<vmem>>) target(%dma_start3A_450 : memref<10240x16xf32, #tpu.memory_space<vmem_shared>>) offsets(%dma_start3A_447 : memref<125xi32, #tpu.memory_space<vmem>>) semaphore(%run_scoped3A_440 : memref<!tpu.dma_semaphore, #tpu.memory_space<semaphore_mem>>) {add = true}
      %dma_wait3A_451 = arith.constant 0 : i32
      %dma_wait3A_452 = arith.constant 0 : i32
      %dma_wait3A_453 = tpu.memref_slice %arg14[%run_scoped3A_411, %dma_wait3A_451, %dma_wait3A_452] : memref<2x125x16xf32, #tpu.memory_space<vmem>> -> memref<1x125x16xf32, #tpu.memory_space<vmem>>
      %dma_wait3A_454 = tpu.memref_squeeze %dma_wait3A_453 : memref<1x125x16xf32, #tpu.memory_space<vmem>> -> memref<125x16xf32, #tpu.memory_space<vmem>>
      %dma_wait3A_455 = arith.constant 0 : i32
      %dma_wait3A_456 = tpu.memref_slice %arg10[%run_scoped3A_412, %dma_wait3A_455] : memref<80x125xi32, #tpu.memory_space<vmem>> -> memref<1x125xi32, #tpu.memory_space<vmem>>
      %dma_wait3A_457 = tpu.memref_squeeze %dma_wait3A_456 : memref<1x125xi32, #tpu.memory_space<vmem>> -> memref<125xi32, #tpu.memory_space<vmem>>
      %dma_wait3A_458 = arith.constant 0 : i32
      %dma_wait3A_459 = arith.constant 0 : i32
      %dma_wait3A_460 = tpu.memref_slice %arg17[%dma_wait3A_458, %dma_wait3A_459] : memref<10240x16xf32, #tpu.memory_space<vmem_shared>> -> memref<10240x16xf32, #tpu.memory_space<vmem_shared>>
      tpu.wait_indirect_dma semaphore(%run_scoped3A_440 : memref<!tpu.dma_semaphore, #tpu.memory_space<semaphore_mem>>) src(%dma_wait3A_454 : memref<125x16xf32, #tpu.memory_space<vmem>>) dst(%dma_wait3A_460 : memref<10240x16xf32, #tpu.memory_space<vmem_shared>>)
      tpu.yield
    }) : () -> ()
    %add3A_413 = arith.constant 9750 : i32
    %add3A_414 = arith.addi %mul3A_2, %add3A_413 : i32
    %mul3A_415 = arith.constant 16 : i32
    %mul3A_416 = arith.muli %add3A_414, %mul3A_415 : i32
    %dma_wait3A_417 = arith.constant 0 : i32
    %dma_wait3A_418 = arith.constant 0 : i32
    %dma_wait3A_419 = tpu.memref_slice %arg15[%dma_wait3A_417, %dma_wait3A_418] : memref<2x2000xf32, #tpu.memory_space<vmem>> -> memref<1x2000xf32, #tpu.memory_space<vmem>>
    %dma_wait3A_420 = tpu.memref_squeeze %dma_wait3A_419 : memref<1x2000xf32, #tpu.memory_space<vmem>> -> memref<2000xf32, #tpu.memory_space<vmem>>
    %dma_wait3A_421 = tpu.memref_slice %arg7[%mul3A_416] : memref<5120000xf32, #tpu.memory_space<hbm>> -> memref<2000xf32, #tpu.memory_space<hbm>>
    %dma_wait3A_422 = tpu.memref_slice %arg7[%mul3A_416] : memref<5120000xf32, #tpu.memory_space<hbm>> -> memref<2000xf32, #tpu.memory_space<hbm>>
    %dma_wait3A_423 = arith.constant 0 : i32
    %dma_wait3A_424 = tpu.memref_slice %arg15[%dma_wait3A_417, %dma_wait3A_423] : memref<2x2000xf32, #tpu.memory_space<vmem>> -> memref<1x2000xf32, #tpu.memory_space<vmem>>
    %dma_wait3A_425 = tpu.memref_squeeze %dma_wait3A_424 : memref<1x2000xf32, #tpu.memory_space<vmem>> -> memref<2000xf32, #tpu.memory_space<vmem>>
    tpu.wait_dma2 semaphore(%arg20 : memref<!tpu.dma_semaphore, #tpu.memory_space<semaphore_mem>>) src(%dma_wait3A_425 : memref<2000xf32, #tpu.memory_space<vmem>>) dst(%dma_wait3A_422 : memref<2000xf32, #tpu.memory_space<hbm>>)
    %add3A_426 = arith.constant 9875 : i32
    %add3A_427 = arith.addi %mul3A_2, %add3A_426 : i32
    %mul3A_428 = arith.constant 16 : i32
    %mul3A_429 = arith.muli %add3A_427, %mul3A_428 : i32
    %dma_wait3A_430 = arith.constant 1 : i32
    %dma_wait3A_431 = arith.constant 0 : i32
    %dma_wait3A_432 = tpu.memref_slice %arg15[%dma_wait3A_430, %dma_wait3A_431] : memref<2x2000xf32, #tpu.memory_space<vmem>> -> memref<1x2000xf32, #tpu.memory_space<vmem>>
    %dma_wait3A_433 = tpu.memref_squeeze %dma_wait3A_432 : memref<1x2000xf32, #tpu.memory_space<vmem>> -> memref<2000xf32, #tpu.memory_space<vmem>>
    %dma_wait3A_434 = tpu.memref_slice %arg7[%mul3A_429] : memref<5120000xf32, #tpu.memory_space<hbm>> -> memref<2000xf32, #tpu.memory_space<hbm>>
    %dma_wait3A_435 = tpu.memref_slice %arg7[%mul3A_429] : memref<5120000xf32, #tpu.memory_space<hbm>> -> memref<2000xf32, #tpu.memory_space<hbm>>
    %dma_wait3A_436 = arith.constant 0 : i32
    %dma_wait3A_437 = tpu.memref_slice %arg15[%dma_wait3A_430, %dma_wait3A_436] : memref<2x2000xf32, #tpu.memory_space<vmem>> -> memref<1x2000xf32, #tpu.memory_space<vmem>>
    %dma_wait3A_438 = tpu.memref_squeeze %dma_wait3A_437 : memref<1x2000xf32, #tpu.memory_space<vmem>> -> memref<2000xf32, #tpu.memory_space<vmem>>
    tpu.wait_dma2 semaphore(%arg21 : memref<!tpu.dma_semaphore, #tpu.memory_space<semaphore_mem>>) src(%dma_wait3A_438 : memref<2000xf32, #tpu.memory_space<vmem>>) dst(%dma_wait3A_435 : memref<2000xf32, #tpu.memory_space<hbm>>)
    %barrier3A_439 = arith.constant 0 : index
    tpu.barrier barrier_id(%barrier3A_439)
    "tpu.region"() ({
      %run_scoped3A_440 = tpu.sem_alloc : memref<!tpu.dma_semaphore, #tpu.memory_space<semaphore_mem>>
      %dma_start3A_441 = arith.constant 0 : i32
      %dma_start3A_442 = tpu.memref_slice %arg17[%mul3A_8, %dma_start3A_441] : memref<10240x16xf32, #tpu.memory_space<vmem_shared>> -> memref<640x16xf32, #tpu.memory_space<vmem_shared>>
      %dma_start3A_443 = arith.constant 0 : i32
      %dma_start3A_444 = tpu.memref_slice %arg17[%mul3A_8, %dma_start3A_443] : memref<10240x16xf32, #tpu.memory_space<vmem_shared>> -> memref<640x16xf32, #tpu.memory_space<vmem_shared>>
      tpu.enqueue_dma source(%dma_start3A_444 : memref<640x16xf32, #tpu.memory_space<vmem_shared>>) target(%arg16 : memref<640x16xf32, #tpu.memory_space<vmem>>) target_semaphore(%run_scoped3A_440 : memref<!tpu.dma_semaphore, #tpu.memory_space<semaphore_mem>>)
      %dma_wait3A_445 = arith.constant 0 : i32
      %dma_wait3A_446 = tpu.memref_slice %arg17[%mul3A_8, %dma_wait3A_445] : memref<10240x16xf32, #tpu.memory_space<vmem_shared>> -> memref<640x16xf32, #tpu.memory_space<vmem_shared>>
      %dma_wait3A_447 = arith.constant 0 : i32
      %dma_wait3A_448 = tpu.memref_slice %arg17[%mul3A_8, %dma_wait3A_447] : memref<10240x16xf32, #tpu.memory_space<vmem_shared>> -> memref<640x16xf32, #tpu.memory_space<vmem_shared>>
      tpu.wait_dma2 semaphore(%run_scoped3A_440 : memref<!tpu.dma_semaphore, #tpu.memory_space<semaphore_mem>>) src(%dma_wait3A_448 : memref<640x16xf32, #tpu.memory_space<vmem_shared>>) dst(%arg16 : memref<640x16xf32, #tpu.memory_space<vmem>>)
      tpu.yield
    }) : () -> ()
    "tpu.region"() ({
      %run_scoped3A_440 = tpu.sem_alloc : memref<!tpu.dma_semaphore, #tpu.memory_space<semaphore_mem>>
      %dma_start3A_441 = arith.constant 0 : i32
      %dma_start3A_442 = tpu.memref_slice %arg8[%arg0, %mul3A_8, %dma_start3A_441] : memref<2x10240x16xf32, #tpu.memory_space<hbm>> -> memref<1x640x16xf32, #tpu.memory_space<hbm>>
      %dma_start3A_443 = tpu.memref_squeeze %dma_start3A_442 : memref<1x640x16xf32, #tpu.memory_space<hbm>> -> memref<640x16xf32, #tpu.memory_space<hbm>>
      %dma_start3A_444 = arith.constant 0 : i32
      %dma_start3A_445 = tpu.memref_slice %arg8[%arg0, %mul3A_8, %dma_start3A_444] : memref<2x10240x16xf32, #tpu.memory_space<hbm>> -> memref<1x640x16xf32, #tpu.memory_space<hbm>>
      %dma_start3A_446 = tpu.memref_squeeze %dma_start3A_445 : memref<1x640x16xf32, #tpu.memory_space<hbm>> -> memref<640x16xf32, #tpu.memory_space<hbm>>
      tpu.enqueue_dma source(%arg16 : memref<640x16xf32, #tpu.memory_space<vmem>>) target(%dma_start3A_446 : memref<640x16xf32, #tpu.memory_space<hbm>>) target_semaphore(%run_scoped3A_440 : memref<!tpu.dma_semaphore, #tpu.memory_space<semaphore_mem>>)
      %dma_wait3A_447 = arith.constant 0 : i32
      %dma_wait3A_448 = tpu.memref_slice %arg8[%arg0, %mul3A_8, %dma_wait3A_447] : memref<2x10240x16xf32, #tpu.memory_space<hbm>> -> memref<1x640x16xf32, #tpu.memory_space<hbm>>
      %dma_wait3A_449 = tpu.memref_squeeze %dma_wait3A_448 : memref<1x640x16xf32, #tpu.memory_space<hbm>> -> memref<640x16xf32, #tpu.memory_space<hbm>>
      %dma_wait3A_450 = arith.constant 0 : i32
      %dma_wait3A_451 = tpu.memref_slice %arg8[%arg0, %mul3A_8, %dma_wait3A_450] : memref<2x10240x16xf32, #tpu.memory_space<hbm>> -> memref<1x640x16xf32, #tpu.memory_space<hbm>>
      %dma_wait3A_452 = tpu.memref_squeeze %dma_wait3A_451 : memref<1x640x16xf32, #tpu.memory_space<hbm>> -> memref<640x16xf32, #tpu.memory_space<hbm>>
      tpu.wait_dma2 semaphore(%run_scoped3A_440 : memref<!tpu.dma_semaphore, #tpu.memory_space<semaphore_mem>>) src(%arg16 : memref<640x16xf32, #tpu.memory_space<vmem>>) dst(%dma_wait3A_452 : memref<640x16xf32, #tpu.memory_space<hbm>>)
      tpu.yield
    }) : () -> ()
    return
  }
}

#map = affine_map<(d0, d1) -> (0, 0, 0)>
#map1 = affine_map<(d0, d1) -> (0, 0)>
#map2 = affine_map<(d0, d1) -> (0)>
module attributes {stable_mosaic.version = 14 : i64} {
  func.func @_sc_edge_body(%arg0: i32, %arg1: i32, %arg2: memref<32x80x125xi32, #tpu.memory_space<hbm>>, %arg3: memref<32x80x125xi32, #tpu.memory_space<hbm>>, %arg4: memref<10000x16xf32, #tpu.memory_space<hbm>>, %arg5: memref<10000x16xf32, #tpu.memory_space<hbm>>, %arg6: memref<5120000xf32, #tpu.memory_space<hbm>>, %arg7: memref<5120000xf32, #tpu.memory_space<hbm>>, %arg8: memref<2x10240x16xf32, #tpu.memory_space<hbm>>, %arg9: memref<80x125xi32, #tpu.memory_space<vmem>>, %arg10: memref<80x125xi32, #tpu.memory_space<vmem>>, %arg11: memref<2x125x16xf32, #tpu.memory_space<vmem>>, %arg12: memref<2x125x16xf32, #tpu.memory_space<vmem>>, %arg13: memref<2x2000xf32, #tpu.memory_space<vmem>>, %arg14: memref<2x125x16xf32, #tpu.memory_space<vmem>>, %arg15: memref<2x2000xf32, #tpu.memory_space<vmem>>, %arg16: memref<640x16xf32, #tpu.memory_space<vmem>>, %arg17: memref<10240x16xf32, #tpu.memory_space<vmem_shared>>, %arg18: memref<!tpu.dma_semaphore, #tpu.memory_space<semaphore_mem>>, %arg19: memref<!tpu.dma_semaphore, #tpu.memory_space<semaphore_mem>>, %arg20: memref<!tpu.dma_semaphore, #tpu.memory_space<semaphore_mem>>, %arg21: memref<!tpu.dma_semaphore, #tpu.memory_space<semaphore_mem>>) attributes {dimension_semantics = [#tpu.dimension_semantics<core_parallel>, #tpu.dimension_semantics<subcore_parallel>], iteration_bounds = array<i64: 2, 16>, scalar_prefetch = 0 : i64, scratch_operands = 13 : i64, tpu.core_type = #tpu.core_type<sc_vector_subcore>, window_params = [{transform_indices = #map}, {transform_indices = #map}, {transform_indices = #map1}, {transform_indices = #map1}, {transform_indices = #map2}, {transform_indices = #map2}, {transform_indices = #map}]} {
    %mul3A = arith.constant 2 : i32
    %mul3A_0 = arith.muli %arg1, %mul3A : i32
    %add3A = arith.addi %mul3A_0, %arg0 : i32
    %mul3A_1 = arith.constant 10000 : i32
    %mul3A_2 = arith.muli %add3A, %mul3A_1 : i32
    "tpu.region"() ({
      %run_scoped3A_440 = tpu.sem_alloc : memref<!tpu.dma_semaphore, #tpu.memory_space<semaphore_mem>>
      %dma_start3A_441 = arith.constant 0 : i32
      %dma_start3A_442 = arith.constant 0 : i32
      %dma_start3A_443 = tpu.memref_slice %arg2[%add3A, %dma_start3A_441, %dma_start3A_442] : memref<32x80x125xi32, #tpu.memory_space<hbm>> -> memref<1x80x125xi32, #tpu.memory_space<hbm>>
      %dma_start3A_444 = tpu.memref_squeeze %dma_start3A_443 : memref<1x80x125xi32, #tpu.memory_space<hbm>> -> memref<80x125xi32, #tpu.memory_space<hbm>>
      %dma_start3A_445 = arith.constant 0 : i32
      %dma_start3A_446 = arith.constant 0 : i32
      %dma_start3A_447 = tpu.memref_slice %arg2[%add3A, %dma_start3A_445, %dma_start3A_446] : memref<32x80x125xi32, #tpu.memory_space<hbm>> -> memref<1x80x125xi32, #tpu.memory_space<hbm>>
      %dma_start3A_448 = tpu.memref_squeeze %dma_start3A_447 : memref<1x80x125xi32, #tpu.memory_space<hbm>> -> memref<80x125xi32, #tpu.memory_space<hbm>>
      tpu.enqueue_dma source(%dma_start3A_448 : memref<80x125xi32, #tpu.memory_space<hbm>>) target(%arg9 : memref<80x125xi32, #tpu.memory_space<vmem>>) target_semaphore(%run_scoped3A_440 : memref<!tpu.dma_semaphore, #tpu.memory_space<semaphore_mem>>)
      %dma_wait3A_449 = arith.constant 0 : i32
      %dma_wait3A_450 = arith.constant 0 : i32
      %dma_wait3A_451 = tpu.memref_slice %arg2[%add3A, %dma_wait3A_449, %dma_wait3A_450] : memref<32x80x125xi32, #tpu.memory_space<hbm>> -> memref<1x80x125xi32, #tpu.memory_space<hbm>>
      %dma_wait3A_452 = tpu.memref_squeeze %dma_wait3A_451 : memref<1x80x125xi32, #tpu.memory_space<hbm>> -> memref<80x125xi32, #tpu.memory_space<hbm>>
      %dma_wait3A_453 = arith.constant 0 : i32
      %dma_wait3A_454 = arith.constant 0 : i32
      %dma_wait3A_455 = tpu.memref_slice %arg2[%add3A, %dma_wait3A_453, %dma_wait3A_454] : memref<32x80x125xi32, #tpu.memory_space<hbm>> -> memref<1x80x125xi32, #tpu.memory_space<hbm>>
      %dma_wait3A_456 = tpu.memref_squeeze %dma_wait3A_455 : memref<1x80x125xi32, #tpu.memory_space<hbm>> -> memref<80x125xi32, #tpu.memory_space<hbm>>
      tpu.wait_dma2 semaphore(%run_scoped3A_440 : memref<!tpu.dma_semaphore, #tpu.memory_space<semaphore_mem>>) src(%dma_wait3A_456 : memref<80x125xi32, #tpu.memory_space<hbm>>) dst(%arg9 : memref<80x125xi32, #tpu.memory_space<vmem>>)
      tpu.yield
    }) : () -> ()
    "tpu.region"() ({
      %run_scoped3A_440 = tpu.sem_alloc : memref<!tpu.dma_semaphore, #tpu.memory_space<semaphore_mem>>
      %dma_start3A_441 = arith.constant 0 : i32
      %dma_start3A_442 = arith.constant 0 : i32
      %dma_start3A_443 = tpu.memref_slice %arg3[%add3A, %dma_start3A_441, %dma_start3A_442] : memref<32x80x125xi32, #tpu.memory_space<hbm>> -> memref<1x80x125xi32, #tpu.memory_space<hbm>>
      %dma_start3A_444 = tpu.memref_squeeze %dma_start3A_443 : memref<1x80x125xi32, #tpu.memory_space<hbm>> -> memref<80x125xi32, #tpu.memory_space<hbm>>
      %dma_start3A_445 = arith.constant 0 : i32
      %dma_start3A_446 = arith.constant 0 : i32
      %dma_start3A_447 = tpu.memref_slice %arg3[%add3A, %dma_start3A_445, %dma_start3A_446] : memref<32x80x125xi32, #tpu.memory_space<hbm>> -> memref<1x80x125xi32, #tpu.memory_space<hbm>>
      %dma_start3A_448 = tpu.memref_squeeze %dma_start3A_447 : memref<1x80x125xi32, #tpu.memory_space<hbm>> -> memref<80x125xi32, #tpu.memory_space<hbm>>
      tpu.enqueue_dma source(%dma_start3A_448 : memref<80x125xi32, #tpu.memory_space<hbm>>) target(%arg10 : memref<80x125xi32, #tpu.memory_space<vmem>>) target_semaphore(%run_scoped3A_440 : memref<!tpu.dma_semaphore, #tpu.memory_space<semaphore_mem>>)
      %dma_wait3A_449 = arith.constant 0 : i32
      %dma_wait3A_450 = arith.constant 0 : i32
      %dma_wait3A_451 = tpu.memref_slice %arg3[%add3A, %dma_wait3A_449, %dma_wait3A_450] : memref<32x80x125xi32, #tpu.memory_space<hbm>> -> memref<1x80x125xi32, #tpu.memory_space<hbm>>
      %dma_wait3A_452 = tpu.memref_squeeze %dma_wait3A_451 : memref<1x80x125xi32, #tpu.memory_space<hbm>> -> memref<80x125xi32, #tpu.memory_space<hbm>>
      %dma_wait3A_453 = arith.constant 0 : i32
      %dma_wait3A_454 = arith.constant 0 : i32
      %dma_wait3A_455 = tpu.memref_slice %arg3[%add3A, %dma_wait3A_453, %dma_wait3A_454] : memref<32x80x125xi32, #tpu.memory_space<hbm>> -> memref<1x80x125xi32, #tpu.memory_space<hbm>>
      %dma_wait3A_456 = tpu.memref_squeeze %dma_wait3A_455 : memref<1x80x125xi32, #tpu.memory_space<hbm>> -> memref<80x125xi32, #tpu.memory_space<hbm>>
      tpu.wait_dma2 semaphore(%run_scoped3A_440 : memref<!tpu.dma_semaphore, #tpu.memory_space<semaphore_mem>>) src(%dma_wait3A_456 : memref<80x125xi32, #tpu.memory_space<hbm>>) dst(%arg10 : memref<80x125xi32, #tpu.memory_space<vmem>>)
      tpu.yield
    }) : () -> ()
    %scan3A = arith.constant 0 : i32
    %scan3A_3 = arith.constant 640 : i32
    %scan3A_4 = arith.addi %scan3A, %scan3A_3 : i32
    %scan3A_5 = arith.constant 1 : i32
    scf.for %scan3A_440 = %scan3A to %scan3A_4 step %scan3A_5  : i32 {
      %broadcast_in_dim3A = arith.constant 0.000000e+00 : f32
      %broadcast_in_dim3A_441 = vector.broadcast %broadcast_in_dim3A : f32 to vector<16xf32>
      %swap3A = arith.index_cast %scan3A_440 : i32 to index
      %swap3A_442 = arith.constant 0 : index
      %swap3A_443 = tpu.vector_load %arg16[%swap3A, %swap3A_442] {strides = array<i32>} : memref<640x16xf32, #tpu.memory_space<vmem>>, vector<1x16xf32>,
      %swap3A_444 = vector.shape_cast %swap3A_443 : vector<1x16xf32> to vector<16xf32>
      %swap3A_445 = vector.shape_cast %broadcast_in_dim3A_441 : vector<16xf32> to vector<1x16xf32>
      tpu.vector_store %arg16[%swap3A, %swap3A_442], %swap3A_445 {strides = array<i32>} : memref<640x16xf32, #tpu.memory_space<vmem>>, vector<1x16xf32>,
    }
    %scan3A_6 = arith.constant 640 : i32
    %mul3A_7 = arith.constant 640 : i32
    %mul3A_8 = arith.muli %arg1, %mul3A_7 : i32
    "tpu.region"() ({
      %run_scoped3A_440 = tpu.sem_alloc : memref<!tpu.dma_semaphore, #tpu.memory_space<semaphore_mem>>
      %dma_start3A_441 = arith.constant 0 : i32
      %dma_start3A_442 = tpu.memref_slice %arg17[%mul3A_8, %dma_start3A_441] : memref<10240x16xf32, #tpu.memory_space<vmem_shared>> -> memref<640x16xf32, #tpu.memory_space<vmem_shared>>
      %dma_start3A_443 = arith.constant 0 : i32
      %dma_start3A_444 = tpu.memref_slice %arg17[%mul3A_8, %dma_start3A_443] : memref<10240x16xf32, #tpu.memory_space<vmem_shared>> -> memref<640x16xf32, #tpu.memory_space<vmem_shared>>
      tpu.enqueue_dma source(%arg16 : memref<640x16xf32, #tpu.memory_space<vmem>>) target(%dma_start3A_444 : memref<640x16xf32, #tpu.memory_space<vmem_shared>>) target_semaphore(%run_scoped3A_440 : memref<!tpu.dma_semaphore, #tpu.memory_space<semaphore_mem>>)
      %dma_wait3A_445 = arith.constant 0 : i32
      %dma_wait3A_446 = tpu.memref_slice %arg17[%mul3A_8, %dma_wait3A_445] : memref<10240x16xf32, #tpu.memory_space<vmem_shared>> -> memref<640x16xf32, #tpu.memory_space<vmem_shared>>
      %dma_wait3A_447 = arith.constant 0 : i32
      %dma_wait3A_448 = tpu.memref_slice %arg17[%mul3A_8, %dma_wait3A_447] : memref<10240x16xf32, #tpu.memory_space<vmem_shared>> -> memref<640x16xf32, #tpu.memory_space<vmem_shared>>
      tpu.wait_dma2 semaphore(%run_scoped3A_440 : memref<!tpu.dma_semaphore, #tpu.memory_space<semaphore_mem>>) src(%arg16 : memref<640x16xf32, #tpu.memory_space<vmem>>) dst(%dma_wait3A_448 : memref<640x16xf32, #tpu.memory_space<vmem_shared>>)
      tpu.yield
    }) : () -> ()
    %barrier3A = arith.constant 0 : index
    tpu.barrier barrier_id(%barrier3A)
    %add3A_9 = arith.constant 0 : i32
    %add3A_10 = arith.addi %mul3A_2, %add3A_9 : i32
    %mul3A_11 = arith.constant 16 : i32
    %mul3A_12 = arith.muli %add3A_10, %mul3A_11 : i32
    %dma_start3A = arith.constant 0 : i32
    %dma_start3A_13 = arith.constant 0 : i32
    %dma_start3A_14 = tpu.memref_slice %arg13[%dma_start3A, %dma_start3A_13] : memref<2x2000xf32, #tpu.memory_space<vmem>> -> memref<1x2000xf32, #tpu.memory_space<vmem>>
    %dma_start3A_15 = tpu.memref_squeeze %dma_start3A_14 : memref<1x2000xf32, #tpu.memory_space<vmem>> -> memref<2000xf32, #tpu.memory_space<vmem>>
    %dma_start3A_16 = tpu.memref_slice %arg6[%mul3A_12] : memref<5120000xf32, #tpu.memory_space<hbm>> -> memref<2000xf32, #tpu.memory_space<hbm>>
    %dma_start3A_17 = arith.constant 0 : i32
    %dma_start3A_18 = tpu.memref_slice %arg13[%dma_start3A, %dma_start3A_17] : memref<2x2000xf32, #tpu.memory_space<vmem>> -> memref<1x2000xf32, #tpu.memory_space<vmem>>
    %dma_start3A_19 = tpu.memref_squeeze %dma_start3A_18 : memref<1x2000xf32, #tpu.memory_space<vmem>> -> memref<2000xf32, #tpu.memory_space<vmem>>
    %dma_start3A_20 = tpu.memref_slice %arg6[%mul3A_12] : memref<5120000xf32, #tpu.memory_space<hbm>> -> memref<2000xf32, #tpu.memory_space<hbm>>
    tpu.enqueue_dma source(%dma_start3A_20 : memref<2000xf32, #tpu.memory_space<hbm>>) target(%dma_start3A_19 : memref<2000xf32, #tpu.memory_space<vmem>>) target_semaphore(%arg18 : memref<!tpu.dma_semaphore, #tpu.memory_space<semaphore_mem>>)
    %dma_start3A_21 = arith.constant 0 : i32
    %dma_start3A_22 = arith.constant 0 : i32
    %dma_start3A_23 = arith.constant 0 : i32
    %dma_start3A_24 = arith.constant 0 : i32
    %dma_start3A_25 = tpu.memref_slice %arg11[%dma_start3A_22, %dma_start3A_23, %dma_start3A_24] : memref<2x125x16xf32, #tpu.memory_space<vmem>> -> memref<1x125x16xf32, #tpu.memory_space<vmem>>
    %dma_start3A_26 = tpu.memref_squeeze %dma_start3A_25 : memref<1x125x16xf32, #tpu.memory_space<vmem>> -> memref<125x16xf32, #tpu.memory_space<vmem>>
    %dma_start3A_27 = arith.constant 0 : i32
    %dma_start3A_28 = tpu.memref_slice %arg9[%dma_start3A_21, %dma_start3A_27] : memref<80x125xi32, #tpu.memory_space<vmem>> -> memref<1x125xi32, #tpu.memory_space<vmem>>
    %dma_start3A_29 = tpu.memref_squeeze %dma_start3A_28 : memref<1x125xi32, #tpu.memory_space<vmem>> -> memref<125xi32, #tpu.memory_space<vmem>>
    %dma_start3A_30 = arith.constant 0 : i32
    %dma_start3A_31 = arith.constant 0 : i32
    %dma_start3A_32 = tpu.memref_slice %arg4[%dma_start3A_30, %dma_start3A_31] : memref<10000x16xf32, #tpu.memory_space<hbm>> -> memref<10000x16xf32, #tpu.memory_space<hbm>>
    tpu.enqueue_indirect_dma source(%dma_start3A_32 : memref<10000x16xf32, #tpu.memory_space<hbm>>) target(%dma_start3A_26 : memref<125x16xf32, #tpu.memory_space<vmem>>) offsets(%dma_start3A_29 : memref<125xi32, #tpu.memory_space<vmem>>) semaphore(%arg18 : memref<!tpu.dma_semaphore, #tpu.memory_space<semaphore_mem>>)
    %dma_start3A_33 = arith.constant 0 : i32
    %dma_start3A_34 = arith.constant 0 : i32
    %dma_start3A_35 = arith.constant 0 : i32
    %dma_start3A_36 = arith.constant 0 : i32
    %dma_start3A_37 = tpu.memref_slice %arg12[%dma_start3A_34, %dma_start3A_35, %dma_start3A_36] : memref<2x125x16xf32, #tpu.memory_space<vmem>> -> memref<1x125x16xf32, #tpu.memory_space<vmem>>
    %dma_start3A_38 = tpu.memref_squeeze %dma_start3A_37 : memref<1x125x16xf32, #tpu.memory_space<vmem>> -> memref<125x16xf32, #tpu.memory_space<vmem>>
    %dma_start3A_39 = arith.constant 0 : i32
    %dma_start3A_40 = tpu.memref_slice %arg10[%dma_start3A_33, %dma_start3A_39] : memref<80x125xi32, #tpu.memory_space<vmem>> -> memref<1x125xi32, #tpu.memory_space<vmem>>
    %dma_start3A_41 = tpu.memref_squeeze %dma_start3A_40 : memref<1x125xi32, #tpu.memory_space<vmem>> -> memref<125xi32, #tpu.memory_space<vmem>>
    %dma_start3A_42 = arith.constant 0 : i32
    %dma_start3A_43 = arith.constant 0 : i32
    %dma_start3A_44 = tpu.memref_slice %arg5[%dma_start3A_42, %dma_start3A_43] : memref<10000x16xf32, #tpu.memory_space<hbm>> -> memref<10000x16xf32, #tpu.memory_space<hbm>>
    tpu.enqueue_indirect_dma source(%dma_start3A_44 : memref<10000x16xf32, #tpu.memory_space<hbm>>) target(%dma_start3A_38 : memref<125x16xf32, #tpu.memory_space<vmem>>) offsets(%dma_start3A_41 : memref<125xi32, #tpu.memory_space<vmem>>) semaphore(%arg18 : memref<!tpu.dma_semaphore, #tpu.memory_space<semaphore_mem>>)
    %add3A_45 = arith.constant 125 : i32
    %add3A_46 = arith.addi %mul3A_2, %add3A_45 : i32
    %mul3A_47 = arith.constant 16 : i32
    %mul3A_48 = arith.muli %add3A_46, %mul3A_47 : i32
    %dma_start3A_49 = arith.constant 1 : i32
    %dma_start3A_50 = arith.constant 0 : i32
    %dma_start3A_51 = tpu.memref_slice %arg13[%dma_start3A_49, %dma_start3A_50] : memref<2x2000xf32, #tpu.memory_space<vmem>> -> memref<1x2000xf32, #tpu.memory_space<vmem>>
    %dma_start3A_52 = tpu.memref_squeeze %dma_start3A_51 : memref<1x2000xf32, #tpu.memory_space<vmem>> -> memref<2000xf32, #tpu.memory_space<vmem>>
    %dma_start3A_53 = tpu.memref_slice %arg6[%mul3A_48] : memref<5120000xf32, #tpu.memory_space<hbm>> -> memref<2000xf32, #tpu.memory_space<hbm>>
    %dma_start3A_54 = arith.constant 0 : i32
    %dma_start3A_55 = tpu.memref_slice %arg13[%dma_start3A_49, %dma_start3A_54] : memref<2x2000xf32, #tpu.memory_space<vmem>> -> memref<1x2000xf32, #tpu.memory_space<vmem>>
    %dma_start3A_56 = tpu.memref_squeeze %dma_start3A_55 : memref<1x2000xf32, #tpu.memory_space<vmem>> -> memref<2000xf32, #tpu.memory_space<vmem>>
    %dma_start3A_57 = tpu.memref_slice %arg6[%mul3A_48] : memref<5120000xf32, #tpu.memory_space<hbm>> -> memref<2000xf32, #tpu.memory_space<hbm>>
    tpu.enqueue_dma source(%dma_start3A_57 : memref<2000xf32, #tpu.memory_space<hbm>>) target(%dma_start3A_56 : memref<2000xf32, #tpu.memory_space<vmem>>) target_semaphore(%arg19 : memref<!tpu.dma_semaphore, #tpu.memory_space<semaphore_mem>>)
    %dma_start3A_58 = arith.constant 1 : i32
    %dma_start3A_59 = arith.constant 1 : i32
    %dma_start3A_60 = arith.constant 0 : i32
    %dma_start3A_61 = arith.constant 0 : i32
    %dma_start3A_62 = tpu.memref_slice %arg11[%dma_start3A_59, %dma_start3A_60, %dma_start3A_61] : memref<2x125x16xf32, #tpu.memory_space<vmem>> -> memref<1x125x16xf32, #tpu.memory_space<vmem>>
    %dma_start3A_63 = tpu.memref_squeeze %dma_start3A_62 : memref<1x125x16xf32, #tpu.memory_space<vmem>> -> memref<125x16xf32, #tpu.memory_space<vmem>>
    %dma_start3A_64 = arith.constant 0 : i32
    %dma_start3A_65 = tpu.memref_slice %arg9[%dma_start3A_58, %dma_start3A_64] : memref<80x125xi32, #tpu.memory_space<vmem>> -> memref<1x125xi32, #tpu.memory_space<vmem>>
    %dma_start3A_66 = tpu.memref_squeeze %dma_start3A_65 : memref<1x125xi32, #tpu.memory_space<vmem>> -> memref<125xi32, #tpu.memory_space<vmem>>
    %dma_start3A_67 = arith.constant 0 : i32
    %dma_start3A_68 = arith.constant 0 : i32
    %dma_start3A_69 = tpu.memref_slice %arg4[%dma_start3A_67, %dma_start3A_68] : memref<10000x16xf32, #tpu.memory_space<hbm>> -> memref<10000x16xf32, #tpu.memory_space<hbm>>
    tpu.enqueue_indirect_dma source(%dma_start3A_69 : memref<10000x16xf32, #tpu.memory_space<hbm>>) target(%dma_start3A_63 : memref<125x16xf32, #tpu.memory_space<vmem>>) offsets(%dma_start3A_66 : memref<125xi32, #tpu.memory_space<vmem>>) semaphore(%arg19 : memref<!tpu.dma_semaphore, #tpu.memory_space<semaphore_mem>>)
    %dma_start3A_70 = arith.constant 1 : i32
    %dma_start3A_71 = arith.constant 1 : i32
    %dma_start3A_72 = arith.constant 0 : i32
    %dma_start3A_73 = arith.constant 0 : i32
    %dma_start3A_74 = tpu.memref_slice %arg12[%dma_start3A_71, %dma_start3A_72, %dma_start3A_73] : memref<2x125x16xf32, #tpu.memory_space<vmem>> -> memref<1x125x16xf32, #tpu.memory_space<vmem>>
    %dma_start3A_75 = tpu.memref_squeeze %dma_start3A_74 : memref<1x125x16xf32, #tpu.memory_space<vmem>> -> memref<125x16xf32, #tpu.memory_space<vmem>>
    %dma_start3A_76 = arith.constant 0 : i32
    %dma_start3A_77 = tpu.memref_slice %arg10[%dma_start3A_70, %dma_start3A_76] : memref<80x125xi32, #tpu.memory_space<vmem>> -> memref<1x125xi32, #tpu.memory_space<vmem>>
    %dma_start3A_78 = tpu.memref_squeeze %dma_start3A_77 : memref<1x125xi32, #tpu.memory_space<vmem>> -> memref<125xi32, #tpu.memory_space<vmem>>
    %dma_start3A_79 = arith.constant 0 : i32
    %dma_start3A_80 = arith.constant 0 : i32
    %dma_start3A_81 = tpu.memref_slice %arg5[%dma_start3A_79, %dma_start3A_80] : memref<10000x16xf32, #tpu.memory_space<hbm>> -> memref<10000x16xf32, #tpu.memory_space<hbm>>
    tpu.enqueue_indirect_dma source(%dma_start3A_81 : memref<10000x16xf32, #tpu.memory_space<hbm>>) target(%dma_start3A_75 : memref<125x16xf32, #tpu.memory_space<vmem>>) offsets(%dma_start3A_78 : memref<125xi32, #tpu.memory_space<vmem>>) semaphore(%arg19 : memref<!tpu.dma_semaphore, #tpu.memory_space<semaphore_mem>>)
    %add3A_82 = arith.constant 0 : i32
    %add3A_83 = arith.addi %mul3A_2, %add3A_82 : i32
    %mul3A_84 = arith.constant 16 : i32
    %mul3A_85 = arith.muli %add3A_83, %mul3A_84 : i32
    %dma_wait3A = arith.constant 0 : i32
    %dma_wait3A_86 = arith.constant 0 : i32
    %dma_wait3A_87 = tpu.memref_slice %arg13[%dma_wait3A, %dma_wait3A_86] : memref<2x2000xf32, #tpu.memory_space<vmem>> -> memref<1x2000xf32, #tpu.memory_space<vmem>>
    %dma_wait3A_88 = tpu.memref_squeeze %dma_wait3A_87 : memref<1x2000xf32, #tpu.memory_space<vmem>> -> memref<2000xf32, #tpu.memory_space<vmem>>
    %dma_wait3A_89 = tpu.memref_slice %arg6[%mul3A_85] : memref<5120000xf32, #tpu.memory_space<hbm>> -> memref<2000xf32, #tpu.memory_space<hbm>>
    %dma_wait3A_90 = arith.constant 0 : i32
    %dma_wait3A_91 = tpu.memref_slice %arg13[%dma_wait3A, %dma_wait3A_90] : memref<2x2000xf32, #tpu.memory_space<vmem>> -> memref<1x2000xf32, #tpu.memory_space<vmem>>
    %dma_wait3A_92 = tpu.memref_squeeze %dma_wait3A_91 : memref<1x2000xf32, #tpu.memory_space<vmem>> -> memref<2000xf32, #tpu.memory_space<vmem>>
    %dma_wait3A_93 = tpu.memref_slice %arg6[%mul3A_85] : memref<5120000xf32, #tpu.memory_space<hbm>> -> memref<2000xf32, #tpu.memory_space<hbm>>
    tpu.wait_dma2 semaphore(%arg18 : memref<!tpu.dma_semaphore, #tpu.memory_space<semaphore_mem>>) src(%dma_wait3A_93 : memref<2000xf32, #tpu.memory_space<hbm>>) dst(%dma_wait3A_92 : memref<2000xf32, #tpu.memory_space<vmem>>)
    %dma_wait3A_94 = arith.constant 0 : i32
    %dma_wait3A_95 = arith.constant 0 : i32
    %dma_wait3A_96 = arith.constant 0 : i32
    %dma_wait3A_97 = arith.constant 0 : i32
    %dma_wait3A_98 = tpu.memref_slice %arg11[%dma_wait3A_95, %dma_wait3A_96, %dma_wait3A_97] : memref<2x125x16xf32, #tpu.memory_space<vmem>> -> memref<1x125x16xf32, #tpu.memory_space<vmem>>
    %dma_wait3A_99 = tpu.memref_squeeze %dma_wait3A_98 : memref<1x125x16xf32, #tpu.memory_space<vmem>> -> memref<125x16xf32, #tpu.memory_space<vmem>>
    %dma_wait3A_100 = arith.constant 0 : i32
    %dma_wait3A_101 = tpu.memref_slice %arg9[%dma_wait3A_94, %dma_wait3A_100] : memref<80x125xi32, #tpu.memory_space<vmem>> -> memref<1x125xi32, #tpu.memory_space<vmem>>
    %dma_wait3A_102 = tpu.memref_squeeze %dma_wait3A_101 : memref<1x125xi32, #tpu.memory_space<vmem>> -> memref<125xi32, #tpu.memory_space<vmem>>
    %dma_wait3A_103 = arith.constant 0 : i32
    %dma_wait3A_104 = arith.constant 0 : i32
    %dma_wait3A_105 = tpu.memref_slice %arg4[%dma_wait3A_103, %dma_wait3A_104] : memref<10000x16xf32, #tpu.memory_space<hbm>> -> memref<10000x16xf32, #tpu.memory_space<hbm>>
    tpu.wait_indirect_dma semaphore(%arg18 : memref<!tpu.dma_semaphore, #tpu.memory_space<semaphore_mem>>) src(%dma_wait3A_105 : memref<10000x16xf32, #tpu.memory_space<hbm>>) dst(%dma_wait3A_99 : memref<125x16xf32, #tpu.memory_space<vmem>>)
    %dma_wait3A_106 = arith.constant 0 : i32
    %dma_wait3A_107 = arith.constant 0 : i32
    %dma_wait3A_108 = arith.constant 0 : i32
    %dma_wait3A_109 = arith.constant 0 : i32
    %dma_wait3A_110 = tpu.memref_slice %arg12[%dma_wait3A_107, %dma_wait3A_108, %dma_wait3A_109] : memref<2x125x16xf32, #tpu.memory_space<vmem>> -> memref<1x125x16xf32, #tpu.memory_space<vmem>>
    %dma_wait3A_111 = tpu.memref_squeeze %dma_wait3A_110 : memref<1x125x16xf32, #tpu.memory_space<vmem>> -> memref<125x16xf32, #tpu.memory_space<vmem>>
    %dma_wait3A_112 = arith.constant 0 : i32
    %dma_wait3A_113 = tpu.memref_slice %arg10[%dma_wait3A_106, %dma_wait3A_112] : memref<80x125xi32, #tpu.memory_space<vmem>> -> memref<1x125xi32, #tpu.memory_space<vmem>>
    %dma_wait3A_114 = tpu.memref_squeeze %dma_wait3A_113 : memref<1x125xi32, #tpu.memory_space<vmem>> -> memref<125xi32, #tpu.memory_space<vmem>>
    %dma_wait3A_115 = arith.constant 0 : i32
    %dma_wait3A_116 = arith.constant 0 : i32
    %dma_wait3A_117 = tpu.memref_slice %arg5[%dma_wait3A_115, %dma_wait3A_116] : memref<10000x16xf32, #tpu.memory_space<hbm>> -> memref<10000x16xf32, #tpu.memory_space<hbm>>
    tpu.wait_indirect_dma semaphore(%arg18 : memref<!tpu.dma_semaphore, #tpu.memory_space<semaphore_mem>>) src(%dma_wait3A_117 : memref<10000x16xf32, #tpu.memory_space<hbm>>) dst(%dma_wait3A_111 : memref<125x16xf32, #tpu.memory_space<vmem>>)
    %scan3A_118 = arith.constant 0 : i32
    %scan3A_119 = arith.constant 125 : i32
    %scan3A_120 = arith.addi %scan3A_118, %scan3A_119 : i32
    %scan3A_121 = arith.constant 1 : i32
    scf.for %scan3A_440 = %scan3A_118 to %scan3A_120 step %scan3A_121  : i32 {
      %get3A = arith.constant 0 : i32
      %get3A_441 = arith.index_cast %get3A : i32 to index
      %get3A_442 = arith.index_cast %scan3A_440 : i32 to index
      %get3A_443 = arith.constant 0 : index
      %get3A_444 = tpu.vector_load %arg11[%get3A_441, %get3A_442, %get3A_443] {strides = array<i32>} : memref<2x125x16xf32, #tpu.memory_space<vmem>>, vector<1x1x16xf32>,
      %get3A_445 = vector.shape_cast %get3A_444 : vector<1x1x16xf32> to vector<16xf32>
      %get3A_446 = arith.constant 0 : i32
      %get3A_447 = arith.index_cast %get3A_446 : i32 to index
      %get3A_448 = arith.index_cast %scan3A_440 : i32 to index
      %get3A_449 = arith.constant 0 : index
      %get3A_450 = tpu.vector_load %arg12[%get3A_447, %get3A_448, %get3A_449] {strides = array<i32>} : memref<2x125x16xf32, #tpu.memory_space<vmem>>, vector<1x1x16xf32>,
      %get3A_451 = vector.shape_cast %get3A_450 : vector<1x1x16xf32> to vector<16xf32>
      %add3A_452 = arith.addf %get3A_445, %get3A_451 : vector<16xf32>
      %mul3A_453 = arith.constant 16 : i32
      %mul3A_454 = arith.muli %scan3A_440, %mul3A_453 : i32
      %get3A_455 = arith.constant 0 : i32
      %get3A_456 = arith.index_cast %get3A_455 : i32 to index
      %get3A_457 = arith.index_cast %mul3A_454 : i32 to index
      %get3A_458 = tpu.vector_load %arg13[%get3A_456, %get3A_457] {strides = array<i32>} : memref<2x2000xf32, #tpu.memory_space<vmem>>, vector<1x16xf32>,
      %get3A_459 = vector.shape_cast %get3A_458 : vector<1x16xf32> to vector<16xf32>
      %add3A_460 = arith.addf %add3A_452, %get3A_459 : vector<16xf32>
      %max3A = arith.constant 0.000000e+00 : f32
      %max3A_461 = vector.broadcast %max3A : f32 to vector<16xf32>
      %max3A_462 = arith.maximumf %add3A_460, %max3A_461 : vector<16xf32>
      %swap3A = arith.constant 0 : i32
      %swap3A_463 = arith.index_cast %swap3A : i32 to index
      %swap3A_464 = arith.index_cast %scan3A_440 : i32 to index
      %swap3A_465 = arith.constant 0 : index
      %swap3A_466 = tpu.vector_load %arg14[%swap3A_463, %swap3A_464, %swap3A_465] {strides = array<i32>} : memref<2x125x16xf32, #tpu.memory_space<vmem>>, vector<1x1x16xf32>,
      %swap3A_467 = vector.shape_cast %swap3A_466 : vector<1x1x16xf32> to vector<16xf32>
      %swap3A_468 = vector.shape_cast %max3A_462 : vector<16xf32> to vector<1x1x16xf32>
      tpu.vector_store %arg14[%swap3A_463, %swap3A_464, %swap3A_465], %swap3A_468 {strides = array<i32>} : memref<2x125x16xf32, #tpu.memory_space<vmem>>, vector<1x1x16xf32>,
      %mul3A_469 = arith.constant 16 : i32
      %mul3A_470 = arith.muli %scan3A_440, %mul3A_469 : i32
      %swap3A_471 = arith.constant 0 : i32
      %swap3A_472 = arith.index_cast %swap3A_471 : i32 to index
      %swap3A_473 = arith.index_cast %mul3A_470 : i32 to index
      %swap3A_474 = tpu.vector_load %arg15[%swap3A_472, %swap3A_473] {strides = array<i32>} : memref<2x2000xf32, #tpu.memory_space<vmem>>, vector<1x16xf32>,
      %swap3A_475 = vector.shape_cast %swap3A_474 : vector<1x16xf32> to vector<16xf32>
      %swap3A_476 = vector.shape_cast %max3A_462 : vector<16xf32> to vector<1x16xf32>
      tpu.vector_store %arg15[%swap3A_472, %swap3A_473], %swap3A_476 {strides = array<i32>} : memref<2x2000xf32, #tpu.memory_space<vmem>>, vector<1x16xf32>,
    }
    %scan3A_122 = arith.constant 125 : i32
    %add3A_123 = arith.constant 250 : i32
    %add3A_124 = arith.addi %mul3A_2, %add3A_123 : i32
    %mul3A_125 = arith.constant 16 : i32
    %mul3A_126 = arith.muli %add3A_124, %mul3A_125 : i32
    %dma_start3A_127 = arith.constant 0 : i32
    %dma_start3A_128 = arith.constant 0 : i32
    %dma_start3A_129 = tpu.memref_slice %arg13[%dma_start3A_127, %dma_start3A_128] : memref<2x2000xf32, #tpu.memory_space<vmem>> -> memref<1x2000xf32, #tpu.memory_space<vmem>>
    %dma_start3A_130 = tpu.memref_squeeze %dma_start3A_129 : memref<1x2000xf32, #tpu.memory_space<vmem>> -> memref<2000xf32, #tpu.memory_space<vmem>>
    %dma_start3A_131 = tpu.memref_slice %arg6[%mul3A_126] : memref<5120000xf32, #tpu.memory_space<hbm>> -> memref<2000xf32, #tpu.memory_space<hbm>>
    %dma_start3A_132 = arith.constant 0 : i32
    %dma_start3A_133 = tpu.memref_slice %arg13[%dma_start3A_127, %dma_start3A_132] : memref<2x2000xf32, #tpu.memory_space<vmem>> -> memref<1x2000xf32, #tpu.memory_space<vmem>>
    %dma_start3A_134 = tpu.memref_squeeze %dma_start3A_133 : memref<1x2000xf32, #tpu.memory_space<vmem>> -> memref<2000xf32, #tpu.memory_space<vmem>>
    %dma_start3A_135 = tpu.memref_slice %arg6[%mul3A_126] : memref<5120000xf32, #tpu.memory_space<hbm>> -> memref<2000xf32, #tpu.memory_space<hbm>>
    tpu.enqueue_dma source(%dma_start3A_135 : memref<2000xf32, #tpu.memory_space<hbm>>) target(%dma_start3A_134 : memref<2000xf32, #tpu.memory_space<vmem>>) target_semaphore(%arg18 : memref<!tpu.dma_semaphore, #tpu.memory_space<semaphore_mem>>)
    %dma_start3A_136 = arith.constant 2 : i32
    %dma_start3A_137 = arith.constant 0 : i32
    %dma_start3A_138 = arith.constant 0 : i32
    %dma_start3A_139 = arith.constant 0 : i32
    %dma_start3A_140 = tpu.memref_slice %arg11[%dma_start3A_137, %dma_start3A_138, %dma_start3A_139] : memref<2x125x16xf32, #tpu.memory_space<vmem>> -> memref<1x125x16xf32, #tpu.memory_space<vmem>>
    %dma_start3A_141 = tpu.memref_squeeze %dma_start3A_140 : memref<1x125x16xf32, #tpu.memory_space<vmem>> -> memref<125x16xf32, #tpu.memory_space<vmem>>
    %dma_start3A_142 = arith.constant 0 : i32
    %dma_start3A_143 = tpu.memref_slice %arg9[%dma_start3A_136, %dma_start3A_142] : memref<80x125xi32, #tpu.memory_space<vmem>> -> memref<1x125xi32, #tpu.memory_space<vmem>>
    %dma_start3A_144 = tpu.memref_squeeze %dma_start3A_143 : memref<1x125xi32, #tpu.memory_space<vmem>> -> memref<125xi32, #tpu.memory_space<vmem>>
    %dma_start3A_145 = arith.constant 0 : i32
    %dma_start3A_146 = arith.constant 0 : i32
    %dma_start3A_147 = tpu.memref_slice %arg4[%dma_start3A_145, %dma_start3A_146] : memref<10000x16xf32, #tpu.memory_space<hbm>> -> memref<10000x16xf32, #tpu.memory_space<hbm>>
    tpu.enqueue_indirect_dma source(%dma_start3A_147 : memref<10000x16xf32, #tpu.memory_space<hbm>>) target(%dma_start3A_141 : memref<125x16xf32, #tpu.memory_space<vmem>>) offsets(%dma_start3A_144 : memref<125xi32, #tpu.memory_space<vmem>>) semaphore(%arg18 : memref<!tpu.dma_semaphore, #tpu.memory_space<semaphore_mem>>)
    %dma_start3A_148 = arith.constant 2 : i32
    %dma_start3A_149 = arith.constant 0 : i32
    %dma_start3A_150 = arith.constant 0 : i32
    %dma_start3A_151 = arith.constant 0 : i32
    %dma_start3A_152 = tpu.memref_slice %arg12[%dma_start3A_149, %dma_start3A_150, %dma_start3A_151] : memref<2x125x16xf32, #tpu.memory_space<vmem>> -> memref<1x125x16xf32, #tpu.memory_space<vmem>>
    %dma_start3A_153 = tpu.memref_squeeze %dma_start3A_152 : memref<1x125x16xf32, #tpu.memory_space<vmem>> -> memref<125x16xf32, #tpu.memory_space<vmem>>
    %dma_start3A_154 = arith.constant 0 : i32
    %dma_start3A_155 = tpu.memref_slice %arg10[%dma_start3A_148, %dma_start3A_154] : memref<80x125xi32, #tpu.memory_space<vmem>> -> memref<1x125xi32, #tpu.memory_space<vmem>>
    %dma_start3A_156 = tpu.memref_squeeze %dma_start3A_155 : memref<1x125xi32, #tpu.memory_space<vmem>> -> memref<125xi32, #tpu.memory_space<vmem>>
    %dma_start3A_157 = arith.constant 0 : i32
    %dma_start3A_158 = arith.constant 0 : i32
    %dma_start3A_159 = tpu.memref_slice %arg5[%dma_start3A_157, %dma_start3A_158] : memref<10000x16xf32, #tpu.memory_space<hbm>> -> memref<10000x16xf32, #tpu.memory_space<hbm>>
    tpu.enqueue_indirect_dma source(%dma_start3A_159 : memref<10000x16xf32, #tpu.memory_space<hbm>>) target(%dma_start3A_153 : memref<125x16xf32, #tpu.memory_space<vmem>>) offsets(%dma_start3A_156 : memref<125xi32, #tpu.memory_space<vmem>>) semaphore(%arg18 : memref<!tpu.dma_semaphore, #tpu.memory_space<semaphore_mem>>)
    %add3A_160 = arith.constant 0 : i32
    %add3A_161 = arith.addi %mul3A_2, %add3A_160 : i32
    %mul3A_162 = arith.constant 16 : i32
    %mul3A_163 = arith.muli %add3A_161, %mul3A_162 : i32
    %dma_start3A_164 = arith.constant 0 : i32
    %dma_start3A_165 = arith.constant 0 : i32
    %dma_start3A_166 = tpu.memref_slice %arg15[%dma_start3A_164, %dma_start3A_165] : memref<2x2000xf32, #tpu.memory_space<vmem>> -> memref<1x2000xf32, #tpu.memory_space<vmem>>
    %dma_start3A_167 = tpu.memref_squeeze %dma_start3A_166 : memref<1x2000xf32, #tpu.memory_space<vmem>> -> memref<2000xf32, #tpu.memory_space<vmem>>
    %dma_start3A_168 = tpu.memref_slice %arg7[%mul3A_163] : memref<5120000xf32, #tpu.memory_space<hbm>> -> memref<2000xf32, #tpu.memory_space<hbm>>
    %dma_start3A_169 = tpu.memref_slice %arg7[%mul3A_163] : memref<5120000xf32, #tpu.memory_space<hbm>> -> memref<2000xf32, #tpu.memory_space<hbm>>
    %dma_start3A_170 = arith.constant 0 : i32
    %dma_start3A_171 = tpu.memref_slice %arg15[%dma_start3A_164, %dma_start3A_170] : memref<2x2000xf32, #tpu.memory_space<vmem>> -> memref<1x2000xf32, #tpu.memory_space<vmem>>
    %dma_start3A_172 = tpu.memref_squeeze %dma_start3A_171 : memref<1x2000xf32, #tpu.memory_space<vmem>> -> memref<2000xf32, #tpu.memory_space<vmem>>
    tpu.enqueue_dma source(%dma_start3A_172 : memref<2000xf32, #tpu.memory_space<vmem>>) target(%dma_start3A_169 : memref<2000xf32, #tpu.memory_space<hbm>>) target_semaphore(%arg20 : memref<!tpu.dma_semaphore, #tpu.memory_space<semaphore_mem>>)
    %run_scoped3A = arith.constant 0 : i32
    %run_scoped3A_173 = arith.constant 0 : i32
    "tpu.region"() ({
      %run_scoped3A_440 = tpu.sem_alloc : memref<!tpu.dma_semaphore, #tpu.memory_space<semaphore_mem>>
      %dma_start3A_441 = arith.constant 0 : i32
      %dma_start3A_442 = arith.constant 0 : i32
      %dma_start3A_443 = tpu.memref_slice %arg14[%run_scoped3A, %dma_start3A_441, %dma_start3A_442] : memref<2x125x16xf32, #tpu.memory_space<vmem>> -> memref<1x125x16xf32, #tpu.memory_space<vmem>>
      %dma_start3A_444 = tpu.memref_squeeze %dma_start3A_443 : memref<1x125x16xf32, #tpu.memory_space<vmem>> -> memref<125x16xf32, #tpu.memory_space<vmem>>
      %dma_start3A_445 = arith.constant 0 : i32
      %dma_start3A_446 = tpu.memref_slice %arg10[%run_scoped3A_173, %dma_start3A_445] : memref<80x125xi32, #tpu.memory_space<vmem>> -> memref<1x125xi32, #tpu.memory_space<vmem>>
      %dma_start3A_447 = tpu.memref_squeeze %dma_start3A_446 : memref<1x125xi32, #tpu.memory_space<vmem>> -> memref<125xi32, #tpu.memory_space<vmem>>
      %dma_start3A_448 = arith.constant 0 : i32
      %dma_start3A_449 = arith.constant 0 : i32
      %dma_start3A_450 = tpu.memref_slice %arg17[%dma_start3A_448, %dma_start3A_449] : memref<10240x16xf32, #tpu.memory_space<vmem_shared>> -> memref<10240x16xf32, #tpu.memory_space<vmem_shared>>
      tpu.enqueue_indirect_dma source(%dma_start3A_444 : memref<125x16xf32, #tpu.memory_space<vmem>>) target(%dma_start3A_450 : memref<10240x16xf32, #tpu.memory_space<vmem_shared>>) offsets(%dma_start3A_447 : memref<125xi32, #tpu.memory_space<vmem>>) semaphore(%run_scoped3A_440 : memref<!tpu.dma_semaphore, #tpu.memory_space<semaphore_mem>>) {add = true}
      %dma_wait3A_451 = arith.constant 0 : i32
      %dma_wait3A_452 = arith.constant 0 : i32
      %dma_wait3A_453 = tpu.memref_slice %arg14[%run_scoped3A, %dma_wait3A_451, %dma_wait3A_452] : memref<2x125x16xf32, #tpu.memory_space<vmem>> -> memref<1x125x16xf32, #tpu.memory_space<vmem>>
      %dma_wait3A_454 = tpu.memref_squeeze %dma_wait3A_453 : memref<1x125x16xf32, #tpu.memory_space<vmem>> -> memref<125x16xf32, #tpu.memory_space<vmem>>
      %dma_wait3A_455 = arith.constant 0 : i32
      %dma_wait3A_456 = tpu.memref_slice %arg10[%run_scoped3A_173, %dma_wait3A_455] : memref<80x125xi32, #tpu.memory_space<vmem>> -> memref<1x125xi32, #tpu.memory_space<vmem>>
      %dma_wait3A_457 = tpu.memref_squeeze %dma_wait3A_456 : memref<1x125xi32, #tpu.memory_space<vmem>> -> memref<125xi32, #tpu.memory_space<vmem>>
      %dma_wait3A_458 = arith.constant 0 : i32
      %dma_wait3A_459 = arith.constant 0 : i32
      %dma_wait3A_460 = tpu.memref_slice %arg17[%dma_wait3A_458, %dma_wait3A_459] : memref<10240x16xf32, #tpu.memory_space<vmem_shared>> -> memref<10240x16xf32, #tpu.memory_space<vmem_shared>>
      tpu.wait_indirect_dma semaphore(%run_scoped3A_440 : memref<!tpu.dma_semaphore, #tpu.memory_space<semaphore_mem>>) src(%dma_wait3A_454 : memref<125x16xf32, #tpu.memory_space<vmem>>) dst(%dma_wait3A_460 : memref<10240x16xf32, #tpu.memory_space<vmem_shared>>)
      tpu.yield
    }) : () -> ()
    %add3A_174 = arith.constant 125 : i32
    %add3A_175 = arith.addi %mul3A_2, %add3A_174 : i32
    %mul3A_176 = arith.constant 16 : i32
    %mul3A_177 = arith.muli %add3A_175, %mul3A_176 : i32
    %dma_wait3A_178 = arith.constant 1 : i32
    %dma_wait3A_179 = arith.constant 0 : i32
    %dma_wait3A_180 = tpu.memref_slice %arg13[%dma_wait3A_178, %dma_wait3A_179] : memref<2x2000xf32, #tpu.memory_space<vmem>> -> memref<1x2000xf32, #tpu.memory_space<vmem>>
    %dma_wait3A_181 = tpu.memref_squeeze %dma_wait3A_180 : memref<1x2000xf32, #tpu.memory_space<vmem>> -> memref<2000xf32, #tpu.memory_space<vmem>>
    %dma_wait3A_182 = tpu.memref_slice %arg6[%mul3A_177] : memref<5120000xf32, #tpu.memory_space<hbm>> -> memref<2000xf32, #tpu.memory_space<hbm>>
    %dma_wait3A_183 = arith.constant 0 : i32
    %dma_wait3A_184 = tpu.memref_slice %arg13[%dma_wait3A_178, %dma_wait3A_183] : memref<2x2000xf32, #tpu.memory_space<vmem>> -> memref<1x2000xf32, #tpu.memory_space<vmem>>
    %dma_wait3A_185 = tpu.memref_squeeze %dma_wait3A_184 : memref<1x2000xf32, #tpu.memory_space<vmem>> -> memref<2000xf32, #tpu.memory_space<vmem>>
    %dma_wait3A_186 = tpu.memref_slice %arg6[%mul3A_177] : memref<5120000xf32, #tpu.memory_space<hbm>> -> memref<2000xf32, #tpu.memory_space<hbm>>
    tpu.wait_dma2 semaphore(%arg19 : memref<!tpu.dma_semaphore, #tpu.memory_space<semaphore_mem>>) src(%dma_wait3A_186 : memref<2000xf32, #tpu.memory_space<hbm>>) dst(%dma_wait3A_185 : memref<2000xf32, #tpu.memory_space<vmem>>)
    %dma_wait3A_187 = arith.constant 1 : i32
    %dma_wait3A_188 = arith.constant 1 : i32
    %dma_wait3A_189 = arith.constant 0 : i32
    %dma_wait3A_190 = arith.constant 0 : i32
    %dma_wait3A_191 = tpu.memref_slice %arg11[%dma_wait3A_188, %dma_wait3A_189, %dma_wait3A_190] : memref<2x125x16xf32, #tpu.memory_space<vmem>> -> memref<1x125x16xf32, #tpu.memory_space<vmem>>
    %dma_wait3A_192 = tpu.memref_squeeze %dma_wait3A_191 : memref<1x125x16xf32, #tpu.memory_space<vmem>> -> memref<125x16xf32, #tpu.memory_space<vmem>>
    %dma_wait3A_193 = arith.constant 0 : i32
    %dma_wait3A_194 = tpu.memref_slice %arg9[%dma_wait3A_187, %dma_wait3A_193] : memref<80x125xi32, #tpu.memory_space<vmem>> -> memref<1x125xi32, #tpu.memory_space<vmem>>
    %dma_wait3A_195 = tpu.memref_squeeze %dma_wait3A_194 : memref<1x125xi32, #tpu.memory_space<vmem>> -> memref<125xi32, #tpu.memory_space<vmem>>
    %dma_wait3A_196 = arith.constant 0 : i32
    %dma_wait3A_197 = arith.constant 0 : i32
    %dma_wait3A_198 = tpu.memref_slice %arg4[%dma_wait3A_196, %dma_wait3A_197] : memref<10000x16xf32, #tpu.memory_space<hbm>> -> memref<10000x16xf32, #tpu.memory_space<hbm>>
    tpu.wait_indirect_dma semaphore(%arg19 : memref<!tpu.dma_semaphore, #tpu.memory_space<semaphore_mem>>) src(%dma_wait3A_198 : memref<10000x16xf32, #tpu.memory_space<hbm>>) dst(%dma_wait3A_192 : memref<125x16xf32, #tpu.memory_space<vmem>>)
    %dma_wait3A_199 = arith.constant 1 : i32
    %dma_wait3A_200 = arith.constant 1 : i32
    %dma_wait3A_201 = arith.constant 0 : i32
    %dma_wait3A_202 = arith.constant 0 : i32
    %dma_wait3A_203 = tpu.memref_slice %arg12[%dma_wait3A_200, %dma_wait3A_201, %dma_wait3A_202] : memref<2x125x16xf32, #tpu.memory_space<vmem>> -> memref<1x125x16xf32, #tpu.memory_space<vmem>>
    %dma_wait3A_204 = tpu.memref_squeeze %dma_wait3A_203 : memref<1x125x16xf32, #tpu.memory_space<vmem>> -> memref<125x16xf32, #tpu.memory_space<vmem>>
    %dma_wait3A_205 = arith.constant 0 : i32
    %dma_wait3A_206 = tpu.memref_slice %arg10[%dma_wait3A_199, %dma_wait3A_205] : memref<80x125xi32, #tpu.memory_space<vmem>> -> memref<1x125xi32, #tpu.memory_space<vmem>>
    %dma_wait3A_207 = tpu.memref_squeeze %dma_wait3A_206 : memref<1x125xi32, #tpu.memory_space<vmem>> -> memref<125xi32, #tpu.memory_space<vmem>>
    %dma_wait3A_208 = arith.constant 0 : i32
    %dma_wait3A_209 = arith.constant 0 : i32
    %dma_wait3A_210 = tpu.memref_slice %arg5[%dma_wait3A_208, %dma_wait3A_209] : memref<10000x16xf32, #tpu.memory_space<hbm>> -> memref<10000x16xf32, #tpu.memory_space<hbm>>
    tpu.wait_indirect_dma semaphore(%arg19 : memref<!tpu.dma_semaphore, #tpu.memory_space<semaphore_mem>>) src(%dma_wait3A_210 : memref<10000x16xf32, #tpu.memory_space<hbm>>) dst(%dma_wait3A_204 : memref<125x16xf32, #tpu.memory_space<vmem>>)
    %scan3A_211 = arith.constant 0 : i32
    %scan3A_212 = arith.constant 125 : i32
    %scan3A_213 = arith.addi %scan3A_211, %scan3A_212 : i32
    %scan3A_214 = arith.constant 1 : i32
    scf.for %scan3A_440 = %scan3A_211 to %scan3A_213 step %scan3A_214  : i32 {
      %get3A = arith.constant 1 : i32
      %get3A_441 = arith.index_cast %get3A : i32 to index
      %get3A_442 = arith.index_cast %scan3A_440 : i32 to index
      %get3A_443 = arith.constant 0 : index
      %get3A_444 = tpu.vector_load %arg11[%get3A_441, %get3A_442, %get3A_443] {strides = array<i32>} : memref<2x125x16xf32, #tpu.memory_space<vmem>>, vector<1x1x16xf32>,
      %get3A_445 = vector.shape_cast %get3A_444 : vector<1x1x16xf32> to vector<16xf32>
      %get3A_446 = arith.constant 1 : i32
      %get3A_447 = arith.index_cast %get3A_446 : i32 to index
      %get3A_448 = arith.index_cast %scan3A_440 : i32 to index
      %get3A_449 = arith.constant 0 : index
      %get3A_450 = tpu.vector_load %arg12[%get3A_447, %get3A_448, %get3A_449] {strides = array<i32>} : memref<2x125x16xf32, #tpu.memory_space<vmem>>, vector<1x1x16xf32>,
      %get3A_451 = vector.shape_cast %get3A_450 : vector<1x1x16xf32> to vector<16xf32>
      %add3A_452 = arith.addf %get3A_445, %get3A_451 : vector<16xf32>
      %mul3A_453 = arith.constant 16 : i32
      %mul3A_454 = arith.muli %scan3A_440, %mul3A_453 : i32
      %get3A_455 = arith.constant 1 : i32
      %get3A_456 = arith.index_cast %get3A_455 : i32 to index
      %get3A_457 = arith.index_cast %mul3A_454 : i32 to index
      %get3A_458 = tpu.vector_load %arg13[%get3A_456, %get3A_457] {strides = array<i32>} : memref<2x2000xf32, #tpu.memory_space<vmem>>, vector<1x16xf32>,
      %get3A_459 = vector.shape_cast %get3A_458 : vector<1x16xf32> to vector<16xf32>
      %add3A_460 = arith.addf %add3A_452, %get3A_459 : vector<16xf32>
      %max3A = arith.constant 0.000000e+00 : f32
      %max3A_461 = vector.broadcast %max3A : f32 to vector<16xf32>
      %max3A_462 = arith.maximumf %add3A_460, %max3A_461 : vector<16xf32>
      %swap3A = arith.constant 1 : i32
      %swap3A_463 = arith.index_cast %swap3A : i32 to index
      %swap3A_464 = arith.index_cast %scan3A_440 : i32 to index
      %swap3A_465 = arith.constant 0 : index
      %swap3A_466 = tpu.vector_load %arg14[%swap3A_463, %swap3A_464, %swap3A_465] {strides = array<i32>} : memref<2x125x16xf32, #tpu.memory_space<vmem>>, vector<1x1x16xf32>,
      %swap3A_467 = vector.shape_cast %swap3A_466 : vector<1x1x16xf32> to vector<16xf32>
      %swap3A_468 = vector.shape_cast %max3A_462 : vector<16xf32> to vector<1x1x16xf32>
      tpu.vector_store %arg14[%swap3A_463, %swap3A_464, %swap3A_465], %swap3A_468 {strides = array<i32>} : memref<2x125x16xf32, #tpu.memory_space<vmem>>, vector<1x1x16xf32>,
      %mul3A_469 = arith.constant 16 : i32
      %mul3A_470 = arith.muli %scan3A_440, %mul3A_469 : i32
      %swap3A_471 = arith.constant 1 : i32
      %swap3A_472 = arith.index_cast %swap3A_471 : i32 to index
      %swap3A_473 = arith.index_cast %mul3A_470 : i32 to index
      %swap3A_474 = tpu.vector_load %arg15[%swap3A_472, %swap3A_473] {strides = array<i32>} : memref<2x2000xf32, #tpu.memory_space<vmem>>, vector<1x16xf32>,
      %swap3A_475 = vector.shape_cast %swap3A_474 : vector<1x16xf32> to vector<16xf32>
      %swap3A_476 = vector.shape_cast %max3A_462 : vector<16xf32> to vector<1x16xf32>
      tpu.vector_store %arg15[%swap3A_472, %swap3A_473], %swap3A_476 {strides = array<i32>} : memref<2x2000xf32, #tpu.memory_space<vmem>>, vector<1x16xf32>,
    }
    %scan3A_215 = arith.constant 125 : i32
    %add3A_216 = arith.constant 375 : i32
    %add3A_217 = arith.addi %mul3A_2, %add3A_216 : i32
    %mul3A_218 = arith.constant 16 : i32
    %mul3A_219 = arith.muli %add3A_217, %mul3A_218 : i32
    %dma_start3A_220 = arith.constant 1 : i32
    %dma_start3A_221 = arith.constant 0 : i32
    %dma_start3A_222 = tpu.memref_slice %arg13[%dma_start3A_220, %dma_start3A_221] : memref<2x2000xf32, #tpu.memory_space<vmem>> -> memref<1x2000xf32, #tpu.memory_space<vmem>>
    %dma_start3A_223 = tpu.memref_squeeze %dma_start3A_222 : memref<1x2000xf32, #tpu.memory_space<vmem>> -> memref<2000xf32, #tpu.memory_space<vmem>>
    %dma_start3A_224 = tpu.memref_slice %arg6[%mul3A_219] : memref<5120000xf32, #tpu.memory_space<hbm>> -> memref<2000xf32, #tpu.memory_space<hbm>>
    %dma_start3A_225 = arith.constant 0 : i32
    %dma_start3A_226 = tpu.memref_slice %arg13[%dma_start3A_220, %dma_start3A_225] : memref<2x2000xf32, #tpu.memory_space<vmem>> -> memref<1x2000xf32, #tpu.memory_space<vmem>>
    %dma_start3A_227 = tpu.memref_squeeze %dma_start3A_226 : memref<1x2000xf32, #tpu.memory_space<vmem>> -> memref<2000xf32, #tpu.memory_space<vmem>>
    %dma_start3A_228 = tpu.memref_slice %arg6[%mul3A_219] : memref<5120000xf32, #tpu.memory_space<hbm>> -> memref<2000xf32, #tpu.memory_space<hbm>>
    tpu.enqueue_dma source(%dma_start3A_228 : memref<2000xf32, #tpu.memory_space<hbm>>) target(%dma_start3A_227 : memref<2000xf32, #tpu.memory_space<vmem>>) target_semaphore(%arg19 : memref<!tpu.dma_semaphore, #tpu.memory_space<semaphore_mem>>)
    %dma_start3A_229 = arith.constant 3 : i32
    %dma_start3A_230 = arith.constant 1 : i32
    %dma_start3A_231 = arith.constant 0 : i32
    %dma_start3A_232 = arith.constant 0 : i32
    %dma_start3A_233 = tpu.memref_slice %arg11[%dma_start3A_230, %dma_start3A_231, %dma_start3A_232] : memref<2x125x16xf32, #tpu.memory_space<vmem>> -> memref<1x125x16xf32, #tpu.memory_space<vmem>>
    %dma_start3A_234 = tpu.memref_squeeze %dma_start3A_233 : memref<1x125x16xf32, #tpu.memory_space<vmem>> -> memref<125x16xf32, #tpu.memory_space<vmem>>
    %dma_start3A_235 = arith.constant 0 : i32
    %dma_start3A_236 = tpu.memref_slice %arg9[%dma_start3A_229, %dma_start3A_235] : memref<80x125xi32, #tpu.memory_space<vmem>> -> memref<1x125xi32, #tpu.memory_space<vmem>>
    %dma_start3A_237 = tpu.memref_squeeze %dma_start3A_236 : memref<1x125xi32, #tpu.memory_space<vmem>> -> memref<125xi32, #tpu.memory_space<vmem>>
    %dma_start3A_238 = arith.constant 0 : i32
    %dma_start3A_239 = arith.constant 0 : i32
    %dma_start3A_240 = tpu.memref_slice %arg4[%dma_start3A_238, %dma_start3A_239] : memref<10000x16xf32, #tpu.memory_space<hbm>> -> memref<10000x16xf32, #tpu.memory_space<hbm>>
    tpu.enqueue_indirect_dma source(%dma_start3A_240 : memref<10000x16xf32, #tpu.memory_space<hbm>>) target(%dma_start3A_234 : memref<125x16xf32, #tpu.memory_space<vmem>>) offsets(%dma_start3A_237 : memref<125xi32, #tpu.memory_space<vmem>>) semaphore(%arg19 : memref<!tpu.dma_semaphore, #tpu.memory_space<semaphore_mem>>)
    %dma_start3A_241 = arith.constant 3 : i32
    %dma_start3A_242 = arith.constant 1 : i32
    %dma_start3A_243 = arith.constant 0 : i32
    %dma_start3A_244 = arith.constant 0 : i32
    %dma_start3A_245 = tpu.memref_slice %arg12[%dma_start3A_242, %dma_start3A_243, %dma_start3A_244] : memref<2x125x16xf32, #tpu.memory_space<vmem>> -> memref<1x125x16xf32, #tpu.memory_space<vmem>>
    %dma_start3A_246 = tpu.memref_squeeze %dma_start3A_245 : memref<1x125x16xf32, #tpu.memory_space<vmem>> -> memref<125x16xf32, #tpu.memory_space<vmem>>
    %dma_start3A_247 = arith.constant 0 : i32
    %dma_start3A_248 = tpu.memref_slice %arg10[%dma_start3A_241, %dma_start3A_247] : memref<80x125xi32, #tpu.memory_space<vmem>> -> memref<1x125xi32, #tpu.memory_space<vmem>>
    %dma_start3A_249 = tpu.memref_squeeze %dma_start3A_248 : memref<1x125xi32, #tpu.memory_space<vmem>> -> memref<125xi32, #tpu.memory_space<vmem>>
    %dma_start3A_250 = arith.constant 0 : i32
    %dma_start3A_251 = arith.constant 0 : i32
    %dma_start3A_252 = tpu.memref_slice %arg5[%dma_start3A_250, %dma_start3A_251] : memref<10000x16xf32, #tpu.memory_space<hbm>> -> memref<10000x16xf32, #tpu.memory_space<hbm>>
    tpu.enqueue_indirect_dma source(%dma_start3A_252 : memref<10000x16xf32, #tpu.memory_space<hbm>>) target(%dma_start3A_246 : memref<125x16xf32, #tpu.memory_space<vmem>>) offsets(%dma_start3A_249 : memref<125xi32, #tpu.memory_space<vmem>>) semaphore(%arg19 : memref<!tpu.dma_semaphore, #tpu.memory_space<semaphore_mem>>)
    %add3A_253 = arith.constant 125 : i32
    %add3A_254 = arith.addi %mul3A_2, %add3A_253 : i32
    %mul3A_255 = arith.constant 16 : i32
    %mul3A_256 = arith.muli %add3A_254, %mul3A_255 : i32
    %dma_start3A_257 = arith.constant 1 : i32
    %dma_start3A_258 = arith.constant 0 : i32
    %dma_start3A_259 = tpu.memref_slice %arg15[%dma_start3A_257, %dma_start3A_258] : memref<2x2000xf32, #tpu.memory_space<vmem>> -> memref<1x2000xf32, #tpu.memory_space<vmem>>
    %dma_start3A_260 = tpu.memref_squeeze %dma_start3A_259 : memref<1x2000xf32, #tpu.memory_space<vmem>> -> memref<2000xf32, #tpu.memory_space<vmem>>
    %dma_start3A_261 = tpu.memref_slice %arg7[%mul3A_256] : memref<5120000xf32, #tpu.memory_space<hbm>> -> memref<2000xf32, #tpu.memory_space<hbm>>
    %dma_start3A_262 = tpu.memref_slice %arg7[%mul3A_256] : memref<5120000xf32, #tpu.memory_space<hbm>> -> memref<2000xf32, #tpu.memory_space<hbm>>
    %dma_start3A_263 = arith.constant 0 : i32
    %dma_start3A_264 = tpu.memref_slice %arg15[%dma_start3A_257, %dma_start3A_263] : memref<2x2000xf32, #tpu.memory_space<vmem>> -> memref<1x2000xf32, #tpu.memory_space<vmem>>
    %dma_start3A_265 = tpu.memref_squeeze %dma_start3A_264 : memref<1x2000xf32, #tpu.memory_space<vmem>> -> memref<2000xf32, #tpu.memory_space<vmem>>
    tpu.enqueue_dma source(%dma_start3A_265 : memref<2000xf32, #tpu.memory_space<vmem>>) target(%dma_start3A_262 : memref<2000xf32, #tpu.memory_space<hbm>>) target_semaphore(%arg21 : memref<!tpu.dma_semaphore, #tpu.memory_space<semaphore_mem>>)
    %run_scoped3A_266 = arith.constant 1 : i32
    %run_scoped3A_267 = arith.constant 1 : i32
    "tpu.region"() ({
      %run_scoped3A_440 = tpu.sem_alloc : memref<!tpu.dma_semaphore, #tpu.memory_space<semaphore_mem>>
      %dma_start3A_441 = arith.constant 0 : i32
      %dma_start3A_442 = arith.constant 0 : i32
      %dma_start3A_443 = tpu.memref_slice %arg14[%run_scoped3A_266, %dma_start3A_441, %dma_start3A_442] : memref<2x125x16xf32, #tpu.memory_space<vmem>> -> memref<1x125x16xf32, #tpu.memory_space<vmem>>
      %dma_start3A_444 = tpu.memref_squeeze %dma_start3A_443 : memref<1x125x16xf32, #tpu.memory_space<vmem>> -> memref<125x16xf32, #tpu.memory_space<vmem>>
      %dma_start3A_445 = arith.constant 0 : i32
      %dma_start3A_446 = tpu.memref_slice %arg10[%run_scoped3A_267, %dma_start3A_445] : memref<80x125xi32, #tpu.memory_space<vmem>> -> memref<1x125xi32, #tpu.memory_space<vmem>>
      %dma_start3A_447 = tpu.memref_squeeze %dma_start3A_446 : memref<1x125xi32, #tpu.memory_space<vmem>> -> memref<125xi32, #tpu.memory_space<vmem>>
      %dma_start3A_448 = arith.constant 0 : i32
      %dma_start3A_449 = arith.constant 0 : i32
      %dma_start3A_450 = tpu.memref_slice %arg17[%dma_start3A_448, %dma_start3A_449] : memref<10240x16xf32, #tpu.memory_space<vmem_shared>> -> memref<10240x16xf32, #tpu.memory_space<vmem_shared>>
      tpu.enqueue_indirect_dma source(%dma_start3A_444 : memref<125x16xf32, #tpu.memory_space<vmem>>) target(%dma_start3A_450 : memref<10240x16xf32, #tpu.memory_space<vmem_shared>>) offsets(%dma_start3A_447 : memref<125xi32, #tpu.memory_space<vmem>>) semaphore(%run_scoped3A_440 : memref<!tpu.dma_semaphore, #tpu.memory_space<semaphore_mem>>) {add = true}
      %dma_wait3A_451 = arith.constant 0 : i32
      %dma_wait3A_452 = arith.constant 0 : i32
      %dma_wait3A_453 = tpu.memref_slice %arg14[%run_scoped3A_266, %dma_wait3A_451, %dma_wait3A_452] : memref<2x125x16xf32, #tpu.memory_space<vmem>> -> memref<1x125x16xf32, #tpu.memory_space<vmem>>
      %dma_wait3A_454 = tpu.memref_squeeze %dma_wait3A_453 : memref<1x125x16xf32, #tpu.memory_space<vmem>> -> memref<125x16xf32, #tpu.memory_space<vmem>>
      %dma_wait3A_455 = arith.constant 0 : i32
      %dma_wait3A_456 = tpu.memref_slice %arg10[%run_scoped3A_267, %dma_wait3A_455] : memref<80x125xi32, #tpu.memory_space<vmem>> -> memref<1x125xi32, #tpu.memory_space<vmem>>
      %dma_wait3A_457 = tpu.memref_squeeze %dma_wait3A_456 : memref<1x125xi32, #tpu.memory_space<vmem>> -> memref<125xi32, #tpu.memory_space<vmem>>
      %dma_wait3A_458 = arith.constant 0 : i32
      %dma_wait3A_459 = arith.constant 0 : i32
      %dma_wait3A_460 = tpu.memref_slice %arg17[%dma_wait3A_458, %dma_wait3A_459] : memref<10240x16xf32, #tpu.memory_space<vmem_shared>> -> memref<10240x16xf32, #tpu.memory_space<vmem_shared>>
      tpu.wait_indirect_dma semaphore(%run_scoped3A_440 : memref<!tpu.dma_semaphore, #tpu.memory_space<semaphore_mem>>) src(%dma_wait3A_454 : memref<125x16xf32, #tpu.memory_space<vmem>>) dst(%dma_wait3A_460 : memref<10240x16xf32, #tpu.memory_space<vmem_shared>>)
      tpu.yield
    }) : () -> ()
    %scan3A_268 = arith.constant 1 : i32
    %scan3A_269 = arith.constant 38 : i32
    %scan3A_270 = arith.addi %scan3A_268, %scan3A_269 : i32
    %scan3A_271 = arith.constant 1 : i32
    scf.for %scan3A_440 = %scan3A_268 to %scan3A_270 step %scan3A_271  : i32 {
      %mul3A_441 = arith.constant 2 : i32
      %mul3A_442 = arith.muli %mul3A_441, %scan3A_440 : i32
      %add3A_443 = arith.constant 0 : i32
      %add3A_444 = arith.addi %mul3A_442, %add3A_443 : i32
      %mul3A_445 = arith.constant 125 : i32
      %mul3A_446 = arith.muli %add3A_444, %mul3A_445 : i32
      %add3A_447 = arith.addi %mul3A_2, %mul3A_446 : i32
      %mul3A_448 = arith.constant 16 : i32
      %mul3A_449 = arith.muli %add3A_447, %mul3A_448 : i32
      %dma_wait3A_450 = arith.constant 0 : i32
      %dma_wait3A_451 = arith.constant 0 : i32
      %dma_wait3A_452 = tpu.memref_slice %arg13[%dma_wait3A_450, %dma_wait3A_451] : memref<2x2000xf32, #tpu.memory_space<vmem>> -> memref<1x2000xf32, #tpu.memory_space<vmem>>
      %dma_wait3A_453 = tpu.memref_squeeze %dma_wait3A_452 : memref<1x2000xf32, #tpu.memory_space<vmem>> -> memref<2000xf32, #tpu.memory_space<vmem>>
      %dma_wait3A_454 = tpu.memref_slice %arg6[%mul3A_449] : memref<5120000xf32, #tpu.memory_space<hbm>> -> memref<2000xf32, #tpu.memory_space<hbm>>
      %dma_wait3A_455 = arith.constant 0 : i32
      %dma_wait3A_456 = tpu.memref_slice %arg13[%dma_wait3A_450, %dma_wait3A_455] : memref<2x2000xf32, #tpu.memory_space<vmem>> -> memref<1x2000xf32, #tpu.memory_space<vmem>>
      %dma_wait3A_457 = tpu.memref_squeeze %dma_wait3A_456 : memref<1x2000xf32, #tpu.memory_space<vmem>> -> memref<2000xf32, #tpu.memory_space<vmem>>
      %dma_wait3A_458 = tpu.memref_slice %arg6[%mul3A_449] : memref<5120000xf32, #tpu.memory_space<hbm>> -> memref<2000xf32, #tpu.memory_space<hbm>>
      tpu.wait_dma2 semaphore(%arg18 : memref<!tpu.dma_semaphore, #tpu.memory_space<semaphore_mem>>) src(%dma_wait3A_458 : memref<2000xf32, #tpu.memory_space<hbm>>) dst(%dma_wait3A_457 : memref<2000xf32, #tpu.memory_space<vmem>>)
      %dma_wait3A_459 = arith.constant 0 : i32
      %dma_wait3A_460 = arith.constant 0 : i32
      %dma_wait3A_461 = arith.constant 0 : i32
      %dma_wait3A_462 = tpu.memref_slice %arg11[%dma_wait3A_459, %dma_wait3A_460, %dma_wait3A_461] : memref<2x125x16xf32, #tpu.memory_space<vmem>> -> memref<1x125x16xf32, #tpu.memory_space<vmem>>
      %dma_wait3A_463 = tpu.memref_squeeze %dma_wait3A_462 : memref<1x125x16xf32, #tpu.memory_space<vmem>> -> memref<125x16xf32, #tpu.memory_space<vmem>>
      %dma_wait3A_464 = arith.constant 0 : i32
      %dma_wait3A_465 = tpu.memref_slice %arg9[%add3A_444, %dma_wait3A_464] : memref<80x125xi32, #tpu.memory_space<vmem>> -> memref<1x125xi32, #tpu.memory_space<vmem>>
      %dma_wait3A_466 = tpu.memref_squeeze %dma_wait3A_465 : memref<1x125xi32, #tpu.memory_space<vmem>> -> memref<125xi32, #tpu.memory_space<vmem>>
      %dma_wait3A_467 = arith.constant 0 : i32
      %dma_wait3A_468 = arith.constant 0 : i32
      %dma_wait3A_469 = tpu.memref_slice %arg4[%dma_wait3A_467, %dma_wait3A_468] : memref<10000x16xf32, #tpu.memory_space<hbm>> -> memref<10000x16xf32, #tpu.memory_space<hbm>>
      tpu.wait_indirect_dma semaphore(%arg18 : memref<!tpu.dma_semaphore, #tpu.memory_space<semaphore_mem>>) src(%dma_wait3A_469 : memref<10000x16xf32, #tpu.memory_space<hbm>>) dst(%dma_wait3A_463 : memref<125x16xf32, #tpu.memory_space<vmem>>)
      %dma_wait3A_470 = arith.constant 0 : i32
      %dma_wait3A_471 = arith.constant 0 : i32
      %dma_wait3A_472 = arith.constant 0 : i32
      %dma_wait3A_473 = tpu.memref_slice %arg12[%dma_wait3A_470, %dma_wait3A_471, %dma_wait3A_472] : memref<2x125x16xf32, #tpu.memory_space<vmem>> -> memref<1x125x16xf32, #tpu.memory_space<vmem>>
      %dma_wait3A_474 = tpu.memref_squeeze %dma_wait3A_473 : memref<1x125x16xf32, #tpu.memory_space<vmem>> -> memref<125x16xf32, #tpu.memory_space<vmem>>
      %dma_wait3A_475 = arith.constant 0 : i32
      %dma_wait3A_476 = tpu.memref_slice %arg10[%add3A_444, %dma_wait3A_475] : memref<80x125xi32, #tpu.memory_space<vmem>> -> memref<1x125xi32, #tpu.memory_space<vmem>>
      %dma_wait3A_477 = tpu.memref_squeeze %dma_wait3A_476 : memref<1x125xi32, #tpu.memory_space<vmem>> -> memref<125xi32, #tpu.memory_space<vmem>>
      %dma_wait3A_478 = arith.constant 0 : i32
      %dma_wait3A_479 = arith.constant 0 : i32
      %dma_wait3A_480 = tpu.memref_slice %arg5[%dma_wait3A_478, %dma_wait3A_479] : memref<10000x16xf32, #tpu.memory_space<hbm>> -> memref<10000x16xf32, #tpu.memory_space<hbm>>
      tpu.wait_indirect_dma semaphore(%arg18 : memref<!tpu.dma_semaphore, #tpu.memory_space<semaphore_mem>>) src(%dma_wait3A_480 : memref<10000x16xf32, #tpu.memory_space<hbm>>) dst(%dma_wait3A_474 : memref<125x16xf32, #tpu.memory_space<vmem>>)
      %sub3A = arith.constant 2 : i32
      %sub3A_481 = arith.subi %add3A_444, %sub3A : i32
      %mul3A_482 = arith.constant 125 : i32
      %mul3A_483 = arith.muli %sub3A_481, %mul3A_482 : i32
      %add3A_484 = arith.addi %mul3A_2, %mul3A_483 : i32
      %mul3A_485 = arith.constant 16 : i32
      %mul3A_486 = arith.muli %add3A_484, %mul3A_485 : i32
      %dma_wait3A_487 = arith.constant 0 : i32
      %dma_wait3A_488 = arith.constant 0 : i32
      %dma_wait3A_489 = tpu.memref_slice %arg15[%dma_wait3A_487, %dma_wait3A_488] : memref<2x2000xf32, #tpu.memory_space<vmem>> -> memref<1x2000xf32, #tpu.memory_space<vmem>>
      %dma_wait3A_490 = tpu.memref_squeeze %dma_wait3A_489 : memref<1x2000xf32, #tpu.memory_space<vmem>> -> memref<2000xf32, #tpu.memory_space<vmem>>
      %dma_wait3A_491 = tpu.memref_slice %arg7[%mul3A_486] : memref<5120000xf32, #tpu.memory_space<hbm>> -> memref<2000xf32, #tpu.memory_space<hbm>>
      %dma_wait3A_492 = tpu.memref_slice %arg7[%mul3A_486] : memref<5120000xf32, #tpu.memory_space<hbm>> -> memref<2000xf32, #tpu.memory_space<hbm>>
      %dma_wait3A_493 = arith.constant 0 : i32
      %dma_wait3A_494 = tpu.memref_slice %arg15[%dma_wait3A_487, %dma_wait3A_493] : memref<2x2000xf32, #tpu.memory_space<vmem>> -> memref<1x2000xf32, #tpu.memory_space<vmem>>
      %dma_wait3A_495 = tpu.memref_squeeze %dma_wait3A_494 : memref<1x2000xf32, #tpu.memory_space<vmem>> -> memref<2000xf32, #tpu.memory_space<vmem>>
      tpu.wait_dma2 semaphore(%arg20 : memref<!tpu.dma_semaphore, #tpu.memory_space<semaphore_mem>>) src(%dma_wait3A_495 : memref<2000xf32, #tpu.memory_space<vmem>>) dst(%dma_wait3A_492 : memref<2000xf32, #tpu.memory_space<hbm>>)
      %scan3A_496 = arith.constant 0 : i32
      %scan3A_497 = arith.constant 125 : i32
      %scan3A_498 = arith.addi %scan3A_496, %scan3A_497 : i32
      %scan3A_499 = arith.constant 1 : i32
      scf.for %scan3A_668 = %scan3A_496 to %scan3A_498 step %scan3A_499  : i32 {
        %get3A = arith.constant 0 : i32
        %get3A_669 = arith.index_cast %get3A : i32 to index
        %get3A_670 = arith.index_cast %scan3A_668 : i32 to index
        %get3A_671 = arith.constant 0 : index
        %get3A_672 = tpu.vector_load %arg11[%get3A_669, %get3A_670, %get3A_671] {strides = array<i32>} : memref<2x125x16xf32, #tpu.memory_space<vmem>>, vector<1x1x16xf32>,
        %get3A_673 = vector.shape_cast %get3A_672 : vector<1x1x16xf32> to vector<16xf32>
        %get3A_674 = arith.constant 0 : i32
        %get3A_675 = arith.index_cast %get3A_674 : i32 to index
        %get3A_676 = arith.index_cast %scan3A_668 : i32 to index
        %get3A_677 = arith.constant 0 : index
        %get3A_678 = tpu.vector_load %arg12[%get3A_675, %get3A_676, %get3A_677] {strides = array<i32>} : memref<2x125x16xf32, #tpu.memory_space<vmem>>, vector<1x1x16xf32>,
        %get3A_679 = vector.shape_cast %get3A_678 : vector<1x1x16xf32> to vector<16xf32>
        %add3A_680 = arith.addf %get3A_673, %get3A_679 : vector<16xf32>
        %mul3A_681 = arith.constant 16 : i32
        %mul3A_682 = arith.muli %scan3A_668, %mul3A_681 : i32
        %get3A_683 = arith.constant 0 : i32
        %get3A_684 = arith.index_cast %get3A_683 : i32 to index
        %get3A_685 = arith.index_cast %mul3A_682 : i32 to index
        %get3A_686 = tpu.vector_load %arg13[%get3A_684, %get3A_685] {strides = array<i32>} : memref<2x2000xf32, #tpu.memory_space<vmem>>, vector<1x16xf32>,
        %get3A_687 = vector.shape_cast %get3A_686 : vector<1x16xf32> to vector<16xf32>
        %add3A_688 = arith.addf %add3A_680, %get3A_687 : vector<16xf32>
        %max3A = arith.constant 0.000000e+00 : f32
        %max3A_689 = vector.broadcast %max3A : f32 to vector<16xf32>
        %max3A_690 = arith.maximumf %add3A_688, %max3A_689 : vector<16xf32>
        %swap3A = arith.constant 0 : i32
        %swap3A_691 = arith.index_cast %swap3A : i32 to index
        %swap3A_692 = arith.index_cast %scan3A_668 : i32 to index
        %swap3A_693 = arith.constant 0 : index
        %swap3A_694 = tpu.vector_load %arg14[%swap3A_691, %swap3A_692, %swap3A_693] {strides = array<i32>} : memref<2x125x16xf32, #tpu.memory_space<vmem>>, vector<1x1x16xf32>,
        %swap3A_695 = vector.shape_cast %swap3A_694 : vector<1x1x16xf32> to vector<16xf32>
        %swap3A_696 = vector.shape_cast %max3A_690 : vector<16xf32> to vector<1x1x16xf32>
        tpu.vector_store %arg14[%swap3A_691, %swap3A_692, %swap3A_693], %swap3A_696 {strides = array<i32>} : memref<2x125x16xf32, #tpu.memory_space<vmem>>, vector<1x1x16xf32>,
        %mul3A_697 = arith.constant 16 : i32
        %mul3A_698 = arith.muli %scan3A_668, %mul3A_697 : i32
        %swap3A_699 = arith.constant 0 : i32
        %swap3A_700 = arith.index_cast %swap3A_699 : i32 to index
        %swap3A_701 = arith.index_cast %mul3A_698 : i32 to index
        %swap3A_702 = tpu.vector_load %arg15[%swap3A_700, %swap3A_701] {strides = array<i32>} : memref<2x2000xf32, #tpu.memory_space<vmem>>, vector<1x16xf32>,
        %swap3A_703 = vector.shape_cast %swap3A_702 : vector<1x16xf32> to vector<16xf32>
        %swap3A_704 = vector.shape_cast %max3A_690 : vector<16xf32> to vector<1x16xf32>
        tpu.vector_store %arg15[%swap3A_700, %swap3A_701], %swap3A_704 {strides = array<i32>} : memref<2x2000xf32, #tpu.memory_space<vmem>>, vector<1x16xf32>,
      }
      %scan3A_500 = arith.constant 125 : i32
      %add3A_501 = arith.constant 2 : i32
      %add3A_502 = arith.addi %add3A_444, %add3A_501 : i32
      %mul3A_503 = arith.constant 125 : i32
      %mul3A_504 = arith.muli %add3A_502, %mul3A_503 : i32
      %add3A_505 = arith.addi %mul3A_2, %mul3A_504 : i32
      %mul3A_506 = arith.constant 16 : i32
      %mul3A_507 = arith.muli %add3A_505, %mul3A_506 : i32
      %dma_start3A_508 = arith.constant 0 : i32
      %dma_start3A_509 = arith.constant 0 : i32
      %dma_start3A_510 = tpu.memref_slice %arg13[%dma_start3A_508, %dma_start3A_509] : memref<2x2000xf32, #tpu.memory_space<vmem>> -> memref<1x2000xf32, #tpu.memory_space<vmem>>
      %dma_start3A_511 = tpu.memref_squeeze %dma_start3A_510 : memref<1x2000xf32, #tpu.memory_space<vmem>> -> memref<2000xf32, #tpu.memory_space<vmem>>
      %dma_start3A_512 = tpu.memref_slice %arg6[%mul3A_507] : memref<5120000xf32, #tpu.memory_space<hbm>> -> memref<2000xf32, #tpu.memory_space<hbm>>
      %dma_start3A_513 = arith.constant 0 : i32
      %dma_start3A_514 = tpu.memref_slice %arg13[%dma_start3A_508, %dma_start3A_513] : memref<2x2000xf32, #tpu.memory_space<vmem>> -> memref<1x2000xf32, #tpu.memory_space<vmem>>
      %dma_start3A_515 = tpu.memref_squeeze %dma_start3A_514 : memref<1x2000xf32, #tpu.memory_space<vmem>> -> memref<2000xf32, #tpu.memory_space<vmem>>
      %dma_start3A_516 = tpu.memref_slice %arg6[%mul3A_507] : memref<5120000xf32, #tpu.memory_space<hbm>> -> memref<2000xf32, #tpu.memory_space<hbm>>
      tpu.enqueue_dma source(%dma_start3A_516 : memref<2000xf32, #tpu.memory_space<hbm>>) target(%dma_start3A_515 : memref<2000xf32, #tpu.memory_space<vmem>>) target_semaphore(%arg18 : memref<!tpu.dma_semaphore, #tpu.memory_space<semaphore_mem>>)
      %dma_start3A_517 = arith.constant 0 : i32
      %dma_start3A_518 = arith.constant 0 : i32
      %dma_start3A_519 = arith.constant 0 : i32
      %dma_start3A_520 = tpu.memref_slice %arg11[%dma_start3A_517, %dma_start3A_518, %dma_start3A_519] : memref<2x125x16xf32, #tpu.memory_space<vmem>> -> memref<1x125x16xf32, #tpu.memory_space<vmem>>
      %dma_start3A_521 = tpu.memref_squeeze %dma_start3A_520 : memref<1x125x16xf32, #tpu.memory_space<vmem>> -> memref<125x16xf32, #tpu.memory_space<vmem>>
      %dma_start3A_522 = arith.constant 0 : i32
      %dma_start3A_523 = tpu.memref_slice %arg9[%add3A_502, %dma_start3A_522] : memref<80x125xi32, #tpu.memory_space<vmem>> -> memref<1x125xi32, #tpu.memory_space<vmem>>
      %dma_start3A_524 = tpu.memref_squeeze %dma_start3A_523 : memref<1x125xi32, #tpu.memory_space<vmem>> -> memref<125xi32, #tpu.memory_space<vmem>>
      %dma_start3A_525 = arith.constant 0 : i32
      %dma_start3A_526 = arith.constant 0 : i32
      %dma_start3A_527 = tpu.memref_slice %arg4[%dma_start3A_525, %dma_start3A_526] : memref<10000x16xf32, #tpu.memory_space<hbm>> -> memref<10000x16xf32, #tpu.memory_space<hbm>>
      tpu.enqueue_indirect_dma source(%dma_start3A_527 : memref<10000x16xf32, #tpu.memory_space<hbm>>) target(%dma_start3A_521 : memref<125x16xf32, #tpu.memory_space<vmem>>) offsets(%dma_start3A_524 : memref<125xi32, #tpu.memory_space<vmem>>) semaphore(%arg18 : memref<!tpu.dma_semaphore, #tpu.memory_space<semaphore_mem>>)
      %dma_start3A_528 = arith.constant 0 : i32
      %dma_start3A_529 = arith.constant 0 : i32
      %dma_start3A_530 = arith.constant 0 : i32
      %dma_start3A_531 = tpu.memref_slice %arg12[%dma_start3A_528, %dma_start3A_529, %dma_start3A_530] : memref<2x125x16xf32, #tpu.memory_space<vmem>> -> memref<1x125x16xf32, #tpu.memory_space<vmem>>
      %dma_start3A_532 = tpu.memref_squeeze %dma_start3A_531 : memref<1x125x16xf32, #tpu.memory_space<vmem>> -> memref<125x16xf32, #tpu.memory_space<vmem>>
      %dma_start3A_533 = arith.constant 0 : i32
      %dma_start3A_534 = tpu.memref_slice %arg10[%add3A_502, %dma_start3A_533] : memref<80x125xi32, #tpu.memory_space<vmem>> -> memref<1x125xi32, #tpu.memory_space<vmem>>
      %dma_start3A_535 = tpu.memref_squeeze %dma_start3A_534 : memref<1x125xi32, #tpu.memory_space<vmem>> -> memref<125xi32, #tpu.memory_space<vmem>>
      %dma_start3A_536 = arith.constant 0 : i32
      %dma_start3A_537 = arith.constant 0 : i32
      %dma_start3A_538 = tpu.memref_slice %arg5[%dma_start3A_536, %dma_start3A_537] : memref<10000x16xf32, #tpu.memory_space<hbm>> -> memref<10000x16xf32, #tpu.memory_space<hbm>>
      tpu.enqueue_indirect_dma source(%dma_start3A_538 : memref<10000x16xf32, #tpu.memory_space<hbm>>) target(%dma_start3A_532 : memref<125x16xf32, #tpu.memory_space<vmem>>) offsets(%dma_start3A_535 : memref<125xi32, #tpu.memory_space<vmem>>) semaphore(%arg18 : memref<!tpu.dma_semaphore, #tpu.memory_space<semaphore_mem>>)
      %mul3A_539 = arith.constant 125 : i32
      %mul3A_540 = arith.muli %add3A_444, %mul3A_539 : i32
      %add3A_541 = arith.addi %mul3A_2, %mul3A_540 : i32
      %mul3A_542 = arith.constant 16 : i32
      %mul3A_543 = arith.muli %add3A_541, %mul3A_542 : i32
      %dma_start3A_544 = arith.constant 0 : i32
      %dma_start3A_545 = arith.constant 0 : i32
      %dma_start3A_546 = tpu.memref_slice %arg15[%dma_start3A_544, %dma_start3A_545] : memref<2x2000xf32, #tpu.memory_space<vmem>> -> memref<1x2000xf32, #tpu.memory_space<vmem>>
      %dma_start3A_547 = tpu.memref_squeeze %dma_start3A_546 : memref<1x2000xf32, #tpu.memory_space<vmem>> -> memref<2000xf32, #tpu.memory_space<vmem>>
      %dma_start3A_548 = tpu.memref_slice %arg7[%mul3A_543] : memref<5120000xf32, #tpu.memory_space<hbm>> -> memref<2000xf32, #tpu.memory_space<hbm>>
      %dma_start3A_549 = tpu.memref_slice %arg7[%mul3A_543] : memref<5120000xf32, #tpu.memory_space<hbm>> -> memref<2000xf32, #tpu.memory_space<hbm>>
      %dma_start3A_550 = arith.constant 0 : i32
      %dma_start3A_551 = tpu.memref_slice %arg15[%dma_start3A_544, %dma_start3A_550] : memref<2x2000xf32, #tpu.memory_space<vmem>> -> memref<1x2000xf32, #tpu.memory_space<vmem>>
      %dma_start3A_552 = tpu.memref_squeeze %dma_start3A_551 : memref<1x2000xf32, #tpu.memory_space<vmem>> -> memref<2000xf32, #tpu.memory_space<vmem>>
      tpu.enqueue_dma source(%dma_start3A_552 : memref<2000xf32, #tpu.memory_space<vmem>>) target(%dma_start3A_549 : memref<2000xf32, #tpu.memory_space<hbm>>) target_semaphore(%arg20 : memref<!tpu.dma_semaphore, #tpu.memory_space<semaphore_mem>>)
      %run_scoped3A_553 = arith.constant 0 : i32
      "tpu.region"() ({
        %run_scoped3A_668 = tpu.sem_alloc : memref<!tpu.dma_semaphore, #tpu.memory_space<semaphore_mem>>
        %dma_start3A_669 = arith.constant 0 : i32
        %dma_start3A_670 = arith.constant 0 : i32
        %dma_start3A_671 = tpu.memref_slice %arg14[%run_scoped3A_553, %dma_start3A_669, %dma_start3A_670] : memref<2x125x16xf32, #tpu.memory_space<vmem>> -> memref<1x125x16xf32, #tpu.memory_space<vmem>>
        %dma_start3A_672 = tpu.memref_squeeze %dma_start3A_671 : memref<1x125x16xf32, #tpu.memory_space<vmem>> -> memref<125x16xf32, #tpu.memory_space<vmem>>
        %dma_start3A_673 = arith.constant 0 : i32
        %dma_start3A_674 = tpu.memref_slice %arg10[%add3A_444, %dma_start3A_673] : memref<80x125xi32, #tpu.memory_space<vmem>> -> memref<1x125xi32, #tpu.memory_space<vmem>>
        %dma_start3A_675 = tpu.memref_squeeze %dma_start3A_674 : memref<1x125xi32, #tpu.memory_space<vmem>> -> memref<125xi32, #tpu.memory_space<vmem>>
        %dma_start3A_676 = arith.constant 0 : i32
        %dma_start3A_677 = arith.constant 0 : i32
        %dma_start3A_678 = tpu.memref_slice %arg17[%dma_start3A_676, %dma_start3A_677] : memref<10240x16xf32, #tpu.memory_space<vmem_shared>> -> memref<10240x16xf32, #tpu.memory_space<vmem_shared>>
        tpu.enqueue_indirect_dma source(%dma_start3A_672 : memref<125x16xf32, #tpu.memory_space<vmem>>) target(%dma_start3A_678 : memref<10240x16xf32, #tpu.memory_space<vmem_shared>>) offsets(%dma_start3A_675 : memref<125xi32, #tpu.memory_space<vmem>>) semaphore(%run_scoped3A_668 : memref<!tpu.dma_semaphore, #tpu.memory_space<semaphore_mem>>) {add = true}
        %dma_wait3A_679 = arith.constant 0 : i32
        %dma_wait3A_680 = arith.constant 0 : i32
        %dma_wait3A_681 = tpu.memref_slice %arg14[%run_scoped3A_553, %dma_wait3A_679, %dma_wait3A_680] : memref<2x125x16xf32, #tpu.memory_space<vmem>> -> memref<1x125x16xf32, #tpu.memory_space<vmem>>
        %dma_wait3A_682 = tpu.memref_squeeze %dma_wait3A_681 : memref<1x125x16xf32, #tpu.memory_space<vmem>> -> memref<125x16xf32, #tpu.memory_space<vmem>>
        %dma_wait3A_683 = arith.constant 0 : i32
        %dma_wait3A_684 = tpu.memref_slice %arg10[%add3A_444, %dma_wait3A_683] : memref<80x125xi32, #tpu.memory_space<vmem>> -> memref<1x125xi32, #tpu.memory_space<vmem>>
        %dma_wait3A_685 = tpu.memref_squeeze %dma_wait3A_684 : memref<1x125xi32, #tpu.memory_space<vmem>> -> memref<125xi32, #tpu.memory_space<vmem>>
        %dma_wait3A_686 = arith.constant 0 : i32
        %dma_wait3A_687 = arith.constant 0 : i32
        %dma_wait3A_688 = tpu.memref_slice %arg17[%dma_wait3A_686, %dma_wait3A_687] : memref<10240x16xf32, #tpu.memory_space<vmem_shared>> -> memref<10240x16xf32, #tpu.memory_space<vmem_shared>>
        tpu.wait_indirect_dma semaphore(%run_scoped3A_668 : memref<!tpu.dma_semaphore, #tpu.memory_space<semaphore_mem>>) src(%dma_wait3A_682 : memref<125x16xf32, #tpu.memory_space<vmem>>) dst(%dma_wait3A_688 : memref<10240x16xf32, #tpu.memory_space<vmem_shared>>)
        tpu.yield
      }) : () -> ()
      %mul3A_554 = arith.constant 2 : i32
      %mul3A_555 = arith.muli %mul3A_554, %scan3A_440 : i32
      %add3A_556 = arith.constant 1 : i32
      %add3A_557 = arith.addi %mul3A_555, %add3A_556 : i32
      %mul3A_558 = arith.constant 125 : i32
      %mul3A_559 = arith.muli %add3A_557, %mul3A_558 : i32
      %add3A_560 = arith.addi %mul3A_2, %mul3A_559 : i32
      %mul3A_561 = arith.constant 16 : i32
      %mul3A_562 = arith.muli %add3A_560, %mul3A_561 : i32
      %dma_wait3A_563 = arith.constant 1 : i32
      %dma_wait3A_564 = arith.constant 0 : i32
      %dma_wait3A_565 = tpu.memref_slice %arg13[%dma_wait3A_563, %dma_wait3A_564] : memref<2x2000xf32, #tpu.memory_space<vmem>> -> memref<1x2000xf32, #tpu.memory_space<vmem>>
      %dma_wait3A_566 = tpu.memref_squeeze %dma_wait3A_565 : memref<1x2000xf32, #tpu.memory_space<vmem>> -> memref<2000xf32, #tpu.memory_space<vmem>>
      %dma_wait3A_567 = tpu.memref_slice %arg6[%mul3A_562] : memref<5120000xf32, #tpu.memory_space<hbm>> -> memref<2000xf32, #tpu.memory_space<hbm>>
      %dma_wait3A_568 = arith.constant 0 : i32
      %dma_wait3A_569 = tpu.memref_slice %arg13[%dma_wait3A_563, %dma_wait3A_568] : memref<2x2000xf32, #tpu.memory_space<vmem>> -> memref<1x2000xf32, #tpu.memory_space<vmem>>
      %dma_wait3A_570 = tpu.memref_squeeze %dma_wait3A_569 : memref<1x2000xf32, #tpu.memory_space<vmem>> -> memref<2000xf32, #tpu.memory_space<vmem>>
      %dma_wait3A_571 = tpu.memref_slice %arg6[%mul3A_562] : memref<5120000xf32, #tpu.memory_space<hbm>> -> memref<2000xf32, #tpu.memory_space<hbm>>
      tpu.wait_dma2 semaphore(%arg19 : memref<!tpu.dma_semaphore, #tpu.memory_space<semaphore_mem>>) src(%dma_wait3A_571 : memref<2000xf32, #tpu.memory_space<hbm>>) dst(%dma_wait3A_570 : memref<2000xf32, #tpu.memory_space<vmem>>)
      %dma_wait3A_572 = arith.constant 1 : i32
      %dma_wait3A_573 = arith.constant 0 : i32
      %dma_wait3A_574 = arith.constant 0 : i32
      %dma_wait3A_575 = tpu.memref_slice %arg11[%dma_wait3A_572, %dma_wait3A_573, %dma_wait3A_574] : memref<2x125x16xf32, #tpu.memory_space<vmem>> -> memref<1x125x16xf32, #tpu.memory_space<vmem>>
      %dma_wait3A_576 = tpu.memref_squeeze %dma_wait3A_575 : memref<1x125x16xf32, #tpu.memory_space<vmem>> -> memref<125x16xf32, #tpu.memory_space<vmem>>
      %dma_wait3A_577 = arith.constant 0 : i32
      %dma_wait3A_578 = tpu.memref_slice %arg9[%add3A_557, %dma_wait3A_577] : memref<80x125xi32, #tpu.memory_space<vmem>> -> memref<1x125xi32, #tpu.memory_space<vmem>>
      %dma_wait3A_579 = tpu.memref_squeeze %dma_wait3A_578 : memref<1x125xi32, #tpu.memory_space<vmem>> -> memref<125xi32, #tpu.memory_space<vmem>>
      %dma_wait3A_580 = arith.constant 0 : i32
      %dma_wait3A_581 = arith.constant 0 : i32
      %dma_wait3A_582 = tpu.memref_slice %arg4[%dma_wait3A_580, %dma_wait3A_581] : memref<10000x16xf32, #tpu.memory_space<hbm>> -> memref<10000x16xf32, #tpu.memory_space<hbm>>
      tpu.wait_indirect_dma semaphore(%arg19 : memref<!tpu.dma_semaphore, #tpu.memory_space<semaphore_mem>>) src(%dma_wait3A_582 : memref<10000x16xf32, #tpu.memory_space<hbm>>) dst(%dma_wait3A_576 : memref<125x16xf32, #tpu.memory_space<vmem>>)
      %dma_wait3A_583 = arith.constant 1 : i32
      %dma_wait3A_584 = arith.constant 0 : i32
      %dma_wait3A_585 = arith.constant 0 : i32
      %dma_wait3A_586 = tpu.memref_slice %arg12[%dma_wait3A_583, %dma_wait3A_584, %dma_wait3A_585] : memref<2x125x16xf32, #tpu.memory_space<vmem>> -> memref<1x125x16xf32, #tpu.memory_space<vmem>>
      %dma_wait3A_587 = tpu.memref_squeeze %dma_wait3A_586 : memref<1x125x16xf32, #tpu.memory_space<vmem>> -> memref<125x16xf32, #tpu.memory_space<vmem>>
      %dma_wait3A_588 = arith.constant 0 : i32
      %dma_wait3A_589 = tpu.memref_slice %arg10[%add3A_557, %dma_wait3A_588] : memref<80x125xi32, #tpu.memory_space<vmem>> -> memref<1x125xi32, #tpu.memory_space<vmem>>
      %dma_wait3A_590 = tpu.memref_squeeze %dma_wait3A_589 : memref<1x125xi32, #tpu.memory_space<vmem>> -> memref<125xi32, #tpu.memory_space<vmem>>
      %dma_wait3A_591 = arith.constant 0 : i32
      %dma_wait3A_592 = arith.constant 0 : i32
      %dma_wait3A_593 = tpu.memref_slice %arg5[%dma_wait3A_591, %dma_wait3A_592] : memref<10000x16xf32, #tpu.memory_space<hbm>> -> memref<10000x16xf32, #tpu.memory_space<hbm>>
      tpu.wait_indirect_dma semaphore(%arg19 : memref<!tpu.dma_semaphore, #tpu.memory_space<semaphore_mem>>) src(%dma_wait3A_593 : memref<10000x16xf32, #tpu.memory_space<hbm>>) dst(%dma_wait3A_587 : memref<125x16xf32, #tpu.memory_space<vmem>>)
      %sub3A_594 = arith.constant 2 : i32
      %sub3A_595 = arith.subi %add3A_557, %sub3A_594 : i32
      %mul3A_596 = arith.constant 125 : i32
      %mul3A_597 = arith.muli %sub3A_595, %mul3A_596 : i32
      %add3A_598 = arith.addi %mul3A_2, %mul3A_597 : i32
      %mul3A_599 = arith.constant 16 : i32
      %mul3A_600 = arith.muli %add3A_598, %mul3A_599 : i32
      %dma_wait3A_601 = arith.constant 1 : i32
      %dma_wait3A_602 = arith.constant 0 : i32
      %dma_wait3A_603 = tpu.memref_slice %arg15[%dma_wait3A_601, %dma_wait3A_602] : memref<2x2000xf32, #tpu.memory_space<vmem>> -> memref<1x2000xf32, #tpu.memory_space<vmem>>
      %dma_wait3A_604 = tpu.memref_squeeze %dma_wait3A_603 : memref<1x2000xf32, #tpu.memory_space<vmem>> -> memref<2000xf32, #tpu.memory_space<vmem>>
      %dma_wait3A_605 = tpu.memref_slice %arg7[%mul3A_600] : memref<5120000xf32, #tpu.memory_space<hbm>> -> memref<2000xf32, #tpu.memory_space<hbm>>
      %dma_wait3A_606 = tpu.memref_slice %arg7[%mul3A_600] : memref<5120000xf32, #tpu.memory_space<hbm>> -> memref<2000xf32, #tpu.memory_space<hbm>>
      %dma_wait3A_607 = arith.constant 0 : i32
      %dma_wait3A_608 = tpu.memref_slice %arg15[%dma_wait3A_601, %dma_wait3A_607] : memref<2x2000xf32, #tpu.memory_space<vmem>> -> memref<1x2000xf32, #tpu.memory_space<vmem>>
      %dma_wait3A_609 = tpu.memref_squeeze %dma_wait3A_608 : memref<1x2000xf32, #tpu.memory_space<vmem>> -> memref<2000xf32, #tpu.memory_space<vmem>>
      tpu.wait_dma2 semaphore(%arg21 : memref<!tpu.dma_semaphore, #tpu.memory_space<semaphore_mem>>) src(%dma_wait3A_609 : memref<2000xf32, #tpu.memory_space<vmem>>) dst(%dma_wait3A_606 : memref<2000xf32, #tpu.memory_space<hbm>>)
      %scan3A_610 = arith.constant 0 : i32
      %scan3A_611 = arith.constant 125 : i32
      %scan3A_612 = arith.addi %scan3A_610, %scan3A_611 : i32
      %scan3A_613 = arith.constant 1 : i32
      scf.for %scan3A_668 = %scan3A_610 to %scan3A_612 step %scan3A_613  : i32 {
        %get3A = arith.constant 1 : i32
        %get3A_669 = arith.index_cast %get3A : i32 to index
        %get3A_670 = arith.index_cast %scan3A_668 : i32 to index
        %get3A_671 = arith.constant 0 : index
        %get3A_672 = tpu.vector_load %arg11[%get3A_669, %get3A_670, %get3A_671] {strides = array<i32>} : memref<2x125x16xf32, #tpu.memory_space<vmem>>, vector<1x1x16xf32>,
        %get3A_673 = vector.shape_cast %get3A_672 : vector<1x1x16xf32> to vector<16xf32>
        %get3A_674 = arith.constant 1 : i32
        %get3A_675 = arith.index_cast %get3A_674 : i32 to index
        %get3A_676 = arith.index_cast %scan3A_668 : i32 to index
        %get3A_677 = arith.constant 0 : index
        %get3A_678 = tpu.vector_load %arg12[%get3A_675, %get3A_676, %get3A_677] {strides = array<i32>} : memref<2x125x16xf32, #tpu.memory_space<vmem>>, vector<1x1x16xf32>,
        %get3A_679 = vector.shape_cast %get3A_678 : vector<1x1x16xf32> to vector<16xf32>
        %add3A_680 = arith.addf %get3A_673, %get3A_679 : vector<16xf32>
        %mul3A_681 = arith.constant 16 : i32
        %mul3A_682 = arith.muli %scan3A_668, %mul3A_681 : i32
        %get3A_683 = arith.constant 1 : i32
        %get3A_684 = arith.index_cast %get3A_683 : i32 to index
        %get3A_685 = arith.index_cast %mul3A_682 : i32 to index
        %get3A_686 = tpu.vector_load %arg13[%get3A_684, %get3A_685] {strides = array<i32>} : memref<2x2000xf32, #tpu.memory_space<vmem>>, vector<1x16xf32>,
        %get3A_687 = vector.shape_cast %get3A_686 : vector<1x16xf32> to vector<16xf32>
        %add3A_688 = arith.addf %add3A_680, %get3A_687 : vector<16xf32>
        %max3A = arith.constant 0.000000e+00 : f32
        %max3A_689 = vector.broadcast %max3A : f32 to vector<16xf32>
        %max3A_690 = arith.maximumf %add3A_688, %max3A_689 : vector<16xf32>
        %swap3A = arith.constant 1 : i32
        %swap3A_691 = arith.index_cast %swap3A : i32 to index
        %swap3A_692 = arith.index_cast %scan3A_668 : i32 to index
        %swap3A_693 = arith.constant 0 : index
        %swap3A_694 = tpu.vector_load %arg14[%swap3A_691, %swap3A_692, %swap3A_693] {strides = array<i32>} : memref<2x125x16xf32, #tpu.memory_space<vmem>>, vector<1x1x16xf32>,
        %swap3A_695 = vector.shape_cast %swap3A_694 : vector<1x1x16xf32> to vector<16xf32>
        %swap3A_696 = vector.shape_cast %max3A_690 : vector<16xf32> to vector<1x1x16xf32>
        tpu.vector_store %arg14[%swap3A_691, %swap3A_692, %swap3A_693], %swap3A_696 {strides = array<i32>} : memref<2x125x16xf32, #tpu.memory_space<vmem>>, vector<1x1x16xf32>,
        %mul3A_697 = arith.constant 16 : i32
        %mul3A_698 = arith.muli %scan3A_668, %mul3A_697 : i32
        %swap3A_699 = arith.constant 1 : i32
        %swap3A_700 = arith.index_cast %swap3A_699 : i32 to index
        %swap3A_701 = arith.index_cast %mul3A_698 : i32 to index
        %swap3A_702 = tpu.vector_load %arg15[%swap3A_700, %swap3A_701] {strides = array<i32>} : memref<2x2000xf32, #tpu.memory_space<vmem>>, vector<1x16xf32>,
        %swap3A_703 = vector.shape_cast %swap3A_702 : vector<1x16xf32> to vector<16xf32>
        %swap3A_704 = vector.shape_cast %max3A_690 : vector<16xf32> to vector<1x16xf32>
        tpu.vector_store %arg15[%swap3A_700, %swap3A_701], %swap3A_704 {strides = array<i32>} : memref<2x2000xf32, #tpu.memory_space<vmem>>, vector<1x16xf32>,
      }
      %scan3A_614 = arith.constant 125 : i32
      %add3A_615 = arith.constant 2 : i32
      %add3A_616 = arith.addi %add3A_557, %add3A_615 : i32
      %mul3A_617 = arith.constant 125 : i32
      %mul3A_618 = arith.muli %add3A_616, %mul3A_617 : i32
      %add3A_619 = arith.addi %mul3A_2, %mul3A_618 : i32
      %mul3A_620 = arith.constant 16 : i32
      %mul3A_621 = arith.muli %add3A_619, %mul3A_620 : i32
      %dma_start3A_622 = arith.constant 1 : i32
      %dma_start3A_623 = arith.constant 0 : i32
      %dma_start3A_624 = tpu.memref_slice %arg13[%dma_start3A_622, %dma_start3A_623] : memref<2x2000xf32, #tpu.memory_space<vmem>> -> memref<1x2000xf32, #tpu.memory_space<vmem>>
      %dma_start3A_625 = tpu.memref_squeeze %dma_start3A_624 : memref<1x2000xf32, #tpu.memory_space<vmem>> -> memref<2000xf32, #tpu.memory_space<vmem>>
      %dma_start3A_626 = tpu.memref_slice %arg6[%mul3A_621] : memref<5120000xf32, #tpu.memory_space<hbm>> -> memref<2000xf32, #tpu.memory_space<hbm>>
      %dma_start3A_627 = arith.constant 0 : i32
      %dma_start3A_628 = tpu.memref_slice %arg13[%dma_start3A_622, %dma_start3A_627] : memref<2x2000xf32, #tpu.memory_space<vmem>> -> memref<1x2000xf32, #tpu.memory_space<vmem>>
      %dma_start3A_629 = tpu.memref_squeeze %dma_start3A_628 : memref<1x2000xf32, #tpu.memory_space<vmem>> -> memref<2000xf32, #tpu.memory_space<vmem>>
      %dma_start3A_630 = tpu.memref_slice %arg6[%mul3A_621] : memref<5120000xf32, #tpu.memory_space<hbm>> -> memref<2000xf32, #tpu.memory_space<hbm>>
      tpu.enqueue_dma source(%dma_start3A_630 : memref<2000xf32, #tpu.memory_space<hbm>>) target(%dma_start3A_629 : memref<2000xf32, #tpu.memory_space<vmem>>) target_semaphore(%arg19 : memref<!tpu.dma_semaphore, #tpu.memory_space<semaphore_mem>>)
      %dma_start3A_631 = arith.constant 1 : i32
      %dma_start3A_632 = arith.constant 0 : i32
      %dma_start3A_633 = arith.constant 0 : i32
      %dma_start3A_634 = tpu.memref_slice %arg11[%dma_start3A_631, %dma_start3A_632, %dma_start3A_633] : memref<2x125x16xf32, #tpu.memory_space<vmem>> -> memref<1x125x16xf32, #tpu.memory_space<vmem>>
      %dma_start3A_635 = tpu.memref_squeeze %dma_start3A_634 : memref<1x125x16xf32, #tpu.memory_space<vmem>> -> memref<125x16xf32, #tpu.memory_space<vmem>>
      %dma_start3A_636 = arith.constant 0 : i32
      %dma_start3A_637 = tpu.memref_slice %arg9[%add3A_616, %dma_start3A_636] : memref<80x125xi32, #tpu.memory_space<vmem>> -> memref<1x125xi32, #tpu.memory_space<vmem>>
      %dma_start3A_638 = tpu.memref_squeeze %dma_start3A_637 : memref<1x125xi32, #tpu.memory_space<vmem>> -> memref<125xi32, #tpu.memory_space<vmem>>
      %dma_start3A_639 = arith.constant 0 : i32
      %dma_start3A_640 = arith.constant 0 : i32
      %dma_start3A_641 = tpu.memref_slice %arg4[%dma_start3A_639, %dma_start3A_640] : memref<10000x16xf32, #tpu.memory_space<hbm>> -> memref<10000x16xf32, #tpu.memory_space<hbm>>
      tpu.enqueue_indirect_dma source(%dma_start3A_641 : memref<10000x16xf32, #tpu.memory_space<hbm>>) target(%dma_start3A_635 : memref<125x16xf32, #tpu.memory_space<vmem>>) offsets(%dma_start3A_638 : memref<125xi32, #tpu.memory_space<vmem>>) semaphore(%arg19 : memref<!tpu.dma_semaphore, #tpu.memory_space<semaphore_mem>>)
      %dma_start3A_642 = arith.constant 1 : i32
      %dma_start3A_643 = arith.constant 0 : i32
      %dma_start3A_644 = arith.constant 0 : i32
      %dma_start3A_645 = tpu.memref_slice %arg12[%dma_start3A_642, %dma_start3A_643, %dma_start3A_644] : memref<2x125x16xf32, #tpu.memory_space<vmem>> -> memref<1x125x16xf32, #tpu.memory_space<vmem>>
      %dma_start3A_646 = tpu.memref_squeeze %dma_start3A_645 : memref<1x125x16xf32, #tpu.memory_space<vmem>> -> memref<125x16xf32, #tpu.memory_space<vmem>>
      %dma_start3A_647 = arith.constant 0 : i32
      %dma_start3A_648 = tpu.memref_slice %arg10[%add3A_616, %dma_start3A_647] : memref<80x125xi32, #tpu.memory_space<vmem>> -> memref<1x125xi32, #tpu.memory_space<vmem>>
      %dma_start3A_649 = tpu.memref_squeeze %dma_start3A_648 : memref<1x125xi32, #tpu.memory_space<vmem>> -> memref<125xi32, #tpu.memory_space<vmem>>
      %dma_start3A_650 = arith.constant 0 : i32
      %dma_start3A_651 = arith.constant 0 : i32
      %dma_start3A_652 = tpu.memref_slice %arg5[%dma_start3A_650, %dma_start3A_651] : memref<10000x16xf32, #tpu.memory_space<hbm>> -> memref<10000x16xf32, #tpu.memory_space<hbm>>
      tpu.enqueue_indirect_dma source(%dma_start3A_652 : memref<10000x16xf32, #tpu.memory_space<hbm>>) target(%dma_start3A_646 : memref<125x16xf32, #tpu.memory_space<vmem>>) offsets(%dma_start3A_649 : memref<125xi32, #tpu.memory_space<vmem>>) semaphore(%arg19 : memref<!tpu.dma_semaphore, #tpu.memory_space<semaphore_mem>>)
      %mul3A_653 = arith.constant 125 : i32
      %mul3A_654 = arith.muli %add3A_557, %mul3A_653 : i32
      %add3A_655 = arith.addi %mul3A_2, %mul3A_654 : i32
      %mul3A_656 = arith.constant 16 : i32
      %mul3A_657 = arith.muli %add3A_655, %mul3A_656 : i32
      %dma_start3A_658 = arith.constant 1 : i32
      %dma_start3A_659 = arith.constant 0 : i32
      %dma_start3A_660 = tpu.memref_slice %arg15[%dma_start3A_658, %dma_start3A_659] : memref<2x2000xf32, #tpu.memory_space<vmem>> -> memref<1x2000xf32, #tpu.memory_space<vmem>>
      %dma_start3A_661 = tpu.memref_squeeze %dma_start3A_660 : memref<1x2000xf32, #tpu.memory_space<vmem>> -> memref<2000xf32, #tpu.memory_space<vmem>>
      %dma_start3A_662 = tpu.memref_slice %arg7[%mul3A_657] : memref<5120000xf32, #tpu.memory_space<hbm>> -> memref<2000xf32, #tpu.memory_space<hbm>>
      %dma_start3A_663 = tpu.memref_slice %arg7[%mul3A_657] : memref<5120000xf32, #tpu.memory_space<hbm>> -> memref<2000xf32, #tpu.memory_space<hbm>>
      %dma_start3A_664 = arith.constant 0 : i32
      %dma_start3A_665 = tpu.memref_slice %arg15[%dma_start3A_658, %dma_start3A_664] : memref<2x2000xf32, #tpu.memory_space<vmem>> -> memref<1x2000xf32, #tpu.memory_space<vmem>>
      %dma_start3A_666 = tpu.memref_squeeze %dma_start3A_665 : memref<1x2000xf32, #tpu.memory_space<vmem>> -> memref<2000xf32, #tpu.memory_space<vmem>>
      tpu.enqueue_dma source(%dma_start3A_666 : memref<2000xf32, #tpu.memory_space<vmem>>) target(%dma_start3A_663 : memref<2000xf32, #tpu.memory_space<hbm>>) target_semaphore(%arg21 : memref<!tpu.dma_semaphore, #tpu.memory_space<semaphore_mem>>)
      %run_scoped3A_667 = arith.constant 1 : i32
      "tpu.region"() ({
        %run_scoped3A_668 = tpu.sem_alloc : memref<!tpu.dma_semaphore, #tpu.memory_space<semaphore_mem>>
        %dma_start3A_669 = arith.constant 0 : i32
        %dma_start3A_670 = arith.constant 0 : i32
        %dma_start3A_671 = tpu.memref_slice %arg14[%run_scoped3A_667, %dma_start3A_669, %dma_start3A_670] : memref<2x125x16xf32, #tpu.memory_space<vmem>> -> memref<1x125x16xf32, #tpu.memory_space<vmem>>
        %dma_start3A_672 = tpu.memref_squeeze %dma_start3A_671 : memref<1x125x16xf32, #tpu.memory_space<vmem>> -> memref<125x16xf32, #tpu.memory_space<vmem>>
        %dma_start3A_673 = arith.constant 0 : i32
        %dma_start3A_674 = tpu.memref_slice %arg10[%add3A_557, %dma_start3A_673] : memref<80x125xi32, #tpu.memory_space<vmem>> -> memref<1x125xi32, #tpu.memory_space<vmem>>
        %dma_start3A_675 = tpu.memref_squeeze %dma_start3A_674 : memref<1x125xi32, #tpu.memory_space<vmem>> -> memref<125xi32, #tpu.memory_space<vmem>>
        %dma_start3A_676 = arith.constant 0 : i32
        %dma_start3A_677 = arith.constant 0 : i32
        %dma_start3A_678 = tpu.memref_slice %arg17[%dma_start3A_676, %dma_start3A_677] : memref<10240x16xf32, #tpu.memory_space<vmem_shared>> -> memref<10240x16xf32, #tpu.memory_space<vmem_shared>>
        tpu.enqueue_indirect_dma source(%dma_start3A_672 : memref<125x16xf32, #tpu.memory_space<vmem>>) target(%dma_start3A_678 : memref<10240x16xf32, #tpu.memory_space<vmem_shared>>) offsets(%dma_start3A_675 : memref<125xi32, #tpu.memory_space<vmem>>) semaphore(%run_scoped3A_668 : memref<!tpu.dma_semaphore, #tpu.memory_space<semaphore_mem>>) {add = true}
        %dma_wait3A_679 = arith.constant 0 : i32
        %dma_wait3A_680 = arith.constant 0 : i32
        %dma_wait3A_681 = tpu.memref_slice %arg14[%run_scoped3A_667, %dma_wait3A_679, %dma_wait3A_680] : memref<2x125x16xf32, #tpu.memory_space<vmem>> -> memref<1x125x16xf32, #tpu.memory_space<vmem>>
        %dma_wait3A_682 = tpu.memref_squeeze %dma_wait3A_681 : memref<1x125x16xf32, #tpu.memory_space<vmem>> -> memref<125x16xf32, #tpu.memory_space<vmem>>
        %dma_wait3A_683 = arith.constant 0 : i32
        %dma_wait3A_684 = tpu.memref_slice %arg10[%add3A_557, %dma_wait3A_683] : memref<80x125xi32, #tpu.memory_space<vmem>> -> memref<1x125xi32, #tpu.memory_space<vmem>>
        %dma_wait3A_685 = tpu.memref_squeeze %dma_wait3A_684 : memref<1x125xi32, #tpu.memory_space<vmem>> -> memref<125xi32, #tpu.memory_space<vmem>>
        %dma_wait3A_686 = arith.constant 0 : i32
        %dma_wait3A_687 = arith.constant 0 : i32
        %dma_wait3A_688 = tpu.memref_slice %arg17[%dma_wait3A_686, %dma_wait3A_687] : memref<10240x16xf32, #tpu.memory_space<vmem_shared>> -> memref<10240x16xf32, #tpu.memory_space<vmem_shared>>
        tpu.wait_indirect_dma semaphore(%run_scoped3A_668 : memref<!tpu.dma_semaphore, #tpu.memory_space<semaphore_mem>>) src(%dma_wait3A_682 : memref<125x16xf32, #tpu.memory_space<vmem>>) dst(%dma_wait3A_688 : memref<10240x16xf32, #tpu.memory_space<vmem_shared>>)
        tpu.yield
      }) : () -> ()
    }
    %scan3A_272 = arith.constant 38 : i32
    %add3A_273 = arith.constant 9750 : i32
    %add3A_274 = arith.addi %mul3A_2, %add3A_273 : i32
    %mul3A_275 = arith.constant 16 : i32
    %mul3A_276 = arith.muli %add3A_274, %mul3A_275 : i32
    %dma_wait3A_277 = arith.constant 0 : i32
    %dma_wait3A_278 = arith.constant 0 : i32
    %dma_wait3A_279 = tpu.memref_slice %arg13[%dma_wait3A_277, %dma_wait3A_278] : memref<2x2000xf32, #tpu.memory_space<vmem>> -> memref<1x2000xf32, #tpu.memory_space<vmem>>
    %dma_wait3A_280 = tpu.memref_squeeze %dma_wait3A_279 : memref<1x2000xf32, #tpu.memory_space<vmem>> -> memref<2000xf32, #tpu.memory_space<vmem>>
    %dma_wait3A_281 = tpu.memref_slice %arg6[%mul3A_276] : memref<5120000xf32, #tpu.memory_space<hbm>> -> memref<2000xf32, #tpu.memory_space<hbm>>
    %dma_wait3A_282 = arith.constant 0 : i32
    %dma_wait3A_283 = tpu.memref_slice %arg13[%dma_wait3A_277, %dma_wait3A_282] : memref<2x2000xf32, #tpu.memory_space<vmem>> -> memref<1x2000xf32, #tpu.memory_space<vmem>>
    %dma_wait3A_284 = tpu.memref_squeeze %dma_wait3A_283 : memref<1x2000xf32, #tpu.memory_space<vmem>> -> memref<2000xf32, #tpu.memory_space<vmem>>
    %dma_wait3A_285 = tpu.memref_slice %arg6[%mul3A_276] : memref<5120000xf32, #tpu.memory_space<hbm>> -> memref<2000xf32, #tpu.memory_space<hbm>>
    tpu.wait_dma2 semaphore(%arg18 : memref<!tpu.dma_semaphore, #tpu.memory_space<semaphore_mem>>) src(%dma_wait3A_285 : memref<2000xf32, #tpu.memory_space<hbm>>) dst(%dma_wait3A_284 : memref<2000xf32, #tpu.memory_space<vmem>>)
    %dma_wait3A_286 = arith.constant 78 : i32
    %dma_wait3A_287 = arith.constant 0 : i32
    %dma_wait3A_288 = arith.constant 0 : i32
    %dma_wait3A_289 = arith.constant 0 : i32
    %dma_wait3A_290 = tpu.memref_slice %arg11[%dma_wait3A_287, %dma_wait3A_288, %dma_wait3A_289] : memref<2x125x16xf32, #tpu.memory_space<vmem>> -> memref<1x125x16xf32, #tpu.memory_space<vmem>>
    %dma_wait3A_291 = tpu.memref_squeeze %dma_wait3A_290 : memref<1x125x16xf32, #tpu.memory_space<vmem>> -> memref<125x16xf32, #tpu.memory_space<vmem>>
    %dma_wait3A_292 = arith.constant 0 : i32
    %dma_wait3A_293 = tpu.memref_slice %arg9[%dma_wait3A_286, %dma_wait3A_292] : memref<80x125xi32, #tpu.memory_space<vmem>> -> memref<1x125xi32, #tpu.memory_space<vmem>>
    %dma_wait3A_294 = tpu.memref_squeeze %dma_wait3A_293 : memref<1x125xi32, #tpu.memory_space<vmem>> -> memref<125xi32, #tpu.memory_space<vmem>>
    %dma_wait3A_295 = arith.constant 0 : i32
    %dma_wait3A_296 = arith.constant 0 : i32
    %dma_wait3A_297 = tpu.memref_slice %arg4[%dma_wait3A_295, %dma_wait3A_296] : memref<10000x16xf32, #tpu.memory_space<hbm>> -> memref<10000x16xf32, #tpu.memory_space<hbm>>
    tpu.wait_indirect_dma semaphore(%arg18 : memref<!tpu.dma_semaphore, #tpu.memory_space<semaphore_mem>>) src(%dma_wait3A_297 : memref<10000x16xf32, #tpu.memory_space<hbm>>) dst(%dma_wait3A_291 : memref<125x16xf32, #tpu.memory_space<vmem>>)
    %dma_wait3A_298 = arith.constant 78 : i32
    %dma_wait3A_299 = arith.constant 0 : i32
    %dma_wait3A_300 = arith.constant 0 : i32
    %dma_wait3A_301 = arith.constant 0 : i32
    %dma_wait3A_302 = tpu.memref_slice %arg12[%dma_wait3A_299, %dma_wait3A_300, %dma_wait3A_301] : memref<2x125x16xf32, #tpu.memory_space<vmem>> -> memref<1x125x16xf32, #tpu.memory_space<vmem>>
    %dma_wait3A_303 = tpu.memref_squeeze %dma_wait3A_302 : memref<1x125x16xf32, #tpu.memory_space<vmem>> -> memref<125x16xf32, #tpu.memory_space<vmem>>
    %dma_wait3A_304 = arith.constant 0 : i32
    %dma_wait3A_305 = tpu.memref_slice %arg10[%dma_wait3A_298, %dma_wait3A_304] : memref<80x125xi32, #tpu.memory_space<vmem>> -> memref<1x125xi32, #tpu.memory_space<vmem>>
    %dma_wait3A_306 = tpu.memref_squeeze %dma_wait3A_305 : memref<1x125xi32, #tpu.memory_space<vmem>> -> memref<125xi32, #tpu.memory_space<vmem>>
    %dma_wait3A_307 = arith.constant 0 : i32
    %dma_wait3A_308 = arith.constant 0 : i32
    %dma_wait3A_309 = tpu.memref_slice %arg5[%dma_wait3A_307, %dma_wait3A_308] : memref<10000x16xf32, #tpu.memory_space<hbm>> -> memref<10000x16xf32, #tpu.memory_space<hbm>>
    tpu.wait_indirect_dma semaphore(%arg18 : memref<!tpu.dma_semaphore, #tpu.memory_space<semaphore_mem>>) src(%dma_wait3A_309 : memref<10000x16xf32, #tpu.memory_space<hbm>>) dst(%dma_wait3A_303 : memref<125x16xf32, #tpu.memory_space<vmem>>)
    %add3A_310 = arith.constant 9500 : i32
    %add3A_311 = arith.addi %mul3A_2, %add3A_310 : i32
    %mul3A_312 = arith.constant 16 : i32
    %mul3A_313 = arith.muli %add3A_311, %mul3A_312 : i32
    %dma_wait3A_314 = arith.constant 0 : i32
    %dma_wait3A_315 = arith.constant 0 : i32
    %dma_wait3A_316 = tpu.memref_slice %arg15[%dma_wait3A_314, %dma_wait3A_315] : memref<2x2000xf32, #tpu.memory_space<vmem>> -> memref<1x2000xf32, #tpu.memory_space<vmem>>
    %dma_wait3A_317 = tpu.memref_squeeze %dma_wait3A_316 : memref<1x2000xf32, #tpu.memory_space<vmem>> -> memref<2000xf32, #tpu.memory_space<vmem>>
    %dma_wait3A_318 = tpu.memref_slice %arg7[%mul3A_313] : memref<5120000xf32, #tpu.memory_space<hbm>> -> memref<2000xf32, #tpu.memory_space<hbm>>
    %dma_wait3A_319 = tpu.memref_slice %arg7[%mul3A_313] : memref<5120000xf32, #tpu.memory_space<hbm>> -> memref<2000xf32, #tpu.memory_space<hbm>>
    %dma_wait3A_320 = arith.constant 0 : i32
    %dma_wait3A_321 = tpu.memref_slice %arg15[%dma_wait3A_314, %dma_wait3A_320] : memref<2x2000xf32, #tpu.memory_space<vmem>> -> memref<1x2000xf32, #tpu.memory_space<vmem>>
    %dma_wait3A_322 = tpu.memref_squeeze %dma_wait3A_321 : memref<1x2000xf32, #tpu.memory_space<vmem>> -> memref<2000xf32, #tpu.memory_space<vmem>>
    tpu.wait_dma2 semaphore(%arg20 : memref<!tpu.dma_semaphore, #tpu.memory_space<semaphore_mem>>) src(%dma_wait3A_322 : memref<2000xf32, #tpu.memory_space<vmem>>) dst(%dma_wait3A_319 : memref<2000xf32, #tpu.memory_space<hbm>>)
    %scan3A_323 = arith.constant 0 : i32
    %scan3A_324 = arith.constant 125 : i32
    %scan3A_325 = arith.addi %scan3A_323, %scan3A_324 : i32
    %scan3A_326 = arith.constant 1 : i32
    scf.for %scan3A_440 = %scan3A_323 to %scan3A_325 step %scan3A_326  : i32 {
      %get3A = arith.constant 0 : i32
      %get3A_441 = arith.index_cast %get3A : i32 to index
      %get3A_442 = arith.index_cast %scan3A_440 : i32 to index
      %get3A_443 = arith.constant 0 : index
      %get3A_444 = tpu.vector_load %arg11[%get3A_441, %get3A_442, %get3A_443] {strides = array<i32>} : memref<2x125x16xf32, #tpu.memory_space<vmem>>, vector<1x1x16xf32>,
      %get3A_445 = vector.shape_cast %get3A_444 : vector<1x1x16xf32> to vector<16xf32>
      %get3A_446 = arith.constant 0 : i32
      %get3A_447 = arith.index_cast %get3A_446 : i32 to index
      %get3A_448 = arith.index_cast %scan3A_440 : i32 to index
      %get3A_449 = arith.constant 0 : index
      %get3A_450 = tpu.vector_load %arg12[%get3A_447, %get3A_448, %get3A_449] {strides = array<i32>} : memref<2x125x16xf32, #tpu.memory_space<vmem>>, vector<1x1x16xf32>,
      %get3A_451 = vector.shape_cast %get3A_450 : vector<1x1x16xf32> to vector<16xf32>
      %add3A_452 = arith.addf %get3A_445, %get3A_451 : vector<16xf32>
      %mul3A_453 = arith.constant 16 : i32
      %mul3A_454 = arith.muli %scan3A_440, %mul3A_453 : i32
      %get3A_455 = arith.constant 0 : i32
      %get3A_456 = arith.index_cast %get3A_455 : i32 to index
      %get3A_457 = arith.index_cast %mul3A_454 : i32 to index
      %get3A_458 = tpu.vector_load %arg13[%get3A_456, %get3A_457] {strides = array<i32>} : memref<2x2000xf32, #tpu.memory_space<vmem>>, vector<1x16xf32>,
      %get3A_459 = vector.shape_cast %get3A_458 : vector<1x16xf32> to vector<16xf32>
      %add3A_460 = arith.addf %add3A_452, %get3A_459 : vector<16xf32>
      %max3A = arith.constant 0.000000e+00 : f32
      %max3A_461 = vector.broadcast %max3A : f32 to vector<16xf32>
      %max3A_462 = arith.maximumf %add3A_460, %max3A_461 : vector<16xf32>
      %swap3A = arith.constant 0 : i32
      %swap3A_463 = arith.index_cast %swap3A : i32 to index
      %swap3A_464 = arith.index_cast %scan3A_440 : i32 to index
      %swap3A_465 = arith.constant 0 : index
      %swap3A_466 = tpu.vector_load %arg14[%swap3A_463, %swap3A_464, %swap3A_465] {strides = array<i32>} : memref<2x125x16xf32, #tpu.memory_space<vmem>>, vector<1x1x16xf32>,
      %swap3A_467 = vector.shape_cast %swap3A_466 : vector<1x1x16xf32> to vector<16xf32>
      %swap3A_468 = vector.shape_cast %max3A_462 : vector<16xf32> to vector<1x1x16xf32>
      tpu.vector_store %arg14[%swap3A_463, %swap3A_464, %swap3A_465], %swap3A_468 {strides = array<i32>} : memref<2x125x16xf32, #tpu.memory_space<vmem>>, vector<1x1x16xf32>,
      %mul3A_469 = arith.constant 16 : i32
      %mul3A_470 = arith.muli %scan3A_440, %mul3A_469 : i32
      %swap3A_471 = arith.constant 0 : i32
      %swap3A_472 = arith.index_cast %swap3A_471 : i32 to index
      %swap3A_473 = arith.index_cast %mul3A_470 : i32 to index
      %swap3A_474 = tpu.vector_load %arg15[%swap3A_472, %swap3A_473] {strides = array<i32>} : memref<2x2000xf32, #tpu.memory_space<vmem>>, vector<1x16xf32>,
      %swap3A_475 = vector.shape_cast %swap3A_474 : vector<1x16xf32> to vector<16xf32>
      %swap3A_476 = vector.shape_cast %max3A_462 : vector<16xf32> to vector<1x16xf32>
      tpu.vector_store %arg15[%swap3A_472, %swap3A_473], %swap3A_476 {strides = array<i32>} : memref<2x2000xf32, #tpu.memory_space<vmem>>, vector<1x16xf32>,
    }
    %scan3A_327 = arith.constant 125 : i32
    %add3A_328 = arith.constant 9750 : i32
    %add3A_329 = arith.addi %mul3A_2, %add3A_328 : i32
    %mul3A_330 = arith.constant 16 : i32
    %mul3A_331 = arith.muli %add3A_329, %mul3A_330 : i32
    %dma_start3A_332 = arith.constant 0 : i32
    %dma_start3A_333 = arith.constant 0 : i32
    %dma_start3A_334 = tpu.memref_slice %arg15[%dma_start3A_332, %dma_start3A_333] : memref<2x2000xf32, #tpu.memory_space<vmem>> -> memref<1x2000xf32, #tpu.memory_space<vmem>>
    %dma_start3A_335 = tpu.memref_squeeze %dma_start3A_334 : memref<1x2000xf32, #tpu.memory_space<vmem>> -> memref<2000xf32, #tpu.memory_space<vmem>>
    %dma_start3A_336 = tpu.memref_slice %arg7[%mul3A_331] : memref<5120000xf32, #tpu.memory_space<hbm>> -> memref<2000xf32, #tpu.memory_space<hbm>>
    %dma_start3A_337 = tpu.memref_slice %arg7[%mul3A_331] : memref<5120000xf32, #tpu.memory_space<hbm>> -> memref<2000xf32, #tpu.memory_space<hbm>>
    %dma_start3A_338 = arith.constant 0 : i32
    %dma_start3A_339 = tpu.memref_slice %arg15[%dma_start3A_332, %dma_start3A_338] : memref<2x2000xf32, #tpu.memory_space<vmem>> -> memref<1x2000xf32, #tpu.memory_space<vmem>>
    %dma_start3A_340 = tpu.memref_squeeze %dma_start3A_339 : memref<1x2000xf32, #tpu.memory_space<vmem>> -> memref<2000xf32, #tpu.memory_space<vmem>>
    tpu.enqueue_dma source(%dma_start3A_340 : memref<2000xf32, #tpu.memory_space<vmem>>) target(%dma_start3A_337 : memref<2000xf32, #tpu.memory_space<hbm>>) target_semaphore(%arg20 : memref<!tpu.dma_semaphore, #tpu.memory_space<semaphore_mem>>)
    %run_scoped3A_341 = arith.constant 0 : i32
    %run_scoped3A_342 = arith.constant 78 : i32
    "tpu.region"() ({
      %run_scoped3A_440 = tpu.sem_alloc : memref<!tpu.dma_semaphore, #tpu.memory_space<semaphore_mem>>
      %dma_start3A_441 = arith.constant 0 : i32
      %dma_start3A_442 = arith.constant 0 : i32
      %dma_start3A_443 = tpu.memref_slice %arg14[%run_scoped3A_341, %dma_start3A_441, %dma_start3A_442] : memref<2x125x16xf32, #tpu.memory_space<vmem>> -> memref<1x125x16xf32, #tpu.memory_space<vmem>>
      %dma_start3A_444 = tpu.memref_squeeze %dma_start3A_443 : memref<1x125x16xf32, #tpu.memory_space<vmem>> -> memref<125x16xf32, #tpu.memory_space<vmem>>
      %dma_start3A_445 = arith.constant 0 : i32
      %dma_start3A_446 = tpu.memref_slice %arg10[%run_scoped3A_342, %dma_start3A_445] : memref<80x125xi32, #tpu.memory_space<vmem>> -> memref<1x125xi32, #tpu.memory_space<vmem>>
      %dma_start3A_447 = tpu.memref_squeeze %dma_start3A_446 : memref<1x125xi32, #tpu.memory_space<vmem>> -> memref<125xi32, #tpu.memory_space<vmem>>
      %dma_start3A_448 = arith.constant 0 : i32
      %dma_start3A_449 = arith.constant 0 : i32
      %dma_start3A_450 = tpu.memref_slice %arg17[%dma_start3A_448, %dma_start3A_449] : memref<10240x16xf32, #tpu.memory_space<vmem_shared>> -> memref<10240x16xf32, #tpu.memory_space<vmem_shared>>
      tpu.enqueue_indirect_dma source(%dma_start3A_444 : memref<125x16xf32, #tpu.memory_space<vmem>>) target(%dma_start3A_450 : memref<10240x16xf32, #tpu.memory_space<vmem_shared>>) offsets(%dma_start3A_447 : memref<125xi32, #tpu.memory_space<vmem>>) semaphore(%run_scoped3A_440 : memref<!tpu.dma_semaphore, #tpu.memory_space<semaphore_mem>>) {add = true}
      %dma_wait3A_451 = arith.constant 0 : i32
      %dma_wait3A_452 = arith.constant 0 : i32
      %dma_wait3A_453 = tpu.memref_slice %arg14[%run_scoped3A_341, %dma_wait3A_451, %dma_wait3A_452] : memref<2x125x16xf32, #tpu.memory_space<vmem>> -> memref<1x125x16xf32, #tpu.memory_space<vmem>>
      %dma_wait3A_454 = tpu.memref_squeeze %dma_wait3A_453 : memref<1x125x16xf32, #tpu.memory_space<vmem>> -> memref<125x16xf32, #tpu.memory_space<vmem>>
      %dma_wait3A_455 = arith.constant 0 : i32
      %dma_wait3A_456 = tpu.memref_slice %arg10[%run_scoped3A_342, %dma_wait3A_455] : memref<80x125xi32, #tpu.memory_space<vmem>> -> memref<1x125xi32, #tpu.memory_space<vmem>>
      %dma_wait3A_457 = tpu.memref_squeeze %dma_wait3A_456 : memref<1x125xi32, #tpu.memory_space<vmem>> -> memref<125xi32, #tpu.memory_space<vmem>>
      %dma_wait3A_458 = arith.constant 0 : i32
      %dma_wait3A_459 = arith.constant 0 : i32
      %dma_wait3A_460 = tpu.memref_slice %arg17[%dma_wait3A_458, %dma_wait3A_459] : memref<10240x16xf32, #tpu.memory_space<vmem_shared>> -> memref<10240x16xf32, #tpu.memory_space<vmem_shared>>
      tpu.wait_indirect_dma semaphore(%run_scoped3A_440 : memref<!tpu.dma_semaphore, #tpu.memory_space<semaphore_mem>>) src(%dma_wait3A_454 : memref<125x16xf32, #tpu.memory_space<vmem>>) dst(%dma_wait3A_460 : memref<10240x16xf32, #tpu.memory_space<vmem_shared>>)
      tpu.yield
    }) : () -> ()
    %add3A_343 = arith.constant 9875 : i32
    %add3A_344 = arith.addi %mul3A_2, %add3A_343 : i32
    %mul3A_345 = arith.constant 16 : i32
    %mul3A_346 = arith.muli %add3A_344, %mul3A_345 : i32
    %dma_wait3A_347 = arith.constant 1 : i32
    %dma_wait3A_348 = arith.constant 0 : i32
    %dma_wait3A_349 = tpu.memref_slice %arg13[%dma_wait3A_347, %dma_wait3A_348] : memref<2x2000xf32, #tpu.memory_space<vmem>> -> memref<1x2000xf32, #tpu.memory_space<vmem>>
    %dma_wait3A_350 = tpu.memref_squeeze %dma_wait3A_349 : memref<1x2000xf32, #tpu.memory_space<vmem>> -> memref<2000xf32, #tpu.memory_space<vmem>>
    %dma_wait3A_351 = tpu.memref_slice %arg6[%mul3A_346] : memref<5120000xf32, #tpu.memory_space<hbm>> -> memref<2000xf32, #tpu.memory_space<hbm>>
    %dma_wait3A_352 = arith.constant 0 : i32
    %dma_wait3A_353 = tpu.memref_slice %arg13[%dma_wait3A_347, %dma_wait3A_352] : memref<2x2000xf32, #tpu.memory_space<vmem>> -> memref<1x2000xf32, #tpu.memory_space<vmem>>
    %dma_wait3A_354 = tpu.memref_squeeze %dma_wait3A_353 : memref<1x2000xf32, #tpu.memory_space<vmem>> -> memref<2000xf32, #tpu.memory_space<vmem>>
    %dma_wait3A_355 = tpu.memref_slice %arg6[%mul3A_346] : memref<5120000xf32, #tpu.memory_space<hbm>> -> memref<2000xf32, #tpu.memory_space<hbm>>
    tpu.wait_dma2 semaphore(%arg19 : memref<!tpu.dma_semaphore, #tpu.memory_space<semaphore_mem>>) src(%dma_wait3A_355 : memref<2000xf32, #tpu.memory_space<hbm>>) dst(%dma_wait3A_354 : memref<2000xf32, #tpu.memory_space<vmem>>)
    %dma_wait3A_356 = arith.constant 79 : i32
    %dma_wait3A_357 = arith.constant 1 : i32
    %dma_wait3A_358 = arith.constant 0 : i32
    %dma_wait3A_359 = arith.constant 0 : i32
    %dma_wait3A_360 = tpu.memref_slice %arg11[%dma_wait3A_357, %dma_wait3A_358, %dma_wait3A_359] : memref<2x125x16xf32, #tpu.memory_space<vmem>> -> memref<1x125x16xf32, #tpu.memory_space<vmem>>
    %dma_wait3A_361 = tpu.memref_squeeze %dma_wait3A_360 : memref<1x125x16xf32, #tpu.memory_space<vmem>> -> memref<125x16xf32, #tpu.memory_space<vmem>>
    %dma_wait3A_362 = arith.constant 0 : i32
    %dma_wait3A_363 = tpu.memref_slice %arg9[%dma_wait3A_356, %dma_wait3A_362] : memref<80x125xi32, #tpu.memory_space<vmem>> -> memref<1x125xi32, #tpu.memory_space<vmem>>
    %dma_wait3A_364 = tpu.memref_squeeze %dma_wait3A_363 : memref<1x125xi32, #tpu.memory_space<vmem>> -> memref<125xi32, #tpu.memory_space<vmem>>
    %dma_wait3A_365 = arith.constant 0 : i32
    %dma_wait3A_366 = arith.constant 0 : i32
    %dma_wait3A_367 = tpu.memref_slice %arg4[%dma_wait3A_365, %dma_wait3A_366] : memref<10000x16xf32, #tpu.memory_space<hbm>> -> memref<10000x16xf32, #tpu.memory_space<hbm>>
    tpu.wait_indirect_dma semaphore(%arg19 : memref<!tpu.dma_semaphore, #tpu.memory_space<semaphore_mem>>) src(%dma_wait3A_367 : memref<10000x16xf32, #tpu.memory_space<hbm>>) dst(%dma_wait3A_361 : memref<125x16xf32, #tpu.memory_space<vmem>>)
    %dma_wait3A_368 = arith.constant 79 : i32
    %dma_wait3A_369 = arith.constant 1 : i32
    %dma_wait3A_370 = arith.constant 0 : i32
    %dma_wait3A_371 = arith.constant 0 : i32
    %dma_wait3A_372 = tpu.memref_slice %arg12[%dma_wait3A_369, %dma_wait3A_370, %dma_wait3A_371] : memref<2x125x16xf32, #tpu.memory_space<vmem>> -> memref<1x125x16xf32, #tpu.memory_space<vmem>>
    %dma_wait3A_373 = tpu.memref_squeeze %dma_wait3A_372 : memref<1x125x16xf32, #tpu.memory_space<vmem>> -> memref<125x16xf32, #tpu.memory_space<vmem>>
    %dma_wait3A_374 = arith.constant 0 : i32
    %dma_wait3A_375 = tpu.memref_slice %arg10[%dma_wait3A_368, %dma_wait3A_374] : memref<80x125xi32, #tpu.memory_space<vmem>> -> memref<1x125xi32, #tpu.memory_space<vmem>>
    %dma_wait3A_376 = tpu.memref_squeeze %dma_wait3A_375 : memref<1x125xi32, #tpu.memory_space<vmem>> -> memref<125xi32, #tpu.memory_space<vmem>>
    %dma_wait3A_377 = arith.constant 0 : i32
    %dma_wait3A_378 = arith.constant 0 : i32
    %dma_wait3A_379 = tpu.memref_slice %arg5[%dma_wait3A_377, %dma_wait3A_378] : memref<10000x16xf32, #tpu.memory_space<hbm>> -> memref<10000x16xf32, #tpu.memory_space<hbm>>
    tpu.wait_indirect_dma semaphore(%arg19 : memref<!tpu.dma_semaphore, #tpu.memory_space<semaphore_mem>>) src(%dma_wait3A_379 : memref<10000x16xf32, #tpu.memory_space<hbm>>) dst(%dma_wait3A_373 : memref<125x16xf32, #tpu.memory_space<vmem>>)
    %add3A_380 = arith.constant 9625 : i32
    %add3A_381 = arith.addi %mul3A_2, %add3A_380 : i32
    %mul3A_382 = arith.constant 16 : i32
    %mul3A_383 = arith.muli %add3A_381, %mul3A_382 : i32
    %dma_wait3A_384 = arith.constant 1 : i32
    %dma_wait3A_385 = arith.constant 0 : i32
    %dma_wait3A_386 = tpu.memref_slice %arg15[%dma_wait3A_384, %dma_wait3A_385] : memref<2x2000xf32, #tpu.memory_space<vmem>> -> memref<1x2000xf32, #tpu.memory_space<vmem>>
    %dma_wait3A_387 = tpu.memref_squeeze %dma_wait3A_386 : memref<1x2000xf32, #tpu.memory_space<vmem>> -> memref<2000xf32, #tpu.memory_space<vmem>>
    %dma_wait3A_388 = tpu.memref_slice %arg7[%mul3A_383] : memref<5120000xf32, #tpu.memory_space<hbm>> -> memref<2000xf32, #tpu.memory_space<hbm>>
    %dma_wait3A_389 = tpu.memref_slice %arg7[%mul3A_383] : memref<5120000xf32, #tpu.memory_space<hbm>> -> memref<2000xf32, #tpu.memory_space<hbm>>
    %dma_wait3A_390 = arith.constant 0 : i32
    %dma_wait3A_391 = tpu.memref_slice %arg15[%dma_wait3A_384, %dma_wait3A_390] : memref<2x2000xf32, #tpu.memory_space<vmem>> -> memref<1x2000xf32, #tpu.memory_space<vmem>>
    %dma_wait3A_392 = tpu.memref_squeeze %dma_wait3A_391 : memref<1x2000xf32, #tpu.memory_space<vmem>> -> memref<2000xf32, #tpu.memory_space<vmem>>
    tpu.wait_dma2 semaphore(%arg21 : memref<!tpu.dma_semaphore, #tpu.memory_space<semaphore_mem>>) src(%dma_wait3A_392 : memref<2000xf32, #tpu.memory_space<vmem>>) dst(%dma_wait3A_389 : memref<2000xf32, #tpu.memory_space<hbm>>)
    %scan3A_393 = arith.constant 0 : i32
    %scan3A_394 = arith.constant 125 : i32
    %scan3A_395 = arith.addi %scan3A_393, %scan3A_394 : i32
    %scan3A_396 = arith.constant 1 : i32
    scf.for %scan3A_440 = %scan3A_393 to %scan3A_395 step %scan3A_396  : i32 {
      %get3A = arith.constant 1 : i32
      %get3A_441 = arith.index_cast %get3A : i32 to index
      %get3A_442 = arith.index_cast %scan3A_440 : i32 to index
      %get3A_443 = arith.constant 0 : index
      %get3A_444 = tpu.vector_load %arg11[%get3A_441, %get3A_442, %get3A_443] {strides = array<i32>} : memref<2x125x16xf32, #tpu.memory_space<vmem>>, vector<1x1x16xf32>,
      %get3A_445 = vector.shape_cast %get3A_444 : vector<1x1x16xf32> to vector<16xf32>
      %get3A_446 = arith.constant 1 : i32
      %get3A_447 = arith.index_cast %get3A_446 : i32 to index
      %get3A_448 = arith.index_cast %scan3A_440 : i32 to index
      %get3A_449 = arith.constant 0 : index
      %get3A_450 = tpu.vector_load %arg12[%get3A_447, %get3A_448, %get3A_449] {strides = array<i32>} : memref<2x125x16xf32, #tpu.memory_space<vmem>>, vector<1x1x16xf32>,
      %get3A_451 = vector.shape_cast %get3A_450 : vector<1x1x16xf32> to vector<16xf32>
      %add3A_452 = arith.addf %get3A_445, %get3A_451 : vector<16xf32>
      %mul3A_453 = arith.constant 16 : i32
      %mul3A_454 = arith.muli %scan3A_440, %mul3A_453 : i32
      %get3A_455 = arith.constant 1 : i32
      %get3A_456 = arith.index_cast %get3A_455 : i32 to index
      %get3A_457 = arith.index_cast %mul3A_454 : i32 to index
      %get3A_458 = tpu.vector_load %arg13[%get3A_456, %get3A_457] {strides = array<i32>} : memref<2x2000xf32, #tpu.memory_space<vmem>>, vector<1x16xf32>,
      %get3A_459 = vector.shape_cast %get3A_458 : vector<1x16xf32> to vector<16xf32>
      %add3A_460 = arith.addf %add3A_452, %get3A_459 : vector<16xf32>
      %max3A = arith.constant 0.000000e+00 : f32
      %max3A_461 = vector.broadcast %max3A : f32 to vector<16xf32>
      %max3A_462 = arith.maximumf %add3A_460, %max3A_461 : vector<16xf32>
      %swap3A = arith.constant 1 : i32
      %swap3A_463 = arith.index_cast %swap3A : i32 to index
      %swap3A_464 = arith.index_cast %scan3A_440 : i32 to index
      %swap3A_465 = arith.constant 0 : index
      %swap3A_466 = tpu.vector_load %arg14[%swap3A_463, %swap3A_464, %swap3A_465] {strides = array<i32>} : memref<2x125x16xf32, #tpu.memory_space<vmem>>, vector<1x1x16xf32>,
      %swap3A_467 = vector.shape_cast %swap3A_466 : vector<1x1x16xf32> to vector<16xf32>
      %swap3A_468 = vector.shape_cast %max3A_462 : vector<16xf32> to vector<1x1x16xf32>
      tpu.vector_store %arg14[%swap3A_463, %swap3A_464, %swap3A_465], %swap3A_468 {strides = array<i32>} : memref<2x125x16xf32, #tpu.memory_space<vmem>>, vector<1x1x16xf32>,
      %mul3A_469 = arith.constant 16 : i32
      %mul3A_470 = arith.muli %scan3A_440, %mul3A_469 : i32
      %swap3A_471 = arith.constant 1 : i32
      %swap3A_472 = arith.index_cast %swap3A_471 : i32 to index
      %swap3A_473 = arith.index_cast %mul3A_470 : i32 to index
      %swap3A_474 = tpu.vector_load %arg15[%swap3A_472, %swap3A_473] {strides = array<i32>} : memref<2x2000xf32, #tpu.memory_space<vmem>>, vector<1x16xf32>,
      %swap3A_475 = vector.shape_cast %swap3A_474 : vector<1x16xf32> to vector<16xf32>
      %swap3A_476 = vector.shape_cast %max3A_462 : vector<16xf32> to vector<1x16xf32>
      tpu.vector_store %arg15[%swap3A_472, %swap3A_473], %swap3A_476 {strides = array<i32>} : memref<2x2000xf32, #tpu.memory_space<vmem>>, vector<1x16xf32>,
    }
    %scan3A_397 = arith.constant 125 : i32
    %add3A_398 = arith.constant 9875 : i32
    %add3A_399 = arith.addi %mul3A_2, %add3A_398 : i32
    %mul3A_400 = arith.constant 16 : i32
    %mul3A_401 = arith.muli %add3A_399, %mul3A_400 : i32
    %dma_start3A_402 = arith.constant 1 : i32
    %dma_start3A_403 = arith.constant 0 : i32
    %dma_start3A_404 = tpu.memref_slice %arg15[%dma_start3A_402, %dma_start3A_403] : memref<2x2000xf32, #tpu.memory_space<vmem>> -> memref<1x2000xf32, #tpu.memory_space<vmem>>
    %dma_start3A_405 = tpu.memref_squeeze %dma_start3A_404 : memref<1x2000xf32, #tpu.memory_space<vmem>> -> memref<2000xf32, #tpu.memory_space<vmem>>
    %dma_start3A_406 = tpu.memref_slice %arg7[%mul3A_401] : memref<5120000xf32, #tpu.memory_space<hbm>> -> memref<2000xf32, #tpu.memory_space<hbm>>
    %dma_start3A_407 = tpu.memref_slice %arg7[%mul3A_401] : memref<5120000xf32, #tpu.memory_space<hbm>> -> memref<2000xf32, #tpu.memory_space<hbm>>
    %dma_start3A_408 = arith.constant 0 : i32
    %dma_start3A_409 = tpu.memref_slice %arg15[%dma_start3A_402, %dma_start3A_408] : memref<2x2000xf32, #tpu.memory_space<vmem>> -> memref<1x2000xf32, #tpu.memory_space<vmem>>
    %dma_start3A_410 = tpu.memref_squeeze %dma_start3A_409 : memref<1x2000xf32, #tpu.memory_space<vmem>> -> memref<2000xf32, #tpu.memory_space<vmem>>
    tpu.enqueue_dma source(%dma_start3A_410 : memref<2000xf32, #tpu.memory_space<vmem>>) target(%dma_start3A_407 : memref<2000xf32, #tpu.memory_space<hbm>>) target_semaphore(%arg21 : memref<!tpu.dma_semaphore, #tpu.memory_space<semaphore_mem>>)
    %run_scoped3A_411 = arith.constant 1 : i32
    %run_scoped3A_412 = arith.constant 79 : i32
    "tpu.region"() ({
      %run_scoped3A_440 = tpu.sem_alloc : memref<!tpu.dma_semaphore, #tpu.memory_space<semaphore_mem>>
      %dma_start3A_441 = arith.constant 0 : i32
      %dma_start3A_442 = arith.constant 0 : i32
      %dma_start3A_443 = tpu.memref_slice %arg14[%run_scoped3A_411, %dma_start3A_441, %dma_start3A_442] : memref<2x125x16xf32, #tpu.memory_space<vmem>> -> memref<1x125x16xf32, #tpu.memory_space<vmem>>
      %dma_start3A_444 = tpu.memref_squeeze %dma_start3A_443 : memref<1x125x16xf32, #tpu.memory_space<vmem>> -> memref<125x16xf32, #tpu.memory_space<vmem>>
      %dma_start3A_445 = arith.constant 0 : i32
      %dma_start3A_446 = tpu.memref_slice %arg10[%run_scoped3A_412, %dma_start3A_445] : memref<80x125xi32, #tpu.memory_space<vmem>> -> memref<1x125xi32, #tpu.memory_space<vmem>>
      %dma_start3A_447 = tpu.memref_squeeze %dma_start3A_446 : memref<1x125xi32, #tpu.memory_space<vmem>> -> memref<125xi32, #tpu.memory_space<vmem>>
      %dma_start3A_448 = arith.constant 0 : i32
      %dma_start3A_449 = arith.constant 0 : i32
      %dma_start3A_450 = tpu.memref_slice %arg17[%dma_start3A_448, %dma_start3A_449] : memref<10240x16xf32, #tpu.memory_space<vmem_shared>> -> memref<10240x16xf32, #tpu.memory_space<vmem_shared>>
      tpu.enqueue_indirect_dma source(%dma_start3A_444 : memref<125x16xf32, #tpu.memory_space<vmem>>) target(%dma_start3A_450 : memref<10240x16xf32, #tpu.memory_space<vmem_shared>>) offsets(%dma_start3A_447 : memref<125xi32, #tpu.memory_space<vmem>>) semaphore(%run_scoped3A_440 : memref<!tpu.dma_semaphore, #tpu.memory_space<semaphore_mem>>) {add = true}
      %dma_wait3A_451 = arith.constant 0 : i32
      %dma_wait3A_452 = arith.constant 0 : i32
      %dma_wait3A_453 = tpu.memref_slice %arg14[%run_scoped3A_411, %dma_wait3A_451, %dma_wait3A_452] : memref<2x125x16xf32, #tpu.memory_space<vmem>> -> memref<1x125x16xf32, #tpu.memory_space<vmem>>
      %dma_wait3A_454 = tpu.memref_squeeze %dma_wait3A_453 : memref<1x125x16xf32, #tpu.memory_space<vmem>> -> memref<125x16xf32, #tpu.memory_space<vmem>>
      %dma_wait3A_455 = arith.constant 0 : i32
      %dma_wait3A_456 = tpu.memref_slice %arg10[%run_scoped3A_412, %dma_wait3A_455] : memref<80x125xi32, #tpu.memory_space<vmem>> -> memref<1x125xi32, #tpu.memory_space<vmem>>
      %dma_wait3A_457 = tpu.memref_squeeze %dma_wait3A_456 : memref<1x125xi32, #tpu.memory_space<vmem>> -> memref<125xi32, #tpu.memory_space<vmem>>
      %dma_wait3A_458 = arith.constant 0 : i32
      %dma_wait3A_459 = arith.constant 0 : i32
      %dma_wait3A_460 = tpu.memref_slice %arg17[%dma_wait3A_458, %dma_wait3A_459] : memref<10240x16xf32, #tpu.memory_space<vmem_shared>> -> memref<10240x16xf32, #tpu.memory_space<vmem_shared>>
      tpu.wait_indirect_dma semaphore(%run_scoped3A_440 : memref<!tpu.dma_semaphore, #tpu.memory_space<semaphore_mem>>) src(%dma_wait3A_454 : memref<125x16xf32, #tpu.memory_space<vmem>>) dst(%dma_wait3A_460 : memref<10240x16xf32, #tpu.memory_space<vmem_shared>>)
      tpu.yield
    }) : () -> ()
    %add3A_413 = arith.constant 9750 : i32
    %add3A_414 = arith.addi %mul3A_2, %add3A_413 : i32
    %mul3A_415 = arith.constant 16 : i32
    %mul3A_416 = arith.muli %add3A_414, %mul3A_415 : i32
    %dma_wait3A_417 = arith.constant 0 : i32
    %dma_wait3A_418 = arith.constant 0 : i32
    %dma_wait3A_419 = tpu.memref_slice %arg15[%dma_wait3A_417, %dma_wait3A_418] : memref<2x2000xf32, #tpu.memory_space<vmem>> -> memref<1x2000xf32, #tpu.memory_space<vmem>>
    %dma_wait3A_420 = tpu.memref_squeeze %dma_wait3A_419 : memref<1x2000xf32, #tpu.memory_space<vmem>> -> memref<2000xf32, #tpu.memory_space<vmem>>
    %dma_wait3A_421 = tpu.memref_slice %arg7[%mul3A_416] : memref<5120000xf32, #tpu.memory_space<hbm>> -> memref<2000xf32, #tpu.memory_space<hbm>>
    %dma_wait3A_422 = tpu.memref_slice %arg7[%mul3A_416] : memref<5120000xf32, #tpu.memory_space<hbm>> -> memref<2000xf32, #tpu.memory_space<hbm>>
    %dma_wait3A_423 = arith.constant 0 : i32
    %dma_wait3A_424 = tpu.memref_slice %arg15[%dma_wait3A_417, %dma_wait3A_423] : memref<2x2000xf32, #tpu.memory_space<vmem>> -> memref<1x2000xf32, #tpu.memory_space<vmem>>
    %dma_wait3A_425 = tpu.memref_squeeze %dma_wait3A_424 : memref<1x2000xf32, #tpu.memory_space<vmem>> -> memref<2000xf32, #tpu.memory_space<vmem>>
    tpu.wait_dma2 semaphore(%arg20 : memref<!tpu.dma_semaphore, #tpu.memory_space<semaphore_mem>>) src(%dma_wait3A_425 : memref<2000xf32, #tpu.memory_space<vmem>>) dst(%dma_wait3A_422 : memref<2000xf32, #tpu.memory_space<hbm>>)
    %add3A_426 = arith.constant 9875 : i32
    %add3A_427 = arith.addi %mul3A_2, %add3A_426 : i32
    %mul3A_428 = arith.constant 16 : i32
    %mul3A_429 = arith.muli %add3A_427, %mul3A_428 : i32
    %dma_wait3A_430 = arith.constant 1 : i32
    %dma_wait3A_431 = arith.constant 0 : i32
    %dma_wait3A_432 = tpu.memref_slice %arg15[%dma_wait3A_430, %dma_wait3A_431] : memref<2x2000xf32, #tpu.memory_space<vmem>> -> memref<1x2000xf32, #tpu.memory_space<vmem>>
    %dma_wait3A_433 = tpu.memref_squeeze %dma_wait3A_432 : memref<1x2000xf32, #tpu.memory_space<vmem>> -> memref<2000xf32, #tpu.memory_space<vmem>>
    %dma_wait3A_434 = tpu.memref_slice %arg7[%mul3A_429] : memref<5120000xf32, #tpu.memory_space<hbm>> -> memref<2000xf32, #tpu.memory_space<hbm>>
    %dma_wait3A_435 = tpu.memref_slice %arg7[%mul3A_429] : memref<5120000xf32, #tpu.memory_space<hbm>> -> memref<2000xf32, #tpu.memory_space<hbm>>
    %dma_wait3A_436 = arith.constant 0 : i32
    %dma_wait3A_437 = tpu.memref_slice %arg15[%dma_wait3A_430, %dma_wait3A_436] : memref<2x2000xf32, #tpu.memory_space<vmem>> -> memref<1x2000xf32, #tpu.memory_space<vmem>>
    %dma_wait3A_438 = tpu.memref_squeeze %dma_wait3A_437 : memref<1x2000xf32, #tpu.memory_space<vmem>> -> memref<2000xf32, #tpu.memory_space<vmem>>
    tpu.wait_dma2 semaphore(%arg21 : memref<!tpu.dma_semaphore, #tpu.memory_space<semaphore_mem>>) src(%dma_wait3A_438 : memref<2000xf32, #tpu.memory_space<vmem>>) dst(%dma_wait3A_435 : memref<2000xf32, #tpu.memory_space<hbm>>)
    %barrier3A_439 = arith.constant 0 : index
    tpu.barrier barrier_id(%barrier3A_439)
    "tpu.region"() ({
      %run_scoped3A_440 = tpu.sem_alloc : memref<!tpu.dma_semaphore, #tpu.memory_space<semaphore_mem>>
      %dma_start3A_441 = arith.constant 0 : i32
      %dma_start3A_442 = tpu.memref_slice %arg17[%mul3A_8, %dma_start3A_441] : memref<10240x16xf32, #tpu.memory_space<vmem_shared>> -> memref<640x16xf32, #tpu.memory_space<vmem_shared>>
      %dma_start3A_443 = arith.constant 0 : i32
      %dma_start3A_444 = tpu.memref_slice %arg17[%mul3A_8, %dma_start3A_443] : memref<10240x16xf32, #tpu.memory_space<vmem_shared>> -> memref<640x16xf32, #tpu.memory_space<vmem_shared>>
      tpu.enqueue_dma source(%dma_start3A_444 : memref<640x16xf32, #tpu.memory_space<vmem_shared>>) target(%arg16 : memref<640x16xf32, #tpu.memory_space<vmem>>) target_semaphore(%run_scoped3A_440 : memref<!tpu.dma_semaphore, #tpu.memory_space<semaphore_mem>>)
      %dma_wait3A_445 = arith.constant 0 : i32
      %dma_wait3A_446 = tpu.memref_slice %arg17[%mul3A_8, %dma_wait3A_445] : memref<10240x16xf32, #tpu.memory_space<vmem_shared>> -> memref<640x16xf32, #tpu.memory_space<vmem_shared>>
      %dma_wait3A_447 = arith.constant 0 : i32
      %dma_wait3A_448 = tpu.memref_slice %arg17[%mul3A_8, %dma_wait3A_447] : memref<10240x16xf32, #tpu.memory_space<vmem_shared>> -> memref<640x16xf32, #tpu.memory_space<vmem_shared>>
      tpu.wait_dma2 semaphore(%run_scoped3A_440 : memref<!tpu.dma_semaphore, #tpu.memory_space<semaphore_mem>>) src(%dma_wait3A_448 : memref<640x16xf32, #tpu.memory_space<vmem_shared>>) dst(%arg16 : memref<640x16xf32, #tpu.memory_space<vmem>>)
      tpu.yield
    }) : () -> ()
    "tpu.region"() ({
      %run_scoped3A_440 = tpu.sem_alloc : memref<!tpu.dma_semaphore, #tpu.memory_space<semaphore_mem>>
      %dma_start3A_441 = arith.constant 0 : i32
      %dma_start3A_442 = tpu.memref_slice %arg8[%arg0, %mul3A_8, %dma_start3A_441] : memref<2x10240x16xf32, #tpu.memory_space<hbm>> -> memref<1x640x16xf32, #tpu.memory_space<hbm>>
      %dma_start3A_443 = tpu.memref_squeeze %dma_start3A_442 : memref<1x640x16xf32, #tpu.memory_space<hbm>> -> memref<640x16xf32, #tpu.memory_space<hbm>>
      %dma_start3A_444 = arith.constant 0 : i32
      %dma_start3A_445 = tpu.memref_slice %arg8[%arg0, %mul3A_8, %dma_start3A_444] : memref<2x10240x16xf32, #tpu.memory_space<hbm>> -> memref<1x640x16xf32, #tpu.memory_space<hbm>>
      %dma_start3A_446 = tpu.memref_squeeze %dma_start3A_445 : memref<1x640x16xf32, #tpu.memory_space<hbm>> -> memref<640x16xf32, #tpu.memory_space<hbm>>
      tpu.enqueue_dma source(%arg16 : memref<640x16xf32, #tpu.memory_space<vmem>>) target(%dma_start3A_446 : memref<640x16xf32, #tpu.memory_space<hbm>>) target_semaphore(%run_scoped3A_440 : memref<!tpu.dma_semaphore, #tpu.memory_space<semaphore_mem>>)
      %dma_wait3A_447 = arith.constant 0 : i32
      %dma_wait3A_448 = tpu.memref_slice %arg8[%arg0, %mul3A_8, %dma_wait3A_447] : memref<2x10240x16xf32, #tpu.memory_space<hbm>> -> memref<1x640x16xf32, #tpu.memory_space<hbm>>
      %dma_wait3A_449 = tpu.memref_squeeze %dma_wait3A_448 : memref<1x640x16xf32, #tpu.memory_space<hbm>> -> memref<640x16xf32, #tpu.memory_space<hbm>>
      %dma_wait3A_450 = arith.constant 0 : i32
      %dma_wait3A_451 = tpu.memref_slice %arg8[%arg0, %mul3A_8, %dma_wait3A_450] : memref<2x10240x16xf32, #tpu.memory_space<hbm>> -> memref<1x640x16xf32, #tpu.memory_space<hbm>>
      %dma_wait3A_452 = tpu.memref_squeeze %dma_wait3A_451 : memref<1x640x16xf32, #tpu.memory_space<hbm>> -> memref<640x16xf32, #tpu.memory_space<hbm>>
      tpu.wait_dma2 semaphore(%run_scoped3A_440 : memref<!tpu.dma_semaphore, #tpu.memory_space<semaphore_mem>>) src(%arg16 : memref<640x16xf32, #tpu.memory_space<vmem>>) dst(%dma_wait3A_452 : memref<640x16xf32, #tpu.memory_space<hbm>>)
      tpu.yield
    }) : () -> ()
    return
  }
}

#map = affine_map<(d0, d1) -> (0, 0, 0)>
#map1 = affine_map<(d0, d1) -> (0, 0)>
#map2 = affine_map<(d0, d1) -> (0)>
module attributes {stable_mosaic.version = 14 : i64} {
  func.func @_sc_edge_body(%arg0: i32, %arg1: i32, %arg2: memref<32x80x125xi32, #tpu.memory_space<hbm>>, %arg3: memref<32x80x125xi32, #tpu.memory_space<hbm>>, %arg4: memref<10000x16xf32, #tpu.memory_space<hbm>>, %arg5: memref<10000x16xf32, #tpu.memory_space<hbm>>, %arg6: memref<5120000xf32, #tpu.memory_space<hbm>>, %arg7: memref<5120000xf32, #tpu.memory_space<hbm>>, %arg8: memref<2x10240x16xf32, #tpu.memory_space<hbm>>, %arg9: memref<80x125xi32, #tpu.memory_space<vmem>>, %arg10: memref<80x125xi32, #tpu.memory_space<vmem>>, %arg11: memref<2x125x16xf32, #tpu.memory_space<vmem>>, %arg12: memref<2x125x16xf32, #tpu.memory_space<vmem>>, %arg13: memref<2x2000xf32, #tpu.memory_space<vmem>>, %arg14: memref<2x125x16xf32, #tpu.memory_space<vmem>>, %arg15: memref<2x2000xf32, #tpu.memory_space<vmem>>, %arg16: memref<640x16xf32, #tpu.memory_space<vmem>>, %arg17: memref<10240x16xf32, #tpu.memory_space<vmem_shared>>, %arg18: memref<!tpu.dma_semaphore, #tpu.memory_space<semaphore_mem>>, %arg19: memref<!tpu.dma_semaphore, #tpu.memory_space<semaphore_mem>>, %arg20: memref<!tpu.dma_semaphore, #tpu.memory_space<semaphore_mem>>, %arg21: memref<!tpu.dma_semaphore, #tpu.memory_space<semaphore_mem>>) attributes {dimension_semantics = [#tpu.dimension_semantics<core_parallel>, #tpu.dimension_semantics<subcore_parallel>], iteration_bounds = array<i64: 2, 16>, scalar_prefetch = 0 : i64, scratch_operands = 13 : i64, tpu.core_type = #tpu.core_type<sc_vector_subcore>, window_params = [{transform_indices = #map}, {transform_indices = #map}, {transform_indices = #map1}, {transform_indices = #map1}, {transform_indices = #map2}, {transform_indices = #map2}, {transform_indices = #map}]} {
    %mul3A = arith.constant 2 : i32
    %mul3A_0 = arith.muli %arg1, %mul3A : i32
    %add3A = arith.addi %mul3A_0, %arg0 : i32
    %mul3A_1 = arith.constant 10000 : i32
    %mul3A_2 = arith.muli %add3A, %mul3A_1 : i32
    "tpu.region"() ({
      %run_scoped3A_440 = tpu.sem_alloc : memref<!tpu.dma_semaphore, #tpu.memory_space<semaphore_mem>>
      %dma_start3A_441 = arith.constant 0 : i32
      %dma_start3A_442 = arith.constant 0 : i32
      %dma_start3A_443 = tpu.memref_slice %arg2[%add3A, %dma_start3A_441, %dma_start3A_442] : memref<32x80x125xi32, #tpu.memory_space<hbm>> -> memref<1x80x125xi32, #tpu.memory_space<hbm>>
      %dma_start3A_444 = tpu.memref_squeeze %dma_start3A_443 : memref<1x80x125xi32, #tpu.memory_space<hbm>> -> memref<80x125xi32, #tpu.memory_space<hbm>>
      %dma_start3A_445 = arith.constant 0 : i32
      %dma_start3A_446 = arith.constant 0 : i32
      %dma_start3A_447 = tpu.memref_slice %arg2[%add3A, %dma_start3A_445, %dma_start3A_446] : memref<32x80x125xi32, #tpu.memory_space<hbm>> -> memref<1x80x125xi32, #tpu.memory_space<hbm>>
      %dma_start3A_448 = tpu.memref_squeeze %dma_start3A_447 : memref<1x80x125xi32, #tpu.memory_space<hbm>> -> memref<80x125xi32, #tpu.memory_space<hbm>>
      tpu.enqueue_dma source(%dma_start3A_448 : memref<80x125xi32, #tpu.memory_space<hbm>>) target(%arg9 : memref<80x125xi32, #tpu.memory_space<vmem>>) target_semaphore(%run_scoped3A_440 : memref<!tpu.dma_semaphore, #tpu.memory_space<semaphore_mem>>)
      %dma_wait3A_449 = arith.constant 0 : i32
      %dma_wait3A_450 = arith.constant 0 : i32
      %dma_wait3A_451 = tpu.memref_slice %arg2[%add3A, %dma_wait3A_449, %dma_wait3A_450] : memref<32x80x125xi32, #tpu.memory_space<hbm>> -> memref<1x80x125xi32, #tpu.memory_space<hbm>>
      %dma_wait3A_452 = tpu.memref_squeeze %dma_wait3A_451 : memref<1x80x125xi32, #tpu.memory_space<hbm>> -> memref<80x125xi32, #tpu.memory_space<hbm>>
      %dma_wait3A_453 = arith.constant 0 : i32
      %dma_wait3A_454 = arith.constant 0 : i32
      %dma_wait3A_455 = tpu.memref_slice %arg2[%add3A, %dma_wait3A_453, %dma_wait3A_454] : memref<32x80x125xi32, #tpu.memory_space<hbm>> -> memref<1x80x125xi32, #tpu.memory_space<hbm>>
      %dma_wait3A_456 = tpu.memref_squeeze %dma_wait3A_455 : memref<1x80x125xi32, #tpu.memory_space<hbm>> -> memref<80x125xi32, #tpu.memory_space<hbm>>
      tpu.wait_dma2 semaphore(%run_scoped3A_440 : memref<!tpu.dma_semaphore, #tpu.memory_space<semaphore_mem>>) src(%dma_wait3A_456 : memref<80x125xi32, #tpu.memory_space<hbm>>) dst(%arg9 : memref<80x125xi32, #tpu.memory_space<vmem>>)
      tpu.yield
    }) : () -> ()
    "tpu.region"() ({
      %run_scoped3A_440 = tpu.sem_alloc : memref<!tpu.dma_semaphore, #tpu.memory_space<semaphore_mem>>
      %dma_start3A_441 = arith.constant 0 : i32
      %dma_start3A_442 = arith.constant 0 : i32
      %dma_start3A_443 = tpu.memref_slice %arg3[%add3A, %dma_start3A_441, %dma_start3A_442] : memref<32x80x125xi32, #tpu.memory_space<hbm>> -> memref<1x80x125xi32, #tpu.memory_space<hbm>>
      %dma_start3A_444 = tpu.memref_squeeze %dma_start3A_443 : memref<1x80x125xi32, #tpu.memory_space<hbm>> -> memref<80x125xi32, #tpu.memory_space<hbm>>
      %dma_start3A_445 = arith.constant 0 : i32
      %dma_start3A_446 = arith.constant 0 : i32
      %dma_start3A_447 = tpu.memref_slice %arg3[%add3A, %dma_start3A_445, %dma_start3A_446] : memref<32x80x125xi32, #tpu.memory_space<hbm>> -> memref<1x80x125xi32, #tpu.memory_space<hbm>>
      %dma_start3A_448 = tpu.memref_squeeze %dma_start3A_447 : memref<1x80x125xi32, #tpu.memory_space<hbm>> -> memref<80x125xi32, #tpu.memory_space<hbm>>
      tpu.enqueue_dma source(%dma_start3A_448 : memref<80x125xi32, #tpu.memory_space<hbm>>) target(%arg10 : memref<80x125xi32, #tpu.memory_space<vmem>>) target_semaphore(%run_scoped3A_440 : memref<!tpu.dma_semaphore, #tpu.memory_space<semaphore_mem>>)
      %dma_wait3A_449 = arith.constant 0 : i32
      %dma_wait3A_450 = arith.constant 0 : i32
      %dma_wait3A_451 = tpu.memref_slice %arg3[%add3A, %dma_wait3A_449, %dma_wait3A_450] : memref<32x80x125xi32, #tpu.memory_space<hbm>> -> memref<1x80x125xi32, #tpu.memory_space<hbm>>
      %dma_wait3A_452 = tpu.memref_squeeze %dma_wait3A_451 : memref<1x80x125xi32, #tpu.memory_space<hbm>> -> memref<80x125xi32, #tpu.memory_space<hbm>>
      %dma_wait3A_453 = arith.constant 0 : i32
      %dma_wait3A_454 = arith.constant 0 : i32
      %dma_wait3A_455 = tpu.memref_slice %arg3[%add3A, %dma_wait3A_453, %dma_wait3A_454] : memref<32x80x125xi32, #tpu.memory_space<hbm>> -> memref<1x80x125xi32, #tpu.memory_space<hbm>>
      %dma_wait3A_456 = tpu.memref_squeeze %dma_wait3A_455 : memref<1x80x125xi32, #tpu.memory_space<hbm>> -> memref<80x125xi32, #tpu.memory_space<hbm>>
      tpu.wait_dma2 semaphore(%run_scoped3A_440 : memref<!tpu.dma_semaphore, #tpu.memory_space<semaphore_mem>>) src(%dma_wait3A_456 : memref<80x125xi32, #tpu.memory_space<hbm>>) dst(%arg10 : memref<80x125xi32, #tpu.memory_space<vmem>>)
      tpu.yield
    }) : () -> ()
    %scan3A = arith.constant 0 : i32
    %scan3A_3 = arith.constant 640 : i32
    %scan3A_4 = arith.addi %scan3A, %scan3A_3 : i32
    %scan3A_5 = arith.constant 1 : i32
    scf.for %scan3A_440 = %scan3A to %scan3A_4 step %scan3A_5  : i32 {
      %broadcast_in_dim3A = arith.constant 0.000000e+00 : f32
      %broadcast_in_dim3A_441 = vector.broadcast %broadcast_in_dim3A : f32 to vector<16xf32>
      %swap3A = arith.index_cast %scan3A_440 : i32 to index
      %swap3A_442 = arith.constant 0 : index
      %swap3A_443 = tpu.vector_load %arg16[%swap3A, %swap3A_442] {strides = array<i32>} : memref<640x16xf32, #tpu.memory_space<vmem>>, vector<1x16xf32>,
      %swap3A_444 = vector.shape_cast %swap3A_443 : vector<1x16xf32> to vector<16xf32>
      %swap3A_445 = vector.shape_cast %broadcast_in_dim3A_441 : vector<16xf32> to vector<1x16xf32>
      tpu.vector_store %arg16[%swap3A, %swap3A_442], %swap3A_445 {strides = array<i32>} : memref<640x16xf32, #tpu.memory_space<vmem>>, vector<1x16xf32>,
    }
    %scan3A_6 = arith.constant 640 : i32
    %mul3A_7 = arith.constant 640 : i32
    %mul3A_8 = arith.muli %arg1, %mul3A_7 : i32
    "tpu.region"() ({
      %run_scoped3A_440 = tpu.sem_alloc : memref<!tpu.dma_semaphore, #tpu.memory_space<semaphore_mem>>
      %dma_start3A_441 = arith.constant 0 : i32
      %dma_start3A_442 = tpu.memref_slice %arg17[%mul3A_8, %dma_start3A_441] : memref<10240x16xf32, #tpu.memory_space<vmem_shared>> -> memref<640x16xf32, #tpu.memory_space<vmem_shared>>
      %dma_start3A_443 = arith.constant 0 : i32
      %dma_start3A_444 = tpu.memref_slice %arg17[%mul3A_8, %dma_start3A_443] : memref<10240x16xf32, #tpu.memory_space<vmem_shared>> -> memref<640x16xf32, #tpu.memory_space<vmem_shared>>
      tpu.enqueue_dma source(%arg16 : memref<640x16xf32, #tpu.memory_space<vmem>>) target(%dma_start3A_444 : memref<640x16xf32, #tpu.memory_space<vmem_shared>>) target_semaphore(%run_scoped3A_440 : memref<!tpu.dma_semaphore, #tpu.memory_space<semaphore_mem>>)
      %dma_wait3A_445 = arith.constant 0 : i32
      %dma_wait3A_446 = tpu.memref_slice %arg17[%mul3A_8, %dma_wait3A_445] : memref<10240x16xf32, #tpu.memory_space<vmem_shared>> -> memref<640x16xf32, #tpu.memory_space<vmem_shared>>
      %dma_wait3A_447 = arith.constant 0 : i32
      %dma_wait3A_448 = tpu.memref_slice %arg17[%mul3A_8, %dma_wait3A_447] : memref<10240x16xf32, #tpu.memory_space<vmem_shared>> -> memref<640x16xf32, #tpu.memory_space<vmem_shared>>
      tpu.wait_dma2 semaphore(%run_scoped3A_440 : memref<!tpu.dma_semaphore, #tpu.memory_space<semaphore_mem>>) src(%arg16 : memref<640x16xf32, #tpu.memory_space<vmem>>) dst(%dma_wait3A_448 : memref<640x16xf32, #tpu.memory_space<vmem_shared>>)
      tpu.yield
    }) : () -> ()
    %barrier3A = arith.constant 0 : index
    tpu.barrier barrier_id(%barrier3A)
    %add3A_9 = arith.constant 0 : i32
    %add3A_10 = arith.addi %mul3A_2, %add3A_9 : i32
    %mul3A_11 = arith.constant 16 : i32
    %mul3A_12 = arith.muli %add3A_10, %mul3A_11 : i32
    %dma_start3A = arith.constant 0 : i32
    %dma_start3A_13 = arith.constant 0 : i32
    %dma_start3A_14 = tpu.memref_slice %arg13[%dma_start3A, %dma_start3A_13] : memref<2x2000xf32, #tpu.memory_space<vmem>> -> memref<1x2000xf32, #tpu.memory_space<vmem>>
    %dma_start3A_15 = tpu.memref_squeeze %dma_start3A_14 : memref<1x2000xf32, #tpu.memory_space<vmem>> -> memref<2000xf32, #tpu.memory_space<vmem>>
    %dma_start3A_16 = tpu.memref_slice %arg6[%mul3A_12] : memref<5120000xf32, #tpu.memory_space<hbm>> -> memref<2000xf32, #tpu.memory_space<hbm>>
    %dma_start3A_17 = arith.constant 0 : i32
    %dma_start3A_18 = tpu.memref_slice %arg13[%dma_start3A, %dma_start3A_17] : memref<2x2000xf32, #tpu.memory_space<vmem>> -> memref<1x2000xf32, #tpu.memory_space<vmem>>
    %dma_start3A_19 = tpu.memref_squeeze %dma_start3A_18 : memref<1x2000xf32, #tpu.memory_space<vmem>> -> memref<2000xf32, #tpu.memory_space<vmem>>
    %dma_start3A_20 = tpu.memref_slice %arg6[%mul3A_12] : memref<5120000xf32, #tpu.memory_space<hbm>> -> memref<2000xf32, #tpu.memory_space<hbm>>
    tpu.enqueue_dma source(%dma_start3A_20 : memref<2000xf32, #tpu.memory_space<hbm>>) target(%dma_start3A_19 : memref<2000xf32, #tpu.memory_space<vmem>>) target_semaphore(%arg18 : memref<!tpu.dma_semaphore, #tpu.memory_space<semaphore_mem>>)
    %dma_start3A_21 = arith.constant 0 : i32
    %dma_start3A_22 = arith.constant 0 : i32
    %dma_start3A_23 = arith.constant 0 : i32
    %dma_start3A_24 = arith.constant 0 : i32
    %dma_start3A_25 = tpu.memref_slice %arg11[%dma_start3A_22, %dma_start3A_23, %dma_start3A_24] : memref<2x125x16xf32, #tpu.memory_space<vmem>> -> memref<1x125x16xf32, #tpu.memory_space<vmem>>
    %dma_start3A_26 = tpu.memref_squeeze %dma_start3A_25 : memref<1x125x16xf32, #tpu.memory_space<vmem>> -> memref<125x16xf32, #tpu.memory_space<vmem>>
    %dma_start3A_27 = arith.constant 0 : i32
    %dma_start3A_28 = tpu.memref_slice %arg9[%dma_start3A_21, %dma_start3A_27] : memref<80x125xi32, #tpu.memory_space<vmem>> -> memref<1x125xi32, #tpu.memory_space<vmem>>
    %dma_start3A_29 = tpu.memref_squeeze %dma_start3A_28 : memref<1x125xi32, #tpu.memory_space<vmem>> -> memref<125xi32, #tpu.memory_space<vmem>>
    %dma_start3A_30 = arith.constant 0 : i32
    %dma_start3A_31 = arith.constant 0 : i32
    %dma_start3A_32 = tpu.memref_slice %arg4[%dma_start3A_30, %dma_start3A_31] : memref<10000x16xf32, #tpu.memory_space<hbm>> -> memref<10000x16xf32, #tpu.memory_space<hbm>>
    tpu.enqueue_indirect_dma source(%dma_start3A_32 : memref<10000x16xf32, #tpu.memory_space<hbm>>) target(%dma_start3A_26 : memref<125x16xf32, #tpu.memory_space<vmem>>) offsets(%dma_start3A_29 : memref<125xi32, #tpu.memory_space<vmem>>) semaphore(%arg18 : memref<!tpu.dma_semaphore, #tpu.memory_space<semaphore_mem>>)
    %dma_start3A_33 = arith.constant 0 : i32
    %dma_start3A_34 = arith.constant 0 : i32
    %dma_start3A_35 = arith.constant 0 : i32
    %dma_start3A_36 = arith.constant 0 : i32
    %dma_start3A_37 = tpu.memref_slice %arg12[%dma_start3A_34, %dma_start3A_35, %dma_start3A_36] : memref<2x125x16xf32, #tpu.memory_space<vmem>> -> memref<1x125x16xf32, #tpu.memory_space<vmem>>
    %dma_start3A_38 = tpu.memref_squeeze %dma_start3A_37 : memref<1x125x16xf32, #tpu.memory_space<vmem>> -> memref<125x16xf32, #tpu.memory_space<vmem>>
    %dma_start3A_39 = arith.constant 0 : i32
    %dma_start3A_40 = tpu.memref_slice %arg10[%dma_start3A_33, %dma_start3A_39] : memref<80x125xi32, #tpu.memory_space<vmem>> -> memref<1x125xi32, #tpu.memory_space<vmem>>
    %dma_start3A_41 = tpu.memref_squeeze %dma_start3A_40 : memref<1x125xi32, #tpu.memory_space<vmem>> -> memref<125xi32, #tpu.memory_space<vmem>>
    %dma_start3A_42 = arith.constant 0 : i32
    %dma_start3A_43 = arith.constant 0 : i32
    %dma_start3A_44 = tpu.memref_slice %arg5[%dma_start3A_42, %dma_start3A_43] : memref<10000x16xf32, #tpu.memory_space<hbm>> -> memref<10000x16xf32, #tpu.memory_space<hbm>>
    tpu.enqueue_indirect_dma source(%dma_start3A_44 : memref<10000x16xf32, #tpu.memory_space<hbm>>) target(%dma_start3A_38 : memref<125x16xf32, #tpu.memory_space<vmem>>) offsets(%dma_start3A_41 : memref<125xi32, #tpu.memory_space<vmem>>) semaphore(%arg18 : memref<!tpu.dma_semaphore, #tpu.memory_space<semaphore_mem>>)
    %add3A_45 = arith.constant 125 : i32
    %add3A_46 = arith.addi %mul3A_2, %add3A_45 : i32
    %mul3A_47 = arith.constant 16 : i32
    %mul3A_48 = arith.muli %add3A_46, %mul3A_47 : i32
    %dma_start3A_49 = arith.constant 1 : i32
    %dma_start3A_50 = arith.constant 0 : i32
    %dma_start3A_51 = tpu.memref_slice %arg13[%dma_start3A_49, %dma_start3A_50] : memref<2x2000xf32, #tpu.memory_space<vmem>> -> memref<1x2000xf32, #tpu.memory_space<vmem>>
    %dma_start3A_52 = tpu.memref_squeeze %dma_start3A_51 : memref<1x2000xf32, #tpu.memory_space<vmem>> -> memref<2000xf32, #tpu.memory_space<vmem>>
    %dma_start3A_53 = tpu.memref_slice %arg6[%mul3A_48] : memref<5120000xf32, #tpu.memory_space<hbm>> -> memref<2000xf32, #tpu.memory_space<hbm>>
    %dma_start3A_54 = arith.constant 0 : i32
    %dma_start3A_55 = tpu.memref_slice %arg13[%dma_start3A_49, %dma_start3A_54] : memref<2x2000xf32, #tpu.memory_space<vmem>> -> memref<1x2000xf32, #tpu.memory_space<vmem>>
    %dma_start3A_56 = tpu.memref_squeeze %dma_start3A_55 : memref<1x2000xf32, #tpu.memory_space<vmem>> -> memref<2000xf32, #tpu.memory_space<vmem>>
    %dma_start3A_57 = tpu.memref_slice %arg6[%mul3A_48] : memref<5120000xf32, #tpu.memory_space<hbm>> -> memref<2000xf32, #tpu.memory_space<hbm>>
    tpu.enqueue_dma source(%dma_start3A_57 : memref<2000xf32, #tpu.memory_space<hbm>>) target(%dma_start3A_56 : memref<2000xf32, #tpu.memory_space<vmem>>) target_semaphore(%arg19 : memref<!tpu.dma_semaphore, #tpu.memory_space<semaphore_mem>>)
    %dma_start3A_58 = arith.constant 1 : i32
    %dma_start3A_59 = arith.constant 1 : i32
    %dma_start3A_60 = arith.constant 0 : i32
    %dma_start3A_61 = arith.constant 0 : i32
    %dma_start3A_62 = tpu.memref_slice %arg11[%dma_start3A_59, %dma_start3A_60, %dma_start3A_61] : memref<2x125x16xf32, #tpu.memory_space<vmem>> -> memref<1x125x16xf32, #tpu.memory_space<vmem>>
    %dma_start3A_63 = tpu.memref_squeeze %dma_start3A_62 : memref<1x125x16xf32, #tpu.memory_space<vmem>> -> memref<125x16xf32, #tpu.memory_space<vmem>>
    %dma_start3A_64 = arith.constant 0 : i32
    %dma_start3A_65 = tpu.memref_slice %arg9[%dma_start3A_58, %dma_start3A_64] : memref<80x125xi32, #tpu.memory_space<vmem>> -> memref<1x125xi32, #tpu.memory_space<vmem>>
    %dma_start3A_66 = tpu.memref_squeeze %dma_start3A_65 : memref<1x125xi32, #tpu.memory_space<vmem>> -> memref<125xi32, #tpu.memory_space<vmem>>
    %dma_start3A_67 = arith.constant 0 : i32
    %dma_start3A_68 = arith.constant 0 : i32
    %dma_start3A_69 = tpu.memref_slice %arg4[%dma_start3A_67, %dma_start3A_68] : memref<10000x16xf32, #tpu.memory_space<hbm>> -> memref<10000x16xf32, #tpu.memory_space<hbm>>
    tpu.enqueue_indirect_dma source(%dma_start3A_69 : memref<10000x16xf32, #tpu.memory_space<hbm>>) target(%dma_start3A_63 : memref<125x16xf32, #tpu.memory_space<vmem>>) offsets(%dma_start3A_66 : memref<125xi32, #tpu.memory_space<vmem>>) semaphore(%arg19 : memref<!tpu.dma_semaphore, #tpu.memory_space<semaphore_mem>>)
    %dma_start3A_70 = arith.constant 1 : i32
    %dma_start3A_71 = arith.constant 1 : i32
    %dma_start3A_72 = arith.constant 0 : i32
    %dma_start3A_73 = arith.constant 0 : i32
    %dma_start3A_74 = tpu.memref_slice %arg12[%dma_start3A_71, %dma_start3A_72, %dma_start3A_73] : memref<2x125x16xf32, #tpu.memory_space<vmem>> -> memref<1x125x16xf32, #tpu.memory_space<vmem>>
    %dma_start3A_75 = tpu.memref_squeeze %dma_start3A_74 : memref<1x125x16xf32, #tpu.memory_space<vmem>> -> memref<125x16xf32, #tpu.memory_space<vmem>>
    %dma_start3A_76 = arith.constant 0 : i32
    %dma_start3A_77 = tpu.memref_slice %arg10[%dma_start3A_70, %dma_start3A_76] : memref<80x125xi32, #tpu.memory_space<vmem>> -> memref<1x125xi32, #tpu.memory_space<vmem>>
    %dma_start3A_78 = tpu.memref_squeeze %dma_start3A_77 : memref<1x125xi32, #tpu.memory_space<vmem>> -> memref<125xi32, #tpu.memory_space<vmem>>
    %dma_start3A_79 = arith.constant 0 : i32
    %dma_start3A_80 = arith.constant 0 : i32
    %dma_start3A_81 = tpu.memref_slice %arg5[%dma_start3A_79, %dma_start3A_80] : memref<10000x16xf32, #tpu.memory_space<hbm>> -> memref<10000x16xf32, #tpu.memory_space<hbm>>
    tpu.enqueue_indirect_dma source(%dma_start3A_81 : memref<10000x16xf32, #tpu.memory_space<hbm>>) target(%dma_start3A_75 : memref<125x16xf32, #tpu.memory_space<vmem>>) offsets(%dma_start3A_78 : memref<125xi32, #tpu.memory_space<vmem>>) semaphore(%arg19 : memref<!tpu.dma_semaphore, #tpu.memory_space<semaphore_mem>>)
    %add3A_82 = arith.constant 0 : i32
    %add3A_83 = arith.addi %mul3A_2, %add3A_82 : i32
    %mul3A_84 = arith.constant 16 : i32
    %mul3A_85 = arith.muli %add3A_83, %mul3A_84 : i32
    %dma_wait3A = arith.constant 0 : i32
    %dma_wait3A_86 = arith.constant 0 : i32
    %dma_wait3A_87 = tpu.memref_slice %arg13[%dma_wait3A, %dma_wait3A_86] : memref<2x2000xf32, #tpu.memory_space<vmem>> -> memref<1x2000xf32, #tpu.memory_space<vmem>>
    %dma_wait3A_88 = tpu.memref_squeeze %dma_wait3A_87 : memref<1x2000xf32, #tpu.memory_space<vmem>> -> memref<2000xf32, #tpu.memory_space<vmem>>
    %dma_wait3A_89 = tpu.memref_slice %arg6[%mul3A_85] : memref<5120000xf32, #tpu.memory_space<hbm>> -> memref<2000xf32, #tpu.memory_space<hbm>>
    %dma_wait3A_90 = arith.constant 0 : i32
    %dma_wait3A_91 = tpu.memref_slice %arg13[%dma_wait3A, %dma_wait3A_90] : memref<2x2000xf32, #tpu.memory_space<vmem>> -> memref<1x2000xf32, #tpu.memory_space<vmem>>
    %dma_wait3A_92 = tpu.memref_squeeze %dma_wait3A_91 : memref<1x2000xf32, #tpu.memory_space<vmem>> -> memref<2000xf32, #tpu.memory_space<vmem>>
    %dma_wait3A_93 = tpu.memref_slice %arg6[%mul3A_85] : memref<5120000xf32, #tpu.memory_space<hbm>> -> memref<2000xf32, #tpu.memory_space<hbm>>
    tpu.wait_dma2 semaphore(%arg18 : memref<!tpu.dma_semaphore, #tpu.memory_space<semaphore_mem>>) src(%dma_wait3A_93 : memref<2000xf32, #tpu.memory_space<hbm>>) dst(%dma_wait3A_92 : memref<2000xf32, #tpu.memory_space<vmem>>)
    %dma_wait3A_94 = arith.constant 0 : i32
    %dma_wait3A_95 = arith.constant 0 : i32
    %dma_wait3A_96 = arith.constant 0 : i32
    %dma_wait3A_97 = arith.constant 0 : i32
    %dma_wait3A_98 = tpu.memref_slice %arg11[%dma_wait3A_95, %dma_wait3A_96, %dma_wait3A_97] : memref<2x125x16xf32, #tpu.memory_space<vmem>> -> memref<1x125x16xf32, #tpu.memory_space<vmem>>
    %dma_wait3A_99 = tpu.memref_squeeze %dma_wait3A_98 : memref<1x125x16xf32, #tpu.memory_space<vmem>> -> memref<125x16xf32, #tpu.memory_space<vmem>>
    %dma_wait3A_100 = arith.constant 0 : i32
    %dma_wait3A_101 = tpu.memref_slice %arg9[%dma_wait3A_94, %dma_wait3A_100] : memref<80x125xi32, #tpu.memory_space<vmem>> -> memref<1x125xi32, #tpu.memory_space<vmem>>
    %dma_wait3A_102 = tpu.memref_squeeze %dma_wait3A_101 : memref<1x125xi32, #tpu.memory_space<vmem>> -> memref<125xi32, #tpu.memory_space<vmem>>
    %dma_wait3A_103 = arith.constant 0 : i32
    %dma_wait3A_104 = arith.constant 0 : i32
    %dma_wait3A_105 = tpu.memref_slice %arg4[%dma_wait3A_103, %dma_wait3A_104] : memref<10000x16xf32, #tpu.memory_space<hbm>> -> memref<10000x16xf32, #tpu.memory_space<hbm>>
    tpu.wait_indirect_dma semaphore(%arg18 : memref<!tpu.dma_semaphore, #tpu.memory_space<semaphore_mem>>) src(%dma_wait3A_105 : memref<10000x16xf32, #tpu.memory_space<hbm>>) dst(%dma_wait3A_99 : memref<125x16xf32, #tpu.memory_space<vmem>>)
    %dma_wait3A_106 = arith.constant 0 : i32
    %dma_wait3A_107 = arith.constant 0 : i32
    %dma_wait3A_108 = arith.constant 0 : i32
    %dma_wait3A_109 = arith.constant 0 : i32
    %dma_wait3A_110 = tpu.memref_slice %arg12[%dma_wait3A_107, %dma_wait3A_108, %dma_wait3A_109] : memref<2x125x16xf32, #tpu.memory_space<vmem>> -> memref<1x125x16xf32, #tpu.memory_space<vmem>>
    %dma_wait3A_111 = tpu.memref_squeeze %dma_wait3A_110 : memref<1x125x16xf32, #tpu.memory_space<vmem>> -> memref<125x16xf32, #tpu.memory_space<vmem>>
    %dma_wait3A_112 = arith.constant 0 : i32
    %dma_wait3A_113 = tpu.memref_slice %arg10[%dma_wait3A_106, %dma_wait3A_112] : memref<80x125xi32, #tpu.memory_space<vmem>> -> memref<1x125xi32, #tpu.memory_space<vmem>>
    %dma_wait3A_114 = tpu.memref_squeeze %dma_wait3A_113 : memref<1x125xi32, #tpu.memory_space<vmem>> -> memref<125xi32, #tpu.memory_space<vmem>>
    %dma_wait3A_115 = arith.constant 0 : i32
    %dma_wait3A_116 = arith.constant 0 : i32
    %dma_wait3A_117 = tpu.memref_slice %arg5[%dma_wait3A_115, %dma_wait3A_116] : memref<10000x16xf32, #tpu.memory_space<hbm>> -> memref<10000x16xf32, #tpu.memory_space<hbm>>
    tpu.wait_indirect_dma semaphore(%arg18 : memref<!tpu.dma_semaphore, #tpu.memory_space<semaphore_mem>>) src(%dma_wait3A_117 : memref<10000x16xf32, #tpu.memory_space<hbm>>) dst(%dma_wait3A_111 : memref<125x16xf32, #tpu.memory_space<vmem>>)
    %scan3A_118 = arith.constant 0 : i32
    %scan3A_119 = arith.constant 125 : i32
    %scan3A_120 = arith.addi %scan3A_118, %scan3A_119 : i32
    %scan3A_121 = arith.constant 1 : i32
    scf.for %scan3A_440 = %scan3A_118 to %scan3A_120 step %scan3A_121  : i32 {
      %get3A = arith.constant 0 : i32
      %get3A_441 = arith.index_cast %get3A : i32 to index
      %get3A_442 = arith.index_cast %scan3A_440 : i32 to index
      %get3A_443 = arith.constant 0 : index
      %get3A_444 = tpu.vector_load %arg11[%get3A_441, %get3A_442, %get3A_443] {strides = array<i32>} : memref<2x125x16xf32, #tpu.memory_space<vmem>>, vector<1x1x16xf32>,
      %get3A_445 = vector.shape_cast %get3A_444 : vector<1x1x16xf32> to vector<16xf32>
      %get3A_446 = arith.constant 0 : i32
      %get3A_447 = arith.index_cast %get3A_446 : i32 to index
      %get3A_448 = arith.index_cast %scan3A_440 : i32 to index
      %get3A_449 = arith.constant 0 : index
      %get3A_450 = tpu.vector_load %arg12[%get3A_447, %get3A_448, %get3A_449] {strides = array<i32>} : memref<2x125x16xf32, #tpu.memory_space<vmem>>, vector<1x1x16xf32>,
      %get3A_451 = vector.shape_cast %get3A_450 : vector<1x1x16xf32> to vector<16xf32>
      %add3A_452 = arith.addf %get3A_445, %get3A_451 : vector<16xf32>
      %mul3A_453 = arith.constant 16 : i32
      %mul3A_454 = arith.muli %scan3A_440, %mul3A_453 : i32
      %get3A_455 = arith.constant 0 : i32
      %get3A_456 = arith.index_cast %get3A_455 : i32 to index
      %get3A_457 = arith.index_cast %mul3A_454 : i32 to index
      %get3A_458 = tpu.vector_load %arg13[%get3A_456, %get3A_457] {strides = array<i32>} : memref<2x2000xf32, #tpu.memory_space<vmem>>, vector<1x16xf32>,
      %get3A_459 = vector.shape_cast %get3A_458 : vector<1x16xf32> to vector<16xf32>
      %add3A_460 = arith.addf %add3A_452, %get3A_459 : vector<16xf32>
      %max3A = arith.constant 0.000000e+00 : f32
      %max3A_461 = vector.broadcast %max3A : f32 to vector<16xf32>
      %max3A_462 = arith.maximumf %add3A_460, %max3A_461 : vector<16xf32>
      %swap3A = arith.constant 0 : i32
      %swap3A_463 = arith.index_cast %swap3A : i32 to index
      %swap3A_464 = arith.index_cast %scan3A_440 : i32 to index
      %swap3A_465 = arith.constant 0 : index
      %swap3A_466 = tpu.vector_load %arg14[%swap3A_463, %swap3A_464, %swap3A_465] {strides = array<i32>} : memref<2x125x16xf32, #tpu.memory_space<vmem>>, vector<1x1x16xf32>,
      %swap3A_467 = vector.shape_cast %swap3A_466 : vector<1x1x16xf32> to vector<16xf32>
      %swap3A_468 = vector.shape_cast %max3A_462 : vector<16xf32> to vector<1x1x16xf32>
      tpu.vector_store %arg14[%swap3A_463, %swap3A_464, %swap3A_465], %swap3A_468 {strides = array<i32>} : memref<2x125x16xf32, #tpu.memory_space<vmem>>, vector<1x1x16xf32>,
      %mul3A_469 = arith.constant 16 : i32
      %mul3A_470 = arith.muli %scan3A_440, %mul3A_469 : i32
      %swap3A_471 = arith.constant 0 : i32
      %swap3A_472 = arith.index_cast %swap3A_471 : i32 to index
      %swap3A_473 = arith.index_cast %mul3A_470 : i32 to index
      %swap3A_474 = tpu.vector_load %arg15[%swap3A_472, %swap3A_473] {strides = array<i32>} : memref<2x2000xf32, #tpu.memory_space<vmem>>, vector<1x16xf32>,
      %swap3A_475 = vector.shape_cast %swap3A_474 : vector<1x16xf32> to vector<16xf32>
      %swap3A_476 = vector.shape_cast %max3A_462 : vector<16xf32> to vector<1x16xf32>
      tpu.vector_store %arg15[%swap3A_472, %swap3A_473], %swap3A_476 {strides = array<i32>} : memref<2x2000xf32, #tpu.memory_space<vmem>>, vector<1x16xf32>,
    }
    %scan3A_122 = arith.constant 125 : i32
    %add3A_123 = arith.constant 250 : i32
    %add3A_124 = arith.addi %mul3A_2, %add3A_123 : i32
    %mul3A_125 = arith.constant 16 : i32
    %mul3A_126 = arith.muli %add3A_124, %mul3A_125 : i32
    %dma_start3A_127 = arith.constant 0 : i32
    %dma_start3A_128 = arith.constant 0 : i32
    %dma_start3A_129 = tpu.memref_slice %arg13[%dma_start3A_127, %dma_start3A_128] : memref<2x2000xf32, #tpu.memory_space<vmem>> -> memref<1x2000xf32, #tpu.memory_space<vmem>>
    %dma_start3A_130 = tpu.memref_squeeze %dma_start3A_129 : memref<1x2000xf32, #tpu.memory_space<vmem>> -> memref<2000xf32, #tpu.memory_space<vmem>>
    %dma_start3A_131 = tpu.memref_slice %arg6[%mul3A_126] : memref<5120000xf32, #tpu.memory_space<hbm>> -> memref<2000xf32, #tpu.memory_space<hbm>>
    %dma_start3A_132 = arith.constant 0 : i32
    %dma_start3A_133 = tpu.memref_slice %arg13[%dma_start3A_127, %dma_start3A_132] : memref<2x2000xf32, #tpu.memory_space<vmem>> -> memref<1x2000xf32, #tpu.memory_space<vmem>>
    %dma_start3A_134 = tpu.memref_squeeze %dma_start3A_133 : memref<1x2000xf32, #tpu.memory_space<vmem>> -> memref<2000xf32, #tpu.memory_space<vmem>>
    %dma_start3A_135 = tpu.memref_slice %arg6[%mul3A_126] : memref<5120000xf32, #tpu.memory_space<hbm>> -> memref<2000xf32, #tpu.memory_space<hbm>>
    tpu.enqueue_dma source(%dma_start3A_135 : memref<2000xf32, #tpu.memory_space<hbm>>) target(%dma_start3A_134 : memref<2000xf32, #tpu.memory_space<vmem>>) target_semaphore(%arg18 : memref<!tpu.dma_semaphore, #tpu.memory_space<semaphore_mem>>)
    %dma_start3A_136 = arith.constant 2 : i32
    %dma_start3A_137 = arith.constant 0 : i32
    %dma_start3A_138 = arith.constant 0 : i32
    %dma_start3A_139 = arith.constant 0 : i32
    %dma_start3A_140 = tpu.memref_slice %arg11[%dma_start3A_137, %dma_start3A_138, %dma_start3A_139] : memref<2x125x16xf32, #tpu.memory_space<vmem>> -> memref<1x125x16xf32, #tpu.memory_space<vmem>>
    %dma_start3A_141 = tpu.memref_squeeze %dma_start3A_140 : memref<1x125x16xf32, #tpu.memory_space<vmem>> -> memref<125x16xf32, #tpu.memory_space<vmem>>
    %dma_start3A_142 = arith.constant 0 : i32
    %dma_start3A_143 = tpu.memref_slice %arg9[%dma_start3A_136, %dma_start3A_142] : memref<80x125xi32, #tpu.memory_space<vmem>> -> memref<1x125xi32, #tpu.memory_space<vmem>>
    %dma_start3A_144 = tpu.memref_squeeze %dma_start3A_143 : memref<1x125xi32, #tpu.memory_space<vmem>> -> memref<125xi32, #tpu.memory_space<vmem>>
    %dma_start3A_145 = arith.constant 0 : i32
    %dma_start3A_146 = arith.constant 0 : i32
    %dma_start3A_147 = tpu.memref_slice %arg4[%dma_start3A_145, %dma_start3A_146] : memref<10000x16xf32, #tpu.memory_space<hbm>> -> memref<10000x16xf32, #tpu.memory_space<hbm>>
    tpu.enqueue_indirect_dma source(%dma_start3A_147 : memref<10000x16xf32, #tpu.memory_space<hbm>>) target(%dma_start3A_141 : memref<125x16xf32, #tpu.memory_space<vmem>>) offsets(%dma_start3A_144 : memref<125xi32, #tpu.memory_space<vmem>>) semaphore(%arg18 : memref<!tpu.dma_semaphore, #tpu.memory_space<semaphore_mem>>)
    %dma_start3A_148 = arith.constant 2 : i32
    %dma_start3A_149 = arith.constant 0 : i32
    %dma_start3A_150 = arith.constant 0 : i32
    %dma_start3A_151 = arith.constant 0 : i32
    %dma_start3A_152 = tpu.memref_slice %arg12[%dma_start3A_149, %dma_start3A_150, %dma_start3A_151] : memref<2x125x16xf32, #tpu.memory_space<vmem>> -> memref<1x125x16xf32, #tpu.memory_space<vmem>>
    %dma_start3A_153 = tpu.memref_squeeze %dma_start3A_152 : memref<1x125x16xf32, #tpu.memory_space<vmem>> -> memref<125x16xf32, #tpu.memory_space<vmem>>
    %dma_start3A_154 = arith.constant 0 : i32
    %dma_start3A_155 = tpu.memref_slice %arg10[%dma_start3A_148, %dma_start3A_154] : memref<80x125xi32, #tpu.memory_space<vmem>> -> memref<1x125xi32, #tpu.memory_space<vmem>>
    %dma_start3A_156 = tpu.memref_squeeze %dma_start3A_155 : memref<1x125xi32, #tpu.memory_space<vmem>> -> memref<125xi32, #tpu.memory_space<vmem>>
    %dma_start3A_157 = arith.constant 0 : i32
    %dma_start3A_158 = arith.constant 0 : i32
    %dma_start3A_159 = tpu.memref_slice %arg5[%dma_start3A_157, %dma_start3A_158] : memref<10000x16xf32, #tpu.memory_space<hbm>> -> memref<10000x16xf32, #tpu.memory_space<hbm>>
    tpu.enqueue_indirect_dma source(%dma_start3A_159 : memref<10000x16xf32, #tpu.memory_space<hbm>>) target(%dma_start3A_153 : memref<125x16xf32, #tpu.memory_space<vmem>>) offsets(%dma_start3A_156 : memref<125xi32, #tpu.memory_space<vmem>>) semaphore(%arg18 : memref<!tpu.dma_semaphore, #tpu.memory_space<semaphore_mem>>)
    %add3A_160 = arith.constant 0 : i32
    %add3A_161 = arith.addi %mul3A_2, %add3A_160 : i32
    %mul3A_162 = arith.constant 16 : i32
    %mul3A_163 = arith.muli %add3A_161, %mul3A_162 : i32
    %dma_start3A_164 = arith.constant 0 : i32
    %dma_start3A_165 = arith.constant 0 : i32
    %dma_start3A_166 = tpu.memref_slice %arg15[%dma_start3A_164, %dma_start3A_165] : memref<2x2000xf32, #tpu.memory_space<vmem>> -> memref<1x2000xf32, #tpu.memory_space<vmem>>
    %dma_start3A_167 = tpu.memref_squeeze %dma_start3A_166 : memref<1x2000xf32, #tpu.memory_space<vmem>> -> memref<2000xf32, #tpu.memory_space<vmem>>
    %dma_start3A_168 = tpu.memref_slice %arg7[%mul3A_163] : memref<5120000xf32, #tpu.memory_space<hbm>> -> memref<2000xf32, #tpu.memory_space<hbm>>
    %dma_start3A_169 = tpu.memref_slice %arg7[%mul3A_163] : memref<5120000xf32, #tpu.memory_space<hbm>> -> memref<2000xf32, #tpu.memory_space<hbm>>
    %dma_start3A_170 = arith.constant 0 : i32
    %dma_start3A_171 = tpu.memref_slice %arg15[%dma_start3A_164, %dma_start3A_170] : memref<2x2000xf32, #tpu.memory_space<vmem>> -> memref<1x2000xf32, #tpu.memory_space<vmem>>
    %dma_start3A_172 = tpu.memref_squeeze %dma_start3A_171 : memref<1x2000xf32, #tpu.memory_space<vmem>> -> memref<2000xf32, #tpu.memory_space<vmem>>
    tpu.enqueue_dma source(%dma_start3A_172 : memref<2000xf32, #tpu.memory_space<vmem>>) target(%dma_start3A_169 : memref<2000xf32, #tpu.memory_space<hbm>>) target_semaphore(%arg20 : memref<!tpu.dma_semaphore, #tpu.memory_space<semaphore_mem>>)
    %run_scoped3A = arith.constant 0 : i32
    %run_scoped3A_173 = arith.constant 0 : i32
    "tpu.region"() ({
      %run_scoped3A_440 = tpu.sem_alloc : memref<!tpu.dma_semaphore, #tpu.memory_space<semaphore_mem>>
      %dma_start3A_441 = arith.constant 0 : i32
      %dma_start3A_442 = arith.constant 0 : i32
      %dma_start3A_443 = tpu.memref_slice %arg14[%run_scoped3A, %dma_start3A_441, %dma_start3A_442] : memref<2x125x16xf32, #tpu.memory_space<vmem>> -> memref<1x125x16xf32, #tpu.memory_space<vmem>>
      %dma_start3A_444 = tpu.memref_squeeze %dma_start3A_443 : memref<1x125x16xf32, #tpu.memory_space<vmem>> -> memref<125x16xf32, #tpu.memory_space<vmem>>
      %dma_start3A_445 = arith.constant 0 : i32
      %dma_start3A_446 = tpu.memref_slice %arg10[%run_scoped3A_173, %dma_start3A_445] : memref<80x125xi32, #tpu.memory_space<vmem>> -> memref<1x125xi32, #tpu.memory_space<vmem>>
      %dma_start3A_447 = tpu.memref_squeeze %dma_start3A_446 : memref<1x125xi32, #tpu.memory_space<vmem>> -> memref<125xi32, #tpu.memory_space<vmem>>
      %dma_start3A_448 = arith.constant 0 : i32
      %dma_start3A_449 = arith.constant 0 : i32
      %dma_start3A_450 = tpu.memref_slice %arg17[%dma_start3A_448, %dma_start3A_449] : memref<10240x16xf32, #tpu.memory_space<vmem_shared>> -> memref<10240x16xf32, #tpu.memory_space<vmem_shared>>
      tpu.enqueue_indirect_dma source(%dma_start3A_444 : memref<125x16xf32, #tpu.memory_space<vmem>>) target(%dma_start3A_450 : memref<10240x16xf32, #tpu.memory_space<vmem_shared>>) offsets(%dma_start3A_447 : memref<125xi32, #tpu.memory_space<vmem>>) semaphore(%run_scoped3A_440 : memref<!tpu.dma_semaphore, #tpu.memory_space<semaphore_mem>>) {add = true}
      %dma_wait3A_451 = arith.constant 0 : i32
      %dma_wait3A_452 = arith.constant 0 : i32
      %dma_wait3A_453 = tpu.memref_slice %arg14[%run_scoped3A, %dma_wait3A_451, %dma_wait3A_452] : memref<2x125x16xf32, #tpu.memory_space<vmem>> -> memref<1x125x16xf32, #tpu.memory_space<vmem>>
      %dma_wait3A_454 = tpu.memref_squeeze %dma_wait3A_453 : memref<1x125x16xf32, #tpu.memory_space<vmem>> -> memref<125x16xf32, #tpu.memory_space<vmem>>
      %dma_wait3A_455 = arith.constant 0 : i32
      %dma_wait3A_456 = tpu.memref_slice %arg10[%run_scoped3A_173, %dma_wait3A_455] : memref<80x125xi32, #tpu.memory_space<vmem>> -> memref<1x125xi32, #tpu.memory_space<vmem>>
      %dma_wait3A_457 = tpu.memref_squeeze %dma_wait3A_456 : memref<1x125xi32, #tpu.memory_space<vmem>> -> memref<125xi32, #tpu.memory_space<vmem>>
      %dma_wait3A_458 = arith.constant 0 : i32
      %dma_wait3A_459 = arith.constant 0 : i32
      %dma_wait3A_460 = tpu.memref_slice %arg17[%dma_wait3A_458, %dma_wait3A_459] : memref<10240x16xf32, #tpu.memory_space<vmem_shared>> -> memref<10240x16xf32, #tpu.memory_space<vmem_shared>>
      tpu.wait_indirect_dma semaphore(%run_scoped3A_440 : memref<!tpu.dma_semaphore, #tpu.memory_space<semaphore_mem>>) src(%dma_wait3A_454 : memref<125x16xf32, #tpu.memory_space<vmem>>) dst(%dma_wait3A_460 : memref<10240x16xf32, #tpu.memory_space<vmem_shared>>)
      tpu.yield
    }) : () -> ()
    %add3A_174 = arith.constant 125 : i32
    %add3A_175 = arith.addi %mul3A_2, %add3A_174 : i32
    %mul3A_176 = arith.constant 16 : i32
    %mul3A_177 = arith.muli %add3A_175, %mul3A_176 : i32
    %dma_wait3A_178 = arith.constant 1 : i32
    %dma_wait3A_179 = arith.constant 0 : i32
    %dma_wait3A_180 = tpu.memref_slice %arg13[%dma_wait3A_178, %dma_wait3A_179] : memref<2x2000xf32, #tpu.memory_space<vmem>> -> memref<1x2000xf32, #tpu.memory_space<vmem>>
    %dma_wait3A_181 = tpu.memref_squeeze %dma_wait3A_180 : memref<1x2000xf32, #tpu.memory_space<vmem>> -> memref<2000xf32, #tpu.memory_space<vmem>>
    %dma_wait3A_182 = tpu.memref_slice %arg6[%mul3A_177] : memref<5120000xf32, #tpu.memory_space<hbm>> -> memref<2000xf32, #tpu.memory_space<hbm>>
    %dma_wait3A_183 = arith.constant 0 : i32
    %dma_wait3A_184 = tpu.memref_slice %arg13[%dma_wait3A_178, %dma_wait3A_183] : memref<2x2000xf32, #tpu.memory_space<vmem>> -> memref<1x2000xf32, #tpu.memory_space<vmem>>
    %dma_wait3A_185 = tpu.memref_squeeze %dma_wait3A_184 : memref<1x2000xf32, #tpu.memory_space<vmem>> -> memref<2000xf32, #tpu.memory_space<vmem>>
    %dma_wait3A_186 = tpu.memref_slice %arg6[%mul3A_177] : memref<5120000xf32, #tpu.memory_space<hbm>> -> memref<2000xf32, #tpu.memory_space<hbm>>
    tpu.wait_dma2 semaphore(%arg19 : memref<!tpu.dma_semaphore, #tpu.memory_space<semaphore_mem>>) src(%dma_wait3A_186 : memref<2000xf32, #tpu.memory_space<hbm>>) dst(%dma_wait3A_185 : memref<2000xf32, #tpu.memory_space<vmem>>)
    %dma_wait3A_187 = arith.constant 1 : i32
    %dma_wait3A_188 = arith.constant 1 : i32
    %dma_wait3A_189 = arith.constant 0 : i32
    %dma_wait3A_190 = arith.constant 0 : i32
    %dma_wait3A_191 = tpu.memref_slice %arg11[%dma_wait3A_188, %dma_wait3A_189, %dma_wait3A_190] : memref<2x125x16xf32, #tpu.memory_space<vmem>> -> memref<1x125x16xf32, #tpu.memory_space<vmem>>
    %dma_wait3A_192 = tpu.memref_squeeze %dma_wait3A_191 : memref<1x125x16xf32, #tpu.memory_space<vmem>> -> memref<125x16xf32, #tpu.memory_space<vmem>>
    %dma_wait3A_193 = arith.constant 0 : i32
    %dma_wait3A_194 = tpu.memref_slice %arg9[%dma_wait3A_187, %dma_wait3A_193] : memref<80x125xi32, #tpu.memory_space<vmem>> -> memref<1x125xi32, #tpu.memory_space<vmem>>
    %dma_wait3A_195 = tpu.memref_squeeze %dma_wait3A_194 : memref<1x125xi32, #tpu.memory_space<vmem>> -> memref<125xi32, #tpu.memory_space<vmem>>
    %dma_wait3A_196 = arith.constant 0 : i32
    %dma_wait3A_197 = arith.constant 0 : i32
    %dma_wait3A_198 = tpu.memref_slice %arg4[%dma_wait3A_196, %dma_wait3A_197] : memref<10000x16xf32, #tpu.memory_space<hbm>> -> memref<10000x16xf32, #tpu.memory_space<hbm>>
    tpu.wait_indirect_dma semaphore(%arg19 : memref<!tpu.dma_semaphore, #tpu.memory_space<semaphore_mem>>) src(%dma_wait3A_198 : memref<10000x16xf32, #tpu.memory_space<hbm>>) dst(%dma_wait3A_192 : memref<125x16xf32, #tpu.memory_space<vmem>>)
    %dma_wait3A_199 = arith.constant 1 : i32
    %dma_wait3A_200 = arith.constant 1 : i32
    %dma_wait3A_201 = arith.constant 0 : i32
    %dma_wait3A_202 = arith.constant 0 : i32
    %dma_wait3A_203 = tpu.memref_slice %arg12[%dma_wait3A_200, %dma_wait3A_201, %dma_wait3A_202] : memref<2x125x16xf32, #tpu.memory_space<vmem>> -> memref<1x125x16xf32, #tpu.memory_space<vmem>>
    %dma_wait3A_204 = tpu.memref_squeeze %dma_wait3A_203 : memref<1x125x16xf32, #tpu.memory_space<vmem>> -> memref<125x16xf32, #tpu.memory_space<vmem>>
    %dma_wait3A_205 = arith.constant 0 : i32
    %dma_wait3A_206 = tpu.memref_slice %arg10[%dma_wait3A_199, %dma_wait3A_205] : memref<80x125xi32, #tpu.memory_space<vmem>> -> memref<1x125xi32, #tpu.memory_space<vmem>>
    %dma_wait3A_207 = tpu.memref_squeeze %dma_wait3A_206 : memref<1x125xi32, #tpu.memory_space<vmem>> -> memref<125xi32, #tpu.memory_space<vmem>>
    %dma_wait3A_208 = arith.constant 0 : i32
    %dma_wait3A_209 = arith.constant 0 : i32
    %dma_wait3A_210 = tpu.memref_slice %arg5[%dma_wait3A_208, %dma_wait3A_209] : memref<10000x16xf32, #tpu.memory_space<hbm>> -> memref<10000x16xf32, #tpu.memory_space<hbm>>
    tpu.wait_indirect_dma semaphore(%arg19 : memref<!tpu.dma_semaphore, #tpu.memory_space<semaphore_mem>>) src(%dma_wait3A_210 : memref<10000x16xf32, #tpu.memory_space<hbm>>) dst(%dma_wait3A_204 : memref<125x16xf32, #tpu.memory_space<vmem>>)
    %scan3A_211 = arith.constant 0 : i32
    %scan3A_212 = arith.constant 125 : i32
    %scan3A_213 = arith.addi %scan3A_211, %scan3A_212 : i32
    %scan3A_214 = arith.constant 1 : i32
    scf.for %scan3A_440 = %scan3A_211 to %scan3A_213 step %scan3A_214  : i32 {
      %get3A = arith.constant 1 : i32
      %get3A_441 = arith.index_cast %get3A : i32 to index
      %get3A_442 = arith.index_cast %scan3A_440 : i32 to index
      %get3A_443 = arith.constant 0 : index
      %get3A_444 = tpu.vector_load %arg11[%get3A_441, %get3A_442, %get3A_443] {strides = array<i32>} : memref<2x125x16xf32, #tpu.memory_space<vmem>>, vector<1x1x16xf32>,
      %get3A_445 = vector.shape_cast %get3A_444 : vector<1x1x16xf32> to vector<16xf32>
      %get3A_446 = arith.constant 1 : i32
      %get3A_447 = arith.index_cast %get3A_446 : i32 to index
      %get3A_448 = arith.index_cast %scan3A_440 : i32 to index
      %get3A_449 = arith.constant 0 : index
      %get3A_450 = tpu.vector_load %arg12[%get3A_447, %get3A_448, %get3A_449] {strides = array<i32>} : memref<2x125x16xf32, #tpu.memory_space<vmem>>, vector<1x1x16xf32>,
      %get3A_451 = vector.shape_cast %get3A_450 : vector<1x1x16xf32> to vector<16xf32>
      %add3A_452 = arith.addf %get3A_445, %get3A_451 : vector<16xf32>
      %mul3A_453 = arith.constant 16 : i32
      %mul3A_454 = arith.muli %scan3A_440, %mul3A_453 : i32
      %get3A_455 = arith.constant 1 : i32
      %get3A_456 = arith.index_cast %get3A_455 : i32 to index
      %get3A_457 = arith.index_cast %mul3A_454 : i32 to index
      %get3A_458 = tpu.vector_load %arg13[%get3A_456, %get3A_457] {strides = array<i32>} : memref<2x2000xf32, #tpu.memory_space<vmem>>, vector<1x16xf32>,
      %get3A_459 = vector.shape_cast %get3A_458 : vector<1x16xf32> to vector<16xf32>
      %add3A_460 = arith.addf %add3A_452, %get3A_459 : vector<16xf32>
      %max3A = arith.constant 0.000000e+00 : f32
      %max3A_461 = vector.broadcast %max3A : f32 to vector<16xf32>
      %max3A_462 = arith.maximumf %add3A_460, %max3A_461 : vector<16xf32>
      %swap3A = arith.constant 1 : i32
      %swap3A_463 = arith.index_cast %swap3A : i32 to index
      %swap3A_464 = arith.index_cast %scan3A_440 : i32 to index
      %swap3A_465 = arith.constant 0 : index
      %swap3A_466 = tpu.vector_load %arg14[%swap3A_463, %swap3A_464, %swap3A_465] {strides = array<i32>} : memref<2x125x16xf32, #tpu.memory_space<vmem>>, vector<1x1x16xf32>,
      %swap3A_467 = vector.shape_cast %swap3A_466 : vector<1x1x16xf32> to vector<16xf32>
      %swap3A_468 = vector.shape_cast %max3A_462 : vector<16xf32> to vector<1x1x16xf32>
      tpu.vector_store %arg14[%swap3A_463, %swap3A_464, %swap3A_465], %swap3A_468 {strides = array<i32>} : memref<2x125x16xf32, #tpu.memory_space<vmem>>, vector<1x1x16xf32>,
      %mul3A_469 = arith.constant 16 : i32
      %mul3A_470 = arith.muli %scan3A_440, %mul3A_469 : i32
      %swap3A_471 = arith.constant 1 : i32
      %swap3A_472 = arith.index_cast %swap3A_471 : i32 to index
      %swap3A_473 = arith.index_cast %mul3A_470 : i32 to index
      %swap3A_474 = tpu.vector_load %arg15[%swap3A_472, %swap3A_473] {strides = array<i32>} : memref<2x2000xf32, #tpu.memory_space<vmem>>, vector<1x16xf32>,
      %swap3A_475 = vector.shape_cast %swap3A_474 : vector<1x16xf32> to vector<16xf32>
      %swap3A_476 = vector.shape_cast %max3A_462 : vector<16xf32> to vector<1x16xf32>
      tpu.vector_store %arg15[%swap3A_472, %swap3A_473], %swap3A_476 {strides = array<i32>} : memref<2x2000xf32, #tpu.memory_space<vmem>>, vector<1x16xf32>,
    }
    %scan3A_215 = arith.constant 125 : i32
    %add3A_216 = arith.constant 375 : i32
    %add3A_217 = arith.addi %mul3A_2, %add3A_216 : i32
    %mul3A_218 = arith.constant 16 : i32
    %mul3A_219 = arith.muli %add3A_217, %mul3A_218 : i32
    %dma_start3A_220 = arith.constant 1 : i32
    %dma_start3A_221 = arith.constant 0 : i32
    %dma_start3A_222 = tpu.memref_slice %arg13[%dma_start3A_220, %dma_start3A_221] : memref<2x2000xf32, #tpu.memory_space<vmem>> -> memref<1x2000xf32, #tpu.memory_space<vmem>>
    %dma_start3A_223 = tpu.memref_squeeze %dma_start3A_222 : memref<1x2000xf32, #tpu.memory_space<vmem>> -> memref<2000xf32, #tpu.memory_space<vmem>>
    %dma_start3A_224 = tpu.memref_slice %arg6[%mul3A_219] : memref<5120000xf32, #tpu.memory_space<hbm>> -> memref<2000xf32, #tpu.memory_space<hbm>>
    %dma_start3A_225 = arith.constant 0 : i32
    %dma_start3A_226 = tpu.memref_slice %arg13[%dma_start3A_220, %dma_start3A_225] : memref<2x2000xf32, #tpu.memory_space<vmem>> -> memref<1x2000xf32, #tpu.memory_space<vmem>>
    %dma_start3A_227 = tpu.memref_squeeze %dma_start3A_226 : memref<1x2000xf32, #tpu.memory_space<vmem>> -> memref<2000xf32, #tpu.memory_space<vmem>>
    %dma_start3A_228 = tpu.memref_slice %arg6[%mul3A_219] : memref<5120000xf32, #tpu.memory_space<hbm>> -> memref<2000xf32, #tpu.memory_space<hbm>>
    tpu.enqueue_dma source(%dma_start3A_228 : memref<2000xf32, #tpu.memory_space<hbm>>) target(%dma_start3A_227 : memref<2000xf32, #tpu.memory_space<vmem>>) target_semaphore(%arg19 : memref<!tpu.dma_semaphore, #tpu.memory_space<semaphore_mem>>)
    %dma_start3A_229 = arith.constant 3 : i32
    %dma_start3A_230 = arith.constant 1 : i32
    %dma_start3A_231 = arith.constant 0 : i32
    %dma_start3A_232 = arith.constant 0 : i32
    %dma_start3A_233 = tpu.memref_slice %arg11[%dma_start3A_230, %dma_start3A_231, %dma_start3A_232] : memref<2x125x16xf32, #tpu.memory_space<vmem>> -> memref<1x125x16xf32, #tpu.memory_space<vmem>>
    %dma_start3A_234 = tpu.memref_squeeze %dma_start3A_233 : memref<1x125x16xf32, #tpu.memory_space<vmem>> -> memref<125x16xf32, #tpu.memory_space<vmem>>
    %dma_start3A_235 = arith.constant 0 : i32
    %dma_start3A_236 = tpu.memref_slice %arg9[%dma_start3A_229, %dma_start3A_235] : memref<80x125xi32, #tpu.memory_space<vmem>> -> memref<1x125xi32, #tpu.memory_space<vmem>>
    %dma_start3A_237 = tpu.memref_squeeze %dma_start3A_236 : memref<1x125xi32, #tpu.memory_space<vmem>> -> memref<125xi32, #tpu.memory_space<vmem>>
    %dma_start3A_238 = arith.constant 0 : i32
    %dma_start3A_239 = arith.constant 0 : i32
    %dma_start3A_240 = tpu.memref_slice %arg4[%dma_start3A_238, %dma_start3A_239] : memref<10000x16xf32, #tpu.memory_space<hbm>> -> memref<10000x16xf32, #tpu.memory_space<hbm>>
    tpu.enqueue_indirect_dma source(%dma_start3A_240 : memref<10000x16xf32, #tpu.memory_space<hbm>>) target(%dma_start3A_234 : memref<125x16xf32, #tpu.memory_space<vmem>>) offsets(%dma_start3A_237 : memref<125xi32, #tpu.memory_space<vmem>>) semaphore(%arg19 : memref<!tpu.dma_semaphore, #tpu.memory_space<semaphore_mem>>)
    %dma_start3A_241 = arith.constant 3 : i32
    %dma_start3A_242 = arith.constant 1 : i32
    %dma_start3A_243 = arith.constant 0 : i32
    %dma_start3A_244 = arith.constant 0 : i32
    %dma_start3A_245 = tpu.memref_slice %arg12[%dma_start3A_242, %dma_start3A_243, %dma_start3A_244] : memref<2x125x16xf32, #tpu.memory_space<vmem>> -> memref<1x125x16xf32, #tpu.memory_space<vmem>>
    %dma_start3A_246 = tpu.memref_squeeze %dma_start3A_245 : memref<1x125x16xf32, #tpu.memory_space<vmem>> -> memref<125x16xf32, #tpu.memory_space<vmem>>
    %dma_start3A_247 = arith.constant 0 : i32
    %dma_start3A_248 = tpu.memref_slice %arg10[%dma_start3A_241, %dma_start3A_247] : memref<80x125xi32, #tpu.memory_space<vmem>> -> memref<1x125xi32, #tpu.memory_space<vmem>>
    %dma_start3A_249 = tpu.memref_squeeze %dma_start3A_248 : memref<1x125xi32, #tpu.memory_space<vmem>> -> memref<125xi32, #tpu.memory_space<vmem>>
    %dma_start3A_250 = arith.constant 0 : i32
    %dma_start3A_251 = arith.constant 0 : i32
    %dma_start3A_252 = tpu.memref_slice %arg5[%dma_start3A_250, %dma_start3A_251] : memref<10000x16xf32, #tpu.memory_space<hbm>> -> memref<10000x16xf32, #tpu.memory_space<hbm>>
    tpu.enqueue_indirect_dma source(%dma_start3A_252 : memref<10000x16xf32, #tpu.memory_space<hbm>>) target(%dma_start3A_246 : memref<125x16xf32, #tpu.memory_space<vmem>>) offsets(%dma_start3A_249 : memref<125xi32, #tpu.memory_space<vmem>>) semaphore(%arg19 : memref<!tpu.dma_semaphore, #tpu.memory_space<semaphore_mem>>)
    %add3A_253 = arith.constant 125 : i32
    %add3A_254 = arith.addi %mul3A_2, %add3A_253 : i32
    %mul3A_255 = arith.constant 16 : i32
    %mul3A_256 = arith.muli %add3A_254, %mul3A_255 : i32
    %dma_start3A_257 = arith.constant 1 : i32
    %dma_start3A_258 = arith.constant 0 : i32
    %dma_start3A_259 = tpu.memref_slice %arg15[%dma_start3A_257, %dma_start3A_258] : memref<2x2000xf32, #tpu.memory_space<vmem>> -> memref<1x2000xf32, #tpu.memory_space<vmem>>
    %dma_start3A_260 = tpu.memref_squeeze %dma_start3A_259 : memref<1x2000xf32, #tpu.memory_space<vmem>> -> memref<2000xf32, #tpu.memory_space<vmem>>
    %dma_start3A_261 = tpu.memref_slice %arg7[%mul3A_256] : memref<5120000xf32, #tpu.memory_space<hbm>> -> memref<2000xf32, #tpu.memory_space<hbm>>
    %dma_start3A_262 = tpu.memref_slice %arg7[%mul3A_256] : memref<5120000xf32, #tpu.memory_space<hbm>> -> memref<2000xf32, #tpu.memory_space<hbm>>
    %dma_start3A_263 = arith.constant 0 : i32
    %dma_start3A_264 = tpu.memref_slice %arg15[%dma_start3A_257, %dma_start3A_263] : memref<2x2000xf32, #tpu.memory_space<vmem>> -> memref<1x2000xf32, #tpu.memory_space<vmem>>
    %dma_start3A_265 = tpu.memref_squeeze %dma_start3A_264 : memref<1x2000xf32, #tpu.memory_space<vmem>> -> memref<2000xf32, #tpu.memory_space<vmem>>
    tpu.enqueue_dma source(%dma_start3A_265 : memref<2000xf32, #tpu.memory_space<vmem>>) target(%dma_start3A_262 : memref<2000xf32, #tpu.memory_space<hbm>>) target_semaphore(%arg21 : memref<!tpu.dma_semaphore, #tpu.memory_space<semaphore_mem>>)
    %run_scoped3A_266 = arith.constant 1 : i32
    %run_scoped3A_267 = arith.constant 1 : i32
    "tpu.region"() ({
      %run_scoped3A_440 = tpu.sem_alloc : memref<!tpu.dma_semaphore, #tpu.memory_space<semaphore_mem>>
      %dma_start3A_441 = arith.constant 0 : i32
      %dma_start3A_442 = arith.constant 0 : i32
      %dma_start3A_443 = tpu.memref_slice %arg14[%run_scoped3A_266, %dma_start3A_441, %dma_start3A_442] : memref<2x125x16xf32, #tpu.memory_space<vmem>> -> memref<1x125x16xf32, #tpu.memory_space<vmem>>
      %dma_start3A_444 = tpu.memref_squeeze %dma_start3A_443 : memref<1x125x16xf32, #tpu.memory_space<vmem>> -> memref<125x16xf32, #tpu.memory_space<vmem>>
      %dma_start3A_445 = arith.constant 0 : i32
      %dma_start3A_446 = tpu.memref_slice %arg10[%run_scoped3A_267, %dma_start3A_445] : memref<80x125xi32, #tpu.memory_space<vmem>> -> memref<1x125xi32, #tpu.memory_space<vmem>>
      %dma_start3A_447 = tpu.memref_squeeze %dma_start3A_446 : memref<1x125xi32, #tpu.memory_space<vmem>> -> memref<125xi32, #tpu.memory_space<vmem>>
      %dma_start3A_448 = arith.constant 0 : i32
      %dma_start3A_449 = arith.constant 0 : i32
      %dma_start3A_450 = tpu.memref_slice %arg17[%dma_start3A_448, %dma_start3A_449] : memref<10240x16xf32, #tpu.memory_space<vmem_shared>> -> memref<10240x16xf32, #tpu.memory_space<vmem_shared>>
      tpu.enqueue_indirect_dma source(%dma_start3A_444 : memref<125x16xf32, #tpu.memory_space<vmem>>) target(%dma_start3A_450 : memref<10240x16xf32, #tpu.memory_space<vmem_shared>>) offsets(%dma_start3A_447 : memref<125xi32, #tpu.memory_space<vmem>>) semaphore(%run_scoped3A_440 : memref<!tpu.dma_semaphore, #tpu.memory_space<semaphore_mem>>) {add = true}
      %dma_wait3A_451 = arith.constant 0 : i32
      %dma_wait3A_452 = arith.constant 0 : i32
      %dma_wait3A_453 = tpu.memref_slice %arg14[%run_scoped3A_266, %dma_wait3A_451, %dma_wait3A_452] : memref<2x125x16xf32, #tpu.memory_space<vmem>> -> memref<1x125x16xf32, #tpu.memory_space<vmem>>
      %dma_wait3A_454 = tpu.memref_squeeze %dma_wait3A_453 : memref<1x125x16xf32, #tpu.memory_space<vmem>> -> memref<125x16xf32, #tpu.memory_space<vmem>>
      %dma_wait3A_455 = arith.constant 0 : i32
      %dma_wait3A_456 = tpu.memref_slice %arg10[%run_scoped3A_267, %dma_wait3A_455] : memref<80x125xi32, #tpu.memory_space<vmem>> -> memref<1x125xi32, #tpu.memory_space<vmem>>
      %dma_wait3A_457 = tpu.memref_squeeze %dma_wait3A_456 : memref<1x125xi32, #tpu.memory_space<vmem>> -> memref<125xi32, #tpu.memory_space<vmem>>
      %dma_wait3A_458 = arith.constant 0 : i32
      %dma_wait3A_459 = arith.constant 0 : i32
      %dma_wait3A_460 = tpu.memref_slice %arg17[%dma_wait3A_458, %dma_wait3A_459] : memref<10240x16xf32, #tpu.memory_space<vmem_shared>> -> memref<10240x16xf32, #tpu.memory_space<vmem_shared>>
      tpu.wait_indirect_dma semaphore(%run_scoped3A_440 : memref<!tpu.dma_semaphore, #tpu.memory_space<semaphore_mem>>) src(%dma_wait3A_454 : memref<125x16xf32, #tpu.memory_space<vmem>>) dst(%dma_wait3A_460 : memref<10240x16xf32, #tpu.memory_space<vmem_shared>>)
      tpu.yield
    }) : () -> ()
    %scan3A_268 = arith.constant 1 : i32
    %scan3A_269 = arith.constant 38 : i32
    %scan3A_270 = arith.addi %scan3A_268, %scan3A_269 : i32
    %scan3A_271 = arith.constant 1 : i32
    scf.for %scan3A_440 = %scan3A_268 to %scan3A_270 step %scan3A_271  : i32 {
      %mul3A_441 = arith.constant 2 : i32
      %mul3A_442 = arith.muli %mul3A_441, %scan3A_440 : i32
      %add3A_443 = arith.constant 0 : i32
      %add3A_444 = arith.addi %mul3A_442, %add3A_443 : i32
      %mul3A_445 = arith.constant 125 : i32
      %mul3A_446 = arith.muli %add3A_444, %mul3A_445 : i32
      %add3A_447 = arith.addi %mul3A_2, %mul3A_446 : i32
      %mul3A_448 = arith.constant 16 : i32
      %mul3A_449 = arith.muli %add3A_447, %mul3A_448 : i32
      %dma_wait3A_450 = arith.constant 0 : i32
      %dma_wait3A_451 = arith.constant 0 : i32
      %dma_wait3A_452 = tpu.memref_slice %arg13[%dma_wait3A_450, %dma_wait3A_451] : memref<2x2000xf32, #tpu.memory_space<vmem>> -> memref<1x2000xf32, #tpu.memory_space<vmem>>
      %dma_wait3A_453 = tpu.memref_squeeze %dma_wait3A_452 : memref<1x2000xf32, #tpu.memory_space<vmem>> -> memref<2000xf32, #tpu.memory_space<vmem>>
      %dma_wait3A_454 = tpu.memref_slice %arg6[%mul3A_449] : memref<5120000xf32, #tpu.memory_space<hbm>> -> memref<2000xf32, #tpu.memory_space<hbm>>
      %dma_wait3A_455 = arith.constant 0 : i32
      %dma_wait3A_456 = tpu.memref_slice %arg13[%dma_wait3A_450, %dma_wait3A_455] : memref<2x2000xf32, #tpu.memory_space<vmem>> -> memref<1x2000xf32, #tpu.memory_space<vmem>>
      %dma_wait3A_457 = tpu.memref_squeeze %dma_wait3A_456 : memref<1x2000xf32, #tpu.memory_space<vmem>> -> memref<2000xf32, #tpu.memory_space<vmem>>
      %dma_wait3A_458 = tpu.memref_slice %arg6[%mul3A_449] : memref<5120000xf32, #tpu.memory_space<hbm>> -> memref<2000xf32, #tpu.memory_space<hbm>>
      tpu.wait_dma2 semaphore(%arg18 : memref<!tpu.dma_semaphore, #tpu.memory_space<semaphore_mem>>) src(%dma_wait3A_458 : memref<2000xf32, #tpu.memory_space<hbm>>) dst(%dma_wait3A_457 : memref<2000xf32, #tpu.memory_space<vmem>>)
      %dma_wait3A_459 = arith.constant 0 : i32
      %dma_wait3A_460 = arith.constant 0 : i32
      %dma_wait3A_461 = arith.constant 0 : i32
      %dma_wait3A_462 = tpu.memref_slice %arg11[%dma_wait3A_459, %dma_wait3A_460, %dma_wait3A_461] : memref<2x125x16xf32, #tpu.memory_space<vmem>> -> memref<1x125x16xf32, #tpu.memory_space<vmem>>
      %dma_wait3A_463 = tpu.memref_squeeze %dma_wait3A_462 : memref<1x125x16xf32, #tpu.memory_space<vmem>> -> memref<125x16xf32, #tpu.memory_space<vmem>>
      %dma_wait3A_464 = arith.constant 0 : i32
      %dma_wait3A_465 = tpu.memref_slice %arg9[%add3A_444, %dma_wait3A_464] : memref<80x125xi32, #tpu.memory_space<vmem>> -> memref<1x125xi32, #tpu.memory_space<vmem>>
      %dma_wait3A_466 = tpu.memref_squeeze %dma_wait3A_465 : memref<1x125xi32, #tpu.memory_space<vmem>> -> memref<125xi32, #tpu.memory_space<vmem>>
      %dma_wait3A_467 = arith.constant 0 : i32
      %dma_wait3A_468 = arith.constant 0 : i32
      %dma_wait3A_469 = tpu.memref_slice %arg4[%dma_wait3A_467, %dma_wait3A_468] : memref<10000x16xf32, #tpu.memory_space<hbm>> -> memref<10000x16xf32, #tpu.memory_space<hbm>>
      tpu.wait_indirect_dma semaphore(%arg18 : memref<!tpu.dma_semaphore, #tpu.memory_space<semaphore_mem>>) src(%dma_wait3A_469 : memref<10000x16xf32, #tpu.memory_space<hbm>>) dst(%dma_wait3A_463 : memref<125x16xf32, #tpu.memory_space<vmem>>)
      %dma_wait3A_470 = arith.constant 0 : i32
      %dma_wait3A_471 = arith.constant 0 : i32
      %dma_wait3A_472 = arith.constant 0 : i32
      %dma_wait3A_473 = tpu.memref_slice %arg12[%dma_wait3A_470, %dma_wait3A_471, %dma_wait3A_472] : memref<2x125x16xf32, #tpu.memory_space<vmem>> -> memref<1x125x16xf32, #tpu.memory_space<vmem>>
      %dma_wait3A_474 = tpu.memref_squeeze %dma_wait3A_473 : memref<1x125x16xf32, #tpu.memory_space<vmem>> -> memref<125x16xf32, #tpu.memory_space<vmem>>
      %dma_wait3A_475 = arith.constant 0 : i32
      %dma_wait3A_476 = tpu.memref_slice %arg10[%add3A_444, %dma_wait3A_475] : memref<80x125xi32, #tpu.memory_space<vmem>> -> memref<1x125xi32, #tpu.memory_space<vmem>>
      %dma_wait3A_477 = tpu.memref_squeeze %dma_wait3A_476 : memref<1x125xi32, #tpu.memory_space<vmem>> -> memref<125xi32, #tpu.memory_space<vmem>>
      %dma_wait3A_478 = arith.constant 0 : i32
      %dma_wait3A_479 = arith.constant 0 : i32
      %dma_wait3A_480 = tpu.memref_slice %arg5[%dma_wait3A_478, %dma_wait3A_479] : memref<10000x16xf32, #tpu.memory_space<hbm>> -> memref<10000x16xf32, #tpu.memory_space<hbm>>
      tpu.wait_indirect_dma semaphore(%arg18 : memref<!tpu.dma_semaphore, #tpu.memory_space<semaphore_mem>>) src(%dma_wait3A_480 : memref<10000x16xf32, #tpu.memory_space<hbm>>) dst(%dma_wait3A_474 : memref<125x16xf32, #tpu.memory_space<vmem>>)
      %sub3A = arith.constant 2 : i32
      %sub3A_481 = arith.subi %add3A_444, %sub3A : i32
      %mul3A_482 = arith.constant 125 : i32
      %mul3A_483 = arith.muli %sub3A_481, %mul3A_482 : i32
      %add3A_484 = arith.addi %mul3A_2, %mul3A_483 : i32
      %mul3A_485 = arith.constant 16 : i32
      %mul3A_486 = arith.muli %add3A_484, %mul3A_485 : i32
      %dma_wait3A_487 = arith.constant 0 : i32
      %dma_wait3A_488 = arith.constant 0 : i32
      %dma_wait3A_489 = tpu.memref_slice %arg15[%dma_wait3A_487, %dma_wait3A_488] : memref<2x2000xf32, #tpu.memory_space<vmem>> -> memref<1x2000xf32, #tpu.memory_space<vmem>>
      %dma_wait3A_490 = tpu.memref_squeeze %dma_wait3A_489 : memref<1x2000xf32, #tpu.memory_space<vmem>> -> memref<2000xf32, #tpu.memory_space<vmem>>
      %dma_wait3A_491 = tpu.memref_slice %arg7[%mul3A_486] : memref<5120000xf32, #tpu.memory_space<hbm>> -> memref<2000xf32, #tpu.memory_space<hbm>>
      %dma_wait3A_492 = tpu.memref_slice %arg7[%mul3A_486] : memref<5120000xf32, #tpu.memory_space<hbm>> -> memref<2000xf32, #tpu.memory_space<hbm>>
      %dma_wait3A_493 = arith.constant 0 : i32
      %dma_wait3A_494 = tpu.memref_slice %arg15[%dma_wait3A_487, %dma_wait3A_493] : memref<2x2000xf32, #tpu.memory_space<vmem>> -> memref<1x2000xf32, #tpu.memory_space<vmem>>
      %dma_wait3A_495 = tpu.memref_squeeze %dma_wait3A_494 : memref<1x2000xf32, #tpu.memory_space<vmem>> -> memref<2000xf32, #tpu.memory_space<vmem>>
      tpu.wait_dma2 semaphore(%arg20 : memref<!tpu.dma_semaphore, #tpu.memory_space<semaphore_mem>>) src(%dma_wait3A_495 : memref<2000xf32, #tpu.memory_space<vmem>>) dst(%dma_wait3A_492 : memref<2000xf32, #tpu.memory_space<hbm>>)
      %scan3A_496 = arith.constant 0 : i32
      %scan3A_497 = arith.constant 125 : i32
      %scan3A_498 = arith.addi %scan3A_496, %scan3A_497 : i32
      %scan3A_499 = arith.constant 1 : i32
      scf.for %scan3A_668 = %scan3A_496 to %scan3A_498 step %scan3A_499  : i32 {
        %get3A = arith.constant 0 : i32
        %get3A_669 = arith.index_cast %get3A : i32 to index
        %get3A_670 = arith.index_cast %scan3A_668 : i32 to index
        %get3A_671 = arith.constant 0 : index
        %get3A_672 = tpu.vector_load %arg11[%get3A_669, %get3A_670, %get3A_671] {strides = array<i32>} : memref<2x125x16xf32, #tpu.memory_space<vmem>>, vector<1x1x16xf32>,
        %get3A_673 = vector.shape_cast %get3A_672 : vector<1x1x16xf32> to vector<16xf32>
        %get3A_674 = arith.constant 0 : i32
        %get3A_675 = arith.index_cast %get3A_674 : i32 to index
        %get3A_676 = arith.index_cast %scan3A_668 : i32 to index
        %get3A_677 = arith.constant 0 : index
        %get3A_678 = tpu.vector_load %arg12[%get3A_675, %get3A_676, %get3A_677] {strides = array<i32>} : memref<2x125x16xf32, #tpu.memory_space<vmem>>, vector<1x1x16xf32>,
        %get3A_679 = vector.shape_cast %get3A_678 : vector<1x1x16xf32> to vector<16xf32>
        %add3A_680 = arith.addf %get3A_673, %get3A_679 : vector<16xf32>
        %mul3A_681 = arith.constant 16 : i32
        %mul3A_682 = arith.muli %scan3A_668, %mul3A_681 : i32
        %get3A_683 = arith.constant 0 : i32
        %get3A_684 = arith.index_cast %get3A_683 : i32 to index
        %get3A_685 = arith.index_cast %mul3A_682 : i32 to index
        %get3A_686 = tpu.vector_load %arg13[%get3A_684, %get3A_685] {strides = array<i32>} : memref<2x2000xf32, #tpu.memory_space<vmem>>, vector<1x16xf32>,
        %get3A_687 = vector.shape_cast %get3A_686 : vector<1x16xf32> to vector<16xf32>
        %add3A_688 = arith.addf %add3A_680, %get3A_687 : vector<16xf32>
        %max3A = arith.constant 0.000000e+00 : f32
        %max3A_689 = vector.broadcast %max3A : f32 to vector<16xf32>
        %max3A_690 = arith.maximumf %add3A_688, %max3A_689 : vector<16xf32>
        %swap3A = arith.constant 0 : i32
        %swap3A_691 = arith.index_cast %swap3A : i32 to index
        %swap3A_692 = arith.index_cast %scan3A_668 : i32 to index
        %swap3A_693 = arith.constant 0 : index
        %swap3A_694 = tpu.vector_load %arg14[%swap3A_691, %swap3A_692, %swap3A_693] {strides = array<i32>} : memref<2x125x16xf32, #tpu.memory_space<vmem>>, vector<1x1x16xf32>,
        %swap3A_695 = vector.shape_cast %swap3A_694 : vector<1x1x16xf32> to vector<16xf32>
        %swap3A_696 = vector.shape_cast %max3A_690 : vector<16xf32> to vector<1x1x16xf32>
        tpu.vector_store %arg14[%swap3A_691, %swap3A_692, %swap3A_693], %swap3A_696 {strides = array<i32>} : memref<2x125x16xf32, #tpu.memory_space<vmem>>, vector<1x1x16xf32>,
        %mul3A_697 = arith.constant 16 : i32
        %mul3A_698 = arith.muli %scan3A_668, %mul3A_697 : i32
        %swap3A_699 = arith.constant 0 : i32
        %swap3A_700 = arith.index_cast %swap3A_699 : i32 to index
        %swap3A_701 = arith.index_cast %mul3A_698 : i32 to index
        %swap3A_702 = tpu.vector_load %arg15[%swap3A_700, %swap3A_701] {strides = array<i32>} : memref<2x2000xf32, #tpu.memory_space<vmem>>, vector<1x16xf32>,
        %swap3A_703 = vector.shape_cast %swap3A_702 : vector<1x16xf32> to vector<16xf32>
        %swap3A_704 = vector.shape_cast %max3A_690 : vector<16xf32> to vector<1x16xf32>
        tpu.vector_store %arg15[%swap3A_700, %swap3A_701], %swap3A_704 {strides = array<i32>} : memref<2x2000xf32, #tpu.memory_space<vmem>>, vector<1x16xf32>,
      }
      %scan3A_500 = arith.constant 125 : i32
      %add3A_501 = arith.constant 2 : i32
      %add3A_502 = arith.addi %add3A_444, %add3A_501 : i32
      %mul3A_503 = arith.constant 125 : i32
      %mul3A_504 = arith.muli %add3A_502, %mul3A_503 : i32
      %add3A_505 = arith.addi %mul3A_2, %mul3A_504 : i32
      %mul3A_506 = arith.constant 16 : i32
      %mul3A_507 = arith.muli %add3A_505, %mul3A_506 : i32
      %dma_start3A_508 = arith.constant 0 : i32
      %dma_start3A_509 = arith.constant 0 : i32
      %dma_start3A_510 = tpu.memref_slice %arg13[%dma_start3A_508, %dma_start3A_509] : memref<2x2000xf32, #tpu.memory_space<vmem>> -> memref<1x2000xf32, #tpu.memory_space<vmem>>
      %dma_start3A_511 = tpu.memref_squeeze %dma_start3A_510 : memref<1x2000xf32, #tpu.memory_space<vmem>> -> memref<2000xf32, #tpu.memory_space<vmem>>
      %dma_start3A_512 = tpu.memref_slice %arg6[%mul3A_507] : memref<5120000xf32, #tpu.memory_space<hbm>> -> memref<2000xf32, #tpu.memory_space<hbm>>
      %dma_start3A_513 = arith.constant 0 : i32
      %dma_start3A_514 = tpu.memref_slice %arg13[%dma_start3A_508, %dma_start3A_513] : memref<2x2000xf32, #tpu.memory_space<vmem>> -> memref<1x2000xf32, #tpu.memory_space<vmem>>
      %dma_start3A_515 = tpu.memref_squeeze %dma_start3A_514 : memref<1x2000xf32, #tpu.memory_space<vmem>> -> memref<2000xf32, #tpu.memory_space<vmem>>
      %dma_start3A_516 = tpu.memref_slice %arg6[%mul3A_507] : memref<5120000xf32, #tpu.memory_space<hbm>> -> memref<2000xf32, #tpu.memory_space<hbm>>
      tpu.enqueue_dma source(%dma_start3A_516 : memref<2000xf32, #tpu.memory_space<hbm>>) target(%dma_start3A_515 : memref<2000xf32, #tpu.memory_space<vmem>>) target_semaphore(%arg18 : memref<!tpu.dma_semaphore, #tpu.memory_space<semaphore_mem>>)
      %dma_start3A_517 = arith.constant 0 : i32
      %dma_start3A_518 = arith.constant 0 : i32
      %dma_start3A_519 = arith.constant 0 : i32
      %dma_start3A_520 = tpu.memref_slice %arg11[%dma_start3A_517, %dma_start3A_518, %dma_start3A_519] : memref<2x125x16xf32, #tpu.memory_space<vmem>> -> memref<1x125x16xf32, #tpu.memory_space<vmem>>
      %dma_start3A_521 = tpu.memref_squeeze %dma_start3A_520 : memref<1x125x16xf32, #tpu.memory_space<vmem>> -> memref<125x16xf32, #tpu.memory_space<vmem>>
      %dma_start3A_522 = arith.constant 0 : i32
      %dma_start3A_523 = tpu.memref_slice %arg9[%add3A_502, %dma_start3A_522] : memref<80x125xi32, #tpu.memory_space<vmem>> -> memref<1x125xi32, #tpu.memory_space<vmem>>
      %dma_start3A_524 = tpu.memref_squeeze %dma_start3A_523 : memref<1x125xi32, #tpu.memory_space<vmem>> -> memref<125xi32, #tpu.memory_space<vmem>>
      %dma_start3A_525 = arith.constant 0 : i32
      %dma_start3A_526 = arith.constant 0 : i32
      %dma_start3A_527 = tpu.memref_slice %arg4[%dma_start3A_525, %dma_start3A_526] : memref<10000x16xf32, #tpu.memory_space<hbm>> -> memref<10000x16xf32, #tpu.memory_space<hbm>>
      tpu.enqueue_indirect_dma source(%dma_start3A_527 : memref<10000x16xf32, #tpu.memory_space<hbm>>) target(%dma_start3A_521 : memref<125x16xf32, #tpu.memory_space<vmem>>) offsets(%dma_start3A_524 : memref<125xi32, #tpu.memory_space<vmem>>) semaphore(%arg18 : memref<!tpu.dma_semaphore, #tpu.memory_space<semaphore_mem>>)
      %dma_start3A_528 = arith.constant 0 : i32
      %dma_start3A_529 = arith.constant 0 : i32
      %dma_start3A_530 = arith.constant 0 : i32
      %dma_start3A_531 = tpu.memref_slice %arg12[%dma_start3A_528, %dma_start3A_529, %dma_start3A_530] : memref<2x125x16xf32, #tpu.memory_space<vmem>> -> memref<1x125x16xf32, #tpu.memory_space<vmem>>
      %dma_start3A_532 = tpu.memref_squeeze %dma_start3A_531 : memref<1x125x16xf32, #tpu.memory_space<vmem>> -> memref<125x16xf32, #tpu.memory_space<vmem>>
      %dma_start3A_533 = arith.constant 0 : i32
      %dma_start3A_534 = tpu.memref_slice %arg10[%add3A_502, %dma_start3A_533] : memref<80x125xi32, #tpu.memory_space<vmem>> -> memref<1x125xi32, #tpu.memory_space<vmem>>
      %dma_start3A_535 = tpu.memref_squeeze %dma_start3A_534 : memref<1x125xi32, #tpu.memory_space<vmem>> -> memref<125xi32, #tpu.memory_space<vmem>>
      %dma_start3A_536 = arith.constant 0 : i32
      %dma_start3A_537 = arith.constant 0 : i32
      %dma_start3A_538 = tpu.memref_slice %arg5[%dma_start3A_536, %dma_start3A_537] : memref<10000x16xf32, #tpu.memory_space<hbm>> -> memref<10000x16xf32, #tpu.memory_space<hbm>>
      tpu.enqueue_indirect_dma source(%dma_start3A_538 : memref<10000x16xf32, #tpu.memory_space<hbm>>) target(%dma_start3A_532 : memref<125x16xf32, #tpu.memory_space<vmem>>) offsets(%dma_start3A_535 : memref<125xi32, #tpu.memory_space<vmem>>) semaphore(%arg18 : memref<!tpu.dma_semaphore, #tpu.memory_space<semaphore_mem>>)
      %mul3A_539 = arith.constant 125 : i32
      %mul3A_540 = arith.muli %add3A_444, %mul3A_539 : i32
      %add3A_541 = arith.addi %mul3A_2, %mul3A_540 : i32
      %mul3A_542 = arith.constant 16 : i32
      %mul3A_543 = arith.muli %add3A_541, %mul3A_542 : i32
      %dma_start3A_544 = arith.constant 0 : i32
      %dma_start3A_545 = arith.constant 0 : i32
      %dma_start3A_546 = tpu.memref_slice %arg15[%dma_start3A_544, %dma_start3A_545] : memref<2x2000xf32, #tpu.memory_space<vmem>> -> memref<1x2000xf32, #tpu.memory_space<vmem>>
      %dma_start3A_547 = tpu.memref_squeeze %dma_start3A_546 : memref<1x2000xf32, #tpu.memory_space<vmem>> -> memref<2000xf32, #tpu.memory_space<vmem>>
      %dma_start3A_548 = tpu.memref_slice %arg7[%mul3A_543] : memref<5120000xf32, #tpu.memory_space<hbm>> -> memref<2000xf32, #tpu.memory_space<hbm>>
      %dma_start3A_549 = tpu.memref_slice %arg7[%mul3A_543] : memref<5120000xf32, #tpu.memory_space<hbm>> -> memref<2000xf32, #tpu.memory_space<hbm>>
      %dma_start3A_550 = arith.constant 0 : i32
      %dma_start3A_551 = tpu.memref_slice %arg15[%dma_start3A_544, %dma_start3A_550] : memref<2x2000xf32, #tpu.memory_space<vmem>> -> memref<1x2000xf32, #tpu.memory_space<vmem>>
      %dma_start3A_552 = tpu.memref_squeeze %dma_start3A_551 : memref<1x2000xf32, #tpu.memory_space<vmem>> -> memref<2000xf32, #tpu.memory_space<vmem>>
      tpu.enqueue_dma source(%dma_start3A_552 : memref<2000xf32, #tpu.memory_space<vmem>>) target(%dma_start3A_549 : memref<2000xf32, #tpu.memory_space<hbm>>) target_semaphore(%arg20 : memref<!tpu.dma_semaphore, #tpu.memory_space<semaphore_mem>>)
      %run_scoped3A_553 = arith.constant 0 : i32
      "tpu.region"() ({
        %run_scoped3A_668 = tpu.sem_alloc : memref<!tpu.dma_semaphore, #tpu.memory_space<semaphore_mem>>
        %dma_start3A_669 = arith.constant 0 : i32
        %dma_start3A_670 = arith.constant 0 : i32
        %dma_start3A_671 = tpu.memref_slice %arg14[%run_scoped3A_553, %dma_start3A_669, %dma_start3A_670] : memref<2x125x16xf32, #tpu.memory_space<vmem>> -> memref<1x125x16xf32, #tpu.memory_space<vmem>>
        %dma_start3A_672 = tpu.memref_squeeze %dma_start3A_671 : memref<1x125x16xf32, #tpu.memory_space<vmem>> -> memref<125x16xf32, #tpu.memory_space<vmem>>
        %dma_start3A_673 = arith.constant 0 : i32
        %dma_start3A_674 = tpu.memref_slice %arg10[%add3A_444, %dma_start3A_673] : memref<80x125xi32, #tpu.memory_space<vmem>> -> memref<1x125xi32, #tpu.memory_space<vmem>>
        %dma_start3A_675 = tpu.memref_squeeze %dma_start3A_674 : memref<1x125xi32, #tpu.memory_space<vmem>> -> memref<125xi32, #tpu.memory_space<vmem>>
        %dma_start3A_676 = arith.constant 0 : i32
        %dma_start3A_677 = arith.constant 0 : i32
        %dma_start3A_678 = tpu.memref_slice %arg17[%dma_start3A_676, %dma_start3A_677] : memref<10240x16xf32, #tpu.memory_space<vmem_shared>> -> memref<10240x16xf32, #tpu.memory_space<vmem_shared>>
        tpu.enqueue_indirect_dma source(%dma_start3A_672 : memref<125x16xf32, #tpu.memory_space<vmem>>) target(%dma_start3A_678 : memref<10240x16xf32, #tpu.memory_space<vmem_shared>>) offsets(%dma_start3A_675 : memref<125xi32, #tpu.memory_space<vmem>>) semaphore(%run_scoped3A_668 : memref<!tpu.dma_semaphore, #tpu.memory_space<semaphore_mem>>) {add = true}
        %dma_wait3A_679 = arith.constant 0 : i32
        %dma_wait3A_680 = arith.constant 0 : i32
        %dma_wait3A_681 = tpu.memref_slice %arg14[%run_scoped3A_553, %dma_wait3A_679, %dma_wait3A_680] : memref<2x125x16xf32, #tpu.memory_space<vmem>> -> memref<1x125x16xf32, #tpu.memory_space<vmem>>
        %dma_wait3A_682 = tpu.memref_squeeze %dma_wait3A_681 : memref<1x125x16xf32, #tpu.memory_space<vmem>> -> memref<125x16xf32, #tpu.memory_space<vmem>>
        %dma_wait3A_683 = arith.constant 0 : i32
        %dma_wait3A_684 = tpu.memref_slice %arg10[%add3A_444, %dma_wait3A_683] : memref<80x125xi32, #tpu.memory_space<vmem>> -> memref<1x125xi32, #tpu.memory_space<vmem>>
        %dma_wait3A_685 = tpu.memref_squeeze %dma_wait3A_684 : memref<1x125xi32, #tpu.memory_space<vmem>> -> memref<125xi32, #tpu.memory_space<vmem>>
        %dma_wait3A_686 = arith.constant 0 : i32
        %dma_wait3A_687 = arith.constant 0 : i32
        %dma_wait3A_688 = tpu.memref_slice %arg17[%dma_wait3A_686, %dma_wait3A_687] : memref<10240x16xf32, #tpu.memory_space<vmem_shared>> -> memref<10240x16xf32, #tpu.memory_space<vmem_shared>>
        tpu.wait_indirect_dma semaphore(%run_scoped3A_668 : memref<!tpu.dma_semaphore, #tpu.memory_space<semaphore_mem>>) src(%dma_wait3A_682 : memref<125x16xf32, #tpu.memory_space<vmem>>) dst(%dma_wait3A_688 : memref<10240x16xf32, #tpu.memory_space<vmem_shared>>)
        tpu.yield
      }) : () -> ()
      %mul3A_554 = arith.constant 2 : i32
      %mul3A_555 = arith.muli %mul3A_554, %scan3A_440 : i32
      %add3A_556 = arith.constant 1 : i32
      %add3A_557 = arith.addi %mul3A_555, %add3A_556 : i32
      %mul3A_558 = arith.constant 125 : i32
      %mul3A_559 = arith.muli %add3A_557, %mul3A_558 : i32
      %add3A_560 = arith.addi %mul3A_2, %mul3A_559 : i32
      %mul3A_561 = arith.constant 16 : i32
      %mul3A_562 = arith.muli %add3A_560, %mul3A_561 : i32
      %dma_wait3A_563 = arith.constant 1 : i32
      %dma_wait3A_564 = arith.constant 0 : i32
      %dma_wait3A_565 = tpu.memref_slice %arg13[%dma_wait3A_563, %dma_wait3A_564] : memref<2x2000xf32, #tpu.memory_space<vmem>> -> memref<1x2000xf32, #tpu.memory_space<vmem>>
      %dma_wait3A_566 = tpu.memref_squeeze %dma_wait3A_565 : memref<1x2000xf32, #tpu.memory_space<vmem>> -> memref<2000xf32, #tpu.memory_space<vmem>>
      %dma_wait3A_567 = tpu.memref_slice %arg6[%mul3A_562] : memref<5120000xf32, #tpu.memory_space<hbm>> -> memref<2000xf32, #tpu.memory_space<hbm>>
      %dma_wait3A_568 = arith.constant 0 : i32
      %dma_wait3A_569 = tpu.memref_slice %arg13[%dma_wait3A_563, %dma_wait3A_568] : memref<2x2000xf32, #tpu.memory_space<vmem>> -> memref<1x2000xf32, #tpu.memory_space<vmem>>
      %dma_wait3A_570 = tpu.memref_squeeze %dma_wait3A_569 : memref<1x2000xf32, #tpu.memory_space<vmem>> -> memref<2000xf32, #tpu.memory_space<vmem>>
      %dma_wait3A_571 = tpu.memref_slice %arg6[%mul3A_562] : memref<5120000xf32, #tpu.memory_space<hbm>> -> memref<2000xf32, #tpu.memory_space<hbm>>
      tpu.wait_dma2 semaphore(%arg19 : memref<!tpu.dma_semaphore, #tpu.memory_space<semaphore_mem>>) src(%dma_wait3A_571 : memref<2000xf32, #tpu.memory_space<hbm>>) dst(%dma_wait3A_570 : memref<2000xf32, #tpu.memory_space<vmem>>)
      %dma_wait3A_572 = arith.constant 1 : i32
      %dma_wait3A_573 = arith.constant 0 : i32
      %dma_wait3A_574 = arith.constant 0 : i32
      %dma_wait3A_575 = tpu.memref_slice %arg11[%dma_wait3A_572, %dma_wait3A_573, %dma_wait3A_574] : memref<2x125x16xf32, #tpu.memory_space<vmem>> -> memref<1x125x16xf32, #tpu.memory_space<vmem>>
      %dma_wait3A_576 = tpu.memref_squeeze %dma_wait3A_575 : memref<1x125x16xf32, #tpu.memory_space<vmem>> -> memref<125x16xf32, #tpu.memory_space<vmem>>
      %dma_wait3A_577 = arith.constant 0 : i32
      %dma_wait3A_578 = tpu.memref_slice %arg9[%add3A_557, %dma_wait3A_577] : memref<80x125xi32, #tpu.memory_space<vmem>> -> memref<1x125xi32, #tpu.memory_space<vmem>>
      %dma_wait3A_579 = tpu.memref_squeeze %dma_wait3A_578 : memref<1x125xi32, #tpu.memory_space<vmem>> -> memref<125xi32, #tpu.memory_space<vmem>>
      %dma_wait3A_580 = arith.constant 0 : i32
      %dma_wait3A_581 = arith.constant 0 : i32
      %dma_wait3A_582 = tpu.memref_slice %arg4[%dma_wait3A_580, %dma_wait3A_581] : memref<10000x16xf32, #tpu.memory_space<hbm>> -> memref<10000x16xf32, #tpu.memory_space<hbm>>
      tpu.wait_indirect_dma semaphore(%arg19 : memref<!tpu.dma_semaphore, #tpu.memory_space<semaphore_mem>>) src(%dma_wait3A_582 : memref<10000x16xf32, #tpu.memory_space<hbm>>) dst(%dma_wait3A_576 : memref<125x16xf32, #tpu.memory_space<vmem>>)
      %dma_wait3A_583 = arith.constant 1 : i32
      %dma_wait3A_584 = arith.constant 0 : i32
      %dma_wait3A_585 = arith.constant 0 : i32
      %dma_wait3A_586 = tpu.memref_slice %arg12[%dma_wait3A_583, %dma_wait3A_584, %dma_wait3A_585] : memref<2x125x16xf32, #tpu.memory_space<vmem>> -> memref<1x125x16xf32, #tpu.memory_space<vmem>>
      %dma_wait3A_587 = tpu.memref_squeeze %dma_wait3A_586 : memref<1x125x16xf32, #tpu.memory_space<vmem>> -> memref<125x16xf32, #tpu.memory_space<vmem>>
      %dma_wait3A_588 = arith.constant 0 : i32
      %dma_wait3A_589 = tpu.memref_slice %arg10[%add3A_557, %dma_wait3A_588] : memref<80x125xi32, #tpu.memory_space<vmem>> -> memref<1x125xi32, #tpu.memory_space<vmem>>
      %dma_wait3A_590 = tpu.memref_squeeze %dma_wait3A_589 : memref<1x125xi32, #tpu.memory_space<vmem>> -> memref<125xi32, #tpu.memory_space<vmem>>
      %dma_wait3A_591 = arith.constant 0 : i32
      %dma_wait3A_592 = arith.constant 0 : i32
      %dma_wait3A_593 = tpu.memref_slice %arg5[%dma_wait3A_591, %dma_wait3A_592] : memref<10000x16xf32, #tpu.memory_space<hbm>> -> memref<10000x16xf32, #tpu.memory_space<hbm>>
      tpu.wait_indirect_dma semaphore(%arg19 : memref<!tpu.dma_semaphore, #tpu.memory_space<semaphore_mem>>) src(%dma_wait3A_593 : memref<10000x16xf32, #tpu.memory_space<hbm>>) dst(%dma_wait3A_587 : memref<125x16xf32, #tpu.memory_space<vmem>>)
      %sub3A_594 = arith.constant 2 : i32
      %sub3A_595 = arith.subi %add3A_557, %sub3A_594 : i32
      %mul3A_596 = arith.constant 125 : i32
      %mul3A_597 = arith.muli %sub3A_595, %mul3A_596 : i32
      %add3A_598 = arith.addi %mul3A_2, %mul3A_597 : i32
      %mul3A_599 = arith.constant 16 : i32
      %mul3A_600 = arith.muli %add3A_598, %mul3A_599 : i32
      %dma_wait3A_601 = arith.constant 1 : i32
      %dma_wait3A_602 = arith.constant 0 : i32
      %dma_wait3A_603 = tpu.memref_slice %arg15[%dma_wait3A_601, %dma_wait3A_602] : memref<2x2000xf32, #tpu.memory_space<vmem>> -> memref<1x2000xf32, #tpu.memory_space<vmem>>
      %dma_wait3A_604 = tpu.memref_squeeze %dma_wait3A_603 : memref<1x2000xf32, #tpu.memory_space<vmem>> -> memref<2000xf32, #tpu.memory_space<vmem>>
      %dma_wait3A_605 = tpu.memref_slice %arg7[%mul3A_600] : memref<5120000xf32, #tpu.memory_space<hbm>> -> memref<2000xf32, #tpu.memory_space<hbm>>
      %dma_wait3A_606 = tpu.memref_slice %arg7[%mul3A_600] : memref<5120000xf32, #tpu.memory_space<hbm>> -> memref<2000xf32, #tpu.memory_space<hbm>>
      %dma_wait3A_607 = arith.constant 0 : i32
      %dma_wait3A_608 = tpu.memref_slice %arg15[%dma_wait3A_601, %dma_wait3A_607] : memref<2x2000xf32, #tpu.memory_space<vmem>> -> memref<1x2000xf32, #tpu.memory_space<vmem>>
      %dma_wait3A_609 = tpu.memref_squeeze %dma_wait3A_608 : memref<1x2000xf32, #tpu.memory_space<vmem>> -> memref<2000xf32, #tpu.memory_space<vmem>>
      tpu.wait_dma2 semaphore(%arg21 : memref<!tpu.dma_semaphore, #tpu.memory_space<semaphore_mem>>) src(%dma_wait3A_609 : memref<2000xf32, #tpu.memory_space<vmem>>) dst(%dma_wait3A_606 : memref<2000xf32, #tpu.memory_space<hbm>>)
      %scan3A_610 = arith.constant 0 : i32
      %scan3A_611 = arith.constant 125 : i32
      %scan3A_612 = arith.addi %scan3A_610, %scan3A_611 : i32
      %scan3A_613 = arith.constant 1 : i32
      scf.for %scan3A_668 = %scan3A_610 to %scan3A_612 step %scan3A_613  : i32 {
        %get3A = arith.constant 1 : i32
        %get3A_669 = arith.index_cast %get3A : i32 to index
        %get3A_670 = arith.index_cast %scan3A_668 : i32 to index
        %get3A_671 = arith.constant 0 : index
        %get3A_672 = tpu.vector_load %arg11[%get3A_669, %get3A_670, %get3A_671] {strides = array<i32>} : memref<2x125x16xf32, #tpu.memory_space<vmem>>, vector<1x1x16xf32>,
        %get3A_673 = vector.shape_cast %get3A_672 : vector<1x1x16xf32> to vector<16xf32>
        %get3A_674 = arith.constant 1 : i32
        %get3A_675 = arith.index_cast %get3A_674 : i32 to index
        %get3A_676 = arith.index_cast %scan3A_668 : i32 to index
        %get3A_677 = arith.constant 0 : index
        %get3A_678 = tpu.vector_load %arg12[%get3A_675, %get3A_676, %get3A_677] {strides = array<i32>} : memref<2x125x16xf32, #tpu.memory_space<vmem>>, vector<1x1x16xf32>,
        %get3A_679 = vector.shape_cast %get3A_678 : vector<1x1x16xf32> to vector<16xf32>
        %add3A_680 = arith.addf %get3A_673, %get3A_679 : vector<16xf32>
        %mul3A_681 = arith.constant 16 : i32
        %mul3A_682 = arith.muli %scan3A_668, %mul3A_681 : i32
        %get3A_683 = arith.constant 1 : i32
        %get3A_684 = arith.index_cast %get3A_683 : i32 to index
        %get3A_685 = arith.index_cast %mul3A_682 : i32 to index
        %get3A_686 = tpu.vector_load %arg13[%get3A_684, %get3A_685] {strides = array<i32>} : memref<2x2000xf32, #tpu.memory_space<vmem>>, vector<1x16xf32>,
        %get3A_687 = vector.shape_cast %get3A_686 : vector<1x16xf32> to vector<16xf32>
        %add3A_688 = arith.addf %add3A_680, %get3A_687 : vector<16xf32>
        %max3A = arith.constant 0.000000e+00 : f32
        %max3A_689 = vector.broadcast %max3A : f32 to vector<16xf32>
        %max3A_690 = arith.maximumf %add3A_688, %max3A_689 : vector<16xf32>
        %swap3A = arith.constant 1 : i32
        %swap3A_691 = arith.index_cast %swap3A : i32 to index
        %swap3A_692 = arith.index_cast %scan3A_668 : i32 to index
        %swap3A_693 = arith.constant 0 : index
        %swap3A_694 = tpu.vector_load %arg14[%swap3A_691, %swap3A_692, %swap3A_693] {strides = array<i32>} : memref<2x125x16xf32, #tpu.memory_space<vmem>>, vector<1x1x16xf32>,
        %swap3A_695 = vector.shape_cast %swap3A_694 : vector<1x1x16xf32> to vector<16xf32>
        %swap3A_696 = vector.shape_cast %max3A_690 : vector<16xf32> to vector<1x1x16xf32>
        tpu.vector_store %arg14[%swap3A_691, %swap3A_692, %swap3A_693], %swap3A_696 {strides = array<i32>} : memref<2x125x16xf32, #tpu.memory_space<vmem>>, vector<1x1x16xf32>,
        %mul3A_697 = arith.constant 16 : i32
        %mul3A_698 = arith.muli %scan3A_668, %mul3A_697 : i32
        %swap3A_699 = arith.constant 1 : i32
        %swap3A_700 = arith.index_cast %swap3A_699 : i32 to index
        %swap3A_701 = arith.index_cast %mul3A_698 : i32 to index
        %swap3A_702 = tpu.vector_load %arg15[%swap3A_700, %swap3A_701] {strides = array<i32>} : memref<2x2000xf32, #tpu.memory_space<vmem>>, vector<1x16xf32>,
        %swap3A_703 = vector.shape_cast %swap3A_702 : vector<1x16xf32> to vector<16xf32>
        %swap3A_704 = vector.shape_cast %max3A_690 : vector<16xf32> to vector<1x16xf32>
        tpu.vector_store %arg15[%swap3A_700, %swap3A_701], %swap3A_704 {strides = array<i32>} : memref<2x2000xf32, #tpu.memory_space<vmem>>, vector<1x16xf32>,
      }
      %scan3A_614 = arith.constant 125 : i32
      %add3A_615 = arith.constant 2 : i32
      %add3A_616 = arith.addi %add3A_557, %add3A_615 : i32
      %mul3A_617 = arith.constant 125 : i32
      %mul3A_618 = arith.muli %add3A_616, %mul3A_617 : i32
      %add3A_619 = arith.addi %mul3A_2, %mul3A_618 : i32
      %mul3A_620 = arith.constant 16 : i32
      %mul3A_621 = arith.muli %add3A_619, %mul3A_620 : i32
      %dma_start3A_622 = arith.constant 1 : i32
      %dma_start3A_623 = arith.constant 0 : i32
      %dma_start3A_624 = tpu.memref_slice %arg13[%dma_start3A_622, %dma_start3A_623] : memref<2x2000xf32, #tpu.memory_space<vmem>> -> memref<1x2000xf32, #tpu.memory_space<vmem>>
      %dma_start3A_625 = tpu.memref_squeeze %dma_start3A_624 : memref<1x2000xf32, #tpu.memory_space<vmem>> -> memref<2000xf32, #tpu.memory_space<vmem>>
      %dma_start3A_626 = tpu.memref_slice %arg6[%mul3A_621] : memref<5120000xf32, #tpu.memory_space<hbm>> -> memref<2000xf32, #tpu.memory_space<hbm>>
      %dma_start3A_627 = arith.constant 0 : i32
      %dma_start3A_628 = tpu.memref_slice %arg13[%dma_start3A_622, %dma_start3A_627] : memref<2x2000xf32, #tpu.memory_space<vmem>> -> memref<1x2000xf32, #tpu.memory_space<vmem>>
      %dma_start3A_629 = tpu.memref_squeeze %dma_start3A_628 : memref<1x2000xf32, #tpu.memory_space<vmem>> -> memref<2000xf32, #tpu.memory_space<vmem>>
      %dma_start3A_630 = tpu.memref_slice %arg6[%mul3A_621] : memref<5120000xf32, #tpu.memory_space<hbm>> -> memref<2000xf32, #tpu.memory_space<hbm>>
      tpu.enqueue_dma source(%dma_start3A_630 : memref<2000xf32, #tpu.memory_space<hbm>>) target(%dma_start3A_629 : memref<2000xf32, #tpu.memory_space<vmem>>) target_semaphore(%arg19 : memref<!tpu.dma_semaphore, #tpu.memory_space<semaphore_mem>>)
      %dma_start3A_631 = arith.constant 1 : i32
      %dma_start3A_632 = arith.constant 0 : i32
      %dma_start3A_633 = arith.constant 0 : i32
      %dma_start3A_634 = tpu.memref_slice %arg11[%dma_start3A_631, %dma_start3A_632, %dma_start3A_633] : memref<2x125x16xf32, #tpu.memory_space<vmem>> -> memref<1x125x16xf32, #tpu.memory_space<vmem>>
      %dma_start3A_635 = tpu.memref_squeeze %dma_start3A_634 : memref<1x125x16xf32, #tpu.memory_space<vmem>> -> memref<125x16xf32, #tpu.memory_space<vmem>>
      %dma_start3A_636 = arith.constant 0 : i32
      %dma_start3A_637 = tpu.memref_slice %arg9[%add3A_616, %dma_start3A_636] : memref<80x125xi32, #tpu.memory_space<vmem>> -> memref<1x125xi32, #tpu.memory_space<vmem>>
      %dma_start3A_638 = tpu.memref_squeeze %dma_start3A_637 : memref<1x125xi32, #tpu.memory_space<vmem>> -> memref<125xi32, #tpu.memory_space<vmem>>
      %dma_start3A_639 = arith.constant 0 : i32
      %dma_start3A_640 = arith.constant 0 : i32
      %dma_start3A_641 = tpu.memref_slice %arg4[%dma_start3A_639, %dma_start3A_640] : memref<10000x16xf32, #tpu.memory_space<hbm>> -> memref<10000x16xf32, #tpu.memory_space<hbm>>
      tpu.enqueue_indirect_dma source(%dma_start3A_641 : memref<10000x16xf32, #tpu.memory_space<hbm>>) target(%dma_start3A_635 : memref<125x16xf32, #tpu.memory_space<vmem>>) offsets(%dma_start3A_638 : memref<125xi32, #tpu.memory_space<vmem>>) semaphore(%arg19 : memref<!tpu.dma_semaphore, #tpu.memory_space<semaphore_mem>>)
      %dma_start3A_642 = arith.constant 1 : i32
      %dma_start3A_643 = arith.constant 0 : i32
      %dma_start3A_644 = arith.constant 0 : i32
      %dma_start3A_645 = tpu.memref_slice %arg12[%dma_start3A_642, %dma_start3A_643, %dma_start3A_644] : memref<2x125x16xf32, #tpu.memory_space<vmem>> -> memref<1x125x16xf32, #tpu.memory_space<vmem>>
      %dma_start3A_646 = tpu.memref_squeeze %dma_start3A_645 : memref<1x125x16xf32, #tpu.memory_space<vmem>> -> memref<125x16xf32, #tpu.memory_space<vmem>>
      %dma_start3A_647 = arith.constant 0 : i32
      %dma_start3A_648 = tpu.memref_slice %arg10[%add3A_616, %dma_start3A_647] : memref<80x125xi32, #tpu.memory_space<vmem>> -> memref<1x125xi32, #tpu.memory_space<vmem>>
      %dma_start3A_649 = tpu.memref_squeeze %dma_start3A_648 : memref<1x125xi32, #tpu.memory_space<vmem>> -> memref<125xi32, #tpu.memory_space<vmem>>
      %dma_start3A_650 = arith.constant 0 : i32
      %dma_start3A_651 = arith.constant 0 : i32
      %dma_start3A_652 = tpu.memref_slice %arg5[%dma_start3A_650, %dma_start3A_651] : memref<10000x16xf32, #tpu.memory_space<hbm>> -> memref<10000x16xf32, #tpu.memory_space<hbm>>
      tpu.enqueue_indirect_dma source(%dma_start3A_652 : memref<10000x16xf32, #tpu.memory_space<hbm>>) target(%dma_start3A_646 : memref<125x16xf32, #tpu.memory_space<vmem>>) offsets(%dma_start3A_649 : memref<125xi32, #tpu.memory_space<vmem>>) semaphore(%arg19 : memref<!tpu.dma_semaphore, #tpu.memory_space<semaphore_mem>>)
      %mul3A_653 = arith.constant 125 : i32
      %mul3A_654 = arith.muli %add3A_557, %mul3A_653 : i32
      %add3A_655 = arith.addi %mul3A_2, %mul3A_654 : i32
      %mul3A_656 = arith.constant 16 : i32
      %mul3A_657 = arith.muli %add3A_655, %mul3A_656 : i32
      %dma_start3A_658 = arith.constant 1 : i32
      %dma_start3A_659 = arith.constant 0 : i32
      %dma_start3A_660 = tpu.memref_slice %arg15[%dma_start3A_658, %dma_start3A_659] : memref<2x2000xf32, #tpu.memory_space<vmem>> -> memref<1x2000xf32, #tpu.memory_space<vmem>>
      %dma_start3A_661 = tpu.memref_squeeze %dma_start3A_660 : memref<1x2000xf32, #tpu.memory_space<vmem>> -> memref<2000xf32, #tpu.memory_space<vmem>>
      %dma_start3A_662 = tpu.memref_slice %arg7[%mul3A_657] : memref<5120000xf32, #tpu.memory_space<hbm>> -> memref<2000xf32, #tpu.memory_space<hbm>>
      %dma_start3A_663 = tpu.memref_slice %arg7[%mul3A_657] : memref<5120000xf32, #tpu.memory_space<hbm>> -> memref<2000xf32, #tpu.memory_space<hbm>>
      %dma_start3A_664 = arith.constant 0 : i32
      %dma_start3A_665 = tpu.memref_slice %arg15[%dma_start3A_658, %dma_start3A_664] : memref<2x2000xf32, #tpu.memory_space<vmem>> -> memref<1x2000xf32, #tpu.memory_space<vmem>>
      %dma_start3A_666 = tpu.memref_squeeze %dma_start3A_665 : memref<1x2000xf32, #tpu.memory_space<vmem>> -> memref<2000xf32, #tpu.memory_space<vmem>>
      tpu.enqueue_dma source(%dma_start3A_666 : memref<2000xf32, #tpu.memory_space<vmem>>) target(%dma_start3A_663 : memref<2000xf32, #tpu.memory_space<hbm>>) target_semaphore(%arg21 : memref<!tpu.dma_semaphore, #tpu.memory_space<semaphore_mem>>)
      %run_scoped3A_667 = arith.constant 1 : i32
      "tpu.region"() ({
        %run_scoped3A_668 = tpu.sem_alloc : memref<!tpu.dma_semaphore, #tpu.memory_space<semaphore_mem>>
        %dma_start3A_669 = arith.constant 0 : i32
        %dma_start3A_670 = arith.constant 0 : i32
        %dma_start3A_671 = tpu.memref_slice %arg14[%run_scoped3A_667, %dma_start3A_669, %dma_start3A_670] : memref<2x125x16xf32, #tpu.memory_space<vmem>> -> memref<1x125x16xf32, #tpu.memory_space<vmem>>
        %dma_start3A_672 = tpu.memref_squeeze %dma_start3A_671 : memref<1x125x16xf32, #tpu.memory_space<vmem>> -> memref<125x16xf32, #tpu.memory_space<vmem>>
        %dma_start3A_673 = arith.constant 0 : i32
        %dma_start3A_674 = tpu.memref_slice %arg10[%add3A_557, %dma_start3A_673] : memref<80x125xi32, #tpu.memory_space<vmem>> -> memref<1x125xi32, #tpu.memory_space<vmem>>
        %dma_start3A_675 = tpu.memref_squeeze %dma_start3A_674 : memref<1x125xi32, #tpu.memory_space<vmem>> -> memref<125xi32, #tpu.memory_space<vmem>>
        %dma_start3A_676 = arith.constant 0 : i32
        %dma_start3A_677 = arith.constant 0 : i32
        %dma_start3A_678 = tpu.memref_slice %arg17[%dma_start3A_676, %dma_start3A_677] : memref<10240x16xf32, #tpu.memory_space<vmem_shared>> -> memref<10240x16xf32, #tpu.memory_space<vmem_shared>>
        tpu.enqueue_indirect_dma source(%dma_start3A_672 : memref<125x16xf32, #tpu.memory_space<vmem>>) target(%dma_start3A_678 : memref<10240x16xf32, #tpu.memory_space<vmem_shared>>) offsets(%dma_start3A_675 : memref<125xi32, #tpu.memory_space<vmem>>) semaphore(%run_scoped3A_668 : memref<!tpu.dma_semaphore, #tpu.memory_space<semaphore_mem>>) {add = true}
        %dma_wait3A_679 = arith.constant 0 : i32
        %dma_wait3A_680 = arith.constant 0 : i32
        %dma_wait3A_681 = tpu.memref_slice %arg14[%run_scoped3A_667, %dma_wait3A_679, %dma_wait3A_680] : memref<2x125x16xf32, #tpu.memory_space<vmem>> -> memref<1x125x16xf32, #tpu.memory_space<vmem>>
        %dma_wait3A_682 = tpu.memref_squeeze %dma_wait3A_681 : memref<1x125x16xf32, #tpu.memory_space<vmem>> -> memref<125x16xf32, #tpu.memory_space<vmem>>
        %dma_wait3A_683 = arith.constant 0 : i32
        %dma_wait3A_684 = tpu.memref_slice %arg10[%add3A_557, %dma_wait3A_683] : memref<80x125xi32, #tpu.memory_space<vmem>> -> memref<1x125xi32, #tpu.memory_space<vmem>>
        %dma_wait3A_685 = tpu.memref_squeeze %dma_wait3A_684 : memref<1x125xi32, #tpu.memory_space<vmem>> -> memref<125xi32, #tpu.memory_space<vmem>>
        %dma_wait3A_686 = arith.constant 0 : i32
        %dma_wait3A_687 = arith.constant 0 : i32
        %dma_wait3A_688 = tpu.memref_slice %arg17[%dma_wait3A_686, %dma_wait3A_687] : memref<10240x16xf32, #tpu.memory_space<vmem_shared>> -> memref<10240x16xf32, #tpu.memory_space<vmem_shared>>
        tpu.wait_indirect_dma semaphore(%run_scoped3A_668 : memref<!tpu.dma_semaphore, #tpu.memory_space<semaphore_mem>>) src(%dma_wait3A_682 : memref<125x16xf32, #tpu.memory_space<vmem>>) dst(%dma_wait3A_688 : memref<10240x16xf32, #tpu.memory_space<vmem_shared>>)
        tpu.yield
      }) : () -> ()
    }
    %scan3A_272 = arith.constant 38 : i32
    %add3A_273 = arith.constant 9750 : i32
    %add3A_274 = arith.addi %mul3A_2, %add3A_273 : i32
    %mul3A_275 = arith.constant 16 : i32
    %mul3A_276 = arith.muli %add3A_274, %mul3A_275 : i32
    %dma_wait3A_277 = arith.constant 0 : i32
    %dma_wait3A_278 = arith.constant 0 : i32
    %dma_wait3A_279 = tpu.memref_slice %arg13[%dma_wait3A_277, %dma_wait3A_278] : memref<2x2000xf32, #tpu.memory_space<vmem>> -> memref<1x2000xf32, #tpu.memory_space<vmem>>
    %dma_wait3A_280 = tpu.memref_squeeze %dma_wait3A_279 : memref<1x2000xf32, #tpu.memory_space<vmem>> -> memref<2000xf32, #tpu.memory_space<vmem>>
    %dma_wait3A_281 = tpu.memref_slice %arg6[%mul3A_276] : memref<5120000xf32, #tpu.memory_space<hbm>> -> memref<2000xf32, #tpu.memory_space<hbm>>
    %dma_wait3A_282 = arith.constant 0 : i32
    %dma_wait3A_283 = tpu.memref_slice %arg13[%dma_wait3A_277, %dma_wait3A_282] : memref<2x2000xf32, #tpu.memory_space<vmem>> -> memref<1x2000xf32, #tpu.memory_space<vmem>>
    %dma_wait3A_284 = tpu.memref_squeeze %dma_wait3A_283 : memref<1x2000xf32, #tpu.memory_space<vmem>> -> memref<2000xf32, #tpu.memory_space<vmem>>
    %dma_wait3A_285 = tpu.memref_slice %arg6[%mul3A_276] : memref<5120000xf32, #tpu.memory_space<hbm>> -> memref<2000xf32, #tpu.memory_space<hbm>>
    tpu.wait_dma2 semaphore(%arg18 : memref<!tpu.dma_semaphore, #tpu.memory_space<semaphore_mem>>) src(%dma_wait3A_285 : memref<2000xf32, #tpu.memory_space<hbm>>) dst(%dma_wait3A_284 : memref<2000xf32, #tpu.memory_space<vmem>>)
    %dma_wait3A_286 = arith.constant 78 : i32
    %dma_wait3A_287 = arith.constant 0 : i32
    %dma_wait3A_288 = arith.constant 0 : i32
    %dma_wait3A_289 = arith.constant 0 : i32
    %dma_wait3A_290 = tpu.memref_slice %arg11[%dma_wait3A_287, %dma_wait3A_288, %dma_wait3A_289] : memref<2x125x16xf32, #tpu.memory_space<vmem>> -> memref<1x125x16xf32, #tpu.memory_space<vmem>>
    %dma_wait3A_291 = tpu.memref_squeeze %dma_wait3A_290 : memref<1x125x16xf32, #tpu.memory_space<vmem>> -> memref<125x16xf32, #tpu.memory_space<vmem>>
    %dma_wait3A_292 = arith.constant 0 : i32
    %dma_wait3A_293 = tpu.memref_slice %arg9[%dma_wait3A_286, %dma_wait3A_292] : memref<80x125xi32, #tpu.memory_space<vmem>> -> memref<1x125xi32, #tpu.memory_space<vmem>>
    %dma_wait3A_294 = tpu.memref_squeeze %dma_wait3A_293 : memref<1x125xi32, #tpu.memory_space<vmem>> -> memref<125xi32, #tpu.memory_space<vmem>>
    %dma_wait3A_295 = arith.constant 0 : i32
    %dma_wait3A_296 = arith.constant 0 : i32
    %dma_wait3A_297 = tpu.memref_slice %arg4[%dma_wait3A_295, %dma_wait3A_296] : memref<10000x16xf32, #tpu.memory_space<hbm>> -> memref<10000x16xf32, #tpu.memory_space<hbm>>
    tpu.wait_indirect_dma semaphore(%arg18 : memref<!tpu.dma_semaphore, #tpu.memory_space<semaphore_mem>>) src(%dma_wait3A_297 : memref<10000x16xf32, #tpu.memory_space<hbm>>) dst(%dma_wait3A_291 : memref<125x16xf32, #tpu.memory_space<vmem>>)
    %dma_wait3A_298 = arith.constant 78 : i32
    %dma_wait3A_299 = arith.constant 0 : i32
    %dma_wait3A_300 = arith.constant 0 : i32
    %dma_wait3A_301 = arith.constant 0 : i32
    %dma_wait3A_302 = tpu.memref_slice %arg12[%dma_wait3A_299, %dma_wait3A_300, %dma_wait3A_301] : memref<2x125x16xf32, #tpu.memory_space<vmem>> -> memref<1x125x16xf32, #tpu.memory_space<vmem>>
    %dma_wait3A_303 = tpu.memref_squeeze %dma_wait3A_302 : memref<1x125x16xf32, #tpu.memory_space<vmem>> -> memref<125x16xf32, #tpu.memory_space<vmem>>
    %dma_wait3A_304 = arith.constant 0 : i32
    %dma_wait3A_305 = tpu.memref_slice %arg10[%dma_wait3A_298, %dma_wait3A_304] : memref<80x125xi32, #tpu.memory_space<vmem>> -> memref<1x125xi32, #tpu.memory_space<vmem>>
    %dma_wait3A_306 = tpu.memref_squeeze %dma_wait3A_305 : memref<1x125xi32, #tpu.memory_space<vmem>> -> memref<125xi32, #tpu.memory_space<vmem>>
    %dma_wait3A_307 = arith.constant 0 : i32
    %dma_wait3A_308 = arith.constant 0 : i32
    %dma_wait3A_309 = tpu.memref_slice %arg5[%dma_wait3A_307, %dma_wait3A_308] : memref<10000x16xf32, #tpu.memory_space<hbm>> -> memref<10000x16xf32, #tpu.memory_space<hbm>>
    tpu.wait_indirect_dma semaphore(%arg18 : memref<!tpu.dma_semaphore, #tpu.memory_space<semaphore_mem>>) src(%dma_wait3A_309 : memref<10000x16xf32, #tpu.memory_space<hbm>>) dst(%dma_wait3A_303 : memref<125x16xf32, #tpu.memory_space<vmem>>)
    %add3A_310 = arith.constant 9500 : i32
    %add3A_311 = arith.addi %mul3A_2, %add3A_310 : i32
    %mul3A_312 = arith.constant 16 : i32
    %mul3A_313 = arith.muli %add3A_311, %mul3A_312 : i32
    %dma_wait3A_314 = arith.constant 0 : i32
    %dma_wait3A_315 = arith.constant 0 : i32
    %dma_wait3A_316 = tpu.memref_slice %arg15[%dma_wait3A_314, %dma_wait3A_315] : memref<2x2000xf32, #tpu.memory_space<vmem>> -> memref<1x2000xf32, #tpu.memory_space<vmem>>
    %dma_wait3A_317 = tpu.memref_squeeze %dma_wait3A_316 : memref<1x2000xf32, #tpu.memory_space<vmem>> -> memref<2000xf32, #tpu.memory_space<vmem>>
    %dma_wait3A_318 = tpu.memref_slice %arg7[%mul3A_313] : memref<5120000xf32, #tpu.memory_space<hbm>> -> memref<2000xf32, #tpu.memory_space<hbm>>
    %dma_wait3A_319 = tpu.memref_slice %arg7[%mul3A_313] : memref<5120000xf32, #tpu.memory_space<hbm>> -> memref<2000xf32, #tpu.memory_space<hbm>>
    %dma_wait3A_320 = arith.constant 0 : i32
    %dma_wait3A_321 = tpu.memref_slice %arg15[%dma_wait3A_314, %dma_wait3A_320] : memref<2x2000xf32, #tpu.memory_space<vmem>> -> memref<1x2000xf32, #tpu.memory_space<vmem>>
    %dma_wait3A_322 = tpu.memref_squeeze %dma_wait3A_321 : memref<1x2000xf32, #tpu.memory_space<vmem>> -> memref<2000xf32, #tpu.memory_space<vmem>>
    tpu.wait_dma2 semaphore(%arg20 : memref<!tpu.dma_semaphore, #tpu.memory_space<semaphore_mem>>) src(%dma_wait3A_322 : memref<2000xf32, #tpu.memory_space<vmem>>) dst(%dma_wait3A_319 : memref<2000xf32, #tpu.memory_space<hbm>>)
    %scan3A_323 = arith.constant 0 : i32
    %scan3A_324 = arith.constant 125 : i32
    %scan3A_325 = arith.addi %scan3A_323, %scan3A_324 : i32
    %scan3A_326 = arith.constant 1 : i32
    scf.for %scan3A_440 = %scan3A_323 to %scan3A_325 step %scan3A_326  : i32 {
      %get3A = arith.constant 0 : i32
      %get3A_441 = arith.index_cast %get3A : i32 to index
      %get3A_442 = arith.index_cast %scan3A_440 : i32 to index
      %get3A_443 = arith.constant 0 : index
      %get3A_444 = tpu.vector_load %arg11[%get3A_441, %get3A_442, %get3A_443] {strides = array<i32>} : memref<2x125x16xf32, #tpu.memory_space<vmem>>, vector<1x1x16xf32>,
      %get3A_445 = vector.shape_cast %get3A_444 : vector<1x1x16xf32> to vector<16xf32>
      %get3A_446 = arith.constant 0 : i32
      %get3A_447 = arith.index_cast %get3A_446 : i32 to index
      %get3A_448 = arith.index_cast %scan3A_440 : i32 to index
      %get3A_449 = arith.constant 0 : index
      %get3A_450 = tpu.vector_load %arg12[%get3A_447, %get3A_448, %get3A_449] {strides = array<i32>} : memref<2x125x16xf32, #tpu.memory_space<vmem>>, vector<1x1x16xf32>,
      %get3A_451 = vector.shape_cast %get3A_450 : vector<1x1x16xf32> to vector<16xf32>
      %add3A_452 = arith.addf %get3A_445, %get3A_451 : vector<16xf32>
      %mul3A_453 = arith.constant 16 : i32
      %mul3A_454 = arith.muli %scan3A_440, %mul3A_453 : i32
      %get3A_455 = arith.constant 0 : i32
      %get3A_456 = arith.index_cast %get3A_455 : i32 to index
      %get3A_457 = arith.index_cast %mul3A_454 : i32 to index
      %get3A_458 = tpu.vector_load %arg13[%get3A_456, %get3A_457] {strides = array<i32>} : memref<2x2000xf32, #tpu.memory_space<vmem>>, vector<1x16xf32>,
      %get3A_459 = vector.shape_cast %get3A_458 : vector<1x16xf32> to vector<16xf32>
      %add3A_460 = arith.addf %add3A_452, %get3A_459 : vector<16xf32>
      %max3A = arith.constant 0.000000e+00 : f32
      %max3A_461 = vector.broadcast %max3A : f32 to vector<16xf32>
      %max3A_462 = arith.maximumf %add3A_460, %max3A_461 : vector<16xf32>
      %swap3A = arith.constant 0 : i32
      %swap3A_463 = arith.index_cast %swap3A : i32 to index
      %swap3A_464 = arith.index_cast %scan3A_440 : i32 to index
      %swap3A_465 = arith.constant 0 : index
      %swap3A_466 = tpu.vector_load %arg14[%swap3A_463, %swap3A_464, %swap3A_465] {strides = array<i32>} : memref<2x125x16xf32, #tpu.memory_space<vmem>>, vector<1x1x16xf32>,
      %swap3A_467 = vector.shape_cast %swap3A_466 : vector<1x1x16xf32> to vector<16xf32>
      %swap3A_468 = vector.shape_cast %max3A_462 : vector<16xf32> to vector<1x1x16xf32>
      tpu.vector_store %arg14[%swap3A_463, %swap3A_464, %swap3A_465], %swap3A_468 {strides = array<i32>} : memref<2x125x16xf32, #tpu.memory_space<vmem>>, vector<1x1x16xf32>,
      %mul3A_469 = arith.constant 16 : i32
      %mul3A_470 = arith.muli %scan3A_440, %mul3A_469 : i32
      %swap3A_471 = arith.constant 0 : i32
      %swap3A_472 = arith.index_cast %swap3A_471 : i32 to index
      %swap3A_473 = arith.index_cast %mul3A_470 : i32 to index
      %swap3A_474 = tpu.vector_load %arg15[%swap3A_472, %swap3A_473] {strides = array<i32>} : memref<2x2000xf32, #tpu.memory_space<vmem>>, vector<1x16xf32>,
      %swap3A_475 = vector.shape_cast %swap3A_474 : vector<1x16xf32> to vector<16xf32>
      %swap3A_476 = vector.shape_cast %max3A_462 : vector<16xf32> to vector<1x16xf32>
      tpu.vector_store %arg15[%swap3A_472, %swap3A_473], %swap3A_476 {strides = array<i32>} : memref<2x2000xf32, #tpu.memory_space<vmem>>, vector<1x16xf32>,
    }
    %scan3A_327 = arith.constant 125 : i32
    %add3A_328 = arith.constant 9750 : i32
    %add3A_329 = arith.addi %mul3A_2, %add3A_328 : i32
    %mul3A_330 = arith.constant 16 : i32
    %mul3A_331 = arith.muli %add3A_329, %mul3A_330 : i32
    %dma_start3A_332 = arith.constant 0 : i32
    %dma_start3A_333 = arith.constant 0 : i32
    %dma_start3A_334 = tpu.memref_slice %arg15[%dma_start3A_332, %dma_start3A_333] : memref<2x2000xf32, #tpu.memory_space<vmem>> -> memref<1x2000xf32, #tpu.memory_space<vmem>>
    %dma_start3A_335 = tpu.memref_squeeze %dma_start3A_334 : memref<1x2000xf32, #tpu.memory_space<vmem>> -> memref<2000xf32, #tpu.memory_space<vmem>>
    %dma_start3A_336 = tpu.memref_slice %arg7[%mul3A_331] : memref<5120000xf32, #tpu.memory_space<hbm>> -> memref<2000xf32, #tpu.memory_space<hbm>>
    %dma_start3A_337 = tpu.memref_slice %arg7[%mul3A_331] : memref<5120000xf32, #tpu.memory_space<hbm>> -> memref<2000xf32, #tpu.memory_space<hbm>>
    %dma_start3A_338 = arith.constant 0 : i32
    %dma_start3A_339 = tpu.memref_slice %arg15[%dma_start3A_332, %dma_start3A_338] : memref<2x2000xf32, #tpu.memory_space<vmem>> -> memref<1x2000xf32, #tpu.memory_space<vmem>>
    %dma_start3A_340 = tpu.memref_squeeze %dma_start3A_339 : memref<1x2000xf32, #tpu.memory_space<vmem>> -> memref<2000xf32, #tpu.memory_space<vmem>>
    tpu.enqueue_dma source(%dma_start3A_340 : memref<2000xf32, #tpu.memory_space<vmem>>) target(%dma_start3A_337 : memref<2000xf32, #tpu.memory_space<hbm>>) target_semaphore(%arg20 : memref<!tpu.dma_semaphore, #tpu.memory_space<semaphore_mem>>)
    %run_scoped3A_341 = arith.constant 0 : i32
    %run_scoped3A_342 = arith.constant 78 : i32
    "tpu.region"() ({
      %run_scoped3A_440 = tpu.sem_alloc : memref<!tpu.dma_semaphore, #tpu.memory_space<semaphore_mem>>
      %dma_start3A_441 = arith.constant 0 : i32
      %dma_start3A_442 = arith.constant 0 : i32
      %dma_start3A_443 = tpu.memref_slice %arg14[%run_scoped3A_341, %dma_start3A_441, %dma_start3A_442] : memref<2x125x16xf32, #tpu.memory_space<vmem>> -> memref<1x125x16xf32, #tpu.memory_space<vmem>>
      %dma_start3A_444 = tpu.memref_squeeze %dma_start3A_443 : memref<1x125x16xf32, #tpu.memory_space<vmem>> -> memref<125x16xf32, #tpu.memory_space<vmem>>
      %dma_start3A_445 = arith.constant 0 : i32
      %dma_start3A_446 = tpu.memref_slice %arg10[%run_scoped3A_342, %dma_start3A_445] : memref<80x125xi32, #tpu.memory_space<vmem>> -> memref<1x125xi32, #tpu.memory_space<vmem>>
      %dma_start3A_447 = tpu.memref_squeeze %dma_start3A_446 : memref<1x125xi32, #tpu.memory_space<vmem>> -> memref<125xi32, #tpu.memory_space<vmem>>
      %dma_start3A_448 = arith.constant 0 : i32
      %dma_start3A_449 = arith.constant 0 : i32
      %dma_start3A_450 = tpu.memref_slice %arg17[%dma_start3A_448, %dma_start3A_449] : memref<10240x16xf32, #tpu.memory_space<vmem_shared>> -> memref<10240x16xf32, #tpu.memory_space<vmem_shared>>
      tpu.enqueue_indirect_dma source(%dma_start3A_444 : memref<125x16xf32, #tpu.memory_space<vmem>>) target(%dma_start3A_450 : memref<10240x16xf32, #tpu.memory_space<vmem_shared>>) offsets(%dma_start3A_447 : memref<125xi32, #tpu.memory_space<vmem>>) semaphore(%run_scoped3A_440 : memref<!tpu.dma_semaphore, #tpu.memory_space<semaphore_mem>>) {add = true}
      %dma_wait3A_451 = arith.constant 0 : i32
      %dma_wait3A_452 = arith.constant 0 : i32
      %dma_wait3A_453 = tpu.memref_slice %arg14[%run_scoped3A_341, %dma_wait3A_451, %dma_wait3A_452] : memref<2x125x16xf32, #tpu.memory_space<vmem>> -> memref<1x125x16xf32, #tpu.memory_space<vmem>>
      %dma_wait3A_454 = tpu.memref_squeeze %dma_wait3A_453 : memref<1x125x16xf32, #tpu.memory_space<vmem>> -> memref<125x16xf32, #tpu.memory_space<vmem>>
      %dma_wait3A_455 = arith.constant 0 : i32
      %dma_wait3A_456 = tpu.memref_slice %arg10[%run_scoped3A_342, %dma_wait3A_455] : memref<80x125xi32, #tpu.memory_space<vmem>> -> memref<1x125xi32, #tpu.memory_space<vmem>>
      %dma_wait3A_457 = tpu.memref_squeeze %dma_wait3A_456 : memref<1x125xi32, #tpu.memory_space<vmem>> -> memref<125xi32, #tpu.memory_space<vmem>>
      %dma_wait3A_458 = arith.constant 0 : i32
      %dma_wait3A_459 = arith.constant 0 : i32
      %dma_wait3A_460 = tpu.memref_slice %arg17[%dma_wait3A_458, %dma_wait3A_459] : memref<10240x16xf32, #tpu.memory_space<vmem_shared>> -> memref<10240x16xf32, #tpu.memory_space<vmem_shared>>
      tpu.wait_indirect_dma semaphore(%run_scoped3A_440 : memref<!tpu.dma_semaphore, #tpu.memory_space<semaphore_mem>>) src(%dma_wait3A_454 : memref<125x16xf32, #tpu.memory_space<vmem>>) dst(%dma_wait3A_460 : memref<10240x16xf32, #tpu.memory_space<vmem_shared>>)
      tpu.yield
    }) : () -> ()
    %add3A_343 = arith.constant 9875 : i32
    %add3A_344 = arith.addi %mul3A_2, %add3A_343 : i32
    %mul3A_345 = arith.constant 16 : i32
    %mul3A_346 = arith.muli %add3A_344, %mul3A_345 : i32
    %dma_wait3A_347 = arith.constant 1 : i32
    %dma_wait3A_348 = arith.constant 0 : i32
    %dma_wait3A_349 = tpu.memref_slice %arg13[%dma_wait3A_347, %dma_wait3A_348] : memref<2x2000xf32, #tpu.memory_space<vmem>> -> memref<1x2000xf32, #tpu.memory_space<vmem>>
    %dma_wait3A_350 = tpu.memref_squeeze %dma_wait3A_349 : memref<1x2000xf32, #tpu.memory_space<vmem>> -> memref<2000xf32, #tpu.memory_space<vmem>>
    %dma_wait3A_351 = tpu.memref_slice %arg6[%mul3A_346] : memref<5120000xf32, #tpu.memory_space<hbm>> -> memref<2000xf32, #tpu.memory_space<hbm>>
    %dma_wait3A_352 = arith.constant 0 : i32
    %dma_wait3A_353 = tpu.memref_slice %arg13[%dma_wait3A_347, %dma_wait3A_352] : memref<2x2000xf32, #tpu.memory_space<vmem>> -> memref<1x2000xf32, #tpu.memory_space<vmem>>
    %dma_wait3A_354 = tpu.memref_squeeze %dma_wait3A_353 : memref<1x2000xf32, #tpu.memory_space<vmem>> -> memref<2000xf32, #tpu.memory_space<vmem>>
    %dma_wait3A_355 = tpu.memref_slice %arg6[%mul3A_346] : memref<5120000xf32, #tpu.memory_space<hbm>> -> memref<2000xf32, #tpu.memory_space<hbm>>
    tpu.wait_dma2 semaphore(%arg19 : memref<!tpu.dma_semaphore, #tpu.memory_space<semaphore_mem>>) src(%dma_wait3A_355 : memref<2000xf32, #tpu.memory_space<hbm>>) dst(%dma_wait3A_354 : memref<2000xf32, #tpu.memory_space<vmem>>)
    %dma_wait3A_356 = arith.constant 79 : i32
    %dma_wait3A_357 = arith.constant 1 : i32
    %dma_wait3A_358 = arith.constant 0 : i32
    %dma_wait3A_359 = arith.constant 0 : i32
    %dma_wait3A_360 = tpu.memref_slice %arg11[%dma_wait3A_357, %dma_wait3A_358, %dma_wait3A_359] : memref<2x125x16xf32, #tpu.memory_space<vmem>> -> memref<1x125x16xf32, #tpu.memory_space<vmem>>
    %dma_wait3A_361 = tpu.memref_squeeze %dma_wait3A_360 : memref<1x125x16xf32, #tpu.memory_space<vmem>> -> memref<125x16xf32, #tpu.memory_space<vmem>>
    %dma_wait3A_362 = arith.constant 0 : i32
    %dma_wait3A_363 = tpu.memref_slice %arg9[%dma_wait3A_356, %dma_wait3A_362] : memref<80x125xi32, #tpu.memory_space<vmem>> -> memref<1x125xi32, #tpu.memory_space<vmem>>
    %dma_wait3A_364 = tpu.memref_squeeze %dma_wait3A_363 : memref<1x125xi32, #tpu.memory_space<vmem>> -> memref<125xi32, #tpu.memory_space<vmem>>
    %dma_wait3A_365 = arith.constant 0 : i32
    %dma_wait3A_366 = arith.constant 0 : i32
    %dma_wait3A_367 = tpu.memref_slice %arg4[%dma_wait3A_365, %dma_wait3A_366] : memref<10000x16xf32, #tpu.memory_space<hbm>> -> memref<10000x16xf32, #tpu.memory_space<hbm>>
    tpu.wait_indirect_dma semaphore(%arg19 : memref<!tpu.dma_semaphore, #tpu.memory_space<semaphore_mem>>) src(%dma_wait3A_367 : memref<10000x16xf32, #tpu.memory_space<hbm>>) dst(%dma_wait3A_361 : memref<125x16xf32, #tpu.memory_space<vmem>>)
    %dma_wait3A_368 = arith.constant 79 : i32
    %dma_wait3A_369 = arith.constant 1 : i32
    %dma_wait3A_370 = arith.constant 0 : i32
    %dma_wait3A_371 = arith.constant 0 : i32
    %dma_wait3A_372 = tpu.memref_slice %arg12[%dma_wait3A_369, %dma_wait3A_370, %dma_wait3A_371] : memref<2x125x16xf32, #tpu.memory_space<vmem>> -> memref<1x125x16xf32, #tpu.memory_space<vmem>>
    %dma_wait3A_373 = tpu.memref_squeeze %dma_wait3A_372 : memref<1x125x16xf32, #tpu.memory_space<vmem>> -> memref<125x16xf32, #tpu.memory_space<vmem>>
    %dma_wait3A_374 = arith.constant 0 : i32
    %dma_wait3A_375 = tpu.memref_slice %arg10[%dma_wait3A_368, %dma_wait3A_374] : memref<80x125xi32, #tpu.memory_space<vmem>> -> memref<1x125xi32, #tpu.memory_space<vmem>>
    %dma_wait3A_376 = tpu.memref_squeeze %dma_wait3A_375 : memref<1x125xi32, #tpu.memory_space<vmem>> -> memref<125xi32, #tpu.memory_space<vmem>>
    %dma_wait3A_377 = arith.constant 0 : i32
    %dma_wait3A_378 = arith.constant 0 : i32
    %dma_wait3A_379 = tpu.memref_slice %arg5[%dma_wait3A_377, %dma_wait3A_378] : memref<10000x16xf32, #tpu.memory_space<hbm>> -> memref<10000x16xf32, #tpu.memory_space<hbm>>
    tpu.wait_indirect_dma semaphore(%arg19 : memref<!tpu.dma_semaphore, #tpu.memory_space<semaphore_mem>>) src(%dma_wait3A_379 : memref<10000x16xf32, #tpu.memory_space<hbm>>) dst(%dma_wait3A_373 : memref<125x16xf32, #tpu.memory_space<vmem>>)
    %add3A_380 = arith.constant 9625 : i32
    %add3A_381 = arith.addi %mul3A_2, %add3A_380 : i32
    %mul3A_382 = arith.constant 16 : i32
    %mul3A_383 = arith.muli %add3A_381, %mul3A_382 : i32
    %dma_wait3A_384 = arith.constant 1 : i32
    %dma_wait3A_385 = arith.constant 0 : i32
    %dma_wait3A_386 = tpu.memref_slice %arg15[%dma_wait3A_384, %dma_wait3A_385] : memref<2x2000xf32, #tpu.memory_space<vmem>> -> memref<1x2000xf32, #tpu.memory_space<vmem>>
    %dma_wait3A_387 = tpu.memref_squeeze %dma_wait3A_386 : memref<1x2000xf32, #tpu.memory_space<vmem>> -> memref<2000xf32, #tpu.memory_space<vmem>>
    %dma_wait3A_388 = tpu.memref_slice %arg7[%mul3A_383] : memref<5120000xf32, #tpu.memory_space<hbm>> -> memref<2000xf32, #tpu.memory_space<hbm>>
    %dma_wait3A_389 = tpu.memref_slice %arg7[%mul3A_383] : memref<5120000xf32, #tpu.memory_space<hbm>> -> memref<2000xf32, #tpu.memory_space<hbm>>
    %dma_wait3A_390 = arith.constant 0 : i32
    %dma_wait3A_391 = tpu.memref_slice %arg15[%dma_wait3A_384, %dma_wait3A_390] : memref<2x2000xf32, #tpu.memory_space<vmem>> -> memref<1x2000xf32, #tpu.memory_space<vmem>>
    %dma_wait3A_392 = tpu.memref_squeeze %dma_wait3A_391 : memref<1x2000xf32, #tpu.memory_space<vmem>> -> memref<2000xf32, #tpu.memory_space<vmem>>
    tpu.wait_dma2 semaphore(%arg21 : memref<!tpu.dma_semaphore, #tpu.memory_space<semaphore_mem>>) src(%dma_wait3A_392 : memref<2000xf32, #tpu.memory_space<vmem>>) dst(%dma_wait3A_389 : memref<2000xf32, #tpu.memory_space<hbm>>)
    %scan3A_393 = arith.constant 0 : i32
    %scan3A_394 = arith.constant 125 : i32
    %scan3A_395 = arith.addi %scan3A_393, %scan3A_394 : i32
    %scan3A_396 = arith.constant 1 : i32
    scf.for %scan3A_440 = %scan3A_393 to %scan3A_395 step %scan3A_396  : i32 {
      %get3A = arith.constant 1 : i32
      %get3A_441 = arith.index_cast %get3A : i32 to index
      %get3A_442 = arith.index_cast %scan3A_440 : i32 to index
      %get3A_443 = arith.constant 0 : index
      %get3A_444 = tpu.vector_load %arg11[%get3A_441, %get3A_442, %get3A_443] {strides = array<i32>} : memref<2x125x16xf32, #tpu.memory_space<vmem>>, vector<1x1x16xf32>,
      %get3A_445 = vector.shape_cast %get3A_444 : vector<1x1x16xf32> to vector<16xf32>
      %get3A_446 = arith.constant 1 : i32
      %get3A_447 = arith.index_cast %get3A_446 : i32 to index
      %get3A_448 = arith.index_cast %scan3A_440 : i32 to index
      %get3A_449 = arith.constant 0 : index
      %get3A_450 = tpu.vector_load %arg12[%get3A_447, %get3A_448, %get3A_449] {strides = array<i32>} : memref<2x125x16xf32, #tpu.memory_space<vmem>>, vector<1x1x16xf32>,
      %get3A_451 = vector.shape_cast %get3A_450 : vector<1x1x16xf32> to vector<16xf32>
      %add3A_452 = arith.addf %get3A_445, %get3A_451 : vector<16xf32>
      %mul3A_453 = arith.constant 16 : i32
      %mul3A_454 = arith.muli %scan3A_440, %mul3A_453 : i32
      %get3A_455 = arith.constant 1 : i32
      %get3A_456 = arith.index_cast %get3A_455 : i32 to index
      %get3A_457 = arith.index_cast %mul3A_454 : i32 to index
      %get3A_458 = tpu.vector_load %arg13[%get3A_456, %get3A_457] {strides = array<i32>} : memref<2x2000xf32, #tpu.memory_space<vmem>>, vector<1x16xf32>,
      %get3A_459 = vector.shape_cast %get3A_458 : vector<1x16xf32> to vector<16xf32>
      %add3A_460 = arith.addf %add3A_452, %get3A_459 : vector<16xf32>
      %max3A = arith.constant 0.000000e+00 : f32
      %max3A_461 = vector.broadcast %max3A : f32 to vector<16xf32>
      %max3A_462 = arith.maximumf %add3A_460, %max3A_461 : vector<16xf32>
      %swap3A = arith.constant 1 : i32
      %swap3A_463 = arith.index_cast %swap3A : i32 to index
      %swap3A_464 = arith.index_cast %scan3A_440 : i32 to index
      %swap3A_465 = arith.constant 0 : index
      %swap3A_466 = tpu.vector_load %arg14[%swap3A_463, %swap3A_464, %swap3A_465] {strides = array<i32>} : memref<2x125x16xf32, #tpu.memory_space<vmem>>, vector<1x1x16xf32>,
      %swap3A_467 = vector.shape_cast %swap3A_466 : vector<1x1x16xf32> to vector<16xf32>
      %swap3A_468 = vector.shape_cast %max3A_462 : vector<16xf32> to vector<1x1x16xf32>
      tpu.vector_store %arg14[%swap3A_463, %swap3A_464, %swap3A_465], %swap3A_468 {strides = array<i32>} : memref<2x125x16xf32, #tpu.memory_space<vmem>>, vector<1x1x16xf32>,
      %mul3A_469 = arith.constant 16 : i32
      %mul3A_470 = arith.muli %scan3A_440, %mul3A_469 : i32
      %swap3A_471 = arith.constant 1 : i32
      %swap3A_472 = arith.index_cast %swap3A_471 : i32 to index
      %swap3A_473 = arith.index_cast %mul3A_470 : i32 to index
      %swap3A_474 = tpu.vector_load %arg15[%swap3A_472, %swap3A_473] {strides = array<i32>} : memref<2x2000xf32, #tpu.memory_space<vmem>>, vector<1x16xf32>,
      %swap3A_475 = vector.shape_cast %swap3A_474 : vector<1x16xf32> to vector<16xf32>
      %swap3A_476 = vector.shape_cast %max3A_462 : vector<16xf32> to vector<1x16xf32>
      tpu.vector_store %arg15[%swap3A_472, %swap3A_473], %swap3A_476 {strides = array<i32>} : memref<2x2000xf32, #tpu.memory_space<vmem>>, vector<1x16xf32>,
    }
    %scan3A_397 = arith.constant 125 : i32
    %add3A_398 = arith.constant 9875 : i32
    %add3A_399 = arith.addi %mul3A_2, %add3A_398 : i32
    %mul3A_400 = arith.constant 16 : i32
    %mul3A_401 = arith.muli %add3A_399, %mul3A_400 : i32
    %dma_start3A_402 = arith.constant 1 : i32
    %dma_start3A_403 = arith.constant 0 : i32
    %dma_start3A_404 = tpu.memref_slice %arg15[%dma_start3A_402, %dma_start3A_403] : memref<2x2000xf32, #tpu.memory_space<vmem>> -> memref<1x2000xf32, #tpu.memory_space<vmem>>
    %dma_start3A_405 = tpu.memref_squeeze %dma_start3A_404 : memref<1x2000xf32, #tpu.memory_space<vmem>> -> memref<2000xf32, #tpu.memory_space<vmem>>
    %dma_start3A_406 = tpu.memref_slice %arg7[%mul3A_401] : memref<5120000xf32, #tpu.memory_space<hbm>> -> memref<2000xf32, #tpu.memory_space<hbm>>
    %dma_start3A_407 = tpu.memref_slice %arg7[%mul3A_401] : memref<5120000xf32, #tpu.memory_space<hbm>> -> memref<2000xf32, #tpu.memory_space<hbm>>
    %dma_start3A_408 = arith.constant 0 : i32
    %dma_start3A_409 = tpu.memref_slice %arg15[%dma_start3A_402, %dma_start3A_408] : memref<2x2000xf32, #tpu.memory_space<vmem>> -> memref<1x2000xf32, #tpu.memory_space<vmem>>
    %dma_start3A_410 = tpu.memref_squeeze %dma_start3A_409 : memref<1x2000xf32, #tpu.memory_space<vmem>> -> memref<2000xf32, #tpu.memory_space<vmem>>
    tpu.enqueue_dma source(%dma_start3A_410 : memref<2000xf32, #tpu.memory_space<vmem>>) target(%dma_start3A_407 : memref<2000xf32, #tpu.memory_space<hbm>>) target_semaphore(%arg21 : memref<!tpu.dma_semaphore, #tpu.memory_space<semaphore_mem>>)
    %run_scoped3A_411 = arith.constant 1 : i32
    %run_scoped3A_412 = arith.constant 79 : i32
    "tpu.region"() ({
      %run_scoped3A_440 = tpu.sem_alloc : memref<!tpu.dma_semaphore, #tpu.memory_space<semaphore_mem>>
      %dma_start3A_441 = arith.constant 0 : i32
      %dma_start3A_442 = arith.constant 0 : i32
      %dma_start3A_443 = tpu.memref_slice %arg14[%run_scoped3A_411, %dma_start3A_441, %dma_start3A_442] : memref<2x125x16xf32, #tpu.memory_space<vmem>> -> memref<1x125x16xf32, #tpu.memory_space<vmem>>
      %dma_start3A_444 = tpu.memref_squeeze %dma_start3A_443 : memref<1x125x16xf32, #tpu.memory_space<vmem>> -> memref<125x16xf32, #tpu.memory_space<vmem>>
      %dma_start3A_445 = arith.constant 0 : i32
      %dma_start3A_446 = tpu.memref_slice %arg10[%run_scoped3A_412, %dma_start3A_445] : memref<80x125xi32, #tpu.memory_space<vmem>> -> memref<1x125xi32, #tpu.memory_space<vmem>>
      %dma_start3A_447 = tpu.memref_squeeze %dma_start3A_446 : memref<1x125xi32, #tpu.memory_space<vmem>> -> memref<125xi32, #tpu.memory_space<vmem>>
      %dma_start3A_448 = arith.constant 0 : i32
      %dma_start3A_449 = arith.constant 0 : i32
      %dma_start3A_450 = tpu.memref_slice %arg17[%dma_start3A_448, %dma_start3A_449] : memref<10240x16xf32, #tpu.memory_space<vmem_shared>> -> memref<10240x16xf32, #tpu.memory_space<vmem_shared>>
      tpu.enqueue_indirect_dma source(%dma_start3A_444 : memref<125x16xf32, #tpu.memory_space<vmem>>) target(%dma_start3A_450 : memref<10240x16xf32, #tpu.memory_space<vmem_shared>>) offsets(%dma_start3A_447 : memref<125xi32, #tpu.memory_space<vmem>>) semaphore(%run_scoped3A_440 : memref<!tpu.dma_semaphore, #tpu.memory_space<semaphore_mem>>) {add = true}
      %dma_wait3A_451 = arith.constant 0 : i32
      %dma_wait3A_452 = arith.constant 0 : i32
      %dma_wait3A_453 = tpu.memref_slice %arg14[%run_scoped3A_411, %dma_wait3A_451, %dma_wait3A_452] : memref<2x125x16xf32, #tpu.memory_space<vmem>> -> memref<1x125x16xf32, #tpu.memory_space<vmem>>
      %dma_wait3A_454 = tpu.memref_squeeze %dma_wait3A_453 : memref<1x125x16xf32, #tpu.memory_space<vmem>> -> memref<125x16xf32, #tpu.memory_space<vmem>>
      %dma_wait3A_455 = arith.constant 0 : i32
      %dma_wait3A_456 = tpu.memref_slice %arg10[%run_scoped3A_412, %dma_wait3A_455] : memref<80x125xi32, #tpu.memory_space<vmem>> -> memref<1x125xi32, #tpu.memory_space<vmem>>
      %dma_wait3A_457 = tpu.memref_squeeze %dma_wait3A_456 : memref<1x125xi32, #tpu.memory_space<vmem>> -> memref<125xi32, #tpu.memory_space<vmem>>
      %dma_wait3A_458 = arith.constant 0 : i32
      %dma_wait3A_459 = arith.constant 0 : i32
      %dma_wait3A_460 = tpu.memref_slice %arg17[%dma_wait3A_458, %dma_wait3A_459] : memref<10240x16xf32, #tpu.memory_space<vmem_shared>> -> memref<10240x16xf32, #tpu.memory_space<vmem_shared>>
      tpu.wait_indirect_dma semaphore(%run_scoped3A_440 : memref<!tpu.dma_semaphore, #tpu.memory_space<semaphore_mem>>) src(%dma_wait3A_454 : memref<125x16xf32, #tpu.memory_space<vmem>>) dst(%dma_wait3A_460 : memref<10240x16xf32, #tpu.memory_space<vmem_shared>>)
      tpu.yield
    }) : () -> ()
    %add3A_413 = arith.constant 9750 : i32
    %add3A_414 = arith.addi %mul3A_2, %add3A_413 : i32
    %mul3A_415 = arith.constant 16 : i32
    %mul3A_416 = arith.muli %add3A_414, %mul3A_415 : i32
    %dma_wait3A_417 = arith.constant 0 : i32
    %dma_wait3A_418 = arith.constant 0 : i32
    %dma_wait3A_419 = tpu.memref_slice %arg15[%dma_wait3A_417, %dma_wait3A_418] : memref<2x2000xf32, #tpu.memory_space<vmem>> -> memref<1x2000xf32, #tpu.memory_space<vmem>>
    %dma_wait3A_420 = tpu.memref_squeeze %dma_wait3A_419 : memref<1x2000xf32, #tpu.memory_space<vmem>> -> memref<2000xf32, #tpu.memory_space<vmem>>
    %dma_wait3A_421 = tpu.memref_slice %arg7[%mul3A_416] : memref<5120000xf32, #tpu.memory_space<hbm>> -> memref<2000xf32, #tpu.memory_space<hbm>>
    %dma_wait3A_422 = tpu.memref_slice %arg7[%mul3A_416] : memref<5120000xf32, #tpu.memory_space<hbm>> -> memref<2000xf32, #tpu.memory_space<hbm>>
    %dma_wait3A_423 = arith.constant 0 : i32
    %dma_wait3A_424 = tpu.memref_slice %arg15[%dma_wait3A_417, %dma_wait3A_423] : memref<2x2000xf32, #tpu.memory_space<vmem>> -> memref<1x2000xf32, #tpu.memory_space<vmem>>
    %dma_wait3A_425 = tpu.memref_squeeze %dma_wait3A_424 : memref<1x2000xf32, #tpu.memory_space<vmem>> -> memref<2000xf32, #tpu.memory_space<vmem>>
    tpu.wait_dma2 semaphore(%arg20 : memref<!tpu.dma_semaphore, #tpu.memory_space<semaphore_mem>>) src(%dma_wait3A_425 : memref<2000xf32, #tpu.memory_space<vmem>>) dst(%dma_wait3A_422 : memref<2000xf32, #tpu.memory_space<hbm>>)
    %add3A_426 = arith.constant 9875 : i32
    %add3A_427 = arith.addi %mul3A_2, %add3A_426 : i32
    %mul3A_428 = arith.constant 16 : i32
    %mul3A_429 = arith.muli %add3A_427, %mul3A_428 : i32
    %dma_wait3A_430 = arith.constant 1 : i32
    %dma_wait3A_431 = arith.constant 0 : i32
    %dma_wait3A_432 = tpu.memref_slice %arg15[%dma_wait3A_430, %dma_wait3A_431] : memref<2x2000xf32, #tpu.memory_space<vmem>> -> memref<1x2000xf32, #tpu.memory_space<vmem>>
    %dma_wait3A_433 = tpu.memref_squeeze %dma_wait3A_432 : memref<1x2000xf32, #tpu.memory_space<vmem>> -> memref<2000xf32, #tpu.memory_space<vmem>>
    %dma_wait3A_434 = tpu.memref_slice %arg7[%mul3A_429] : memref<5120000xf32, #tpu.memory_space<hbm>> -> memref<2000xf32, #tpu.memory_space<hbm>>
    %dma_wait3A_435 = tpu.memref_slice %arg7[%mul3A_429] : memref<5120000xf32, #tpu.memory_space<hbm>> -> memref<2000xf32, #tpu.memory_space<hbm>>
    %dma_wait3A_436 = arith.constant 0 : i32
    %dma_wait3A_437 = tpu.memref_slice %arg15[%dma_wait3A_430, %dma_wait3A_436] : memref<2x2000xf32, #tpu.memory_space<vmem>> -> memref<1x2000xf32, #tpu.memory_space<vmem>>
    %dma_wait3A_438 = tpu.memref_squeeze %dma_wait3A_437 : memref<1x2000xf32, #tpu.memory_space<vmem>> -> memref<2000xf32, #tpu.memory_space<vmem>>
    tpu.wait_dma2 semaphore(%arg21 : memref<!tpu.dma_semaphore, #tpu.memory_space<semaphore_mem>>) src(%dma_wait3A_438 : memref<2000xf32, #tpu.memory_space<vmem>>) dst(%dma_wait3A_435 : memref<2000xf32, #tpu.memory_space<hbm>>)
    %barrier3A_439 = arith.constant 0 : index
    tpu.barrier barrier_id(%barrier3A_439)
    "tpu.region"() ({
      %run_scoped3A_440 = tpu.sem_alloc : memref<!tpu.dma_semaphore, #tpu.memory_space<semaphore_mem>>
      %dma_start3A_441 = arith.constant 0 : i32
      %dma_start3A_442 = tpu.memref_slice %arg17[%mul3A_8, %dma_start3A_441] : memref<10240x16xf32, #tpu.memory_space<vmem_shared>> -> memref<640x16xf32, #tpu.memory_space<vmem_shared>>
      %dma_start3A_443 = arith.constant 0 : i32
      %dma_start3A_444 = tpu.memref_slice %arg17[%mul3A_8, %dma_start3A_443] : memref<10240x16xf32, #tpu.memory_space<vmem_shared>> -> memref<640x16xf32, #tpu.memory_space<vmem_shared>>
      tpu.enqueue_dma source(%dma_start3A_444 : memref<640x16xf32, #tpu.memory_space<vmem_shared>>) target(%arg16 : memref<640x16xf32, #tpu.memory_space<vmem>>) target_semaphore(%run_scoped3A_440 : memref<!tpu.dma_semaphore, #tpu.memory_space<semaphore_mem>>)
      %dma_wait3A_445 = arith.constant 0 : i32
      %dma_wait3A_446 = tpu.memref_slice %arg17[%mul3A_8, %dma_wait3A_445] : memref<10240x16xf32, #tpu.memory_space<vmem_shared>> -> memref<640x16xf32, #tpu.memory_space<vmem_shared>>
      %dma_wait3A_447 = arith.constant 0 : i32
      %dma_wait3A_448 = tpu.memref_slice %arg17[%mul3A_8, %dma_wait3A_447] : memref<10240x16xf32, #tpu.memory_space<vmem_shared>> -> memref<640x16xf32, #tpu.memory_space<vmem_shared>>
      tpu.wait_dma2 semaphore(%run_scoped3A_440 : memref<!tpu.dma_semaphore, #tpu.memory_space<semaphore_mem>>) src(%dma_wait3A_448 : memref<640x16xf32, #tpu.memory_space<vmem_shared>>) dst(%arg16 : memref<640x16xf32, #tpu.memory_space<vmem>>)
      tpu.yield
    }) : () -> ()
    "tpu.region"() ({
      %run_scoped3A_440 = tpu.sem_alloc : memref<!tpu.dma_semaphore, #tpu.memory_space<semaphore_mem>>
      %dma_start3A_441 = arith.constant 0 : i32
      %dma_start3A_442 = tpu.memref_slice %arg8[%arg0, %mul3A_8, %dma_start3A_441] : memref<2x10240x16xf32, #tpu.memory_space<hbm>> -> memref<1x640x16xf32, #tpu.memory_space<hbm>>
      %dma_start3A_443 = tpu.memref_squeeze %dma_start3A_442 : memref<1x640x16xf32, #tpu.memory_space<hbm>> -> memref<640x16xf32, #tpu.memory_space<hbm>>
      %dma_start3A_444 = arith.constant 0 : i32
      %dma_start3A_445 = tpu.memref_slice %arg8[%arg0, %mul3A_8, %dma_start3A_444] : memref<2x10240x16xf32, #tpu.memory_space<hbm>> -> memref<1x640x16xf32, #tpu.memory_space<hbm>>
      %dma_start3A_446 = tpu.memref_squeeze %dma_start3A_445 : memref<1x640x16xf32, #tpu.memory_space<hbm>> -> memref<640x16xf32, #tpu.memory_space<hbm>>
      tpu.enqueue_dma source(%arg16 : memref<640x16xf32, #tpu.memory_space<vmem>>) target(%dma_start3A_446 : memref<640x16xf32, #tpu.memory_space<hbm>>) target_semaphore(%run_scoped3A_440 : memref<!tpu.dma_semaphore, #tpu.memory_space<semaphore_mem>>)
      %dma_wait3A_447 = arith.constant 0 : i32
      %dma_wait3A_448 = tpu.memref_slice %arg8[%arg0, %mul3A_8, %dma_wait3A_447] : memref<2x10240x16xf32, #tpu.memory_space<hbm>> -> memref<1x640x16xf32, #tpu.memory_space<hbm>>
      %dma_wait3A_449 = tpu.memref_squeeze %dma_wait3A_448 : memref<1x640x16xf32, #tpu.memory_space<hbm>> -> memref<640x16xf32, #tpu.memory_space<hbm>>
      %dma_wait3A_450 = arith.constant 0 : i32
      %dma_wait3A_451 = tpu.memref_slice %arg8[%arg0, %mul3A_8, %dma_wait3A_450] : memref<2x10240x16xf32, #tpu.memory_space<hbm>> -> memref<1x640x16xf32, #tpu.memory_space<hbm>>
      %dma_wait3A_452 = tpu.memref_squeeze %dma_wait3A_451 : memref<1x640x16xf32, #tpu.memory_space<hbm>> -> memref<640x16xf32, #tpu.memory_space<hbm>>
      tpu.wait_dma2 semaphore(%run_scoped3A_440 : memref<!tpu.dma_semaphore, #tpu.memory_space<semaphore_mem>>) src(%arg16 : memref<640x16xf32, #tpu.memory_space<vmem>>) dst(%dma_wait3A_452 : memref<640x16xf32, #tpu.memory_space<hbm>>)
      tpu.yield
    }) : () -> ()
    return
  }
}

module attributes {stable_mosaic.version = 14 : i64} {
  func.func @_node_pre_body(%arg0: i32, %arg1: memref<2000x128xf32, #tpu.memory_space<vmem>>, %arg2: memref<128x128xf32, #tpu.memory_space<vmem>>, %arg3: memref<1x128xf32, #tpu.memory_space<vmem>>, %arg4: memref<128x16xf32, #tpu.memory_space<vmem>>, %arg5: memref<128x16xf32, #tpu.memory_space<vmem>>, %arg6: memref<2000x128xf32, #tpu.memory_space<vmem>>, %arg7: memref<2000x16xf32, #tpu.memory_space<vmem>>, %arg8: memref<2000x16xf32, #tpu.memory_space<vmem>>) attributes {dimension_semantics = [#tpu.dimension_semantics<arbitrary>], iteration_bounds = array<i64: 5>, scalar_prefetch = 0 : i64, scratch_operands = 0 : i64, tpu.core_type = #tpu.core_type<tc>, window_params = [{transform_indices = @transform_0, window_bounds = array<i64: 2000, 128>}, {pipeline_mode = #tpu.pipeline_mode<synchronous>, transform_indices = @transform_1, window_bounds = array<i64: 128, 128>}, {pipeline_mode = #tpu.pipeline_mode<synchronous>, transform_indices = @transform_2, window_bounds = array<i64: 1, 128>}, {pipeline_mode = #tpu.pipeline_mode<synchronous>, transform_indices = @transform_3, window_bounds = array<i64: 128, 16>}, {pipeline_mode = #tpu.pipeline_mode<synchronous>, transform_indices = @transform_4, window_bounds = array<i64: 128, 16>}, {transform_indices = @transform_5, window_bounds = array<i64: 2000, 128>}, {transform_indices = @transform_6, window_bounds = array<i64: 2000, 16>}, {transform_indices = @transform_7, window_bounds = array<i64: 2000, 16>}]} {
    %get3A = arith.constant 0 : index
    %get3A_0 = arith.constant 0 : index
    %get3A_1 = vector.load %arg1[%get3A, %get3A_0] : memref<2000x128xf32, #tpu.memory_space<vmem>>, vector<2000x128xf32>
    %get3A_2 = arith.constant 0 : index
    %get3A_3 = arith.constant 0 : index
    %get3A_4 = vector.load %arg2[%get3A_2, %get3A_3] : memref<128x128xf32, #tpu.memory_space<vmem>>, vector<128x128xf32>
    %dot_general3A = arith.constant dense<0.000000e+00> : vector<2000x128xf32>
    %dot_general3A_5 = tpu.matmul %get3A_1, %get3A_4, %dot_general3A {dimension_numbers = #tpu.dot_dimension_numbers<[1], [0], [0], [1], [0, 0, 1, 1], [], []>, transpose_lhs_hint = false} : vector<2000x128xf32>, vector<128x128xf32>, vector<2000x128xf32> -> vector<2000x128xf32>
    %get3A_6 = arith.constant 0 : index
    %get3A_7 = arith.constant 0 : index
    %get3A_8 = vector.load %arg3[%get3A_6, %get3A_7] : memref<1x128xf32, #tpu.memory_space<vmem>>, vector<1x128xf32>
    %add3A = vector.broadcast %get3A_8 : vector<1x128xf32> to vector<2000x128xf32>
    %add3A_9 = arith.addf %dot_general3A_5, %add3A : vector<2000x128xf32>
    %swap3A = arith.constant 0 : index
    %swap3A_10 = arith.constant 0 : index
    %swap3A_11 = vector.load %arg6[%swap3A, %swap3A_10] : memref<2000x128xf32, #tpu.memory_space<vmem>>, vector<2000x128xf32>
    tpu.vector_store %arg6[%swap3A, %swap3A_10], %add3A_9 {strides = array<i32>} : memref<2000x128xf32, #tpu.memory_space<vmem>>, vector<2000x128xf32>,
    %get3A_12 = arith.constant 0 : index
    %get3A_13 = arith.constant 0 : index
    %get3A_14 = vector.load %arg4[%get3A_12, %get3A_13] : memref<128x16xf32, #tpu.memory_space<vmem>>, vector<128x16xf32>
    %dot_general3A_15 = arith.constant dense<0.000000e+00> : vector<2000x16xf32>
    %dot_general3A_16 = tpu.matmul %get3A_1, %get3A_14, %dot_general3A_15 {dimension_numbers = #tpu.dot_dimension_numbers<[1], [0], [0], [1], [0, 0, 1, 1], [], []>, transpose_lhs_hint = false} : vector<2000x128xf32>, vector<128x16xf32>, vector<2000x16xf32> -> vector<2000x16xf32>
    %swap3A_17 = arith.constant 0 : index
    %swap3A_18 = arith.constant 0 : index
    %swap3A_19 = vector.load %arg7[%swap3A_17, %swap3A_18] : memref<2000x16xf32, #tpu.memory_space<vmem>>, vector<2000x16xf32>
    tpu.vector_store %arg7[%swap3A_17, %swap3A_18], %dot_general3A_16 {strides = array<i32>} : memref<2000x16xf32, #tpu.memory_space<vmem>>, vector<2000x16xf32>,
    %get3A_20 = arith.constant 0 : index
    %get3A_21 = arith.constant 0 : index
    %get3A_22 = vector.load %arg5[%get3A_20, %get3A_21] : memref<128x16xf32, #tpu.memory_space<vmem>>, vector<128x16xf32>
    %dot_general3A_23 = arith.constant dense<0.000000e+00> : vector<2000x16xf32>
    %dot_general3A_24 = tpu.matmul %get3A_1, %get3A_22, %dot_general3A_23 {dimension_numbers = #tpu.dot_dimension_numbers<[1], [0], [0], [1], [0, 0, 1, 1], [], []>, transpose_lhs_hint = false} : vector<2000x128xf32>, vector<128x16xf32>, vector<2000x16xf32> -> vector<2000x16xf32>
    %swap3A_25 = arith.constant 0 : index
    %swap3A_26 = arith.constant 0 : index
    %swap3A_27 = vector.load %arg8[%swap3A_25, %swap3A_26] : memref<2000x16xf32, #tpu.memory_space<vmem>>, vector<2000x16xf32>
    tpu.vector_store %arg8[%swap3A_25, %swap3A_26], %dot_general3A_24 {strides = array<i32>} : memref<2000x16xf32, #tpu.memory_space<vmem>>, vector<2000x16xf32>,
    return
  }
  func.func @transform_0(%arg0: i32) -> (i32, i32) {
    %c0_i32 = arith.constant 0 : i32
    %c0_i32_0 = arith.constant 0 : i32
    return %arg0, %c0_i32 : i32, i32
  }
  func.func @transform_1(%arg0: i32) -> (i32, i32) {
    %c0_i32 = arith.constant 0 : i32
    %c0_i32_0 = arith.constant 0 : i32
    %c0_i32_1 = arith.constant 0 : i32
    return %c0_i32, %c0_i32_0 : i32, i32
  }
  func.func @transform_2(%arg0: i32) -> (i32, i32) {
    %c0_i32 = arith.constant 0 : i32
    %c0_i32_0 = arith.constant 0 : i32
    %c0_i32_1 = arith.constant 0 : i32
    return %c0_i32, %c0_i32_0 : i32, i32
  }
  func.func @transform_3(%arg0: i32) -> (i32, i32) {
    %c0_i32 = arith.constant 0 : i32
    %c0_i32_0 = arith.constant 0 : i32
    %c0_i32_1 = arith.constant 0 : i32
    return %c0_i32, %c0_i32_0 : i32, i32
  }
  func.func @transform_4(%arg0: i32) -> (i32, i32) {
    %c0_i32 = arith.constant 0 : i32
    %c0_i32_0 = arith.constant 0 : i32
    %c0_i32_1 = arith.constant 0 : i32
    return %c0_i32, %c0_i32_0 : i32, i32
  }
  func.func @transform_5(%arg0: i32) -> (i32, i32) {
    %c0_i32 = arith.constant 0 : i32
    %c0_i32_0 = arith.constant 0 : i32
    return %arg0, %c0_i32 : i32, i32
  }
  func.func @transform_6(%arg0: i32) -> (i32, i32) {
    %c0_i32 = arith.constant 0 : i32
    %c0_i32_0 = arith.constant 0 : i32
    return %arg0, %c0_i32 : i32, i32
  }
  func.func @transform_7(%arg0: i32) -> (i32, i32) {
    %c0_i32 = arith.constant 0 : i32
    %c0_i32_0 = arith.constant 0 : i32
    return %arg0, %c0_i32 : i32, i32
  }
}

module attributes {stable_mosaic.version = 14 : i64} {
  func.func @_edge_pre_body(%arg0: i32, %arg1: memref<256000xf32, #tpu.memory_space<vmem>>, %arg2: memref<128x128xf32, #tpu.memory_space<vmem>>, %arg3: memref<128x128xf32, #tpu.memory_space<vmem>>, %arg4: memref<1x128xf32, #tpu.memory_space<vmem>>, %arg5: memref<256000xf32, #tpu.memory_space<vmem>>, %arg6: memref<256000xf32, #tpu.memory_space<vmem>>) attributes {dimension_semantics = [#tpu.dimension_semantics<arbitrary>], iteration_bounds = array<i64: 20>, scalar_prefetch = 0 : i64, scratch_operands = 0 : i64, tpu.core_type = #tpu.core_type<tc>, window_params = [{transform_indices = @transform_0, window_bounds = array<i64: 256000>}, {pipeline_mode = #tpu.pipeline_mode<synchronous>, transform_indices = @transform_1, window_bounds = array<i64: 128, 128>}, {pipeline_mode = #tpu.pipeline_mode<synchronous>, transform_indices = @transform_2, window_bounds = array<i64: 128, 128>}, {pipeline_mode = #tpu.pipeline_mode<synchronous>, transform_indices = @transform_3, window_bounds = array<i64: 1, 128>}, {transform_indices = @transform_4, window_bounds = array<i64: 256000>}, {transform_indices = @transform_5, window_bounds = array<i64: 256000>}]} {
    %get3A = arith.constant 0 : index
    %get3A_0 = vector.load %arg1[%get3A] : memref<256000xf32, #tpu.memory_space<vmem>>, vector<256000xf32>
    %reshape3A = vector.shape_cast %get3A_0 : vector<256000xf32> to vector<2000x128xf32>
    %get3A_1 = arith.constant 0 : index
    %get3A_2 = arith.constant 0 : index
    %get3A_3 = vector.load %arg2[%get3A_1, %get3A_2] : memref<128x128xf32, #tpu.memory_space<vmem>>, vector<128x128xf32>
    %dot_general3A = arith.constant dense<0.000000e+00> : vector<2000x128xf32>
    %dot_general3A_4 = tpu.matmul %reshape3A, %get3A_3, %dot_general3A {dimension_numbers = #tpu.dot_dimension_numbers<[1], [0], [0], [1], [0, 0, 1, 1], [], []>, transpose_lhs_hint = false} : vector<2000x128xf32>, vector<128x128xf32>, vector<2000x128xf32> -> vector<2000x128xf32>
    %get3A_5 = arith.constant 0 : index
    %get3A_6 = arith.constant 0 : index
    %get3A_7 = vector.load %arg4[%get3A_5, %get3A_6] : memref<1x128xf32, #tpu.memory_space<vmem>>, vector<1x128xf32>
    %add3A = vector.broadcast %get3A_7 : vector<1x128xf32> to vector<2000x128xf32>
    %add3A_8 = arith.addf %dot_general3A_4, %add3A : vector<2000x128xf32>
    %reshape3A_9 = vector.shape_cast %add3A_8 : vector<2000x128xf32> to vector<256000xf32>
    %swap3A = arith.constant 0 : index
    %swap3A_10 = vector.load %arg5[%swap3A] : memref<256000xf32, #tpu.memory_space<vmem>>, vector<256000xf32>
    tpu.vector_store %arg5[%swap3A], %reshape3A_9 {strides = array<i32>} : memref<256000xf32, #tpu.memory_space<vmem>>, vector<256000xf32>,
    %get3A_11 = arith.constant 0 : index
    %get3A_12 = arith.constant 0 : index
    %get3A_13 = vector.load %arg3[%get3A_11, %get3A_12] : memref<128x128xf32, #tpu.memory_space<vmem>>, vector<128x128xf32>
    %dot_general3A_14 = arith.constant dense<0.000000e+00> : vector<2000x128xf32>
    %dot_general3A_15 = tpu.matmul %reshape3A, %get3A_13, %dot_general3A_14 {dimension_numbers = #tpu.dot_dimension_numbers<[1], [0], [0], [1], [0, 0, 1, 1], [], []>, transpose_lhs_hint = false} : vector<2000x128xf32>, vector<128x128xf32>, vector<2000x128xf32> -> vector<2000x128xf32>
    %add3A_16 = arith.addf %add3A_8, %dot_general3A_15 : vector<2000x128xf32>
    %reshape3A_17 = vector.shape_cast %add3A_16 : vector<2000x128xf32> to vector<256000xf32>
    %swap3A_18 = arith.constant 0 : index
    %swap3A_19 = vector.load %arg6[%swap3A_18] : memref<256000xf32, #tpu.memory_space<vmem>>, vector<256000xf32>
    tpu.vector_store %arg6[%swap3A_18], %reshape3A_17 {strides = array<i32>} : memref<256000xf32, #tpu.memory_space<vmem>>, vector<256000xf32>,
    return
  }
  func.func @transform_0(%arg0: i32) -> i32 {
    %c0_i32 = arith.constant 0 : i32
    return %arg0 : i32
  }
  func.func @transform_1(%arg0: i32) -> (i32, i32) {
    %c0_i32 = arith.constant 0 : i32
    %c0_i32_0 = arith.constant 0 : i32
    %c0_i32_1 = arith.constant 0 : i32
    return %c0_i32, %c0_i32_0 : i32, i32
  }
  func.func @transform_2(%arg0: i32) -> (i32, i32) {
    %c0_i32 = arith.constant 0 : i32
    %c0_i32_0 = arith.constant 0 : i32
    %c0_i32_1 = arith.constant 0 : i32
    return %c0_i32, %c0_i32_0 : i32, i32
  }
  func.func @transform_3(%arg0: i32) -> (i32, i32) {
    %c0_i32 = arith.constant 0 : i32
    %c0_i32_0 = arith.constant 0 : i32
    %c0_i32_1 = arith.constant 0 : i32
    return %c0_i32, %c0_i32_0 : i32, i32
  }
  func.func @transform_4(%arg0: i32) -> i32 {
    %c0_i32 = arith.constant 0 : i32
    return %arg0 : i32
  }
  func.func @transform_5(%arg0: i32) -> i32 {
    %c0_i32 = arith.constant 0 : i32
    return %arg0 : i32
  }
}

module attributes {stable_mosaic.version = 14 : i64} {
  func.func @_node_body(%arg0: i32, %arg1: memref<2000x128xf32, #tpu.memory_space<vmem>>, %arg2: memref<2x2000x16xf32, #tpu.memory_space<vmem>>, %arg3: memref<2000x128xf32, #tpu.memory_space<vmem>>, %arg4: memref<128x128xf32, #tpu.memory_space<vmem>>, %arg5: memref<16x128xf32, #tpu.memory_space<vmem>>, %arg6: memref<128x16xf32, #tpu.memory_space<vmem>>, %arg7: memref<128x16xf32, #tpu.memory_space<vmem>>, %arg8: memref<2000x128xf32, #tpu.memory_space<vmem>>, %arg9: memref<2000x16xf32, #tpu.memory_space<vmem>>, %arg10: memref<2000x16xf32, #tpu.memory_space<vmem>>) attributes {dimension_semantics = [#tpu.dimension_semantics<arbitrary>], iteration_bounds = array<i64: 5>, scalar_prefetch = 0 : i64, scratch_operands = 0 : i64, tpu.core_type = #tpu.core_type<tc>, window_params = [{transform_indices = @transform_0, window_bounds = array<i64: 2000, 128>}, {transform_indices = @transform_1, window_bounds = array<i64: 2, 2000, 16>}, {transform_indices = @transform_2, window_bounds = array<i64: 2000, 128>}, {pipeline_mode = #tpu.pipeline_mode<synchronous>, transform_indices = @transform_3, window_bounds = array<i64: 128, 128>}, {pipeline_mode = #tpu.pipeline_mode<synchronous>, transform_indices = @transform_4, window_bounds = array<i64: 16, 128>}, {pipeline_mode = #tpu.pipeline_mode<synchronous>, transform_indices = @transform_5, window_bounds = array<i64: 128, 16>}, {pipeline_mode = #tpu.pipeline_mode<synchronous>, transform_indices = @transform_6, window_bounds = array<i64: 128, 16>}, {transform_indices = @transform_7, window_bounds = array<i64: 2000, 128>}, {transform_indices = @transform_8, window_bounds = array<i64: 2000, 16>}, {transform_indices = @transform_9, window_bounds = array<i64: 2000, 16>}]} {
    %get3A = arith.constant 0 : index
    %get3A_0 = arith.constant 0 : index
    %get3A_1 = vector.load %arg1[%get3A, %get3A_0] : memref<2000x128xf32, #tpu.memory_space<vmem>>, vector<2000x128xf32>
    %get3A_2 = arith.constant 0 : index
    %get3A_3 = arith.constant 0 : index
    %get3A_4 = arith.constant 0 : index
    %get3A_5 = vector.load %arg2[%get3A_2, %get3A_3, %get3A_4] : memref<2x2000x16xf32, #tpu.memory_space<vmem>>, vector<1x2000x16xf32>
    %get3A_6 = vector.shape_cast %get3A_5 : vector<1x2000x16xf32> to vector<2000x16xf32>
    %get3A_7 = arith.constant 1 : index
    %get3A_8 = arith.constant 0 : index
    %get3A_9 = arith.constant 0 : index
    %get3A_10 = vector.load %arg2[%get3A_7, %get3A_8, %get3A_9] : memref<2x2000x16xf32, #tpu.memory_space<vmem>>, vector<1x2000x16xf32>
    %get3A_11 = vector.shape_cast %get3A_10 : vector<1x2000x16xf32> to vector<2000x16xf32>
    %add3A = arith.addf %get3A_6, %get3A_11 : vector<2000x16xf32>
    %get3A_12 = arith.constant 0 : index
    %get3A_13 = arith.constant 0 : index
    %get3A_14 = vector.load %arg4[%get3A_12, %get3A_13] : memref<128x128xf32, #tpu.memory_space<vmem>>, vector<128x128xf32>
    %dot_general3A = arith.constant dense<0.000000e+00> : vector<2000x128xf32>
    %dot_general3A_15 = tpu.matmul %get3A_1, %get3A_14, %dot_general3A {dimension_numbers = #tpu.dot_dimension_numbers<[1], [0], [0], [1], [0, 0, 1, 1], [], []>, transpose_lhs_hint = false} : vector<2000x128xf32>, vector<128x128xf32>, vector<2000x128xf32> -> vector<2000x128xf32>
    %get3A_16 = arith.constant 0 : index
    %get3A_17 = arith.constant 0 : index
    %get3A_18 = vector.load %arg5[%get3A_16, %get3A_17] : memref<16x128xf32, #tpu.memory_space<vmem>>, vector<16x128xf32>
    %dot_general3A_19 = arith.constant dense<0.000000e+00> : vector<2000x128xf32>
    %dot_general3A_20 = tpu.matmul %add3A, %get3A_18, %dot_general3A_19 {dimension_numbers = #tpu.dot_dimension_numbers<[1], [0], [0], [1], [0, 0, 1, 1], [], []>, transpose_lhs_hint = false} : vector<2000x16xf32>, vector<16x128xf32>, vector<2000x128xf32> -> vector<2000x128xf32>
    %add3A_21 = arith.addf %dot_general3A_15, %dot_general3A_20 : vector<2000x128xf32>
    %get3A_22 = arith.constant 0 : index
    %get3A_23 = arith.constant 0 : index
    %get3A_24 = vector.load %arg3[%get3A_22, %get3A_23] : memref<2000x128xf32, #tpu.memory_space<vmem>>, vector<2000x128xf32>
    %add3A_25 = arith.addf %add3A_21, %get3A_24 : vector<2000x128xf32>
    %max3A = arith.constant 0.000000e+00 : f32
    %max3A_26 = vector.broadcast %max3A : f32 to vector<2000x128xf32>
    %max3A_27 = arith.maximumf %add3A_25, %max3A_26 : vector<2000x128xf32>
    %swap3A = arith.constant 0 : index
    %swap3A_28 = arith.constant 0 : index
    %swap3A_29 = vector.load %arg8[%swap3A, %swap3A_28] : memref<2000x128xf32, #tpu.memory_space<vmem>>, vector<2000x128xf32>
    tpu.vector_store %arg8[%swap3A, %swap3A_28], %max3A_27 {strides = array<i32>} : memref<2000x128xf32, #tpu.memory_space<vmem>>, vector<2000x128xf32>,
    %get3A_30 = arith.constant 0 : index
    %get3A_31 = arith.constant 0 : index
    %get3A_32 = vector.load %arg6[%get3A_30, %get3A_31] : memref<128x16xf32, #tpu.memory_space<vmem>>, vector<128x16xf32>
    %dot_general3A_33 = arith.constant dense<0.000000e+00> : vector<2000x16xf32>
    %dot_general3A_34 = tpu.matmul %max3A_27, %get3A_32, %dot_general3A_33 {dimension_numbers = #tpu.dot_dimension_numbers<[1], [0], [0], [1], [0, 0, 1, 1], [], []>, transpose_lhs_hint = false} : vector<2000x128xf32>, vector<128x16xf32>, vector<2000x16xf32> -> vector<2000x16xf32>
    %swap3A_35 = arith.constant 0 : index
    %swap3A_36 = arith.constant 0 : index
    %swap3A_37 = vector.load %arg9[%swap3A_35, %swap3A_36] : memref<2000x16xf32, #tpu.memory_space<vmem>>, vector<2000x16xf32>
    tpu.vector_store %arg9[%swap3A_35, %swap3A_36], %dot_general3A_34 {strides = array<i32>} : memref<2000x16xf32, #tpu.memory_space<vmem>>, vector<2000x16xf32>,
    %get3A_38 = arith.constant 0 : index
    %get3A_39 = arith.constant 0 : index
    %get3A_40 = vector.load %arg7[%get3A_38, %get3A_39] : memref<128x16xf32, #tpu.memory_space<vmem>>, vector<128x16xf32>
    %dot_general3A_41 = arith.constant dense<0.000000e+00> : vector<2000x16xf32>
    %dot_general3A_42 = tpu.matmul %max3A_27, %get3A_40, %dot_general3A_41 {dimension_numbers = #tpu.dot_dimension_numbers<[1], [0], [0], [1], [0, 0, 1, 1], [], []>, transpose_lhs_hint = false} : vector<2000x128xf32>, vector<128x16xf32>, vector<2000x16xf32> -> vector<2000x16xf32>
    %swap3A_43 = arith.constant 0 : index
    %swap3A_44 = arith.constant 0 : index
    %swap3A_45 = vector.load %arg10[%swap3A_43, %swap3A_44] : memref<2000x16xf32, #tpu.memory_space<vmem>>, vector<2000x16xf32>
    tpu.vector_store %arg10[%swap3A_43, %swap3A_44], %dot_general3A_42 {strides = array<i32>} : memref<2000x16xf32, #tpu.memory_space<vmem>>, vector<2000x16xf32>,
    return
  }
  func.func @transform_0(%arg0: i32) -> (i32, i32) {
    %c0_i32 = arith.constant 0 : i32
    %c0_i32_0 = arith.constant 0 : i32
    return %arg0, %c0_i32 : i32, i32
  }
  func.func @transform_1(%arg0: i32) -> (i32, i32, i32) {
    %c0_i32 = arith.constant 0 : i32
    %c0_i32_0 = arith.constant 0 : i32
    %c0_i32_1 = arith.constant 0 : i32
    return %c0_i32, %arg0, %c0_i32_0 : i32, i32, i32
  }
  func.func @transform_2(%arg0: i32) -> (i32, i32) {
    %c0_i32 = arith.constant 0 : i32
    %c0_i32_0 = arith.constant 0 : i32
    return %arg0, %c0_i32 : i32, i32
  }
  func.func @transform_3(%arg0: i32) -> (i32, i32) {
    %c0_i32 = arith.constant 0 : i32
    %c0_i32_0 = arith.constant 0 : i32
    %c0_i32_1 = arith.constant 0 : i32
    return %c0_i32, %c0_i32_0 : i32, i32
  }
  func.func @transform_4(%arg0: i32) -> (i32, i32) {
    %c0_i32 = arith.constant 0 : i32
    %c0_i32_0 = arith.constant 0 : i32
    %c0_i32_1 = arith.constant 0 : i32
    return %c0_i32, %c0_i32_0 : i32, i32
  }
  func.func @transform_5(%arg0: i32) -> (i32, i32) {
    %c0_i32 = arith.constant 0 : i32
    %c0_i32_0 = arith.constant 0 : i32
    %c0_i32_1 = arith.constant 0 : i32
    return %c0_i32, %c0_i32_0 : i32, i32
  }
  func.func @transform_6(%arg0: i32) -> (i32, i32) {
    %c0_i32 = arith.constant 0 : i32
    %c0_i32_0 = arith.constant 0 : i32
    %c0_i32_1 = arith.constant 0 : i32
    return %c0_i32, %c0_i32_0 : i32, i32
  }
  func.func @transform_7(%arg0: i32) -> (i32, i32) {
    %c0_i32 = arith.constant 0 : i32
    %c0_i32_0 = arith.constant 0 : i32
    return %arg0, %c0_i32 : i32, i32
  }
  func.func @transform_8(%arg0: i32) -> (i32, i32) {
    %c0_i32 = arith.constant 0 : i32
    %c0_i32_0 = arith.constant 0 : i32
    return %arg0, %c0_i32 : i32, i32
  }
  func.func @transform_9(%arg0: i32) -> (i32, i32) {
    %c0_i32 = arith.constant 0 : i32
    %c0_i32_0 = arith.constant 0 : i32
    return %arg0, %c0_i32 : i32, i32
  }
}

module attributes {stable_mosaic.version = 14 : i64} {
  func.func @_edge_t_body(%arg0: i32, %arg1: memref<256000xf32, #tpu.memory_space<vmem>>, %arg2: memref<256000xf32, #tpu.memory_space<vmem>>, %arg3: memref<128x128xf32, #tpu.memory_space<vmem>>, %arg4: memref<256000xf32, #tpu.memory_space<vmem>>) attributes {dimension_semantics = [#tpu.dimension_semantics<arbitrary>], iteration_bounds = array<i64: 20>, scalar_prefetch = 0 : i64, scratch_operands = 0 : i64, tpu.core_type = #tpu.core_type<tc>, window_params = [{transform_indices = @transform_0, window_bounds = array<i64: 256000>}, {transform_indices = @transform_1, window_bounds = array<i64: 256000>}, {pipeline_mode = #tpu.pipeline_mode<synchronous>, transform_indices = @transform_2, window_bounds = array<i64: 128, 128>}, {transform_indices = @transform_3, window_bounds = array<i64: 256000>}]} {
    %get3A = arith.constant 0 : index
    %get3A_0 = vector.load %arg1[%get3A] : memref<256000xf32, #tpu.memory_space<vmem>>, vector<256000xf32>
    %reshape3A = vector.shape_cast %get3A_0 : vector<256000xf32> to vector<2000x128xf32>
    %get3A_1 = arith.constant 0 : index
    %get3A_2 = arith.constant 0 : index
    %get3A_3 = vector.load %arg3[%get3A_1, %get3A_2] : memref<128x128xf32, #tpu.memory_space<vmem>>, vector<128x128xf32>
    %dot_general3A = arith.constant dense<0.000000e+00> : vector<2000x128xf32>
    %dot_general3A_4 = tpu.matmul %reshape3A, %get3A_3, %dot_general3A {dimension_numbers = #tpu.dot_dimension_numbers<[1], [0], [0], [1], [0, 0, 1, 1], [], []>, transpose_lhs_hint = false} : vector<2000x128xf32>, vector<128x128xf32>, vector<2000x128xf32> -> vector<2000x128xf32>
    %get3A_5 = arith.constant 0 : index
    %get3A_6 = vector.load %arg2[%get3A_5] : memref<256000xf32, #tpu.memory_space<vmem>>, vector<256000xf32>
    %reshape3A_7 = vector.shape_cast %get3A_6 : vector<256000xf32> to vector<2000x128xf32>
    %add3A = arith.addf %dot_general3A_4, %reshape3A_7 : vector<2000x128xf32>
    %reshape3A_8 = vector.shape_cast %add3A : vector<2000x128xf32> to vector<256000xf32>
    %swap3A = arith.constant 0 : index
    %swap3A_9 = vector.load %arg4[%swap3A] : memref<256000xf32, #tpu.memory_space<vmem>>, vector<256000xf32>
    tpu.vector_store %arg4[%swap3A], %reshape3A_8 {strides = array<i32>} : memref<256000xf32, #tpu.memory_space<vmem>>, vector<256000xf32>,
    return
  }
  func.func @transform_0(%arg0: i32) -> i32 {
    %c0_i32 = arith.constant 0 : i32
    return %arg0 : i32
  }
  func.func @transform_1(%arg0: i32) -> i32 {
    %c0_i32 = arith.constant 0 : i32
    return %arg0 : i32
  }
  func.func @transform_2(%arg0: i32) -> (i32, i32) {
    %c0_i32 = arith.constant 0 : i32
    %c0_i32_0 = arith.constant 0 : i32
    %c0_i32_1 = arith.constant 0 : i32
    return %c0_i32, %c0_i32_0 : i32, i32
  }
  func.func @transform_3(%arg0: i32) -> i32 {
    %c0_i32 = arith.constant 0 : i32
    return %arg0 : i32
  }
}

module attributes {stable_mosaic.version = 14 : i64} {
  func.func @_node_body(%arg0: i32, %arg1: memref<2000x128xf32, #tpu.memory_space<vmem>>, %arg2: memref<2x2000x16xf32, #tpu.memory_space<vmem>>, %arg3: memref<2000x128xf32, #tpu.memory_space<vmem>>, %arg4: memref<128x128xf32, #tpu.memory_space<vmem>>, %arg5: memref<16x128xf32, #tpu.memory_space<vmem>>, %arg6: memref<128x16xf32, #tpu.memory_space<vmem>>, %arg7: memref<128x16xf32, #tpu.memory_space<vmem>>, %arg8: memref<2000x128xf32, #tpu.memory_space<vmem>>, %arg9: memref<2000x16xf32, #tpu.memory_space<vmem>>, %arg10: memref<2000x16xf32, #tpu.memory_space<vmem>>) attributes {dimension_semantics = [#tpu.dimension_semantics<arbitrary>], iteration_bounds = array<i64: 5>, scalar_prefetch = 0 : i64, scratch_operands = 0 : i64, tpu.core_type = #tpu.core_type<tc>, window_params = [{transform_indices = @transform_0, window_bounds = array<i64: 2000, 128>}, {transform_indices = @transform_1, window_bounds = array<i64: 2, 2000, 16>}, {transform_indices = @transform_2, window_bounds = array<i64: 2000, 128>}, {pipeline_mode = #tpu.pipeline_mode<synchronous>, transform_indices = @transform_3, window_bounds = array<i64: 128, 128>}, {pipeline_mode = #tpu.pipeline_mode<synchronous>, transform_indices = @transform_4, window_bounds = array<i64: 16, 128>}, {pipeline_mode = #tpu.pipeline_mode<synchronous>, transform_indices = @transform_5, window_bounds = array<i64: 128, 16>}, {pipeline_mode = #tpu.pipeline_mode<synchronous>, transform_indices = @transform_6, window_bounds = array<i64: 128, 16>}, {transform_indices = @transform_7, window_bounds = array<i64: 2000, 128>}, {transform_indices = @transform_8, window_bounds = array<i64: 2000, 16>}, {transform_indices = @transform_9, window_bounds = array<i64: 2000, 16>}]} {
    %get3A = arith.constant 0 : index
    %get3A_0 = arith.constant 0 : index
    %get3A_1 = vector.load %arg1[%get3A, %get3A_0] : memref<2000x128xf32, #tpu.memory_space<vmem>>, vector<2000x128xf32>
    %get3A_2 = arith.constant 0 : index
    %get3A_3 = arith.constant 0 : index
    %get3A_4 = arith.constant 0 : index
    %get3A_5 = vector.load %arg2[%get3A_2, %get3A_3, %get3A_4] : memref<2x2000x16xf32, #tpu.memory_space<vmem>>, vector<1x2000x16xf32>
    %get3A_6 = vector.shape_cast %get3A_5 : vector<1x2000x16xf32> to vector<2000x16xf32>
    %get3A_7 = arith.constant 1 : index
    %get3A_8 = arith.constant 0 : index
    %get3A_9 = arith.constant 0 : index
    %get3A_10 = vector.load %arg2[%get3A_7, %get3A_8, %get3A_9] : memref<2x2000x16xf32, #tpu.memory_space<vmem>>, vector<1x2000x16xf32>
    %get3A_11 = vector.shape_cast %get3A_10 : vector<1x2000x16xf32> to vector<2000x16xf32>
    %add3A = arith.addf %get3A_6, %get3A_11 : vector<2000x16xf32>
    %get3A_12 = arith.constant 0 : index
    %get3A_13 = arith.constant 0 : index
    %get3A_14 = vector.load %arg4[%get3A_12, %get3A_13] : memref<128x128xf32, #tpu.memory_space<vmem>>, vector<128x128xf32>
    %dot_general3A = arith.constant dense<0.000000e+00> : vector<2000x128xf32>
    %dot_general3A_15 = tpu.matmul %get3A_1, %get3A_14, %dot_general3A {dimension_numbers = #tpu.dot_dimension_numbers<[1], [0], [0], [1], [0, 0, 1, 1], [], []>, transpose_lhs_hint = false} : vector<2000x128xf32>, vector<128x128xf32>, vector<2000x128xf32> -> vector<2000x128xf32>
    %get3A_16 = arith.constant 0 : index
    %get3A_17 = arith.constant 0 : index
    %get3A_18 = vector.load %arg5[%get3A_16, %get3A_17] : memref<16x128xf32, #tpu.memory_space<vmem>>, vector<16x128xf32>
    %dot_general3A_19 = arith.constant dense<0.000000e+00> : vector<2000x128xf32>
    %dot_general3A_20 = tpu.matmul %add3A, %get3A_18, %dot_general3A_19 {dimension_numbers = #tpu.dot_dimension_numbers<[1], [0], [0], [1], [0, 0, 1, 1], [], []>, transpose_lhs_hint = false} : vector<2000x16xf32>, vector<16x128xf32>, vector<2000x128xf32> -> vector<2000x128xf32>
    %add3A_21 = arith.addf %dot_general3A_15, %dot_general3A_20 : vector<2000x128xf32>
    %get3A_22 = arith.constant 0 : index
    %get3A_23 = arith.constant 0 : index
    %get3A_24 = vector.load %arg3[%get3A_22, %get3A_23] : memref<2000x128xf32, #tpu.memory_space<vmem>>, vector<2000x128xf32>
    %add3A_25 = arith.addf %add3A_21, %get3A_24 : vector<2000x128xf32>
    %max3A = arith.constant 0.000000e+00 : f32
    %max3A_26 = vector.broadcast %max3A : f32 to vector<2000x128xf32>
    %max3A_27 = arith.maximumf %add3A_25, %max3A_26 : vector<2000x128xf32>
    %swap3A = arith.constant 0 : index
    %swap3A_28 = arith.constant 0 : index
    %swap3A_29 = vector.load %arg8[%swap3A, %swap3A_28] : memref<2000x128xf32, #tpu.memory_space<vmem>>, vector<2000x128xf32>
    tpu.vector_store %arg8[%swap3A, %swap3A_28], %max3A_27 {strides = array<i32>} : memref<2000x128xf32, #tpu.memory_space<vmem>>, vector<2000x128xf32>,
    %get3A_30 = arith.constant 0 : index
    %get3A_31 = arith.constant 0 : index
    %get3A_32 = vector.load %arg6[%get3A_30, %get3A_31] : memref<128x16xf32, #tpu.memory_space<vmem>>, vector<128x16xf32>
    %dot_general3A_33 = arith.constant dense<0.000000e+00> : vector<2000x16xf32>
    %dot_general3A_34 = tpu.matmul %max3A_27, %get3A_32, %dot_general3A_33 {dimension_numbers = #tpu.dot_dimension_numbers<[1], [0], [0], [1], [0, 0, 1, 1], [], []>, transpose_lhs_hint = false} : vector<2000x128xf32>, vector<128x16xf32>, vector<2000x16xf32> -> vector<2000x16xf32>
    %swap3A_35 = arith.constant 0 : index
    %swap3A_36 = arith.constant 0 : index
    %swap3A_37 = vector.load %arg9[%swap3A_35, %swap3A_36] : memref<2000x16xf32, #tpu.memory_space<vmem>>, vector<2000x16xf32>
    tpu.vector_store %arg9[%swap3A_35, %swap3A_36], %dot_general3A_34 {strides = array<i32>} : memref<2000x16xf32, #tpu.memory_space<vmem>>, vector<2000x16xf32>,
    %get3A_38 = arith.constant 0 : index
    %get3A_39 = arith.constant 0 : index
    %get3A_40 = vector.load %arg7[%get3A_38, %get3A_39] : memref<128x16xf32, #tpu.memory_space<vmem>>, vector<128x16xf32>
    %dot_general3A_41 = arith.constant dense<0.000000e+00> : vector<2000x16xf32>
    %dot_general3A_42 = tpu.matmul %max3A_27, %get3A_40, %dot_general3A_41 {dimension_numbers = #tpu.dot_dimension_numbers<[1], [0], [0], [1], [0, 0, 1, 1], [], []>, transpose_lhs_hint = false} : vector<2000x128xf32>, vector<128x16xf32>, vector<2000x16xf32> -> vector<2000x16xf32>
    %swap3A_43 = arith.constant 0 : index
    %swap3A_44 = arith.constant 0 : index
    %swap3A_45 = vector.load %arg10[%swap3A_43, %swap3A_44] : memref<2000x16xf32, #tpu.memory_space<vmem>>, vector<2000x16xf32>
    tpu.vector_store %arg10[%swap3A_43, %swap3A_44], %dot_general3A_42 {strides = array<i32>} : memref<2000x16xf32, #tpu.memory_space<vmem>>, vector<2000x16xf32>,
    return
  }
  func.func @transform_0(%arg0: i32) -> (i32, i32) {
    %c0_i32 = arith.constant 0 : i32
    %c0_i32_0 = arith.constant 0 : i32
    return %arg0, %c0_i32 : i32, i32
  }
  func.func @transform_1(%arg0: i32) -> (i32, i32, i32) {
    %c0_i32 = arith.constant 0 : i32
    %c0_i32_0 = arith.constant 0 : i32
    %c0_i32_1 = arith.constant 0 : i32
    return %c0_i32, %arg0, %c0_i32_0 : i32, i32, i32
  }
  func.func @transform_2(%arg0: i32) -> (i32, i32) {
    %c0_i32 = arith.constant 0 : i32
    %c0_i32_0 = arith.constant 0 : i32
    return %arg0, %c0_i32 : i32, i32
  }
  func.func @transform_3(%arg0: i32) -> (i32, i32) {
    %c0_i32 = arith.constant 0 : i32
    %c0_i32_0 = arith.constant 0 : i32
    %c0_i32_1 = arith.constant 0 : i32
    return %c0_i32, %c0_i32_0 : i32, i32
  }
  func.func @transform_4(%arg0: i32) -> (i32, i32) {
    %c0_i32 = arith.constant 0 : i32
    %c0_i32_0 = arith.constant 0 : i32
    %c0_i32_1 = arith.constant 0 : i32
    return %c0_i32, %c0_i32_0 : i32, i32
  }
  func.func @transform_5(%arg0: i32) -> (i32, i32) {
    %c0_i32 = arith.constant 0 : i32
    %c0_i32_0 = arith.constant 0 : i32
    %c0_i32_1 = arith.constant 0 : i32
    return %c0_i32, %c0_i32_0 : i32, i32
  }
  func.func @transform_6(%arg0: i32) -> (i32, i32) {
    %c0_i32 = arith.constant 0 : i32
    %c0_i32_0 = arith.constant 0 : i32
    %c0_i32_1 = arith.constant 0 : i32
    return %c0_i32, %c0_i32_0 : i32, i32
  }
  func.func @transform_7(%arg0: i32) -> (i32, i32) {
    %c0_i32 = arith.constant 0 : i32
    %c0_i32_0 = arith.constant 0 : i32
    return %arg0, %c0_i32 : i32, i32
  }
  func.func @transform_8(%arg0: i32) -> (i32, i32) {
    %c0_i32 = arith.constant 0 : i32
    %c0_i32_0 = arith.constant 0 : i32
    return %arg0, %c0_i32 : i32, i32
  }
  func.func @transform_9(%arg0: i32) -> (i32, i32) {
    %c0_i32 = arith.constant 0 : i32
    %c0_i32_0 = arith.constant 0 : i32
    return %arg0, %c0_i32 : i32, i32
  }
}

</mosaic_0001>

<sc_bundles>
// kernel: kernel.12.cloned.1.call-start
scs
__scs_entry_jumppad:
0x0: {  	(pc) =	sbr.rel $0x88, $3  }
0x1: {  	(tag) =	ssettag $0x0;
	lr =	simm.s32 $0x1  }
0x2: {  	[smem:$0x3F9A] =	sst lr;
	_ =	strace $0xD0000000  }
0x3: {  	_ = 	snop  }
0x4: {  	_ = 	snop  }
0x5: {  	_ = 	snop  }
0x6: {  	_ = 	snop  }
0x7: {  	_ = 	snop  }
__scs_overlays_trampoline_lowered:
0x8: {  	[smem:$0x3FA9] =	sst s0  }
0x9: {  	[smem:$0x3FAA] =	sst s1  }
0xa: {  	[smem:$0x3FAB] =	sst s2  }
0xb: {  	[smem:$0x3FAC] =	sst s3  }
0xc: {  	[smem:$0x3FAD] =	sst s4  }
0xd: {  	[smem:$0x3FAE] =	sst s5  }
0xe: {  	[smem:$0x3FAF] =	sst s6  }
0xf: {  	[smem:$0x3FB0] =	sst s7  }
0x10: {  	[smem:$0x3FB1] =	sst s8  }
0x11: {  	[smem:$0x3FB2] =	sst s9;
	s0 =	simm.s32 @!p0 $0x0  }
0x12: {  	s1 =	sld [smem:$0x3F98];
	s0 =	simm.s32 @p0 $0x1  }
0x13: {  	[smem:$0x3FB3] =	sst s0;
	s0 =	simm.s32 @!p1 $0x0  }
0x14: {  	s2 =	sld [smem:$0x3F97];
	s0 =	simm.s32 @p1 $0x1  }
0x15: {  	[smem:$0x3FB4] =	sst s0;
	s0 =	simm.s32 @!p2 $0x0  }
0x16: {  	s3 =	sld [smem:$0x3FDB];
	s0 =	simm.s32 @p2 $0x1  }
0x17: {  	s4 =	simm.s32 $0x1BF5;
	[smem:$0x3FB6] =	sst s0  }
0x18: {  	s0 =	sld [smem:$0x3F99];
	_ =	swait.ge [sflag:s4], $0x0  }
0x19: {  	s7 =	sld [smem:$0x3F9A]  }
0x1a: {  	s8 =	sadd.s32 $0xFFFFE003, lr  }
0x1b: {  	s9 =	sadd.s32 $0xFFFFFEF7, lr;
	s5 =	simm.s32 $0xFFFFFFFF;
	p2 =	slt.u32 s8, $0xFFFFF086  }
0x1c: {  	p1 =	slt.u32 s9, $0xF7A;
	s5 =	simm.s32 @!p2 $0x0  }
0x1d: {  	s5 =	simm.s32 @p1 $0x1;
	p0 =	seq.s32 s7, s2  }
0x1e: {  	s7 =	smul.u32 @!p0 $0xF7A, s2;
	p2 =	seq.s32 @!p0 s5, $0x0  }
0x1f: {  	s9 =	smul.u32 $0xF7A, s1;
	s8 =	simm.s32 @!p0 $0x1BF5;
	p2 =	por !p2, p0  }
0x20: {  	[sflag:s8] =	ssyncset.s32 @!p0 $0xFFFFF086;
	s6 =	sadd.s32 @!p0 s3, s7;
	s7 =	simm.s32 @!p0 $0x108  }
0x21: {  	s3 =	sadd.s32 s3, s9;
	s6 =	sadd.s32 @!p0 $0x88, s6;
	s7 =	simm.s32 @p2 $0x1082  }
0x22: {  	[simem:s7], [sflag:s8] =	dma.local @!p0 [hbm:s6], $0xF7A  }
0x23: {  	s9 =	sor.u32 $0xD0000000, s2;
	s6 =	simm.s32 $0x108;
	_ =	swait.ge @!p0 [sflag:s8], $0x0  }
0x24: {  	s3 =	sadd.s32 $0x88, s3;
	s6 =	simm.s32 @!p1 $0x1082;
	[sflag:s4] =	ssyncset.s32 $0xFFFFF086  }
0x25: {  	[simem:s6], [sflag:s4] =	dma.local [hbm:s3], $0xF7A  }
0x26: {  	[smem:$0x3F9A] =	sst s1;
	(tag) =	ssettag s2;
	_ =	strace s9  }
0x27: {  	s1 =	sld [smem:$0x3FAA]  }
0x28: {  	s2 =	sld [smem:$0x3FAB]  }
0x29: {  	s4 =	sld [smem:$0x3FAD]  }
0x2a: {  	p0 =	seq.s32 s5, $0x0;
	s5 =	sld [smem:$0x3FAE]  }
0x2b: {  	s6 =	sld [smem:$0x3FAF]  }
0x2c: {  	s7 =	sld [smem:$0x3FB0]  }
0x2d: {  	s3 =	simm.s32 $0x108;
	s8 =	sld [smem:$0x3FB1]  }
0x2e: {  	s3 =	simm.s32 @!p0 $0x1082;
	s9 =	sld [smem:$0x3FB2]  }
0x2f: {  	lr =	sadd.s32 s0, s3;
	s0 =	sld [smem:$0x3FA9]  }
0x30: {  	s3 =	sld [smem:$0x3FAC]  }
0x31: {  	[smem:$0x3FB5] =	sst s10  }
0x32: {  	s10 =	sld [smem:$0x3FB3];
	_ =	sdelay $0x3  }
0x33: {  	p0 =	seq.s32 s10, $0x1;
	s10 =	sld [smem:$0x3FB5];
	_ =	sdelay $0x3  }
0x34: {  	[smem:$0x3FB5] =	sst s10  }
0x35: {  	s10 =	sld [smem:$0x3FB4];
	_ =	sdelay $0x3  }
0x36: {  	p1 =	seq.s32 s10, $0x1;
	s10 =	sld [smem:$0x3FB5];
	_ =	sdelay $0x3  }
0x37: {  	[smem:$0x3FB5] =	sst s10  }
0x38: {  	s10 =	sld [smem:$0x3FB6]  }
0x39: {  	_ = 	snop;
	(pc) =	sbr.ind lr, $3  }
0x3a: {  	_ = 	snop  }
0x3b: {  	_ = 	snop  }
0x3c: {  	p2 =	seq.s32 s10, $0x1;
	s10 =	sld [smem:$0x3FB5]  }
0x3d: {  	_ =	shalt  }
0x3e: {  	_ =	shalt  }
0x3f: {  	_ =	shalt  }
0x40: {  	_ =	shalt  }
0x41: {  	_ =	shalt  }
0x42: {  	_ =	shalt  }
0x43: {  	_ =	shalt  }
0x44: {  	_ =	shalt  }
0x45: {  	_ =	shalt  }
0x46: {  	_ =	shalt  }
0x47: {  	_ =	shalt  }
0x48: {  	_ =	shalt  }
0x49: {  	_ =	shalt  }
0x4a: {  	_ =	shalt  }
0x4b: {  	_ =	shalt  }
0x4c: {  	_ =	shalt  }
0x4d: {  	_ =	shalt  }
0x4e: {  	_ =	shalt  }
0x4f: {  	_ =	shalt  }
0x50: {  	_ =	shalt  }
0x51: {  	_ =	shalt  }
0x52: {  	_ =	shalt  }
0x53: {  	_ =	shalt  }
0x54: {  	_ =	shalt  }
0x55: {  	_ =	shalt  }
0x56: {  	_ =	shalt  }
0x57: {  	_ =	shalt  }
0x58: {  	_ =	shalt  }
0x59: {  	_ =	shalt  }
0x5a: {  	_ =	shalt  }
0x5b: {  	_ =	shalt  }
0x5c: {  	_ =	shalt  }
0x5d: {  	_ =	shalt  }
0x5e: {  	_ =	shalt  }
0x5f: {  	_ =	shalt  }
0x60: {  	_ =	shalt  }
0x61: {  	_ =	shalt  }
0x62: {  	_ =	shalt  }
0x63: {  	_ =	shalt  }
0x64: {  	_ =	shalt  }
0x65: {  	_ =	shalt  }
0x66: {  	_ =	shalt  }
0x67: {  	_ =	shalt  }
0x68: {  	_ =	shalt  }
0x69: {  	_ =	shalt  }
0x6a: {  	_ =	shalt  }
0x6b: {  	_ =	shalt  }
0x6c: {  	_ =	shalt  }
0x6d: {  	_ =	shalt  }
0x6e: {  	_ =	shalt  }
0x6f: {  	_ =	shalt  }
0x70: {  	_ =	shalt  }
0x71: {  	_ =	shalt  }
0x72: {  	_ =	shalt  }
0x73: {  	_ =	shalt  }
0x74: {  	_ =	shalt  }
0x75: {  	_ =	shalt  }
0x76: {  	_ =	shalt  }
0x77: {  	_ =	shalt  }
0x78: {  	_ =	shalt  }
0x79: {  	_ =	shalt  }
0x7a: {  	_ =	shalt  }
0x7b: {  	_ =	shalt  }
0x7c: {  	_ =	shalt  }
0x7d: {  	_ =	shalt  }
0x7e: {  	_ =	shalt  }
0x7f: {  	_ =	shalt  }
0x80: {  	_ =	shalt  }
0x81: {  	_ =	shalt  }
0x82: {  	_ =	shalt  }
0x83: {  	_ =	shalt  }
0x84: {  	_ =	shalt  }
0x85: {  	_ =	shalt  }
0x86: {  	_ =	shalt  }
0x87: {  	_ =	shalt  }
.Lfunc_end0:
.L_simem_size_0:
called_computation_lowered:
.L_overlay_start_0:
0x88: {  	s2 =	sld [smem:$0x3FD9]  }
0x89: {  	s3 =	sld [smem:$0x3FFE];
	_ =	sdelay $0x1  }
0x8a: {  	s1 =	srdreg.scid  }
0x8b: {  	s0 =	sand.u32 $0x1, s1  }
0x8c: {  	s16 =	sshll.u32 s0, $0xA;
	s2 =	sadd.s32 s3, s2  }
0x8d: {  	s2 =	sadd.s32 s2, s16  }
0x8e: {  	[smem:$0x3FC1] =	sst s2  }
0x8f: {  	_ = 	snop  }
0x90: {  	(tm) =	ssettm $0x1  }
0x91: {  	s17 =	sld [smem:$0x3FFB];
	_ =	sdelay $0x3  }
0x92: {  	_ =	strace s17  }
0x93: {  	s2 =	sld [smem:$0x3FFC];
	_ =	sdelay $0x3  }
0x94: {  	_ =	strace s2  }
0x95: {  	s2 =	sld [smem:$0x3FFD];
	_ =	sdelay $0x3  }
0x96: {  	_ =	strace s2  }
0x97: {  	_ =	strace $0x8FFFFFFF  }
0x98: {  	s18 =	sld [smem:$0x3FDB];
	_ =	sdelay $0x1  }
0x99: {  	s19 =	simm.s32 $_scs_section_size  }
0x9a: {  	s4 =	simm.s32 $_size__tile_overlayer_lowered;
	s5 =	simm.s32 $_tile_overlayer_lowered  }
0x9b: {  	s22 =	simm.s32 $0x1BFF;
	s21 =	sshll.u32 s5, $0x1;
	s2 =	sadd.s32 s19, s18  }
0x9c: {  	s6 =	simm.s32 $0x0;
	s20 =	sshll.u32 s4, $0x1;
	s4 =	sadd.s32 s21, s2  }
0x9d: {  	[timem:s6], [sflag:s22] =	dma.local [hbm:s4], s20  }
0x9e: {  	_ =	swait.ge [sflag:s22], s20  }
0x9f: {  	s3 =	ssub.s32 $0x0, s20;
	[sflag:s22] =	ssyncset.done $0x0  }
0xa0: {  	[sflag:s22] =	ssyncadd.s32 s3;
	_ =	sdelay $0x1  }
0xa1: {  	s23 =	simm.s32 $0x1B8B  }
0xa2: {  	_ =	swait.ge [sflag:s23], $0x1  }
0xa3: {  	[sflag:s23] =	ssyncset.done $0x0  }
0xa4: {  	s25 =	simm.s32 $0x1B8E;
	s24 =	sld [smem:$0x3FFE];
	[sflag:s23] =	ssyncadd.s32 $0xFFFFFFFF  }
0xa5: {  	s26 =	simm.s32 $execute0_lowered;
	[smem:$0x3FD2] =	sst s25  }
0xa6: {  	s4 =	sshll.u32 s26, $0x1;
	_ =	strace $0x80000046;
	[dreg:$0x1] =	wrdreg $0xFFFFFFFF  }
0xa7: {  	s28 =	simm.s32 $_size_execute0_lowered;
	s2 =	sadd.s32 s2, s4;
	[dreg:$0x0] =	wrdreg $0x0  }
0xa8: {  	s4 =	sshll.u32 s28, $0x1;
	[dreg:$0x2] =	wrdreg s2  }
0xa9: {  	[dreg:$0x3] =	wrdreg s4  }
0xaa: {  	[dreg:$0x4] =	wrdreg $0xC0  }
0xab: {  	_ =	task [dreg:s6], $0x5FFFF  }
0xac: {  	[dreg:$0x1] =	wrdreg $0xFFFFFFFF  }
0xad: {  	[dreg:$0x0] =	wrdreg $0x60  }
0xae: {  	[dreg:$0x2] =	wrdreg s24  }
0xaf: {  	[dreg:$0x3] =	wrdreg $0xC6200  }
0xb0: {  	[dreg:$0x4] =	wrdreg $0x9  }
0xb1: {  	_ =	task.clear_ibuf [dreg:s6], $0x5FFFF;
	_ =	strace $0x90000046  }
0xb2: {  	s29 =	simm.s32 $0x9;
	_ =	strace $0x80000048  }
0xb3: {  	_ =	swait.ge [sflag:s29], $0x1  }
0xb4: {  	[sflag:s29] =	ssyncadd.s32 $0xFFFFFFFF  }
0xb5: {  	_ =	strace $0x90000048  }
0xb6: {  	_ =	sfence  }
0xb7: {  	s30 =	sld [smem:$0x0];
	_ =	sdelay $0x2  }
0xb8: {  	s31 =	sshll.u32 s1, $0xD;
	s1 =	sshrl.u32 s1, $0x2  }
0xb9: {  	s3 =	sand.u32 $0x4000, s31;
	s1 =	sadd.s32 s1, s30  }
0xba: {  	s0 =	sor.u32 s3, s0;
	s1 =	sshll.u32 s1, $0x11  }
0xbb: {  	s0 =	sor.u32 s1, s0  }
0xbc: {  	s0 =	sadd.s32 $0x8F2B, s0  }
0xbd: {  	[sflag:s0] =	ssyncadd.remote.s32 $0x1  }
0xbe: {  	_ =	sfence.sel $0xFFFF  }
0xbf: {  	[dreg:$0x0] =	wrdreg $0xFFFFFFFF;
	(pc) =	sbr.abs _section_cstart, $3  }
0xc0: {  	[dreg:$0x1] =	wrdreg $0xFFFFFFFF  }
0xc1: {  	_ =	task.clear_ibuf [dreg:s6], $0x2FFFF;
	_ =	strace $0x9FFFFFFF  }
0xc2: {  	(tm) =	ssettm $0x7FFFFFFF  }
0xc3: {  	_ =	shalt  }
tec
execute0_lowered:
.L_overlay_start_1:
0x0: {  	(tag) =	ssettag $0x1  }
0x1: {  	s0 =	srdreg.scid;
	s1 =	rddreg [dreg:$0x0]  }
0x2: {  	s5 =	stileid.u32;
	s2 =	rddreg [dreg:$0x1]  }
0x3: {  	s28 =	simm.s32 $0x5000;
	s29 =	simm.s32 $0x5FA0;
	s30 =	simm.s32 $0x7710  }
0x4: {  	s31 =	simm.s32 $0x6770;
	s15 =	simm.s32 $0x86B0;
	s16 =	simm.s32 $0x3  }
0x5: {  	s17 =	simm.s32 $0x4;
	s0 =	sand.u32 $0x1, s0;
	s3 =	sshll.u32 s5, $0x1  }
0x6: {  	s10 =	smul.u32 $0x2800, s5;
	s5 =	sadd.s32 $0x1D000, s1;
	s6 =	sadd.s32 $0x22000, s1  }
0x7: {  	s7 =	sadd.s32 $0xC8400, s1;
	s9 =	sor.u32 s0, s3;
	s8 =	smul.u32 $0x28000, s0  }
0x8: {  	s3 =	simm.s32 $0x0;
	s0 =	ssub.s32 $0x2, s0;
	s4 =	smul.u32 $0x500, s9  }
0x9: {  	[smem:$0x7FF] =	sst s3;
	s12 =	sshrl.u32 s0, $0x1;
	s13 =	smul.u32 $0x27100, s9  }
0xa: {  	_ =	strace $0x80000047;
	s8 =	sadd.s32 s10, s8;
	s0 =	ssub.s32 s0, s12  }
0xb: {  	s12 =	simm.s32 $0x7EE0;
	s11 =	sadd.s32 s4, s1;
	s4 =	sadd.s32 $0x18000, s1  }
0xc: {  	s8 =	sshrl.u32 s8, $0x3;
	s19 =	sshrl.u32 s13, $0x3;
	s0 =	smax.u32 s0, $0x1  }
0xd: {  	s13 =	simm.s32 $0x2;
	s1 =	sadd.s32 s8, s1;
	s8 =	smul.u32 $0x2710, s9  }
0xe: {  	s18 =	sadd.s32 $0x4000, s11;
	s9 =	smul.u32 $0x4E20, s9;
	[dreg:$0xe] =	wrdreg s0  }
0xf: {  	s11 =	sadd.s32 $0xE000, s11;
	s20 =	sadd.s32 $0xFA, s19;
	[dreg:$0x3] =	wrdreg s18  }
0x10: {  	s23 =	sadd.s32 s6, s19;
	[dreg:$0x4] =	wrdreg s11;
	s22 =	sadd.s32 s6, s20  }
0x11: {  	s24 =	sadd.s32 s7, s19;
	s14 =	sadd.s32 $0x1F4, s23;
	[dreg:$0x6] =	wrdreg s22  }
0x12: {  	s11 =	sadd.s32 s10, s2;
	s25 =	sadd.s32 $0x2EE, s23;
	[dreg:$0x7] =	wrdreg s14  }
0x13: {  	s10 =	sadd.s32 s7, s20;
	s26 =	sadd.s32 $0x4C2C, s24;
	[dreg:$0x9] =	wrdreg s25  }
0x14: {  	s1 =	sadd.s32 $0xBE400, s1;
	s23 =	simm.s32 $0x2800;
	[dreg:$0xa] =	wrdreg s10  }
0x15: {  	s20 =	simm.s32 $0x9E20;
	s18 =	simm.s32 $0x0;
	[dreg:$0xb] =	wrdreg s26  }
0x16: {  	s21 =	sadd.s32 s6, s9;
	s9 =	sadd.s32 s7, s9;
	[dreg:$0xd] =	wrdreg s1  }
0x17: {  	s22 =	simm.s32 $0x5;
	s25 =	simm.s32 $0x6F40;
	s26 =	simm.s32 $0x7D  }
0x18: {  	s1 =	simm.s32 $0x57D0;
	s10 =	simm.s32 $0x8E80;
	[dreg:$0x5] =	wrdreg s21  }
0x19: {  	s14 =	simm.s32 $0x9650;
	[dreg:$0x8] =	wrdreg s9;
	s9 =	sadd.s32 $0x4D26, s24  }
0x1a: {  	v0 =	vimm.f32 $0.0e+00;
	s24 =	simm.s32 $0x2880;
	[dreg:$0xc] =	wrdreg s9;
	s9 =	simm.s32 $0x1  }
.LBB2_1:
0x1b: {  	s0 =	rddreg [dreg:$0x3]  }
0x1c: {  	[tilespmem:s3], [sflag:$0x5] =	stream.linear.gather [hbm4b:s0+s3], $0x2800, $0x38;
	[tilespmem:$0xEE20] =	vst v63  }
0x1d: {  	_ =	swait.ge [sflag:s22], $0x2800  }
0x1e: {  	[sflag:s22] =	ssyncset.done $0x0  }
0x1f: {  	s21 =	rddreg [dreg:$0x4];
	[sflag:s22] =	ssyncadd.s32 $0xFFFFD800  }
0x20: {  	[tilespmem:s23], [sflag:$0x5] =	stream.linear.gather [hbm4b:s21+s3], $0x2800, $0x38;
	[tilespmem:$0xEE20] =	vst v63  }
0x21: {  	_ =	swait.ge [sflag:s22], $0x2800  }
0x22: {  	[sflag:s22] =	ssyncset.done $0x0  }
0x23: {  	s19 =	simm.s32 $0x0;
	s0 =	simm.s32 $0x40;
	[sflag:s22] =	ssyncadd.s32 $0xFFFFD800  }
.LBB2_2:
0x24: {  	p0 =	sne.s32 s0, $0x9FC0;
	[tilespmem:s19+$0x9E20] =	vst v0;
	s19 =	smov.u32 s0;
	s0 =	sadd.s32 $0x40, s0  }
.Ltmp0:
0x25: {  	(pc) =	sbr.rel @p0 .LBB2_2-.Ltmp0, $2  }
0x26: {  	_ =	sdelay $0x2  }
0x27: {  	s19 =	sshra.s32 s19, $0x2  }
0x28: {  	[tilespmem:s19+$0x9E20] =	vst v0  }
0x29: {  	[spmem:s11] =	stream.linear.scatter [tilespmem:s20], [sflag:$0x5], $0x2800, $0x38;
	[tilespmem:$0xEE20] =	vst v63  }
0x2a: {  	_ =	swait.ge [sflag:s22], $0x2800  }
0x2b: {  	[sflag:s22] =	ssyncset.done $0x0  }
0x2c: {  	[sflag:s22] =	ssyncadd.s32 $0xFFFFD800  }
0x2d: {  	[bflag:$0x0] =	sbarrier.arrive $0xFFFF  }
0x2e: {  	s0 =	simm.s32 $0x0;
	s21 =	rddreg [dreg:$0x5]  }
0x2f: {  	[tilespmem:s25], [sflag:$0x1] =	stream.linear.gather [hbm4b:s21+s0], $0x7D0, $0x38;
	[tilespmem:$0xEE20] =	vst v63  }
0x30: {  	_ = 	snop  }
0x31: {  	[tilespmem:s28], [sflag:$0x1] =	stream.indirect.gather [hbm4b:s4+s26], $0x10, s0, s26, $0xb8;
	[tilespmem:$0xEE20] =	vst v63  }
0x32: {  	_ = 	snop  }
0x33: {  	[tilespmem:s29], [sflag:$0x1] =	stream.indirect.gather [hbm4b:s5+s26], $0x10, s23, s26, $0xb8;
	[tilespmem:$0xEE20] =	vst v63  }
0x34: {  	s20 =	rddreg [dreg:$0x6]  }
0x35: {  	[tilespmem:s30], [sflag:$0x2] =	stream.linear.gather [hbm4b:s20+s0], $0x7D0, $0x38;
	[tilespmem:$0xEE20] =	vst v63  }
0x36: {  	s21 =	simm.s32 $0x80  }
0x37: {  	[tilespmem:s1], [sflag:$0x2] =	stream.indirect.gather [hbm4b:s4+s26], $0x10, s21, s26, $0xb8;
	[tilespmem:$0xEE20] =	vst v63  }
0x38: {  	_ = 	snop  }
0x39: {  	[tilespmem:s31], [sflag:$0x2] =	stream.indirect.gather [hbm4b:s5+s26], $0x10, s24, s26, $0xb8;
	[tilespmem:$0xEE20] =	vst v63  }
0x3a: {  	_ =	swait.ge [sflag:s9], $0x7D0  }
0x3b: {  	[sflag:s9] =	ssyncset.done $0x0  }
0x3c: {  	[sflag:s9] =	ssyncadd.s32 $0xFFFFF830  }
0x3d: {  	_ =	swait.ge [sflag:s9], $0x7D0  }
0x3e: {  	[sflag:s9] =	ssyncset.done $0x0  }
0x3f: {  	[sflag:s9] =	ssyncadd.s32 $0xFFFFF830  }
0x40: {  	_ =	swait.ge [sflag:s9], $0x7D0  }
0x41: {  	[sflag:s9] =	ssyncset.done $0x0  }
0x42: {  	s0 =	simm.s32 $0x0;
	[sflag:s9] =	ssyncadd.s32 $0xFFFFF830  }
0x43: {  	v1 =	vld [tilespmem:s0+$0x5000]  }
0x44: {  	v2 =	vld [tilespmem:s0+$0x5FA0];
	_ =	sdelay $0x1  }
0x45: {  	v3 =	vld [tilespmem:s0+$0x6F40];
	_ =	sdelay $0x2  }
0x46: {  	s19 =	simm.s32 $0x10;
	v2 =	vadd.f32 v2, v1  }
0x47: {  	v1 =	vld [tilespmem:s19+$0x5000]  }
0x48: {  	v4 =	vadd.f32 v3, v2;
	v3 =	vld [tilespmem:s19+$0x5FA0];
	_ =	sdelay $0x1  }
0x49: {  	v2 =	vld [tilespmem:s19+$0x6F40]  }
0x4a: {  	s20 =	simm.s32 $0x80;
	v4 =	vmax.f32 v4, $0.0e+00  }
.LBB2_4:
0x4b: {  	s21 =	sshra.s32 s20, $0x2;
	[tilespmem:s0+$0x8E80] =	vst v4;
	p0 =	sne.s32 s20, $0x1F00  }
.Ltmp1:
0x4c: {  	s20 =	sadd.s32 $0x40, s20;
	v5 =	vadd.f32 v3, v1;
	v1 =	vld [tilespmem:s21+$0x5000];
	[tilespmem:s0+$0x7EE0] =	vst v4;
	(pc) =	sbr.rel @p0 .LBB2_4-.Ltmp1, $4  }
0x4d: {  	s0 =	smov.u32 s19;
	s19 =	smov.u32 s21;
	v3 =	vld [tilespmem:s21+$0x5FA0]  }
0x4e: {  	v4 =	vadd.f32 v2, v5  }
0x4f: {  	v2 =	vld [tilespmem:s19+$0x6F40]  }
0x50: {  	v4 =	vmax.f32 v4, $0.0e+00  }
0x51: {  	_ = 	snop  }
0x52: {  	v1 =	vadd.f32 v3, v1;
	_ =	sdelay $0x1  }
0x53: {  	v1 =	vadd.f32 v2, v1  }
0x54: {  	[tilespmem:s0+$0x8E80] =	vst v4  }
0x55: {  	[tilespmem:s0+$0x7EE0] =	vst v4;
	v1 =	vmax.f32 v1, $0.0e+00  }
0x56: {  	[tilespmem:s19+$0x8E80] =	vst v1  }
0x57: {  	s0 =	simm.s32 $0x0;
	s20 =	rddreg [dreg:$0x7];
	[tilespmem:s19+$0x7EE0] =	vst v1  }
0x58: {  	[tilespmem:s25], [sflag:$0x1] =	stream.linear.gather [hbm4b:s20+s0], $0x7D0, $0x38;
	[tilespmem:$0xEE20] =	vst v63  }
0x59: {  	s21 =	simm.s32 $0x100  }
0x5a: {  	[tilespmem:s28], [sflag:$0x1] =	stream.indirect.gather [hbm4b:s4+s26], $0x10, s21, s26, $0xb8;
	[tilespmem:$0xEE20] =	vst v63  }
0x5b: {  	s20 =	simm.s32 $0x2900  }
0x5c: {  	[tilespmem:s29], [sflag:$0x1] =	stream.indirect.gather [hbm4b:s5+s26], $0x10, s20, s26, $0xb8;
	[tilespmem:$0xEE20] =	vst v63  }
0x5d: {  	s21 =	rddreg [dreg:$0x8]  }
0x5e: {  	[hbm4b:s21+s0] =	stream.linear.scatter [tilespmem:s10], [sflag:$0x3], $0x7D0, $0x38;
	[tilespmem:$0xEE20] =	vst v63  }
0x5f: {  	_ = 	snop  }
0x60: {  	[spmem:s2] =	stream.indirect.scatter.add.f32 [tilespmem:s12], [sflag:$0x5], $0x10, s23, s26, $0xb8;
	[tilespmem:$0xEE20] =	vst v63  }
0x61: {  	_ =	swait.ge [sflag:s22], $0x7D0  }
0x62: {  	[sflag:s22] =	ssyncset.done $0x0  }
0x63: {  	[sflag:s22] =	ssyncadd.s32 $0xFFFFF830  }
0x64: {  	_ =	swait.ge [sflag:s13], $0x7D0  }
0x65: {  	[sflag:s13] =	ssyncset.done $0x0  }
0x66: {  	[sflag:s13] =	ssyncadd.s32 $0xFFFFF830  }
0x67: {  	_ =	swait.ge [sflag:s13], $0x7D0  }
0x68: {  	[sflag:s13] =	ssyncset.done $0x0  }
0x69: {  	[sflag:s13] =	ssyncadd.s32 $0xFFFFF830  }
0x6a: {  	_ =	swait.ge [sflag:s13], $0x7D0  }
0x6b: {  	[sflag:s13] =	ssyncset.done $0x0  }
0x6c: {  	s0 =	simm.s32 $0x0;
	[sflag:s13] =	ssyncadd.s32 $0xFFFFF830  }
0x6d: {  	v1 =	vld [tilespmem:s0+$0x57D0]  }
0x6e: {  	v2 =	vld [tilespmem:s0+$0x6770];
	_ =	sdelay $0x1  }
0x6f: {  	v3 =	vld [tilespmem:s0+$0x7710];
	_ =	sdelay $0x2  }
0x70: {  	s19 =	simm.s32 $0x10;
	v2 =	vadd.f32 v2, v1  }
0x71: {  	v1 =	vld [tilespmem:s19+$0x57D0]  }
0x72: {  	v4 =	vadd.f32 v3, v2;
	v3 =	vld [tilespmem:s19+$0x6770];
	_ =	sdelay $0x1  }
0x73: {  	v2 =	vld [tilespmem:s19+$0x7710]  }
0x74: {  	s20 =	simm.s32 $0x80;
	v4 =	vmax.f32 v4, $0.0e+00  }
.LBB2_6:
0x75: {  	s21 =	sshra.s32 s20, $0x2;
	[tilespmem:s0+$0x9650] =	vst v4;
	p0 =	sne.s32 s20, $0x1F00  }
.Ltmp2:
0x76: {  	s20 =	sadd.s32 $0x40, s20;
	v5 =	vadd.f32 v3, v1;
	v1 =	vld [tilespmem:s21+$0x57D0];
	[tilespmem:s0+$0x86B0] =	vst v4;
	(pc) =	sbr.rel @p0 .LBB2_6-.Ltmp2, $4  }
0x77: {  	s0 =	smov.u32 s19;
	s19 =	smov.u32 s21;
	v3 =	vld [tilespmem:s21+$0x6770]  }
0x78: {  	v4 =	vadd.f32 v2, v5  }
0x79: {  	v2 =	vld [tilespmem:s19+$0x7710]  }
0x7a: {  	v4 =	vmax.f32 v4, $0.0e+00  }
0x7b: {  	_ = 	snop  }
0x7c: {  	v1 =	vadd.f32 v3, v1;
	_ =	sdelay $0x1  }
0x7d: {  	v1 =	vadd.f32 v2, v1  }
0x7e: {  	[tilespmem:s0+$0x9650] =	vst v4  }
0x7f: {  	[tilespmem:s0+$0x86B0] =	vst v4;
	v1 =	vmax.f32 v1, $0.0e+00  }
0x80: {  	[tilespmem:s19+$0x9650] =	vst v1  }
0x81: {  	[tilespmem:s19+$0x86B0] =	vst v1;
	s19 =	rddreg [dreg:$0x9]  }
0x82: {  	[tilespmem:s30], [sflag:$0x2] =	stream.linear.gather [hbm4b:s19+s3], $0x7D0, $0x38;
	[tilespmem:$0xEE20] =	vst v63  }
0x83: {  	s20 =	simm.s32 $0x180  }
0x84: {  	[tilespmem:s1], [sflag:$0x2] =	stream.indirect.gather [hbm4b:s4+s26], $0x10, s20, s26, $0xb8;
	[tilespmem:$0xEE20] =	vst v63  }
0x85: {  	s21 =	simm.s32 $0x2980  }
0x86: {  	[tilespmem:s31], [sflag:$0x2] =	stream.indirect.gather [hbm4b:s5+s26], $0x10, s21, s26, $0xb8;
	[tilespmem:$0xEE20] =	vst v63  }
0x87: {  	s23 =	rddreg [dreg:$0xa]  }
0x88: {  	[hbm4b:s23+s3] =	stream.linear.scatter [tilespmem:s14], [sflag:$0x4], $0x7D0, $0x38;
	[tilespmem:$0xEE20] =	vst v63  }
0x89: {  	_ = 	snop  }
0x8a: {  	[spmem:s2] =	stream.indirect.scatter.add.f32 [tilespmem:s15], [sflag:$0x5], $0x10, s24, s26, $0xb8;
	[tilespmem:$0xEE20] =	vst v63  }
0x8b: {  	_ =	swait.ge [sflag:s22], $0x7D0  }
0x8c: {  	[sflag:s22] =	ssyncset.done $0x0  }
0x8d: {  	s19 =	simm.s32 $0x1;
	[sflag:s22] =	ssyncadd.s32 $0xFFFFF830  }
.LBB2_8:
0x8e: {  	_ =	swait.ge [sflag:s9], $0x7D0  }
0x8f: {  	[sflag:s9] =	ssyncset.done $0x0  }
0x90: {  	[sflag:s9] =	ssyncadd.s32 $0xFFFFF830  }
0x91: {  	_ =	swait.ge [sflag:s9], $0x7D0  }
0x92: {  	[sflag:s9] =	ssyncset.done $0x0  }
0x93: {  	[sflag:s9] =	ssyncadd.s32 $0xFFFFF830  }
0x94: {  	_ =	swait.ge [sflag:s9], $0x7D0  }
0x95: {  	[sflag:s9] =	ssyncset.done $0x0  }
0x96: {  	[sflag:s9] =	ssyncadd.s32 $0xFFFFF830  }
0x97: {  	_ =	swait.ge [sflag:s16], $0x7D0  }
0x98: {  	[sflag:s16] =	ssyncset.done $0x0  }
0x99: {  	s0 =	simm.s32 $0x0;
	[sflag:s16] =	ssyncadd.s32 $0xFFFFF830  }
0x9a: {  	v1 =	vld [tilespmem:s0+$0x5000]  }
0x9b: {  	v2 =	vld [tilespmem:s0+$0x5FA0];
	_ =	sdelay $0x1  }
0x9c: {  	v3 =	vld [tilespmem:s0+$0x6F40];
	_ =	sdelay $0x2  }
0x9d: {  	s21 =	simm.s32 $0x10;
	v2 =	vadd.f32 v2, v1  }
0x9e: {  	v1 =	vld [tilespmem:s21+$0x5000]  }
0x9f: {  	v4 =	vadd.f32 v3, v2;
	v3 =	vld [tilespmem:s21+$0x5FA0];
	_ =	sdelay $0x1  }
0xa0: {  	v2 =	vld [tilespmem:s21+$0x6F40]  }
0xa1: {  	s20 =	simm.s32 $0x80;
	v4 =	vmax.f32 v4, $0.0e+00  }
.LBB2_9:
0xa2: {  	s23 =	sshra.s32 s20, $0x2;
	[tilespmem:s0+$0x8E80] =	vst v4;
	p0 =	sne.s32 s20, $0x1F00  }
.Ltmp3:
0xa3: {  	s20 =	sadd.s32 $0x40, s20;
	v5 =	vadd.f32 v3, v1;
	v1 =	vld [tilespmem:s23+$0x5000];
	[tilespmem:s0+$0x7EE0] =	vst v4;
	(pc) =	sbr.rel @p0 .LBB2_9-.Ltmp3, $4  }
0xa4: {  	s0 =	smov.u32 s21;
	s21 =	smov.u32 s23;
	v3 =	vld [tilespmem:s23+$0x5FA0]  }
0xa5: {  	v4 =	vadd.f32 v2, v5  }
0xa6: {  	v2 =	vld [tilespmem:s21+$0x6F40]  }
0xa7: {  	v4 =	vmax.f32 v4, $0.0e+00  }
0xa8: {  	_ = 	snop  }
0xa9: {  	s20 =	sshll.u32 s19, $0x1;
	v1 =	vadd.f32 v3, v1  }
0xaa: {  	s23 =	sadd.s32 $0x2, s20  }
0xab: {  	s24 =	smul.u32 $0x7D, s23;
	v1 =	vadd.f32 v2, v1  }
0xac: {  	[tilespmem:s0+$0x8E80] =	vst v4  }
0xad: {  	[tilespmem:s0+$0x7EE0] =	vst v4;
	s24 =	sadd.s32 s8, s24;
	v1 =	vmax.f32 v1, $0.0e+00  }
0xae: {  	s0 =	sshll.u32 s24, $0x1;
	[tilespmem:s21+$0x8E80] =	vst v1  }
0xaf: {  	s24 =	smul.u32 $0xFA, s19;
	[tilespmem:s21+$0x7EE0] =	vst v1;
	s0 =	sadd.s32 s6, s0;
	s21 =	simm.s32 $0x0  }
0xb0: {  	[tilespmem:s25], [sflag:$0x1] =	stream.linear.gather [hbm4b:s0+s21], $0x7D0, $0x38;
	[tilespmem:$0xEE20] =	vst v63  }
0xb1: {  	s0 =	sadd.s32 s8, s24  }
0xb2: {  	s23 =	sshll.u32 s23, $0x7;
	s0 =	sshll.u32 s0, $0x1  }
0xb3: {  	[tilespmem:s28], [sflag:$0x1] =	stream.indirect.gather [hbm4b:s4+s26], $0x10, s23, s26, $0xb8;
	[tilespmem:$0xEE20] =	vst v63  }
0xb4: {  	s23 =	sadd.s32 $0x2800, s23;
	s0 =	sand.u32 $0x1FFFFFFC, s0  }
0xb5: {  	[tilespmem:s29], [sflag:$0x1] =	stream.indirect.gather [hbm4b:s5+s26], $0x10, s23, s26, $0xb8;
	[tilespmem:$0xEE20] =	vst v63  }
0xb6: {  	s24 =	sshll.u32 s19, $0x8;
	s0 =	sadd.s32 s7, s0  }
0xb7: {  	[hbm4b:s0+s21] =	stream.linear.scatter [tilespmem:s10], [sflag:$0x3], $0x7D0, $0x38;
	[tilespmem:$0xEE20] =	vst v63  }
0xb8: {  	s0 =	sand.u32 $0x3FFFFF00, s24  }
0xb9: {  	s0 =	sadd.s32 $0x2800, s0  }
0xba: {  	[spmem:s2] =	stream.indirect.scatter.add.f32 [tilespmem:s12], [sflag:$0x5], $0x10, s0, s26, $0xb8;
	[tilespmem:$0xEE20] =	vst v63  }
0xbb: {  	_ =	swait.ge [sflag:s22], $0x7D0  }
0xbc: {  	[sflag:s22] =	ssyncset.done $0x0  }
0xbd: {  	[sflag:s22] =	ssyncadd.s32 $0xFFFFF830  }
0xbe: {  	_ =	swait.ge [sflag:s13], $0x7D0  }
0xbf: {  	[sflag:s13] =	ssyncset.done $0x0  }
0xc0: {  	[sflag:s13] =	ssyncadd.s32 $0xFFFFF830  }
0xc1: {  	_ =	swait.ge [sflag:s13], $0x7D0  }
0xc2: {  	[sflag:s13] =	ssyncset.done $0x0  }
0xc3: {  	[sflag:s13] =	ssyncadd.s32 $0xFFFFF830  }
0xc4: {  	_ =	swait.ge [sflag:s13], $0x7D0  }
0xc5: {  	[sflag:s13] =	ssyncset.done $0x0  }
0xc6: {  	[sflag:s13] =	ssyncadd.s32 $0xFFFFF830  }
0xc7: {  	_ =	swait.ge [sflag:s17], $0x7D0  }
0xc8: {  	[sflag:s17] =	ssyncset.done $0x0  }
0xc9: {  	s0 =	simm.s32 $0x0;
	[sflag:s17] =	ssyncadd.s32 $0xFFFFF830  }
0xca: {  	v1 =	vld [tilespmem:s0+$0x57D0]  }
0xcb: {  	v2 =	vld [tilespmem:s0+$0x6770];
	_ =	sdelay $0x1  }
0xcc: {  	v3 =	vld [tilespmem:s0+$0x7710];
	_ =	sdelay $0x2  }
0xcd: {  	s21 =	simm.s32 $0x10;
	v2 =	vadd.f32 v2, v1  }
0xce: {  	v1 =	vld [tilespmem:s21+$0x57D0]  }
0xcf: {  	v4 =	vadd.f32 v3, v2;
	v3 =	vld [tilespmem:s21+$0x6770];
	_ =	sdelay $0x1  }
0xd0: {  	v2 =	vld [tilespmem:s21+$0x7710]  }
0xd1: {  	s23 =	simm.s32 $0x80;
	v4 =	vmax.f32 v4, $0.0e+00  }
.LBB2_11:
0xd2: {  	s24 =	sshra.s32 s23, $0x2;
	[tilespmem:s0+$0x9650] =	vst v4;
	p0 =	sne.s32 s23, $0x1F00  }
.Ltmp4:
0xd3: {  	s23 =	sadd.s32 $0x40, s23;
	v5 =	vadd.f32 v3, v1;
	v1 =	vld [tilespmem:s24+$0x57D0];
	[tilespmem:s0+$0x86B0] =	vst v4;
	(pc) =	sbr.rel @p0 .LBB2_11-.Ltmp4, $4  }
0xd4: {  	s0 =	smov.u32 s21;
	s21 =	smov.u32 s24;
	v3 =	vld [tilespmem:s24+$0x6770]  }
0xd5: {  	v4 =	vadd.f32 v2, v5  }
0xd6: {  	v2 =	vld [tilespmem:s21+$0x7710]  }
0xd7: {  	v4 =	vmax.f32 v4, $0.0e+00  }
0xd8: {  	_ = 	snop  }
0xd9: {  	s23 =	sadd.s32 $0x3, s20;
	v1 =	vadd.f32 v3, v1  }
0xda: {  	s24 =	smul.u32 $0x7D, s23  }
0xdb: {  	v1 =	vadd.f32 v2, v1  }
0xdc: {  	[tilespmem:s0+$0x9650] =	vst v4;
	s24 =	sadd.s32 s8, s24  }
0xdd: {  	[tilespmem:s0+$0x86B0] =	vst v4;
	s24 =	sshll.u32 s24, $0x1;
	v1 =	vmax.f32 v1, $0.0e+00  }
0xde: {  	s0 =	sand.u32 $0x1FFFFFFE, s24;
	s24 =	sor.u32 $0x1, s20;
	[tilespmem:s21+$0x9650] =	vst v1  }
0xdf: {  	[tilespmem:s21+$0x86B0] =	vst v1;
	s0 =	sadd.s32 s6, s0;
	s21 =	smul.u32 $0x7D, s24  }
0xe0: {  	[tilespmem:s30], [sflag:$0x2] =	stream.linear.gather [hbm4b:s0+s3], $0x7D0, $0x38;
	[tilespmem:$0xEE20] =	vst v63  }
0xe1: {  	s23 =	sshll.u32 s23, $0x7;
	s0 =	sadd.s32 s8, s21  }
0xe2: {  	[tilespmem:s1], [sflag:$0x2] =	stream.indirect.gather [hbm4b:s4+s26], $0x10, s23, s26, $0xb8;
	[tilespmem:$0xEE20] =	vst v63  }
0xe3: {  	s0 =	sshll.u32 s0, $0x1  }
0xe4: {  	s21 =	sadd.s32 $0x2800, s23;
	s0 =	sand.u32 $0x1FFFFFFE, s0  }
0xe5: {  	[tilespmem:s31], [sflag:$0x2] =	stream.indirect.gather [hbm4b:s5+s26], $0x10, s21, s26, $0xb8;
	[tilespmem:$0xEE20] =	vst v63  }
0xe6: {  	s19 =	sadd.s32 $0x1, s19;
	s24 =	sshll.u32 s24, $0x7;
	s0 =	sadd.s32 s7, s0  }
0xe7: {  	[hbm4b:s0+s3] =	stream.linear.scatter [tilespmem:s14], [sflag:$0x4], $0x7D0, $0x38;
	[tilespmem:$0xEE20] =	vst v63  }
0xe8: {  	p0 =	sne.s32 s19, $0x27;
	s0 =	sand.u32 $0x3FFFFF80, s24  }
.Ltmp5:
0xe9: {  	s0 =	sadd.s32 $0x2800, s0;
	(pc) =	sbr.rel @p0 .LBB2_8-.Ltmp5, $4  }
0xea: {  	[spmem:s2] =	stream.indirect.scatter.add.f32 [tilespmem:s15], [sflag:$0x5], $0x10, s0, s26, $0xb8;
	[tilespmem:$0xEE20] =	vst v63  }
0xeb: {  	_ =	swait.ge [sflag:s22], $0x7D0  }
0xec: {  	[sflag:s22] =	ssyncset.done $0x0  }
0xed: {  	[sflag:s22] =	ssyncadd.s32 $0xFFFFF830  }
0xee: {  	_ =	swait.ge [sflag:s9], $0x7D0  }
0xef: {  	[sflag:s9] =	ssyncset.done $0x0  }
0xf0: {  	[sflag:s9] =	ssyncadd.s32 $0xFFFFF830  }
0xf1: {  	_ =	swait.ge [sflag:s9], $0x7D0  }
0xf2: {  	[sflag:s9] =	ssyncset.done $0x0  }
0xf3: {  	[sflag:s9] =	ssyncadd.s32 $0xFFFFF830  }
0xf4: {  	_ =	swait.ge [sflag:s9], $0x7D0  }
0xf5: {  	[sflag:s9] =	ssyncset.done $0x0  }
0xf6: {  	[sflag:s9] =	ssyncadd.s32 $0xFFFFF830  }
0xf7: {  	_ =	swait.ge [sflag:s16], $0x7D0  }
0xf8: {  	[sflag:s16] =	ssyncset.done $0x0  }
0xf9: {  	s0 =	simm.s32 $0x0;
	[sflag:s16] =	ssyncadd.s32 $0xFFFFF830  }
0xfa: {  	v1 =	vld [tilespmem:s0+$0x5000]  }
0xfb: {  	v2 =	vld [tilespmem:s0+$0x5FA0];
	_ =	sdelay $0x1  }
0xfc: {  	v3 =	vld [tilespmem:s0+$0x6F40];
	_ =	sdelay $0x2  }
0xfd: {  	s19 =	simm.s32 $0x10;
	v2 =	vadd.f32 v2, v1  }
0xfe: {  	v1 =	vld [tilespmem:s19+$0x5000]  }
0xff: {  	v4 =	vadd.f32 v3, v2;
	v3 =	vld [tilespmem:s19+$0x5FA0];
	_ =	sdelay $0x1  }
0x100: {  	v2 =	vld [tilespmem:s19+$0x6F40]  }
0x101: {  	s20 =	simm.s32 $0x80;
	v4 =	vmax.f32 v4, $0.0e+00  }
.LBB2_14:
0x102: {  	s21 =	sshra.s32 s20, $0x2;
	[tilespmem:s0+$0x8E80] =	vst v4;
	p0 =	sne.s32 s20, $0x1F00  }
.Ltmp6:
0x103: {  	s20 =	sadd.s32 $0x40, s20;
	v5 =	vadd.f32 v3, v1;
	v1 =	vld [tilespmem:s21+$0x5000];
	[tilespmem:s0+$0x7EE0] =	vst v4;
	(pc) =	sbr.rel @p0 .LBB2_14-.Ltmp6, $4  }
0x104: {  	s0 =	smov.u32 s19;
	s19 =	smov.u32 s21;
	v3 =	vld [tilespmem:s21+$0x5FA0]  }
0x105: {  	v4 =	vadd.f32 v2, v5  }
0x106: {  	v2 =	vld [tilespmem:s19+$0x6F40]  }
0x107: {  	v4 =	vmax.f32 v4, $0.0e+00  }
0x108: {  	_ = 	snop  }
0x109: {  	v1 =	vadd.f32 v3, v1;
	_ =	sdelay $0x1  }
0x10a: {  	v1 =	vadd.f32 v2, v1  }
0x10b: {  	[tilespmem:s0+$0x8E80] =	vst v4  }
0x10c: {  	[tilespmem:s0+$0x7EE0] =	vst v4;
	v1 =	vmax.f32 v1, $0.0e+00  }
0x10d: {  	[tilespmem:s19+$0x8E80] =	vst v1  }
0x10e: {  	s21 =	simm.s32 $0x0;
	s23 =	rddreg [dreg:$0xb];
	[tilespmem:s19+$0x7EE0] =	vst v1  }
0x10f: {  	[hbm4b:s23+s21] =	stream.linear.scatter [tilespmem:s10], [sflag:$0x3], $0x7D0, $0x38;
	[tilespmem:$0xEE20] =	vst v63  }
0x110: {  	s24 =	simm.s32 $0x4F00  }
0x111: {  	[spmem:s2] =	stream.indirect.scatter.add.f32 [tilespmem:s12], [sflag:$0x5], $0x10, s24, s26, $0xb8;
	[tilespmem:$0xEE20] =	vst v63  }
0x112: {  	_ =	swait.ge [sflag:s22], $0x7D0  }
0x113: {  	[sflag:s22] =	ssyncset.done $0x0  }
0x114: {  	[sflag:s22] =	ssyncadd.s32 $0xFFFFF830  }
0x115: {  	_ =	swait.ge [sflag:s13], $0x7D0  }
0x116: {  	[sflag:s13] =	ssyncset.done $0x0  }
0x117: {  	[sflag:s13] =	ssyncadd.s32 $0xFFFFF830  }
0x118: {  	_ =	swait.ge [sflag:s13], $0x7D0  }
0x119: {  	[sflag:s13] =	ssyncset.done $0x0  }
0x11a: {  	[sflag:s13] =	ssyncadd.s32 $0xFFFFF830  }
0x11b: {  	_ =	swait.ge [sflag:s13], $0x7D0  }
0x11c: {  	[sflag:s13] =	ssyncset.done $0x0  }
0x11d: {  	[sflag:s13] =	ssyncadd.s32 $0xFFFFF830  }
0x11e: {  	_ =	swait.ge [sflag:s17], $0x7D0  }
0x11f: {  	[sflag:s17] =	ssyncset.done $0x0  }
0x120: {  	s0 =	simm.s32 $0x0;
	[sflag:s17] =	ssyncadd.s32 $0xFFFFF830  }
0x121: {  	v1 =	vld [tilespmem:s0+$0x57D0]  }
0x122: {  	v2 =	vld [tilespmem:s0+$0x6770];
	_ =	sdelay $0x1  }
0x123: {  	v3 =	vld [tilespmem:s0+$0x7710];
	_ =	sdelay $0x2  }
0x124: {  	s19 =	simm.s32 $0x10;
	v2 =	vadd.f32 v2, v1  }
0x125: {  	v1 =	vld [tilespmem:s19+$0x57D0]  }
0x126: {  	v4 =	vadd.f32 v3, v2;
	v3 =	vld [tilespmem:s19+$0x6770];
	_ =	sdelay $0x1  }
0x127: {  	v2 =	vld [tilespmem:s19+$0x7710]  }
0x128: {  	s20 =	simm.s32 $0x80;
	s23 =	simm.s32 $0x2800;
	s24 =	simm.s32 $0x2880;
	v4 =	vmax.f32 v4, $0.0e+00  }
.LBB2_16:
0x129: {  	s21 =	sshra.s32 s20, $0x2;
	[tilespmem:s0+$0x9650] =	vst v4;
	p0 =	sne.s32 s20, $0x1F00  }
.Ltmp7:
0x12a: {  	s20 =	sadd.s32 $0x40, s20;
	v5 =	vadd.f32 v3, v1;
	v1 =	vld [tilespmem:s21+$0x57D0];
	[tilespmem:s0+$0x86B0] =	vst v4;
	(pc) =	sbr.rel @p0 .LBB2_16-.Ltmp7, $4  }
0x12b: {  	s0 =	smov.u32 s19;
	s19 =	smov.u32 s21;
	v3 =	vld [tilespmem:s21+$0x6770]  }
0x12c: {  	v4 =	vadd.f32 v2, v5  }
0x12d: {  	v2 =	vld [tilespmem:s19+$0x7710]  }
0x12e: {  	v4 =	vmax.f32 v4, $0.0e+00  }
0x12f: {  	_ = 	snop  }
0x130: {  	v1 =	vadd.f32 v3, v1;
	_ =	sdelay $0x1  }
0x131: {  	v1 =	vadd.f32 v2, v1  }
0x132: {  	[tilespmem:s0+$0x9650] =	vst v4  }
0x133: {  	[tilespmem:s0+$0x86B0] =	vst v4;
	v1 =	vmax.f32 v1, $0.0e+00  }
0x134: {  	[tilespmem:s19+$0x9650] =	vst v1  }
0x135: {  	s20 =	rddreg [dreg:$0xc];
	[tilespmem:s19+$0x86B0] =	vst v1  }
0x136: {  	[hbm4b:s20+s3] =	stream.linear.scatter [tilespmem:s14], [sflag:$0x4], $0x7D0, $0x38;
	[tilespmem:$0xEE20] =	vst v63  }
0x137: {  	s21 =	simm.s32 $0x4F80  }
0x138: {  	[spmem:s2] =	stream.indirect.scatter.add.f32 [tilespmem:s15], [sflag:$0x5], $0x10, s21, s26, $0xb8;
	[tilespmem:$0xEE20] =	vst v63  }
0x139: {  	_ =	swait.ge [sflag:s22], $0x7D0  }
0x13a: {  	[sflag:s22] =	ssyncset.done $0x0  }
0x13b: {  	[sflag:s22] =	ssyncadd.s32 $0xFFFFF830  }
0x13c: {  	_ =	swait.ge [sflag:s16], $0x7D0  }
0x13d: {  	[sflag:s16] =	ssyncset.done $0x0  }
0x13e: {  	[sflag:s16] =	ssyncadd.s32 $0xFFFFF830  }
0x13f: {  	_ =	swait.ge [sflag:s17], $0x7D0  }
0x140: {  	[sflag:s17] =	ssyncset.done $0x0  }
0x141: {  	[sflag:s17] =	ssyncadd.s32 $0xFFFFF830  }
0x142: {  	s20 =	simm.s32 $0x9E20;
	[bflag:$0x0] =	sbarrier.arrive $0xFFFF  }
0x143: {  	[tilespmem:s20], [sflag:$0x5] =	stream.linear.gather [spmem:s11], $0x2800, $0x38;
	[tilespmem:$0xEE20] =	vst v63  }
0x144: {  	_ =	swait.ge [sflag:s22], $0x2800  }
0x145: {  	[sflag:s22] =	ssyncset.done $0x0  }
0x146: {  	s19 =	rddreg [dreg:$0xd];
	[sflag:s22] =	ssyncadd.s32 $0xFFFFD800  }
0x147: {  	[hbm4b:s19+s3] =	stream.linear.scatter [tilespmem:s20], [sflag:$0x5], $0x2800, $0x38;
	[tilespmem:$0xEE20] =	vst v63  }
0x148: {  	_ =	swait.ge [sflag:s22], $0x2800  }
0x149: {  	s18 =	sadd.s32 $0x1, s18;
	s21 =	rddreg [dreg:$0xe]  }
0x14a: {  	p0 =	sne.s32 s18, s21  }
.Ltmp8:
0x14b: {  	_ = 	snop;
	(pc) =	sbr.rel @p0 .LBB2_1-.Ltmp8, $3  }
0x14c: {  	_ =	sdelay $0x1  }
0x14d: {  	[sflag:s22] =	ssyncset.done $0x0  }
0x14e: {  	[sflag:s22] =	ssyncadd.s32 $0xFFFFD800  }
0x14f: {  	_ =	sfence.sel $0x180000  }
0x150: {  	[bflag:$0x0] =	sbarrier.arrive $0xFFFF  }
0x151: {  	_ =	strace $0x90000047  }
0x152: {  	s0 =	stileid.u32;
	[bflag:$0x2] =	sbarrier.arrive $0xFFFF  }
0x153: {  	p0 =	sne.s32 s0, $0x0;
	s0 =	rddreg [dreg:$0x2]  }
0x154: {  	s0 =	sadd.s32 @!p0 $0x100000, s0  }
0x155: {  	[sflag:s0] =	ssyncadd.tile.s32 @!p0 $0x1;
	_ =	shalt  }
.Lfunc_end2:
_tile_overlayer_lowered:
.L_overlay_start_2:
0x156: {  	(tag) =	ssettag $0x2  }
0x157: {  	s0 =	rddreg [dreg:$0x0];
	s2 =	stileid.u32  }
0x158: {  	s1 =	rddreg [dreg:$0x1];
	p0 =	sne.s32 s2, $0x0  }
0x159: {  	s3 =	rddreg [dreg:$0x2];
	[bflag:$0x3] =	sbarrier.arrive $0xFFFF;
	s2 =	simm.s32 @!p0 $0x1C05  }
0x15a: {  	[timem:s3], [sflag:s2] =	dma.local @!p0 [hbm:s0], s1  }
0x15b: {  	s0 =	simm.s32 @!p0 $0x5  }
0x15c: {  	_ =	swait.ge @!p0 [sflag:s0], s1  }
0x15d: {  	s1 =	ssub.s32 @!p0 $0x0, s1;
	[sflag:s0] =	ssyncset.done @!p0 $0x0  }
0x15e: {  	[sflag:s0] =	ssyncadd.s32 @!p0 s1  }
0x15f: {  	[bflag:$0x3] =	sbarrier.arrive $0xFFFF  }
0x160: {  	_ =	shalt  }

// kernel: kernel.15.cloned.1.call-start
scs
__scs_entry_jumppad:
0x0: {  	(pc) =	sbr.rel $0x88, $3  }
0x1: {  	(tag) =	ssettag $0x0;
	lr =	simm.s32 $0x1  }
0x2: {  	[smem:$0x3F9A] =	sst lr;
	_ =	strace $0xD0000000  }
0x3: {  	_ = 	snop  }
0x4: {  	_ = 	snop  }
0x5: {  	_ = 	snop  }
0x6: {  	_ = 	snop  }
0x7: {  	_ = 	snop  }
__scs_overlays_trampoline_lowered:
0x8: {  	[smem:$0x3FA9] =	sst s0  }
0x9: {  	[smem:$0x3FAA] =	sst s1  }
0xa: {  	[smem:$0x3FAB] =	sst s2  }
0xb: {  	[smem:$0x3FAC] =	sst s3  }
0xc: {  	[smem:$0x3FAD] =	sst s4  }
0xd: {  	[smem:$0x3FAE] =	sst s5  }
0xe: {  	[smem:$0x3FAF] =	sst s6  }
0xf: {  	[smem:$0x3FB0] =	sst s7  }
0x10: {  	[smem:$0x3FB1] =	sst s8  }
0x11: {  	[smem:$0x3FB2] =	sst s9;
	s0 =	simm.s32 @!p0 $0x0  }
0x12: {  	s1 =	sld [smem:$0x3F98];
	s0 =	simm.s32 @p0 $0x1  }
0x13: {  	[smem:$0x3FB3] =	sst s0;
	s0 =	simm.s32 @!p1 $0x0  }
0x14: {  	s2 =	sld [smem:$0x3F97];
	s0 =	simm.s32 @p1 $0x1  }
0x15: {  	[smem:$0x3FB4] =	sst s0;
	s0 =	simm.s32 @!p2 $0x0  }
0x16: {  	s3 =	sld [smem:$0x3FDB];
	s0 =	simm.s32 @p2 $0x1  }
0x17: {  	s4 =	simm.s32 $0x1BF5;
	[smem:$0x3FB6] =	sst s0  }
0x18: {  	s0 =	sld [smem:$0x3F99];
	_ =	swait.ge [sflag:s4], $0x0  }
0x19: {  	s7 =	sld [smem:$0x3F9A]  }
0x1a: {  	s8 =	sadd.s32 $0xFFFFE003, lr  }
0x1b: {  	s9 =	sadd.s32 $0xFFFFFEF7, lr;
	s5 =	simm.s32 $0xFFFFFFFF;
	p2 =	slt.u32 s8, $0xFFFFF086  }
0x1c: {  	p1 =	slt.u32 s9, $0xF7A;
	s5 =	simm.s32 @!p2 $0x0  }
0x1d: {  	s5 =	simm.s32 @p1 $0x1;
	p0 =	seq.s32 s7, s2  }
0x1e: {  	s7 =	smul.u32 @!p0 $0xF7A, s2;
	p2 =	seq.s32 @!p0 s5, $0x0  }
0x1f: {  	s9 =	smul.u32 $0xF7A, s1;
	s8 =	simm.s32 @!p0 $0x1BF5;
	p2 =	por !p2, p0  }
0x20: {  	[sflag:s8] =	ssyncset.s32 @!p0 $0xFFFFF086;
	s6 =	sadd.s32 @!p0 s3, s7;
	s7 =	simm.s32 @!p0 $0x108  }
0x21: {  	s3 =	sadd.s32 s3, s9;
	s6 =	sadd.s32 @!p0 $0x88, s6;
	s7 =	simm.s32 @p2 $0x1082  }
0x22: {  	[simem:s7], [sflag:s8] =	dma.local @!p0 [hbm:s6], $0xF7A  }
0x23: {  	s9 =	sor.u32 $0xD0000000, s2;
	s6 =	simm.s32 $0x108;
	_ =	swait.ge @!p0 [sflag:s8], $0x0  }
0x24: {  	s3 =	sadd.s32 $0x88, s3;
	s6 =	simm.s32 @!p1 $0x1082;
	[sflag:s4] =	ssyncset.s32 $0xFFFFF086  }
0x25: {  	[simem:s6], [sflag:s4] =	dma.local [hbm:s3], $0xF7A  }
0x26: {  	[smem:$0x3F9A] =	sst s1;
	(tag) =	ssettag s2;
	_ =	strace s9  }
0x27: {  	s1 =	sld [smem:$0x3FAA]  }
0x28: {  	s2 =	sld [smem:$0x3FAB]  }
0x29: {  	s4 =	sld [smem:$0x3FAD]  }
0x2a: {  	p0 =	seq.s32 s5, $0x0;
	s5 =	sld [smem:$0x3FAE]  }
0x2b: {  	s6 =	sld [smem:$0x3FAF]  }
0x2c: {  	s7 =	sld [smem:$0x3FB0]  }
0x2d: {  	s3 =	simm.s32 $0x108;
	s8 =	sld [smem:$0x3FB1]  }
0x2e: {  	s3 =	simm.s32 @!p0 $0x1082;
	s9 =	sld [smem:$0x3FB2]  }
0x2f: {  	lr =	sadd.s32 s0, s3;
	s0 =	sld [smem:$0x3FA9]  }
0x30: {  	s3 =	sld [smem:$0x3FAC]  }
0x31: {  	[smem:$0x3FB5] =	sst s10  }
0x32: {  	s10 =	sld [smem:$0x3FB3];
	_ =	sdelay $0x3  }
0x33: {  	p0 =	seq.s32 s10, $0x1;
	s10 =	sld [smem:$0x3FB5];
	_ =	sdelay $0x3  }
0x34: {  	[smem:$0x3FB5] =	sst s10  }
0x35: {  	s10 =	sld [smem:$0x3FB4];
	_ =	sdelay $0x3  }
0x36: {  	p1 =	seq.s32 s10, $0x1;
	s10 =	sld [smem:$0x3FB5];
	_ =	sdelay $0x3  }
0x37: {  	[smem:$0x3FB5] =	sst s10  }
0x38: {  	s10 =	sld [smem:$0x3FB6]  }
0x39: {  	_ = 	snop;
	(pc) =	sbr.ind lr, $3  }
0x3a: {  	_ = 	snop  }
0x3b: {  	_ = 	snop  }
0x3c: {  	p2 =	seq.s32 s10, $0x1;
	s10 =	sld [smem:$0x3FB5]  }
0x3d: {  	_ =	shalt  }
0x3e: {  	_ =	shalt  }
0x3f: {  	_ =	shalt  }
0x40: {  	_ =	shalt  }
0x41: {  	_ =	shalt  }
0x42: {  	_ =	shalt  }
0x43: {  	_ =	shalt  }
0x44: {  	_ =	shalt  }
0x45: {  	_ =	shalt  }
0x46: {  	_ =	shalt  }
0x47: {  	_ =	shalt  }
0x48: {  	_ =	shalt  }
0x49: {  	_ =	shalt  }
0x4a: {  	_ =	shalt  }
0x4b: {  	_ =	shalt  }
0x4c: {  	_ =	shalt  }
0x4d: {  	_ =	shalt  }
0x4e: {  	_ =	shalt  }
0x4f: {  	_ =	shalt  }
0x50: {  	_ =	shalt  }
0x51: {  	_ =	shalt  }
0x52: {  	_ =	shalt  }
0x53: {  	_ =	shalt  }
0x54: {  	_ =	shalt  }
0x55: {  	_ =	shalt  }
0x56: {  	_ =	shalt  }
0x57: {  	_ =	shalt  }
0x58: {  	_ =	shalt  }
0x59: {  	_ =	shalt  }
0x5a: {  	_ =	shalt  }
0x5b: {  	_ =	shalt  }
0x5c: {  	_ =	shalt  }
0x5d: {  	_ =	shalt  }
0x5e: {  	_ =	shalt  }
0x5f: {  	_ =	shalt  }
0x60: {  	_ =	shalt  }
0x61: {  	_ =	shalt  }
0x62: {  	_ =	shalt  }
0x63: {  	_ =	shalt  }
0x64: {  	_ =	shalt  }
0x65: {  	_ =	shalt  }
0x66: {  	_ =	shalt  }
0x67: {  	_ =	shalt  }
0x68: {  	_ =	shalt  }
0x69: {  	_ =	shalt  }
0x6a: {  	_ =	shalt  }
0x6b: {  	_ =	shalt  }
0x6c: {  	_ =	shalt  }
0x6d: {  	_ =	shalt  }
0x6e: {  	_ =	shalt  }
0x6f: {  	_ =	shalt  }
0x70: {  	_ =	shalt  }
0x71: {  	_ =	shalt  }
0x72: {  	_ =	shalt  }
0x73: {  	_ =	shalt  }
0x74: {  	_ =	shalt  }
0x75: {  	_ =	shalt  }
0x76: {  	_ =	shalt  }
0x77: {  	_ =	shalt  }
0x78: {  	_ =	shalt  }
0x79: {  	_ =	shalt  }
0x7a: {  	_ =	shalt  }
0x7b: {  	_ =	shalt  }
0x7c: {  	_ =	shalt  }
0x7d: {  	_ =	shalt  }
0x7e: {  	_ =	shalt  }
0x7f: {  	_ =	shalt  }
0x80: {  	_ =	shalt  }
0x81: {  	_ =	shalt  }
0x82: {  	_ =	shalt  }
0x83: {  	_ =	shalt  }
0x84: {  	_ =	shalt  }
0x85: {  	_ =	shalt  }
0x86: {  	_ =	shalt  }
0x87: {  	_ =	shalt  }
.Lfunc_end0:
.L_simem_size_0:
called_computation.1_lowered:
.L_overlay_start_0:
0x88: {  	s2 =	sld [smem:$0x3FD9]  }
0x89: {  	s3 =	sld [smem:$0x3FFE];
	_ =	sdelay $0x1  }
0x8a: {  	s1 =	srdreg.scid  }
0x8b: {  	s0 =	sand.u32 $0x1, s1  }
0x8c: {  	s16 =	sshll.u32 s0, $0xA;
	s2 =	sadd.s32 s3, s2  }
0x8d: {  	s2 =	sadd.s32 s2, s16  }
0x8e: {  	[smem:$0x3FC1] =	sst s2  }
0x8f: {  	_ = 	snop  }
0x90: {  	(tm) =	ssettm $0x1  }
0x91: {  	s17 =	sld [smem:$0x3FFB];
	_ =	sdelay $0x3  }
0x92: {  	_ =	strace s17  }
0x93: {  	s2 =	sld [smem:$0x3FFC];
	_ =	sdelay $0x3  }
0x94: {  	_ =	strace s2  }
0x95: {  	s2 =	sld [smem:$0x3FFD];
	_ =	sdelay $0x3  }
0x96: {  	_ =	strace s2  }
0x97: {  	_ =	strace $0x8FFFFFFF  }
0x98: {  	s18 =	sld [smem:$0x3FDB];
	_ =	sdelay $0x1  }
0x99: {  	s19 =	simm.s32 $_scs_section_size  }
0x9a: {  	s4 =	simm.s32 $_size__tile_overlayer_lowered;
	s5 =	simm.s32 $_tile_overlayer_lowered  }
0x9b: {  	s22 =	simm.s32 $0x1BFF;
	s21 =	sshll.u32 s5, $0x1;
	s2 =	sadd.s32 s19, s18  }
0x9c: {  	s6 =	simm.s32 $0x0;
	s20 =	sshll.u32 s4, $0x1;
	s4 =	sadd.s32 s21, s2  }
0x9d: {  	[timem:s6], [sflag:s22] =	dma.local [hbm:s4], s20  }
0x9e: {  	_ =	swait.ge [sflag:s22], s20  }
0x9f: {  	s3 =	ssub.s32 $0x0, s20;
	[sflag:s22] =	ssyncset.done $0x0  }
0xa0: {  	[sflag:s22] =	ssyncadd.s32 s3;
	_ =	sdelay $0x1  }
0xa1: {  	s23 =	simm.s32 $0x1B8B  }
0xa2: {  	_ =	swait.ge [sflag:s23], $0x1  }
0xa3: {  	[sflag:s23] =	ssyncset.done $0x0  }
0xa4: {  	s25 =	simm.s32 $0x1B8E;
	s24 =	sld [smem:$0x3FFE];
	[sflag:s23] =	ssyncadd.s32 $0xFFFFFFFF  }
0xa5: {  	s26 =	simm.s32 $execute0_lowered;
	[smem:$0x3FD2] =	sst s25  }
0xa6: {  	s4 =	sshll.u32 s26, $0x1;
	_ =	strace $0x80000049;
	[dreg:$0x1] =	wrdreg $0xFFFFFFFF  }
0xa7: {  	s28 =	simm.s32 $_size_execute0_lowered;
	s2 =	sadd.s32 s2, s4;
	[dreg:$0x0] =	wrdreg $0x0  }
0xa8: {  	s4 =	sshll.u32 s28, $0x1;
	[dreg:$0x2] =	wrdreg s2  }
0xa9: {  	[dreg:$0x3] =	wrdreg s4  }
0xaa: {  	[dreg:$0x4] =	wrdreg $0xC0  }
0xab: {  	_ =	task [dreg:s6], $0x5FFFF  }
0xac: {  	[dreg:$0x1] =	wrdreg $0xFFFFFFFF  }
0xad: {  	[dreg:$0x0] =	wrdreg $0x60  }
0xae: {  	[dreg:$0x2] =	wrdreg s24  }
0xaf: {  	[dreg:$0x3] =	wrdreg $0xC6200  }
0xb0: {  	[dreg:$0x4] =	wrdreg $0x9  }
0xb1: {  	_ =	task.clear_ibuf [dreg:s6], $0x5FFFF;
	_ =	strace $0x90000049  }
0xb2: {  	s29 =	simm.s32 $0x9;
	_ =	strace $0x8000004B  }
0xb3: {  	_ =	swait.ge [sflag:s29], $0x1  }
0xb4: {  	[sflag:s29] =	ssyncadd.s32 $0xFFFFFFFF  }
0xb5: {  	_ =	strace $0x9000004B  }
0xb6: {  	_ =	sfence  }
0xb7: {  	s30 =	sld [smem:$0x0];
	_ =	sdelay $0x2  }
0xb8: {  	s31 =	sshll.u32 s1, $0xD;
	s1 =	sshrl.u32 s1, $0x2  }
0xb9: {  	s3 =	sand.u32 $0x4000, s31;
	s1 =	sadd.s32 s1, s30  }
0xba: {  	s0 =	sor.u32 s3, s0;
	s1 =	sshll.u32 s1, $0x11  }
0xbb: {  	s0 =	sor.u32 s1, s0  }
0xbc: {  	s0 =	sadd.s32 $0x8F2B, s0  }
0xbd: {  	[sflag:s0] =	ssyncadd.remote.s32 $0x1  }
0xbe: {  	_ =	sfence.sel $0xFFFF  }
0xbf: {  	[dreg:$0x0] =	wrdreg $0xFFFFFFFF;
	(pc) =	sbr.abs _section_cstart, $3  }
0xc0: {  	[dreg:$0x1] =	wrdreg $0xFFFFFFFF  }
0xc1: {  	_ =	task.clear_ibuf [dreg:s6], $0x2FFFF;
	_ =	strace $0x9FFFFFFF  }
0xc2: {  	(tm) =	ssettm $0x7FFFFFFF  }
0xc3: {  	_ =	shalt  }
tec
execute0_lowered:
.L_overlay_start_1:
0x0: {  	(tag) =	ssettag $0x1  }
0x1: {  	s0 =	srdreg.scid;
	s1 =	rddreg [dreg:$0x0]  }
0x2: {  	s5 =	stileid.u32;
	s2 =	rddreg [dreg:$0x1]  }
0x3: {  	s28 =	simm.s32 $0x5000;
	s29 =	simm.s32 $0x5FA0;
	s30 =	simm.s32 $0x7710  }
0x4: {  	s31 =	simm.s32 $0x6770;
	s15 =	simm.s32 $0x86B0;
	s16 =	simm.s32 $0x3  }
0x5: {  	s17 =	simm.s32 $0x4;
	s0 =	sand.u32 $0x1, s0;
	s3 =	sshll.u32 s5, $0x1  }
0x6: {  	s10 =	smul.u32 $0x2800, s5;
	s5 =	sadd.s32 $0x1D000, s1;
	s6 =	sadd.s32 $0x22000, s1  }
0x7: {  	s7 =	sadd.s32 $0xC8400, s1;
	s9 =	sor.u32 s0, s3;
	s8 =	smul.u32 $0x28000, s0  }
0x8: {  	s3 =	simm.s32 $0x0;
	s0 =	ssub.s32 $0x2, s0;
	s4 =	smul.u32 $0x500, s9  }
0x9: {  	[smem:$0x7FF] =	sst s3;
	s12 =	sshrl.u32 s0, $0x1;
	s13 =	smul.u32 $0x27100, s9  }
0xa: {  	_ =	strace $0x8000004A;
	s8 =	sadd.s32 s10, s8;
	s0 =	ssub.s32 s0, s12  }
0xb: {  	s12 =	simm.s32 $0x7EE0;
	s11 =	sadd.s32 s4, s1;
	s4 =	sadd.s32 $0x18000, s1  }
0xc: {  	s8 =	sshrl.u32 s8, $0x3;
	s19 =	sshrl.u32 s13, $0x3;
	s0 =	smax.u32 s0, $0x1  }
0xd: {  	s13 =	simm.s32 $0x2;
	s1 =	sadd.s32 s8, s1;
	s8 =	smul.u32 $0x2710, s9  }
0xe: {  	s18 =	sadd.s32 $0x4000, s11;
	s9 =	smul.u32 $0x4E20, s9;
	[dreg:$0xe] =	wrdreg s0  }
0xf: {  	s11 =	sadd.s32 $0xE000, s11;
	s20 =	sadd.s32 $0xFA, s19;
	[dreg:$0x3] =	wrdreg s18  }
0x10: {  	s23 =	sadd.s32 s6, s19;
	[dreg:$0x4] =	wrdreg s11;
	s22 =	sadd.s32 s6, s20  }
0x11: {  	s24 =	sadd.s32 s7, s19;
	s14 =	sadd.s32 $0x1F4, s23;
	[dreg:$0x6] =	wrdreg s22  }
0x12: {  	s11 =	sadd.s32 s10, s2;
	s25 =	sadd.s32 $0x2EE, s23;
	[dreg:$0x7] =	wrdreg s14  }
0x13: {  	s10 =	sadd.s32 s7, s20;
	s26 =	sadd.s32 $0x4C2C, s24;
	[dreg:$0x9] =	wrdreg s25  }
0x14: {  	s1 =	sadd.s32 $0xBE400, s1;
	s23 =	simm.s32 $0x2800;
	[dreg:$0xa] =	wrdreg s10  }
0x15: {  	s20 =	simm.s32 $0x9E20;
	s18 =	simm.s32 $0x0;
	[dreg:$0xb] =	wrdreg s26  }
0x16: {  	s21 =	sadd.s32 s6, s9;
	s9 =	sadd.s32 s7, s9;
	[dreg:$0xd] =	wrdreg s1  }
0x17: {  	s22 =	simm.s32 $0x5;
	s25 =	simm.s32 $0x6F40;
	s26 =	simm.s32 $0x7D  }
0x18: {  	s1 =	simm.s32 $0x57D0;
	s10 =	simm.s32 $0x8E80;
	[dreg:$0x5] =	wrdreg s21  }
0x19: {  	s14 =	simm.s32 $0x9650;
	[dreg:$0x8] =	wrdreg s9;
	s9 =	sadd.s32 $0x4D26, s24  }
0x1a: {  	v0 =	vimm.f32 $0.0e+00;
	s24 =	simm.s32 $0x2880;
	[dreg:$0xc] =	wrdreg s9;
	s9 =	simm.s32 $0x1  }
.LBB2_1:
0x1b: {  	s0 =	rddreg [dreg:$0x3]  }
0x1c: {  	[tilespmem:s3], [sflag:$0x5] =	stream.linear.gather [hbm4b:s0+s3], $0x2800, $0x38;
	[tilespmem:$0xEE20] =	vst v63  }
0x1d: {  	_ =	swait.ge [sflag:s22], $0x2800  }
0x1e: {  	[sflag:s22] =	ssyncset.done $0x0  }
0x1f: {  	s21 =	rddreg [dreg:$0x4];
	[sflag:s22] =	ssyncadd.s32 $0xFFFFD800  }
0x20: {  	[tilespmem:s23], [sflag:$0x5] =	stream.linear.gather [hbm4b:s21+s3], $0x2800, $0x38;
	[tilespmem:$0xEE20] =	vst v63  }
0x21: {  	_ =	swait.ge [sflag:s22], $0x2800  }
0x22: {  	[sflag:s22] =	ssyncset.done $0x0  }
0x23: {  	s19 =	simm.s32 $0x0;
	s0 =	simm.s32 $0x40;
	[sflag:s22] =	ssyncadd.s32 $0xFFFFD800  }
.LBB2_2:
0x24: {  	p0 =	sne.s32 s0, $0x9FC0;
	[tilespmem:s19+$0x9E20] =	vst v0;
	s19 =	smov.u32 s0;
	s0 =	sadd.s32 $0x40, s0  }
.Ltmp0:
0x25: {  	(pc) =	sbr.rel @p0 .LBB2_2-.Ltmp0, $2  }
0x26: {  	_ =	sdelay $0x2  }
0x27: {  	s19 =	sshra.s32 s19, $0x2  }
0x28: {  	[tilespmem:s19+$0x9E20] =	vst v0  }
0x29: {  	[spmem:s11] =	stream.linear.scatter [tilespmem:s20], [sflag:$0x5], $0x2800, $0x38;
	[tilespmem:$0xEE20] =	vst v63  }
0x2a: {  	_ =	swait.ge [sflag:s22], $0x2800  }
0x2b: {  	[sflag:s22] =	ssyncset.done $0x0  }
0x2c: {  	[sflag:s22] =	ssyncadd.s32 $0xFFFFD800  }
0x2d: {  	[bflag:$0x0] =	sbarrier.arrive $0xFFFF  }
0x2e: {  	s0 =	simm.s32 $0x0;
	s21 =	rddreg [dreg:$0x5]  }
0x2f: {  	[tilespmem:s25], [sflag:$0x1] =	stream.linear.gather [hbm4b:s21+s0], $0x7D0, $0x38;
	[tilespmem:$0xEE20] =	vst v63  }
0x30: {  	_ = 	snop  }
0x31: {  	[tilespmem:s28], [sflag:$0x1] =	stream.indirect.gather [hbm4b:s4+s26], $0x10, s0, s26, $0xb8;
	[tilespmem:$0xEE20] =	vst v63  }
0x32: {  	_ = 	snop  }
0x33: {  	[tilespmem:s29], [sflag:$0x1] =	stream.indirect.gather [hbm4b:s5+s26], $0x10, s23, s26, $0xb8;
	[tilespmem:$0xEE20] =	vst v63  }
0x34: {  	s20 =	rddreg [dreg:$0x6]  }
0x35: {  	[tilespmem:s30], [sflag:$0x2] =	stream.linear.gather [hbm4b:s20+s0], $0x7D0, $0x38;
	[tilespmem:$0xEE20] =	vst v63  }
0x36: {  	s21 =	simm.s32 $0x80  }
0x37: {  	[tilespmem:s1], [sflag:$0x2] =	stream.indirect.gather [hbm4b:s4+s26], $0x10, s21, s26, $0xb8;
	[tilespmem:$0xEE20] =	vst v63  }
0x38: {  	_ = 	snop  }
0x39: {  	[tilespmem:s31], [sflag:$0x2] =	stream.indirect.gather [hbm4b:s5+s26], $0x10, s24, s26, $0xb8;
	[tilespmem:$0xEE20] =	vst v63  }
0x3a: {  	_ =	swait.ge [sflag:s9], $0x7D0  }
0x3b: {  	[sflag:s9] =	ssyncset.done $0x0  }
0x3c: {  	[sflag:s9] =	ssyncadd.s32 $0xFFFFF830  }
0x3d: {  	_ =	swait.ge [sflag:s9], $0x7D0  }
0x3e: {  	[sflag:s9] =	ssyncset.done $0x0  }
0x3f: {  	[sflag:s9] =	ssyncadd.s32 $0xFFFFF830  }
0x40: {  	_ =	swait.ge [sflag:s9], $0x7D0  }
0x41: {  	[sflag:s9] =	ssyncset.done $0x0  }
0x42: {  	s0 =	simm.s32 $0x0;
	[sflag:s9] =	ssyncadd.s32 $0xFFFFF830  }
0x43: {  	v1 =	vld [tilespmem:s0+$0x5000]  }
0x44: {  	v2 =	vld [tilespmem:s0+$0x5FA0];
	_ =	sdelay $0x1  }
0x45: {  	v3 =	vld [tilespmem:s0+$0x6F40];
	_ =	sdelay $0x2  }
0x46: {  	s19 =	simm.s32 $0x10;
	v2 =	vadd.f32 v2, v1  }
0x47: {  	v1 =	vld [tilespmem:s19+$0x5000]  }
0x48: {  	v4 =	vadd.f32 v3, v2;
	v3 =	vld [tilespmem:s19+$0x5FA0];
	_ =	sdelay $0x1  }
0x49: {  	v2 =	vld [tilespmem:s19+$0x6F40]  }
0x4a: {  	s20 =	simm.s32 $0x80;
	v4 =	vmax.f32 v4, $0.0e+00  }
.LBB2_4:
0x4b: {  	s21 =	sshra.s32 s20, $0x2;
	[tilespmem:s0+$0x8E80] =	vst v4;
	p0 =	sne.s32 s20, $0x1F00  }
.Ltmp1:
0x4c: {  	s20 =	sadd.s32 $0x40, s20;
	v5 =	vadd.f32 v3, v1;
	v1 =	vld [tilespmem:s21+$0x5000];
	[tilespmem:s0+$0x7EE0] =	vst v4;
	(pc) =	sbr.rel @p0 .LBB2_4-.Ltmp1, $4  }
0x4d: {  	s0 =	smov.u32 s19;
	s19 =	smov.u32 s21;
	v3 =	vld [tilespmem:s21+$0x5FA0]  }
0x4e: {  	v4 =	vadd.f32 v2, v5  }
0x4f: {  	v2 =	vld [tilespmem:s19+$0x6F40]  }
0x50: {  	v4 =	vmax.f32 v4, $0.0e+00  }
0x51: {  	_ = 	snop  }
0x52: {  	v1 =	vadd.f32 v3, v1;
	_ =	sdelay $0x1  }
0x53: {  	v1 =	vadd.f32 v2, v1  }
0x54: {  	[tilespmem:s0+$0x8E80] =	vst v4  }
0x55: {  	[tilespmem:s0+$0x7EE0] =	vst v4;
	v1 =	vmax.f32 v1, $0.0e+00  }
0x56: {  	[tilespmem:s19+$0x8E80] =	vst v1  }
0x57: {  	s0 =	simm.s32 $0x0;
	s20 =	rddreg [dreg:$0x7];
	[tilespmem:s19+$0x7EE0] =	vst v1  }
0x58: {  	[tilespmem:s25], [sflag:$0x1] =	stream.linear.gather [hbm4b:s20+s0], $0x7D0, $0x38;
	[tilespmem:$0xEE20] =	vst v63  }
0x59: {  	s21 =	simm.s32 $0x100  }
0x5a: {  	[tilespmem:s28], [sflag:$0x1] =	stream.indirect.gather [hbm4b:s4+s26], $0x10, s21, s26, $0xb8;
	[tilespmem:$0xEE20] =	vst v63  }
0x5b: {  	s20 =	simm.s32 $0x2900  }
0x5c: {  	[tilespmem:s29], [sflag:$0x1] =	stream.indirect.gather [hbm4b:s5+s26], $0x10, s20, s26, $0xb8;
	[tilespmem:$0xEE20] =	vst v63  }
0x5d: {  	s21 =	rddreg [dreg:$0x8]  }
0x5e: {  	[hbm4b:s21+s0] =	stream.linear.scatter [tilespmem:s10], [sflag:$0x3], $0x7D0, $0x38;
	[tilespmem:$0xEE20] =	vst v63  }
0x5f: {  	_ = 	snop  }
0x60: {  	[spmem:s2] =	stream.indirect.scatter.add.f32 [tilespmem:s12], [sflag:$0x5], $0x10, s23, s26, $0xb8;
	[tilespmem:$0xEE20] =	vst v63  }
0x61: {  	_ =	swait.ge [sflag:s22], $0x7D0  }
0x62: {  	[sflag:s22] =	ssyncset.done $0x0  }
0x63: {  	[sflag:s22] =	ssyncadd.s32 $0xFFFFF830  }
0x64: {  	_ =	swait.ge [sflag:s13], $0x7D0  }
0x65: {  	[sflag:s13] =	ssyncset.done $0x0  }
0x66: {  	[sflag:s13] =	ssyncadd.s32 $0xFFFFF830  }
0x67: {  	_ =	swait.ge [sflag:s13], $0x7D0  }
0x68: {  	[sflag:s13] =	ssyncset.done $0x0  }
0x69: {  	[sflag:s13] =	ssyncadd.s32 $0xFFFFF830  }
0x6a: {  	_ =	swait.ge [sflag:s13], $0x7D0  }
0x6b: {  	[sflag:s13] =	ssyncset.done $0x0  }
0x6c: {  	s0 =	simm.s32 $0x0;
	[sflag:s13] =	ssyncadd.s32 $0xFFFFF830  }
0x6d: {  	v1 =	vld [tilespmem:s0+$0x57D0]  }
0x6e: {  	v2 =	vld [tilespmem:s0+$0x6770];
	_ =	sdelay $0x1  }
0x6f: {  	v3 =	vld [tilespmem:s0+$0x7710];
	_ =	sdelay $0x2  }
0x70: {  	s19 =	simm.s32 $0x10;
	v2 =	vadd.f32 v2, v1  }
0x71: {  	v1 =	vld [tilespmem:s19+$0x57D0]  }
0x72: {  	v4 =	vadd.f32 v3, v2;
	v3 =	vld [tilespmem:s19+$0x6770];
	_ =	sdelay $0x1  }
0x73: {  	v2 =	vld [tilespmem:s19+$0x7710]  }
0x74: {  	s20 =	simm.s32 $0x80;
	v4 =	vmax.f32 v4, $0.0e+00  }
.LBB2_6:
0x75: {  	s21 =	sshra.s32 s20, $0x2;
	[tilespmem:s0+$0x9650] =	vst v4;
	p0 =	sne.s32 s20, $0x1F00  }
.Ltmp2:
0x76: {  	s20 =	sadd.s32 $0x40, s20;
	v5 =	vadd.f32 v3, v1;
	v1 =	vld [tilespmem:s21+$0x57D0];
	[tilespmem:s0+$0x86B0] =	vst v4;
	(pc) =	sbr.rel @p0 .LBB2_6-.Ltmp2, $4  }
0x77: {  	s0 =	smov.u32 s19;
	s19 =	smov.u32 s21;
	v3 =	vld [tilespmem:s21+$0x6770]  }
0x78: {  	v4 =	vadd.f32 v2, v5  }
0x79: {  	v2 =	vld [tilespmem:s19+$0x7710]  }
0x7a: {  	v4 =	vmax.f32 v4, $0.0e+00  }
0x7b: {  	_ = 	snop  }
0x7c: {  	v1 =	vadd.f32 v3, v1;
	_ =	sdelay $0x1  }
0x7d: {  	v1 =	vadd.f32 v2, v1  }
0x7e: {  	[tilespmem:s0+$0x9650] =	vst v4  }
0x7f: {  	[tilespmem:s0+$0x86B0] =	vst v4;
	v1 =	vmax.f32 v1, $0.0e+00  }
0x80: {  	[tilespmem:s19+$0x9650] =	vst v1  }
0x81: {  	[tilespmem:s19+$0x86B0] =	vst v1;
	s19 =	rddreg [dreg:$0x9]  }
0x82: {  	[tilespmem:s30], [sflag:$0x2] =	stream.linear.gather [hbm4b:s19+s3], $0x7D0, $0x38;
	[tilespmem:$0xEE20] =	vst v63  }
0x83: {  	s20 =	simm.s32 $0x180  }
0x84: {  	[tilespmem:s1], [sflag:$0x2] =	stream.indirect.gather [hbm4b:s4+s26], $0x10, s20, s26, $0xb8;
	[tilespmem:$0xEE20] =	vst v63  }
0x85: {  	s21 =	simm.s32 $0x2980  }
0x86: {  	[tilespmem:s31], [sflag:$0x2] =	stream.indirect.gather [hbm4b:s5+s26], $0x10, s21, s26, $0xb8;
	[tilespmem:$0xEE20] =	vst v63  }
0x87: {  	s23 =	rddreg [dreg:$0xa]  }
0x88: {  	[hbm4b:s23+s3] =	stream.linear.scatter [tilespmem:s14], [sflag:$0x4], $0x7D0, $0x38;
	[tilespmem:$0xEE20] =	vst v63  }
0x89: {  	_ = 	snop  }
0x8a: {  	[spmem:s2] =	stream.indirect.scatter.add.f32 [tilespmem:s15], [sflag:$0x5], $0x10, s24, s26, $0xb8;
	[tilespmem:$0xEE20] =	vst v63  }
0x8b: {  	_ =	swait.ge [sflag:s22], $0x7D0  }
0x8c: {  	[sflag:s22] =	ssyncset.done $0x0  }
0x8d: {  	s19 =	simm.s32 $0x1;
	[sflag:s22] =	ssyncadd.s32 $0xFFFFF830  }
.LBB2_8:
0x8e: {  	_ =	swait.ge [sflag:s9], $0x7D0  }
0x8f: {  	[sflag:s9] =	ssyncset.done $0x0  }
0x90: {  	[sflag:s9] =	ssyncadd.s32 $0xFFFFF830  }
0x91: {  	_ =	swait.ge [sflag:s9], $0x7D0  }
0x92: {  	[sflag:s9] =	ssyncset.done $0x0  }
0x93: {  	[sflag:s9] =	ssyncadd.s32 $0xFFFFF830  }
0x94: {  	_ =	swait.ge [sflag:s9], $0x7D0  }
0x95: {  	[sflag:s9] =	ssyncset.done $0x0  }
0x96: {  	[sflag:s9] =	ssyncadd.s32 $0xFFFFF830  }
0x97: {  	_ =	swait.ge [sflag:s16], $0x7D0  }
0x98: {  	[sflag:s16] =	ssyncset.done $0x0  }
0x99: {  	s0 =	simm.s32 $0x0;
	[sflag:s16] =	ssyncadd.s32 $0xFFFFF830  }
0x9a: {  	v1 =	vld [tilespmem:s0+$0x5000]  }
0x9b: {  	v2 =	vld [tilespmem:s0+$0x5FA0];
	_ =	sdelay $0x1  }
0x9c: {  	v3 =	vld [tilespmem:s0+$0x6F40];
	_ =	sdelay $0x2  }
0x9d: {  	s21 =	simm.s32 $0x10;
	v2 =	vadd.f32 v2, v1  }
0x9e: {  	v1 =	vld [tilespmem:s21+$0x5000]  }
0x9f: {  	v4 =	vadd.f32 v3, v2;
	v3 =	vld [tilespmem:s21+$0x5FA0];
	_ =	sdelay $0x1  }
0xa0: {  	v2 =	vld [tilespmem:s21+$0x6F40]  }
0xa1: {  	s20 =	simm.s32 $0x80;
	v4 =	vmax.f32 v4, $0.0e+00  }
.LBB2_9:
0xa2: {  	s23 =	sshra.s32 s20, $0x2;
	[tilespmem:s0+$0x8E80] =	vst v4;
	p0 =	sne.s32 s20, $0x1F00  }
.Ltmp3:
0xa3: {  	s20 =	sadd.s32 $0x40, s20;
	v5 =	vadd.f32 v3, v1;
	v1 =	vld [tilespmem:s23+$0x5000];
	[tilespmem:s0+$0x7EE0] =	vst v4;
	(pc) =	sbr.rel @p0 .LBB2_9-.Ltmp3, $4  }
0xa4: {  	s0 =	smov.u32 s21;
	s21 =	smov.u32 s23;
	v3 =	vld [tilespmem:s23+$0x5FA0]  }
0xa5: {  	v4 =	vadd.f32 v2, v5  }
0xa6: {  	v2 =	vld [tilespmem:s21+$0x6F40]  }
0xa7: {  	v4 =	vmax.f32 v4, $0.0e+00  }
0xa8: {  	_ = 	snop  }
0xa9: {  	s20 =	sshll.u32 s19, $0x1;
	v1 =	vadd.f32 v3, v1  }
0xaa: {  	s23 =	sadd.s32 $0x2, s20  }
0xab: {  	s24 =	smul.u32 $0x7D, s23;
	v1 =	vadd.f32 v2, v1  }
0xac: {  	[tilespmem:s0+$0x8E80] =	vst v4  }
0xad: {  	[tilespmem:s0+$0x7EE0] =	vst v4;
	s24 =	sadd.s32 s8, s24;
	v1 =	vmax.f32 v1, $0.0e+00  }
0xae: {  	s0 =	sshll.u32 s24, $0x1;
	[tilespmem:s21+$0x8E80] =	vst v1  }
0xaf: {  	s24 =	smul.u32 $0xFA, s19;
	[tilespmem:s21+$0x7EE0] =	vst v1;
	s0 =	sadd.s32 s6, s0;
	s21 =	simm.s32 $0x0  }
0xb0: {  	[tilespmem:s25], [sflag:$0x1] =	stream.linear.gather [hbm4b:s0+s21], $0x7D0, $0x38;
	[tilespmem:$0xEE20] =	vst v63  }
0xb1: {  	s0 =	sadd.s32 s8, s24  }
0xb2: {  	s23 =	sshll.u32 s23, $0x7;
	s0 =	sshll.u32 s0, $0x1  }
0xb3: {  	[tilespmem:s28], [sflag:$0x1] =	stream.indirect.gather [hbm4b:s4+s26], $0x10, s23, s26, $0xb8;
	[tilespmem:$0xEE20] =	vst v63  }
0xb4: {  	s23 =	sadd.s32 $0x2800, s23;
	s0 =	sand.u32 $0x1FFFFFFC, s0  }
0xb5: {  	[tilespmem:s29], [sflag:$0x1] =	stream.indirect.gather [hbm4b:s5+s26], $0x10, s23, s26, $0xb8;
	[tilespmem:$0xEE20] =	vst v63  }
0xb6: {  	s24 =	sshll.u32 s19, $0x8;
	s0 =	sadd.s32 s7, s0  }
0xb7: {  	[hbm4b:s0+s21] =	stream.linear.scatter [tilespmem:s10], [sflag:$0x3], $0x7D0, $0x38;
	[tilespmem:$0xEE20] =	vst v63  }
0xb8: {  	s0 =	sand.u32 $0x3FFFFF00, s24  }
0xb9: {  	s0 =	sadd.s32 $0x2800, s0  }
0xba: {  	[spmem:s2] =	stream.indirect.scatter.add.f32 [tilespmem:s12], [sflag:$0x5], $0x10, s0, s26, $0xb8;
	[tilespmem:$0xEE20] =	vst v63  }
0xbb: {  	_ =	swait.ge [sflag:s22], $0x7D0  }
0xbc: {  	[sflag:s22] =	ssyncset.done $0x0  }
0xbd: {  	[sflag:s22] =	ssyncadd.s32 $0xFFFFF830  }
0xbe: {  	_ =	swait.ge [sflag:s13], $0x7D0  }
0xbf: {  	[sflag:s13] =	ssyncset.done $0x0  }
0xc0: {  	[sflag:s13] =	ssyncadd.s32 $0xFFFFF830  }
0xc1: {  	_ =	swait.ge [sflag:s13], $0x7D0  }
0xc2: {  	[sflag:s13] =	ssyncset.done $0x0  }
0xc3: {  	[sflag:s13] =	ssyncadd.s32 $0xFFFFF830  }
0xc4: {  	_ =	swait.ge [sflag:s13], $0x7D0  }
0xc5: {  	[sflag:s13] =	ssyncset.done $0x0  }
0xc6: {  	[sflag:s13] =	ssyncadd.s32 $0xFFFFF830  }
0xc7: {  	_ =	swait.ge [sflag:s17], $0x7D0  }
0xc8: {  	[sflag:s17] =	ssyncset.done $0x0  }
0xc9: {  	s0 =	simm.s32 $0x0;
	[sflag:s17] =	ssyncadd.s32 $0xFFFFF830  }
0xca: {  	v1 =	vld [tilespmem:s0+$0x57D0]  }
0xcb: {  	v2 =	vld [tilespmem:s0+$0x6770];
	_ =	sdelay $0x1  }
0xcc: {  	v3 =	vld [tilespmem:s0+$0x7710];
	_ =	sdelay $0x2  }
0xcd: {  	s21 =	simm.s32 $0x10;
	v2 =	vadd.f32 v2, v1  }
0xce: {  	v1 =	vld [tilespmem:s21+$0x57D0]  }
0xcf: {  	v4 =	vadd.f32 v3, v2;
	v3 =	vld [tilespmem:s21+$0x6770];
	_ =	sdelay $0x1  }
0xd0: {  	v2 =	vld [tilespmem:s21+$0x7710]  }
0xd1: {  	s23 =	simm.s32 $0x80;
	v4 =	vmax.f32 v4, $0.0e+00  }
.LBB2_11:
0xd2: {  	s24 =	sshra.s32 s23, $0x2;
	[tilespmem:s0+$0x9650] =	vst v4;
	p0 =	sne.s32 s23, $0x1F00  }
.Ltmp4:
0xd3: {  	s23 =	sadd.s32 $0x40, s23;
	v5 =	vadd.f32 v3, v1;
	v1 =	vld [tilespmem:s24+$0x57D0];
	[tilespmem:s0+$0x86B0] =	vst v4;
	(pc) =	sbr.rel @p0 .LBB2_11-.Ltmp4, $4  }
0xd4: {  	s0 =	smov.u32 s21;
	s21 =	smov.u32 s24;
	v3 =	vld [tilespmem:s24+$0x6770]  }
0xd5: {  	v4 =	vadd.f32 v2, v5  }
0xd6: {  	v2 =	vld [tilespmem:s21+$0x7710]  }
0xd7: {  	v4 =	vmax.f32 v4, $0.0e+00  }
0xd8: {  	_ = 	snop  }
0xd9: {  	s23 =	sadd.s32 $0x3, s20;
	v1 =	vadd.f32 v3, v1  }
0xda: {  	s24 =	smul.u32 $0x7D, s23  }
0xdb: {  	v1 =	vadd.f32 v2, v1  }
0xdc: {  	[tilespmem:s0+$0x9650] =	vst v4;
	s24 =	sadd.s32 s8, s24  }
0xdd: {  	[tilespmem:s0+$0x86B0] =	vst v4;
	s24 =	sshll.u32 s24, $0x1;
	v1 =	vmax.f32 v1, $0.0e+00  }
0xde: {  	s0 =	sand.u32 $0x1FFFFFFE, s24;
	s24 =	sor.u32 $0x1, s20;
	[tilespmem:s21+$0x9650] =	vst v1  }
0xdf: {  	[tilespmem:s21+$0x86B0] =	vst v1;
	s0 =	sadd.s32 s6, s0;
	s21 =	smul.u32 $0x7D, s24  }
0xe0: {  	[tilespmem:s30], [sflag:$0x2] =	stream.linear.gather [hbm4b:s0+s3], $0x7D0, $0x38;
	[tilespmem:$0xEE20] =	vst v63  }
0xe1: {  	s23 =	sshll.u32 s23, $0x7;
	s0 =	sadd.s32 s8, s21  }
0xe2: {  	[tilespmem:s1], [sflag:$0x2] =	stream.indirect.gather [hbm4b:s4+s26], $0x10, s23, s26, $0xb8;
	[tilespmem:$0xEE20] =	vst v63  }
0xe3: {  	s0 =	sshll.u32 s0, $0x1  }
0xe4: {  	s21 =	sadd.s32 $0x2800, s23;
	s0 =	sand.u32 $0x1FFFFFFE, s0  }
0xe5: {  	[tilespmem:s31], [sflag:$0x2] =	stream.indirect.gather [hbm4b:s5+s26], $0x10, s21, s26, $0xb8;
	[tilespmem:$0xEE20] =	vst v63  }
0xe6: {  	s19 =	sadd.s32 $0x1, s19;
	s24 =	sshll.u32 s24, $0x7;
	s0 =	sadd.s32 s7, s0  }
0xe7: {  	[hbm4b:s0+s3] =	stream.linear.scatter [tilespmem:s14], [sflag:$0x4], $0x7D0, $0x38;
	[tilespmem:$0xEE20] =	vst v63  }
0xe8: {  	p0 =	sne.s32 s19, $0x27;
	s0 =	sand.u32 $0x3FFFFF80, s24  }
.Ltmp5:
0xe9: {  	s0 =	sadd.s32 $0x2800, s0;
	(pc) =	sbr.rel @p0 .LBB2_8-.Ltmp5, $4  }
0xea: {  	[spmem:s2] =	stream.indirect.scatter.add.f32 [tilespmem:s15], [sflag:$0x5], $0x10, s0, s26, $0xb8;
	[tilespmem:$0xEE20] =	vst v63  }
0xeb: {  	_ =	swait.ge [sflag:s22], $0x7D0  }
0xec: {  	[sflag:s22] =	ssyncset.done $0x0  }
0xed: {  	[sflag:s22] =	ssyncadd.s32 $0xFFFFF830  }
0xee: {  	_ =	swait.ge [sflag:s9], $0x7D0  }
0xef: {  	[sflag:s9] =	ssyncset.done $0x0  }
0xf0: {  	[sflag:s9] =	ssyncadd.s32 $0xFFFFF830  }
0xf1: {  	_ =	swait.ge [sflag:s9], $0x7D0  }
0xf2: {  	[sflag:s9] =	ssyncset.done $0x0  }
0xf3: {  	[sflag:s9] =	ssyncadd.s32 $0xFFFFF830  }
0xf4: {  	_ =	swait.ge [sflag:s9], $0x7D0  }
0xf5: {  	[sflag:s9] =	ssyncset.done $0x0  }
0xf6: {  	[sflag:s9] =	ssyncadd.s32 $0xFFFFF830  }
0xf7: {  	_ =	swait.ge [sflag:s16], $0x7D0  }
0xf8: {  	[sflag:s16] =	ssyncset.done $0x0  }
0xf9: {  	s0 =	simm.s32 $0x0;
	[sflag:s16] =	ssyncadd.s32 $0xFFFFF830  }
0xfa: {  	v1 =	vld [tilespmem:s0+$0x5000]  }
0xfb: {  	v2 =	vld [tilespmem:s0+$0x5FA0];
	_ =	sdelay $0x1  }
0xfc: {  	v3 =	vld [tilespmem:s0+$0x6F40];
	_ =	sdelay $0x2  }
0xfd: {  	s19 =	simm.s32 $0x10;
	v2 =	vadd.f32 v2, v1  }
0xfe: {  	v1 =	vld [tilespmem:s19+$0x5000]  }
0xff: {  	v4 =	vadd.f32 v3, v2;
	v3 =	vld [tilespmem:s19+$0x5FA0];
	_ =	sdelay $0x1  }
0x100: {  	v2 =	vld [tilespmem:s19+$0x6F40]  }
0x101: {  	s20 =	simm.s32 $0x80;
	v4 =	vmax.f32 v4, $0.0e+00  }
.LBB2_14:
0x102: {  	s21 =	sshra.s32 s20, $0x2;
	[tilespmem:s0+$0x8E80] =	vst v4;
	p0 =	sne.s32 s20, $0x1F00  }
.Ltmp6:
0x103: {  	s20 =	sadd.s32 $0x40, s20;
	v5 =	vadd.f32 v3, v1;
	v1 =	vld [tilespmem:s21+$0x5000];
	[tilespmem:s0+$0x7EE0] =	vst v4;
	(pc) =	sbr.rel @p0 .LBB2_14-.Ltmp6, $4  }
0x104: {  	s0 =	smov.u32 s19;
	s19 =	smov.u32 s21;
	v3 =	vld [tilespmem:s21+$0x5FA0]  }
0x105: {  	v4 =	vadd.f32 v2, v5  }
0x106: {  	v2 =	vld [tilespmem:s19+$0x6F40]  }
0x107: {  	v4 =	vmax.f32 v4, $0.0e+00  }
0x108: {  	_ = 	snop  }
0x109: {  	v1 =	vadd.f32 v3, v1;
	_ =	sdelay $0x1  }
0x10a: {  	v1 =	vadd.f32 v2, v1  }
0x10b: {  	[tilespmem:s0+$0x8E80] =	vst v4  }
0x10c: {  	[tilespmem:s0+$0x7EE0] =	vst v4;
	v1 =	vmax.f32 v1, $0.0e+00  }
0x10d: {  	[tilespmem:s19+$0x8E80] =	vst v1  }
0x10e: {  	s21 =	simm.s32 $0x0;
	s23 =	rddreg [dreg:$0xb];
	[tilespmem:s19+$0x7EE0] =	vst v1  }
0x10f: {  	[hbm4b:s23+s21] =	stream.linear.scatter [tilespmem:s10], [sflag:$0x3], $0x7D0, $0x38;
	[tilespmem:$0xEE20] =	vst v63  }
0x110: {  	s24 =	simm.s32 $0x4F00  }
0x111: {  	[spmem:s2] =	stream.indirect.scatter.add.f32 [tilespmem:s12], [sflag:$0x5], $0x10, s24, s26, $0xb8;
	[tilespmem:$0xEE20] =	vst v63  }
0x112: {  	_ =	swait.ge [sflag:s22], $0x7D0  }
0x113: {  	[sflag:s22] =	ssyncset.done $0x0  }
0x114: {  	[sflag:s22] =	ssyncadd.s32 $0xFFFFF830  }
0x115: {  	_ =	swait.ge [sflag:s13], $0x7D0  }
0x116: {  	[sflag:s13] =	ssyncset.done $0x0  }
0x117: {  	[sflag:s13] =	ssyncadd.s32 $0xFFFFF830  }
0x118: {  	_ =	swait.ge [sflag:s13], $0x7D0  }
0x119: {  	[sflag:s13] =	ssyncset.done $0x0  }
0x11a: {  	[sflag:s13] =	ssyncadd.s32 $0xFFFFF830  }
0x11b: {  	_ =	swait.ge [sflag:s13], $0x7D0  }
0x11c: {  	[sflag:s13] =	ssyncset.done $0x0  }
0x11d: {  	[sflag:s13] =	ssyncadd.s32 $0xFFFFF830  }
0x11e: {  	_ =	swait.ge [sflag:s17], $0x7D0  }
0x11f: {  	[sflag:s17] =	ssyncset.done $0x0  }
0x120: {  	s0 =	simm.s32 $0x0;
	[sflag:s17] =	ssyncadd.s32 $0xFFFFF830  }
0x121: {  	v1 =	vld [tilespmem:s0+$0x57D0]  }
0x122: {  	v2 =	vld [tilespmem:s0+$0x6770];
	_ =	sdelay $0x1  }
0x123: {  	v3 =	vld [tilespmem:s0+$0x7710];
	_ =	sdelay $0x2  }
0x124: {  	s19 =	simm.s32 $0x10;
	v2 =	vadd.f32 v2, v1  }
0x125: {  	v1 =	vld [tilespmem:s19+$0x57D0]  }
0x126: {  	v4 =	vadd.f32 v3, v2;
	v3 =	vld [tilespmem:s19+$0x6770];
	_ =	sdelay $0x1  }
0x127: {  	v2 =	vld [tilespmem:s19+$0x7710]  }
0x128: {  	s20 =	simm.s32 $0x80;
	s23 =	simm.s32 $0x2800;
	s24 =	simm.s32 $0x2880;
	v4 =	vmax.f32 v4, $0.0e+00  }
.LBB2_16:
0x129: {  	s21 =	sshra.s32 s20, $0x2;
	[tilespmem:s0+$0x9650] =	vst v4;
	p0 =	sne.s32 s20, $0x1F00  }
.Ltmp7:
0x12a: {  	s20 =	sadd.s32 $0x40, s20;
	v5 =	vadd.f32 v3, v1;
	v1 =	vld [tilespmem:s21+$0x57D0];
	[tilespmem:s0+$0x86B0] =	vst v4;
	(pc) =	sbr.rel @p0 .LBB2_16-.Ltmp7, $4  }
0x12b: {  	s0 =	smov.u32 s19;
	s19 =	smov.u32 s21;
	v3 =	vld [tilespmem:s21+$0x6770]  }
0x12c: {  	v4 =	vadd.f32 v2, v5  }
0x12d: {  	v2 =	vld [tilespmem:s19+$0x7710]  }
0x12e: {  	v4 =	vmax.f32 v4, $0.0e+00  }
0x12f: {  	_ = 	snop  }
0x130: {  	v1 =	vadd.f32 v3, v1;
	_ =	sdelay $0x1  }
0x131: {  	v1 =	vadd.f32 v2, v1  }
0x132: {  	[tilespmem:s0+$0x9650] =	vst v4  }
0x133: {  	[tilespmem:s0+$0x86B0] =	vst v4;
	v1 =	vmax.f32 v1, $0.0e+00  }
0x134: {  	[tilespmem:s19+$0x9650] =	vst v1  }
0x135: {  	s20 =	rddreg [dreg:$0xc];
	[tilespmem:s19+$0x86B0] =	vst v1  }
0x136: {  	[hbm4b:s20+s3] =	stream.linear.scatter [tilespmem:s14], [sflag:$0x4], $0x7D0, $0x38;
	[tilespmem:$0xEE20] =	vst v63  }
0x137: {  	s21 =	simm.s32 $0x4F80  }
0x138: {  	[spmem:s2] =	stream.indirect.scatter.add.f32 [tilespmem:s15], [sflag:$0x5], $0x10, s21, s26, $0xb8;
	[tilespmem:$0xEE20] =	vst v63  }
0x139: {  	_ =	swait.ge [sflag:s22], $0x7D0  }
0x13a: {  	[sflag:s22] =	ssyncset.done $0x0  }
0x13b: {  	[sflag:s22] =	ssyncadd.s32 $0xFFFFF830  }
0x13c: {  	_ =	swait.ge [sflag:s16], $0x7D0  }
0x13d: {  	[sflag:s16] =	ssyncset.done $0x0  }
0x13e: {  	[sflag:s16] =	ssyncadd.s32 $0xFFFFF830  }
0x13f: {  	_ =	swait.ge [sflag:s17], $0x7D0  }
0x140: {  	[sflag:s17] =	ssyncset.done $0x0  }
0x141: {  	[sflag:s17] =	ssyncadd.s32 $0xFFFFF830  }
0x142: {  	s20 =	simm.s32 $0x9E20;
	[bflag:$0x0] =	sbarrier.arrive $0xFFFF  }
0x143: {  	[tilespmem:s20], [sflag:$0x5] =	stream.linear.gather [spmem:s11], $0x2800, $0x38;
	[tilespmem:$0xEE20] =	vst v63  }
0x144: {  	_ =	swait.ge [sflag:s22], $0x2800  }
0x145: {  	[sflag:s22] =	ssyncset.done $0x0  }
0x146: {  	s19 =	rddreg [dreg:$0xd];
	[sflag:s22] =	ssyncadd.s32 $0xFFFFD800  }
0x147: {  	[hbm4b:s19+s3] =	stream.linear.scatter [tilespmem:s20], [sflag:$0x5], $0x2800, $0x38;
	[tilespmem:$0xEE20] =	vst v63  }
0x148: {  	_ =	swait.ge [sflag:s22], $0x2800  }
0x149: {  	s18 =	sadd.s32 $0x1, s18;
	s21 =	rddreg [dreg:$0xe]  }
0x14a: {  	p0 =	sne.s32 s18, s21  }
.Ltmp8:
0x14b: {  	_ = 	snop;
	(pc) =	sbr.rel @p0 .LBB2_1-.Ltmp8, $3  }
0x14c: {  	_ =	sdelay $0x1  }
0x14d: {  	[sflag:s22] =	ssyncset.done $0x0  }
0x14e: {  	[sflag:s22] =	ssyncadd.s32 $0xFFFFD800  }
0x14f: {  	_ =	sfence.sel $0x180000  }
0x150: {  	[bflag:$0x0] =	sbarrier.arrive $0xFFFF  }
0x151: {  	_ =	strace $0x9000004A  }
0x152: {  	s0 =	stileid.u32;
	[bflag:$0x2] =	sbarrier.arrive $0xFFFF  }
0x153: {  	p0 =	sne.s32 s0, $0x0;
	s0 =	rddreg [dreg:$0x2]  }
0x154: {  	s0 =	sadd.s32 @!p0 $0x100000, s0  }
0x155: {  	[sflag:s0] =	ssyncadd.tile.s32 @!p0 $0x1;
	_ =	shalt  }
.Lfunc_end2:
_tile_overlayer_lowered:
.L_overlay_start_2:
0x156: {  	(tag) =	ssettag $0x2  }
0x157: {  	s0 =	rddreg [dreg:$0x0];
	s2 =	stileid.u32  }
0x158: {  	s1 =	rddreg [dreg:$0x1];
	p0 =	sne.s32 s2, $0x0  }
0x159: {  	s3 =	rddreg [dreg:$0x2];
	[bflag:$0x3] =	sbarrier.arrive $0xFFFF;
	s2 =	simm.s32 @!p0 $0x1C05  }
0x15a: {  	[timem:s3], [sflag:s2] =	dma.local @!p0 [hbm:s0], s1  }
0x15b: {  	s0 =	simm.s32 @!p0 $0x5  }
0x15c: {  	_ =	swait.ge @!p0 [sflag:s0], s1  }
0x15d: {  	s1 =	ssub.s32 @!p0 $0x0, s1;
	[sflag:s0] =	ssyncset.done @!p0 $0x0  }
0x15e: {  	[sflag:s0] =	ssyncadd.s32 @!p0 s1  }
0x15f: {  	[bflag:$0x3] =	sbarrier.arrive $0xFFFF  }
0x160: {  	_ =	shalt  }

// kernel: kernel.18.cloned.1.call-start
scs
__scs_entry_jumppad:
0x0: {  	(pc) =	sbr.rel $0x88, $3  }
0x1: {  	(tag) =	ssettag $0x0;
	lr =	simm.s32 $0x1  }
0x2: {  	[smem:$0x3F9A] =	sst lr;
	_ =	strace $0xD0000000  }
0x3: {  	_ = 	snop  }
0x4: {  	_ = 	snop  }
0x5: {  	_ = 	snop  }
0x6: {  	_ = 	snop  }
0x7: {  	_ = 	snop  }
__scs_overlays_trampoline_lowered:
0x8: {  	[smem:$0x3FA9] =	sst s0  }
0x9: {  	[smem:$0x3FAA] =	sst s1  }
0xa: {  	[smem:$0x3FAB] =	sst s2  }
0xb: {  	[smem:$0x3FAC] =	sst s3  }
0xc: {  	[smem:$0x3FAD] =	sst s4  }
0xd: {  	[smem:$0x3FAE] =	sst s5  }
0xe: {  	[smem:$0x3FAF] =	sst s6  }
0xf: {  	[smem:$0x3FB0] =	sst s7  }
0x10: {  	[smem:$0x3FB1] =	sst s8  }
0x11: {  	[smem:$0x3FB2] =	sst s9;
	s0 =	simm.s32 @!p0 $0x0  }
0x12: {  	s1 =	sld [smem:$0x3F98];
	s0 =	simm.s32 @p0 $0x1  }
0x13: {  	[smem:$0x3FB3] =	sst s0;
	s0 =	simm.s32 @!p1 $0x0  }
0x14: {  	s2 =	sld [smem:$0x3F97];
	s0 =	simm.s32 @p1 $0x1  }
0x15: {  	[smem:$0x3FB4] =	sst s0;
	s0 =	simm.s32 @!p2 $0x0  }
0x16: {  	s3 =	sld [smem:$0x3FDB];
	s0 =	simm.s32 @p2 $0x1  }
0x17: {  	s4 =	simm.s32 $0x1BF5;
	[smem:$0x3FB6] =	sst s0  }
0x18: {  	s0 =	sld [smem:$0x3F99];
	_ =	swait.ge [sflag:s4], $0x0  }
0x19: {  	s7 =	sld [smem:$0x3F9A]  }
0x1a: {  	s8 =	sadd.s32 $0xFFFFE003, lr  }
0x1b: {  	s9 =	sadd.s32 $0xFFFFFEF7, lr;
	s5 =	simm.s32 $0xFFFFFFFF;
	p2 =	slt.u32 s8, $0xFFFFF086  }
0x1c: {  	p1 =	slt.u32 s9, $0xF7A;
	s5 =	simm.s32 @!p2 $0x0  }
0x1d: {  	s5 =	simm.s32 @p1 $0x1;
	p0 =	seq.s32 s7, s2  }
0x1e: {  	s7 =	smul.u32 @!p0 $0xF7A, s2;
	p2 =	seq.s32 @!p0 s5, $0x0  }
0x1f: {  	s9 =	smul.u32 $0xF7A, s1;
	s8 =	simm.s32 @!p0 $0x1BF5;
	p2 =	por !p2, p0  }
0x20: {  	[sflag:s8] =	ssyncset.s32 @!p0 $0xFFFFF086;
	s6 =	sadd.s32 @!p0 s3, s7;
	s7 =	simm.s32 @!p0 $0x108  }
0x21: {  	s3 =	sadd.s32 s3, s9;
	s6 =	sadd.s32 @!p0 $0x88, s6;
	s7 =	simm.s32 @p2 $0x1082  }
0x22: {  	[simem:s7], [sflag:s8] =	dma.local @!p0 [hbm:s6], $0xF7A  }
0x23: {  	s9 =	sor.u32 $0xD0000000, s2;
	s6 =	simm.s32 $0x108;
	_ =	swait.ge @!p0 [sflag:s8], $0x0  }
0x24: {  	s3 =	sadd.s32 $0x88, s3;
	s6 =	simm.s32 @!p1 $0x1082;
	[sflag:s4] =	ssyncset.s32 $0xFFFFF086  }
0x25: {  	[simem:s6], [sflag:s4] =	dma.local [hbm:s3], $0xF7A  }
0x26: {  	[smem:$0x3F9A] =	sst s1;
	(tag) =	ssettag s2;
	_ =	strace s9  }
0x27: {  	s1 =	sld [smem:$0x3FAA]  }
0x28: {  	s2 =	sld [smem:$0x3FAB]  }
0x29: {  	s4 =	sld [smem:$0x3FAD]  }
0x2a: {  	p0 =	seq.s32 s5, $0x0;
	s5 =	sld [smem:$0x3FAE]  }
0x2b: {  	s6 =	sld [smem:$0x3FAF]  }
0x2c: {  	s7 =	sld [smem:$0x3FB0]  }
0x2d: {  	s3 =	simm.s32 $0x108;
	s8 =	sld [smem:$0x3FB1]  }
0x2e: {  	s3 =	simm.s32 @!p0 $0x1082;
	s9 =	sld [smem:$0x3FB2]  }
0x2f: {  	lr =	sadd.s32 s0, s3;
	s0 =	sld [smem:$0x3FA9]  }
0x30: {  	s3 =	sld [smem:$0x3FAC]  }
0x31: {  	[smem:$0x3FB5] =	sst s10  }
0x32: {  	s10 =	sld [smem:$0x3FB3];
	_ =	sdelay $0x3  }
0x33: {  	p0 =	seq.s32 s10, $0x1;
	s10 =	sld [smem:$0x3FB5];
	_ =	sdelay $0x3  }
0x34: {  	[smem:$0x3FB5] =	sst s10  }
0x35: {  	s10 =	sld [smem:$0x3FB4];
	_ =	sdelay $0x3  }
0x36: {  	p1 =	seq.s32 s10, $0x1;
	s10 =	sld [smem:$0x3FB5];
	_ =	sdelay $0x3  }
0x37: {  	[smem:$0x3FB5] =	sst s10  }
0x38: {  	s10 =	sld [smem:$0x3FB6]  }
0x39: {  	_ = 	snop;
	(pc) =	sbr.ind lr, $3  }
0x3a: {  	_ = 	snop  }
0x3b: {  	_ = 	snop  }
0x3c: {  	p2 =	seq.s32 s10, $0x1;
	s10 =	sld [smem:$0x3FB5]  }
0x3d: {  	_ =	shalt  }
0x3e: {  	_ =	shalt  }
0x3f: {  	_ =	shalt  }
0x40: {  	_ =	shalt  }
0x41: {  	_ =	shalt  }
0x42: {  	_ =	shalt  }
0x43: {  	_ =	shalt  }
0x44: {  	_ =	shalt  }
0x45: {  	_ =	shalt  }
0x46: {  	_ =	shalt  }
0x47: {  	_ =	shalt  }
0x48: {  	_ =	shalt  }
0x49: {  	_ =	shalt  }
0x4a: {  	_ =	shalt  }
0x4b: {  	_ =	shalt  }
0x4c: {  	_ =	shalt  }
0x4d: {  	_ =	shalt  }
0x4e: {  	_ =	shalt  }
0x4f: {  	_ =	shalt  }
0x50: {  	_ =	shalt  }
0x51: {  	_ =	shalt  }
0x52: {  	_ =	shalt  }
0x53: {  	_ =	shalt  }
0x54: {  	_ =	shalt  }
0x55: {  	_ =	shalt  }
0x56: {  	_ =	shalt  }
0x57: {  	_ =	shalt  }
0x58: {  	_ =	shalt  }
0x59: {  	_ =	shalt  }
0x5a: {  	_ =	shalt  }
0x5b: {  	_ =	shalt  }
0x5c: {  	_ =	shalt  }
0x5d: {  	_ =	shalt  }
0x5e: {  	_ =	shalt  }
0x5f: {  	_ =	shalt  }
0x60: {  	_ =	shalt  }
0x61: {  	_ =	shalt  }
0x62: {  	_ =	shalt  }
0x63: {  	_ =	shalt  }
0x64: {  	_ =	shalt  }
0x65: {  	_ =	shalt  }
0x66: {  	_ =	shalt  }
0x67: {  	_ =	shalt  }
0x68: {  	_ =	shalt  }
0x69: {  	_ =	shalt  }
0x6a: {  	_ =	shalt  }
0x6b: {  	_ =	shalt  }
0x6c: {  	_ =	shalt  }
0x6d: {  	_ =	shalt  }
0x6e: {  	_ =	shalt  }
0x6f: {  	_ =	shalt  }
0x70: {  	_ =	shalt  }
0x71: {  	_ =	shalt  }
0x72: {  	_ =	shalt  }
0x73: {  	_ =	shalt  }
0x74: {  	_ =	shalt  }
0x75: {  	_ =	shalt  }
0x76: {  	_ =	shalt  }
0x77: {  	_ =	shalt  }
0x78: {  	_ =	shalt  }
0x79: {  	_ =	shalt  }
0x7a: {  	_ =	shalt  }
0x7b: {  	_ =	shalt  }
0x7c: {  	_ =	shalt  }
0x7d: {  	_ =	shalt  }
0x7e: {  	_ =	shalt  }
0x7f: {  	_ =	shalt  }
0x80: {  	_ =	shalt  }
0x81: {  	_ =	shalt  }
0x82: {  	_ =	shalt  }
0x83: {  	_ =	shalt  }
0x84: {  	_ =	shalt  }
0x85: {  	_ =	shalt  }
0x86: {  	_ =	shalt  }
0x87: {  	_ =	shalt  }
.Lfunc_end0:
.L_simem_size_0:
called_computation.2_lowered:
.L_overlay_start_0:
0x88: {  	s2 =	sld [smem:$0x3FD9]  }
0x89: {  	s3 =	sld [smem:$0x3FFE];
	_ =	sdelay $0x1  }
0x8a: {  	s1 =	srdreg.scid  }
0x8b: {  	s0 =	sand.u32 $0x1, s1  }
0x8c: {  	s14 =	sshll.u32 s0, $0xA;
	s2 =	sadd.s32 s3, s2  }
0x8d: {  	s2 =	sadd.s32 s2, s14  }
0x8e: {  	[smem:$0x3FC1] =	sst s2  }
0x8f: {  	_ = 	snop  }
0x90: {  	s2 =	sld [smem:$0x3FD0];
	_ =	sdelay $0x2  }
0x91: {  	s15 =	simm.s32 $0xA;
	s4 =	simm.s32 $0x10  }
0x92: {  	[smem:s4], [sflag:s15] =	dma.local [hbm:s2], $0x1  }
0x93: {  	_ =	swait.eq [sflag:s15], $0x1  }
0x94: {  	[sflag:s15] =	ssyncset.done $0x0  }
0x95: {  	[sflag:s15] =	ssyncadd.s32 $0xFFFFFFFF  }
0x96: {  	s16 =	sld [smem:$0x11];
	(tm) =	ssettm $0x1  }
0x97: {  	s17 =	sld [smem:$0x3FFB];
	_ =	sdelay $0x3  }
0x98: {  	_ =	strace s17  }
0x99: {  	s3 =	sld [smem:$0x3FFC];
	_ =	sdelay $0x3  }
0x9a: {  	_ =	strace s3  }
0x9b: {  	s3 =	sld [smem:$0x3FFD];
	_ =	sdelay $0x3  }
0x9c: {  	_ =	strace s3  }
0x9d: {  	_ =	strace $0x8FFFFFFF  }
0x9e: {  	s18 =	sld [smem:$0x3FDB];
	_ =	sdelay $0x1  }
0x9f: {  	s19 =	simm.s32 $_scs_section_size  }
0xa0: {  	s5 =	simm.s32 $_size__tile_overlayer_lowered;
	s6 =	simm.s32 $_tile_overlayer_lowered  }
0xa1: {  	s22 =	simm.s32 $0x1BFF;
	s21 =	sshll.u32 s6, $0x1;
	s3 =	sadd.s32 s19, s18  }
0xa2: {  	s7 =	simm.s32 $0x0;
	s20 =	sshll.u32 s5, $0x1;
	s5 =	sadd.s32 s21, s3  }
0xa3: {  	[timem:s7], [sflag:s22] =	dma.local [hbm:s5], s20  }
0xa4: {  	_ =	swait.ge [sflag:s22], s20  }
0xa5: {  	s4 =	ssub.s32 $0x0, s20;
	[sflag:s22] =	ssyncset.done $0x0  }
0xa6: {  	[sflag:s22] =	ssyncadd.s32 s4;
	_ =	sdelay $0x1  }
0xa7: {  	s23 =	simm.s32 $0x1B8B  }
0xa8: {  	_ =	swait.ge [sflag:s23], $0x1  }
0xa9: {  	[sflag:s23] =	ssyncset.done $0x0  }
0xaa: {  	s25 =	simm.s32 $0x1B8E;
	s24 =	sld [smem:$0x3FFE];
	[sflag:s23] =	ssyncadd.s32 $0xFFFFFFFF  }
0xab: {  	s26 =	simm.s32 $execute0_lowered;
	[smem:$0x3FD2] =	sst s25  }
0xac: {  	s5 =	sshll.u32 s26, $0x1;
	_ =	strace $0x8000004C;
	[dreg:$0x1] =	wrdreg $0xFFFFFFFF  }
0xad: {  	s28 =	simm.s32 $_size_execute0_lowered;
	s3 =	sadd.s32 s3, s5;
	[dreg:$0x0] =	wrdreg $0x0  }
0xae: {  	s5 =	sshll.u32 s28, $0x1;
	[dreg:$0x2] =	wrdreg s3  }
0xaf: {  	[dreg:$0x3] =	wrdreg s5  }
0xb0: {  	[dreg:$0x4] =	wrdreg $0xC0  }
0xb1: {  	_ =	task [dreg:s7], $0x5FFFF  }
0xb2: {  	[dreg:$0x1] =	wrdreg $0xFFFFFFFF  }
0xb3: {  	[dreg:$0x0] =	wrdreg $0x60  }
0xb4: {  	[dreg:$0x2] =	wrdreg s24  }
0xb5: {  	[dreg:$0x3] =	wrdreg s16  }
0xb6: {  	[dreg:$0x4] =	wrdreg $0xC6200  }
0xb7: {  	[dreg:$0x5] =	wrdreg $0x9  }
0xb8: {  	_ =	task.clear_ibuf [dreg:s7], $0x6FFFF;
	_ =	strace $0x9000004C  }
0xb9: {  	s29 =	simm.s32 $0x9;
	_ =	strace $0x8000004E  }
0xba: {  	_ =	swait.ge [sflag:s29], $0x1  }
0xbb: {  	[sflag:s29] =	ssyncadd.s32 $0xFFFFFFFF  }
0xbc: {  	_ =	strace $0x9000004E  }
0xbd: {  	_ =	sfence  }
0xbe: {  	s30 =	sld [smem:$0x0];
	_ =	sdelay $0x2  }
0xbf: {  	s31 =	sshll.u32 s1, $0xD;
	s1 =	sshrl.u32 s1, $0x2  }
0xc0: {  	s3 =	sand.u32 $0x4000, s31;
	s1 =	sadd.s32 s1, s30  }
0xc1: {  	s0 =	sor.u32 s3, s0;
	s1 =	sshll.u32 s1, $0x11  }
0xc2: {  	s0 =	sor.u32 s1, s0  }
0xc3: {  	s0 =	sadd.s32 $0x8F2B, s0  }
0xc4: {  	[sflag:s0] =	ssyncadd.remote.s32 $0x1  }
0xc5: {  	_ =	sfence.sel $0xFFFF  }
0xc6: {  	[dreg:$0x0] =	wrdreg $0xFFFFFFFF;
	(pc) =	sbr.abs _section_cstart, $3  }
0xc7: {  	[dreg:$0x1] =	wrdreg $0xFFFFFFFF  }
0xc8: {  	_ =	task.clear_ibuf [dreg:s7], $0x2FFFF;
	_ =	strace $0x9FFFFFFF  }
0xc9: {  	(tm) =	ssettm $0x7FFFFFFF  }
tec
execute0_lowered:
.L_overlay_start_1:
0x0: {  	(tag) =	ssettag $0x1  }
0x1: {  	s0 =	rddreg [dreg:$0x0];
	s1 =	srdreg.scid  }
0x2: {  	s6 =	stileid.u32;
	s2 =	rddreg [dreg:$0x1]  }
0x3: {  	s3 =	rddreg [dreg:$0x2];
	s28 =	simm.s32 $0x5000;
	s29 =	simm.s32 $0x5FA0  }
0x4: {  	s30 =	simm.s32 $0x7710;
	s31 =	simm.s32 $0x6770;
	s15 =	simm.s32 $0x86B0  }
0x5: {  	s16 =	simm.s32 $0x3;
	s1 =	sand.u32 $0x1, s1;
	s4 =	sshll.u32 s6, $0x1  }
0x6: {  	s10 =	smul.u32 $0x2800, s6;
	s6 =	sadd.s32 $0x1D000, s0;
	s7 =	sadd.s32 $0x2C000, s0  }
0x7: {  	s9 =	sor.u32 s1, s4;
	s4 =	simm.s32 $0x0;
	s8 =	smul.u32 $0x28000, s1  }
0x8: {  	s1 =	ssub.s32 $0x2, s1;
	s5 =	smul.u32 $0x500, s9;
	[smem:$0x7FF] =	sst s4  }
0x9: {  	s12 =	sshrl.u32 s1, $0x1;
	s13 =	smul.u32 $0x27100, s9;
	_ =	strace $0x8000004D  }
0xa: {  	s8 =	sadd.s32 s10, s8;
	s1 =	ssub.s32 s1, s12;
	s12 =	simm.s32 $0x7EE0  }
0xb: {  	s11 =	sadd.s32 s5, s0;
	s5 =	sadd.s32 $0x18000, s0;
	s8 =	sshrl.u32 s8, $0x3  }
0xc: {  	s18 =	sshrl.u32 s13, $0x3;
	s26 =	smax.u32 s1, $0x1;
	s1 =	simm.s32 $0x57D0  }
0xd: {  	s13 =	simm.s32 $0x2;
	s0 =	sadd.s32 s8, s0;
	s8 =	smul.u32 $0x2710, s9  }
0xe: {  	s17 =	sadd.s32 $0x4000, s11;
	s9 =	smul.u32 $0x4E20, s9;
	s11 =	sadd.s32 $0xE000, s11  }
0xf: {  	s19 =	sadd.s32 $0xFA, s18;
	s22 =	sadd.s32 s2, s18;
	[dreg:$0xf] =	wrdreg s26  }
0x10: {  	s23 =	sadd.s32 s7, s18;
	s26 =	simm.s32 $0x7D;
	[dreg:$0x4] =	wrdreg s17  }
0x11: {  	s18 =	simm.s32 $0x0;
	[dreg:$0x5] =	wrdreg s11;
	s21 =	sadd.s32 s2, s19  }
0x12: {  	s11 =	sadd.s32 s10, s3;
	s14 =	sadd.s32 $0x1F4, s22;
	[dreg:$0x7] =	wrdreg s21  }
0x13: {  	s24 =	sadd.s32 $0x2EE, s22;
	s10 =	sadd.s32 s7, s19;
	[dreg:$0x8] =	wrdreg s14  }
0x14: {  	s25 =	sadd.s32 $0x4C2C, s23;
	s0 =	sadd.s32 $0x22000, s0;
	[dreg:$0xa] =	wrdreg s24  }
0x15: {  	s22 =	simm.s32 $0x5;
	s17 =	simm.s32 $0x4;
	[dreg:$0xb] =	wrdreg s10  }
0x16: {  	s20 =	sadd.s32 s2, s9;
	s9 =	sadd.s32 s7, s9;
	[dreg:$0xc] =	wrdreg s25  }
0x17: {  	[dreg:$0xe] =	wrdreg s0;
	s25 =	simm.s32 $0x6F40;
	s24 =	simm.s32 $0x2880  }
0x18: {  	s10 =	simm.s32 $0x8E80;
	s14 =	simm.s32 $0x9650;
	[dreg:$0x6] =	wrdreg s20  }
0x19: {  	[dreg:$0x9] =	wrdreg s9;
	s9 =	sadd.s32 $0x4D26, s23;
	s23 =	simm.s32 $0x2800  }
0x1a: {  	v0 =	vimm.f32 $0.0e+00;
	s20 =	simm.s32 $0x9E20;
	[dreg:$0xd] =	wrdreg s9;
	s9 =	simm.s32 $0x1  }
.LBB2_1:
0x1b: {  	s0 =	rddreg [dreg:$0x4]  }
0x1c: {  	[tilespmem:s4], [sflag:$0x5] =	stream.linear.gather [hbm4b:s0+s4], $0x2800, $0x38;
	[tilespmem:$0xEE20] =	vst v63  }
0x1d: {  	_ =	swait.ge [sflag:s22], $0x2800  }
0x1e: {  	[sflag:s22] =	ssyncset.done $0x0  }
0x1f: {  	s21 =	rddreg [dreg:$0x5];
	[sflag:s22] =	ssyncadd.s32 $0xFFFFD800  }
0x20: {  	[tilespmem:s23], [sflag:$0x5] =	stream.linear.gather [hbm4b:s21+s4], $0x2800, $0x38;
	[tilespmem:$0xEE20] =	vst v63  }
0x21: {  	_ =	swait.ge [sflag:s22], $0x2800  }
0x22: {  	[sflag:s22] =	ssyncset.done $0x0  }
0x23: {  	s19 =	simm.s32 $0x0;
	s0 =	simm.s32 $0x40;
	[sflag:s22] =	ssyncadd.s32 $0xFFFFD800  }
.LBB2_2:
0x24: {  	p0 =	sne.s32 s0, $0x9FC0;
	[tilespmem:s19+$0x9E20] =	vst v0;
	s19 =	smov.u32 s0;
	s0 =	sadd.s32 $0x40, s0  }
.Ltmp0:
0x25: {  	(pc) =	sbr.rel @p0 .LBB2_2-.Ltmp0, $2  }
0x26: {  	_ =	sdelay $0x2  }
0x27: {  	s19 =	sshra.s32 s19, $0x2  }
0x28: {  	[tilespmem:s19+$0x9E20] =	vst v0  }
0x29: {  	[spmem:s11] =	stream.linear.scatter [tilespmem:s20], [sflag:$0x5], $0x2800, $0x38;
	[tilespmem:$0xEE20] =	vst v63  }
0x2a: {  	_ =	swait.ge [sflag:s22], $0x2800  }
0x2b: {  	[sflag:s22] =	ssyncset.done $0x0  }
0x2c: {  	[sflag:s22] =	ssyncadd.s32 $0xFFFFD800  }
0x2d: {  	[bflag:$0x0] =	sbarrier.arrive $0xFFFF  }
0x2e: {  	s0 =	simm.s32 $0x0;
	s21 =	rddreg [dreg:$0x6]  }
0x2f: {  	[tilespmem:s25], [sflag:$0x1] =	stream.linear.gather [hbm4b:s21+s0], $0x7D0, $0x38;
	[tilespmem:$0xEE20] =	vst v63  }
0x30: {  	_ = 	snop  }
0x31: {  	[tilespmem:s28], [sflag:$0x1] =	stream.indirect.gather [hbm4b:s5+s26], $0x10, s0, s26, $0xb8;
	[tilespmem:$0xEE20] =	vst v63  }
0x32: {  	_ = 	snop  }
0x33: {  	[tilespmem:s29], [sflag:$0x1] =	stream.indirect.gather [hbm4b:s6+s26], $0x10, s23, s26, $0xb8;
	[tilespmem:$0xEE20] =	vst v63  }
0x34: {  	s20 =	rddreg [dreg:$0x7]  }
0x35: {  	[tilespmem:s30], [sflag:$0x2] =	stream.linear.gather [hbm4b:s20+s0], $0x7D0, $0x38;
	[tilespmem:$0xEE20] =	vst v63  }
0x36: {  	s21 =	simm.s32 $0x80  }
0x37: {  	[tilespmem:s1], [sflag:$0x2] =	stream.indirect.gather [hbm4b:s5+s26], $0x10, s21, s26, $0xb8;
	[tilespmem:$0xEE20] =	vst v63  }
0x38: {  	_ = 	snop  }
0x39: {  	[tilespmem:s31], [sflag:$0x2] =	stream.indirect.gather [hbm4b:s6+s26], $0x10, s24, s26, $0xb8;
	[tilespmem:$0xEE20] =	vst v63  }
0x3a: {  	_ =	swait.ge [sflag:s9], $0x7D0  }
0x3b: {  	[sflag:s9] =	ssyncset.done $0x0  }
0x3c: {  	[sflag:s9] =	ssyncadd.s32 $0xFFFFF830  }
0x3d: {  	_ =	swait.ge [sflag:s9], $0x7D0  }
0x3e: {  	[sflag:s9] =	ssyncset.done $0x0  }
0x3f: {  	[sflag:s9] =	ssyncadd.s32 $0xFFFFF830  }
0x40: {  	_ =	swait.ge [sflag:s9], $0x7D0  }
0x41: {  	[sflag:s9] =	ssyncset.done $0x0  }
0x42: {  	s0 =	simm.s32 $0x0;
	[sflag:s9] =	ssyncadd.s32 $0xFFFFF830  }
0x43: {  	v1 =	vld [tilespmem:s0+$0x5000]  }
0x44: {  	v2 =	vld [tilespmem:s0+$0x5FA0];
	_ =	sdelay $0x1  }
0x45: {  	v3 =	vld [tilespmem:s0+$0x6F40];
	_ =	sdelay $0x2  }
0x46: {  	s19 =	simm.s32 $0x10;
	v2 =	vadd.f32 v2, v1  }
0x47: {  	v1 =	vld [tilespmem:s19+$0x5000]  }
0x48: {  	v4 =	vadd.f32 v3, v2;
	v3 =	vld [tilespmem:s19+$0x5FA0];
	_ =	sdelay $0x1  }
0x49: {  	v2 =	vld [tilespmem:s19+$0x6F40]  }
0x4a: {  	s20 =	simm.s32 $0x80;
	v4 =	vmax.f32 v4, $0.0e+00  }
.LBB2_4:
0x4b: {  	s21 =	sshra.s32 s20, $0x2;
	[tilespmem:s0+$0x8E80] =	vst v4;
	p0 =	sne.s32 s20, $0x1F00  }
.Ltmp1:
0x4c: {  	s20 =	sadd.s32 $0x40, s20;
	v5 =	vadd.f32 v3, v1;
	v1 =	vld [tilespmem:s21+$0x5000];
	[tilespmem:s0+$0x7EE0] =	vst v4;
	(pc) =	sbr.rel @p0 .LBB2_4-.Ltmp1, $4  }
0x4d: {  	s0 =	smov.u32 s19;
	s19 =	smov.u32 s21;
	v3 =	vld [tilespmem:s21+$0x5FA0]  }
0x4e: {  	v4 =	vadd.f32 v2, v5  }
0x4f: {  	v2 =	vld [tilespmem:s19+$0x6F40]  }
0x50: {  	v4 =	vmax.f32 v4, $0.0e+00  }
0x51: {  	_ = 	snop  }
0x52: {  	v1 =	vadd.f32 v3, v1;
	_ =	sdelay $0x1  }
0x53: {  	v1 =	vadd.f32 v2, v1  }
0x54: {  	[tilespmem:s0+$0x8E80] =	vst v4  }
0x55: {  	[tilespmem:s0+$0x7EE0] =	vst v4;
	v1 =	vmax.f32 v1, $0.0e+00  }
0x56: {  	[tilespmem:s19+$0x8E80] =	vst v1  }
0x57: {  	s0 =	simm.s32 $0x0;
	s20 =	rddreg [dreg:$0x8];
	[tilespmem:s19+$0x7EE0] =	vst v1  }
0x58: {  	[tilespmem:s25], [sflag:$0x1] =	stream.linear.gather [hbm4b:s20+s0], $0x7D0, $0x38;
	[tilespmem:$0xEE20] =	vst v63  }
0x59: {  	s21 =	simm.s32 $0x100  }
0x5a: {  	[tilespmem:s28], [sflag:$0x1] =	stream.indirect.gather [hbm4b:s5+s26], $0x10, s21, s26, $0xb8;
	[tilespmem:$0xEE20] =	vst v63  }
0x5b: {  	s20 =	simm.s32 $0x2900  }
0x5c: {  	[tilespmem:s29], [sflag:$0x1] =	stream.indirect.gather [hbm4b:s6+s26], $0x10, s20, s26, $0xb8;
	[tilespmem:$0xEE20] =	vst v63  }
0x5d: {  	s21 =	rddreg [dreg:$0x9]  }
0x5e: {  	[hbm4b:s21+s0] =	stream.linear.scatter [tilespmem:s10], [sflag:$0x3], $0x7D0, $0x38;
	[tilespmem:$0xEE20] =	vst v63  }
0x5f: {  	_ = 	snop  }
0x60: {  	[spmem:s3] =	stream.indirect.scatter.add.f32 [tilespmem:s12], [sflag:$0x5], $0x10, s23, s26, $0xb8;
	[tilespmem:$0xEE20] =	vst v63  }
0x61: {  	_ =	swait.ge [sflag:s22], $0x7D0  }
0x62: {  	[sflag:s22] =	ssyncset.done $0x0  }
0x63: {  	[sflag:s22] =	ssyncadd.s32 $0xFFFFF830  }
0x64: {  	_ =	swait.ge [sflag:s13], $0x7D0  }
0x65: {  	[sflag:s13] =	ssyncset.done $0x0  }
0x66: {  	[sflag:s13] =	ssyncadd.s32 $0xFFFFF830  }
0x67: {  	_ =	swait.ge [sflag:s13], $0x7D0  }
0x68: {  	[sflag:s13] =	ssyncset.done $0x0  }
0x69: {  	[sflag:s13] =	ssyncadd.s32 $0xFFFFF830  }
0x6a: {  	_ =	swait.ge [sflag:s13], $0x7D0  }
0x6b: {  	[sflag:s13] =	ssyncset.done $0x0  }
0x6c: {  	s0 =	simm.s32 $0x0;
	[sflag:s13] =	ssyncadd.s32 $0xFFFFF830  }
0x6d: {  	v1 =	vld [tilespmem:s0+$0x57D0]  }
0x6e: {  	v2 =	vld [tilespmem:s0+$0x6770];
	_ =	sdelay $0x1  }
0x6f: {  	v3 =	vld [tilespmem:s0+$0x7710];
	_ =	sdelay $0x2  }
0x70: {  	s19 =	simm.s32 $0x10;
	v2 =	vadd.f32 v2, v1  }
0x71: {  	v1 =	vld [tilespmem:s19+$0x57D0]  }
0x72: {  	v4 =	vadd.f32 v3, v2;
	v3 =	vld [tilespmem:s19+$0x6770];
	_ =	sdelay $0x1  }
0x73: {  	v2 =	vld [tilespmem:s19+$0x7710]  }
0x74: {  	s20 =	simm.s32 $0x80;
	v4 =	vmax.f32 v4, $0.0e+00  }
.LBB2_6:
0x75: {  	s21 =	sshra.s32 s20, $0x2;
	[tilespmem:s0+$0x9650] =	vst v4;
	p0 =	sne.s32 s20, $0x1F00  }
.Ltmp2:
0x76: {  	s20 =	sadd.s32 $0x40, s20;
	v5 =	vadd.f32 v3, v1;
	v1 =	vld [tilespmem:s21+$0x57D0];
	[tilespmem:s0+$0x86B0] =	vst v4;
	(pc) =	sbr.rel @p0 .LBB2_6-.Ltmp2, $4  }
0x77: {  	s0 =	smov.u32 s19;
	s19 =	smov.u32 s21;
	v3 =	vld [tilespmem:s21+$0x6770]  }
0x78: {  	v4 =	vadd.f32 v2, v5  }
0x79: {  	v2 =	vld [tilespmem:s19+$0x7710]  }
0x7a: {  	v4 =	vmax.f32 v4, $0.0e+00  }
0x7b: {  	_ = 	snop  }
0x7c: {  	v1 =	vadd.f32 v3, v1;
	_ =	sdelay $0x1  }
0x7d: {  	v1 =	vadd.f32 v2, v1  }
0x7e: {  	[tilespmem:s0+$0x9650] =	vst v4  }
0x7f: {  	[tilespmem:s0+$0x86B0] =	vst v4;
	v1 =	vmax.f32 v1, $0.0e+00  }
0x80: {  	[tilespmem:s19+$0x9650] =	vst v1  }
0x81: {  	[tilespmem:s19+$0x86B0] =	vst v1;
	s19 =	rddreg [dreg:$0xa]  }
0x82: {  	[tilespmem:s30], [sflag:$0x2] =	stream.linear.gather [hbm4b:s19+s4], $0x7D0, $0x38;
	[tilespmem:$0xEE20] =	vst v63  }
0x83: {  	s20 =	simm.s32 $0x180  }
0x84: {  	[tilespmem:s1], [sflag:$0x2] =	stream.indirect.gather [hbm4b:s5+s26], $0x10, s20, s26, $0xb8;
	[tilespmem:$0xEE20] =	vst v63  }
0x85: {  	s21 =	simm.s32 $0x2980  }
0x86: {  	[tilespmem:s31], [sflag:$0x2] =	stream.indirect.gather [hbm4b:s6+s26], $0x10, s21, s26, $0xb8;
	[tilespmem:$0xEE20] =	vst v63  }
0x87: {  	s23 =	rddreg [dreg:$0xb]  }
0x88: {  	[hbm4b:s23+s4] =	stream.linear.scatter [tilespmem:s14], [sflag:$0x4], $0x7D0, $0x38;
	[tilespmem:$0xEE20] =	vst v63  }
0x89: {  	_ = 	snop  }
0x8a: {  	[spmem:s3] =	stream.indirect.scatter.add.f32 [tilespmem:s15], [sflag:$0x5], $0x10, s24, s26, $0xb8;
	[tilespmem:$0xEE20] =	vst v63  }
0x8b: {  	_ =	swait.ge [sflag:s22], $0x7D0  }
0x8c: {  	[sflag:s22] =	ssyncset.done $0x0  }
0x8d: {  	s19 =	simm.s32 $0x1;
	[sflag:s22] =	ssyncadd.s32 $0xFFFFF830  }
.LBB2_8:
0x8e: {  	_ =	swait.ge [sflag:s9], $0x7D0  }
0x8f: {  	[sflag:s9] =	ssyncset.done $0x0  }
0x90: {  	[sflag:s9] =	ssyncadd.s32 $0xFFFFF830  }
0x91: {  	_ =	swait.ge [sflag:s9], $0x7D0  }
0x92: {  	[sflag:s9] =	ssyncset.done $0x0  }
0x93: {  	[sflag:s9] =	ssyncadd.s32 $0xFFFFF830  }
0x94: {  	_ =	swait.ge [sflag:s9], $0x7D0  }
0x95: {  	[sflag:s9] =	ssyncset.done $0x0  }
0x96: {  	[sflag:s9] =	ssyncadd.s32 $0xFFFFF830  }
0x97: {  	_ =	swait.ge [sflag:s16], $0x7D0  }
0x98: {  	[sflag:s16] =	ssyncset.done $0x0  }
0x99: {  	s0 =	simm.s32 $0x0;
	[sflag:s16] =	ssyncadd.s32 $0xFFFFF830  }
0x9a: {  	v1 =	vld [tilespmem:s0+$0x5000]  }
0x9b: {  	v2 =	vld [tilespmem:s0+$0x5FA0];
	_ =	sdelay $0x1  }
0x9c: {  	v3 =	vld [tilespmem:s0+$0x6F40];
	_ =	sdelay $0x2  }
0x9d: {  	s21 =	simm.s32 $0x10;
	v2 =	vadd.f32 v2, v1  }
0x9e: {  	v1 =	vld [tilespmem:s21+$0x5000]  }
0x9f: {  	v4 =	vadd.f32 v3, v2;
	v3 =	vld [tilespmem:s21+$0x5FA0];
	_ =	sdelay $0x1  }
0xa0: {  	v2 =	vld [tilespmem:s21+$0x6F40]  }
0xa1: {  	s20 =	simm.s32 $0x80;
	v4 =	vmax.f32 v4, $0.0e+00  }
.LBB2_9:
0xa2: {  	s23 =	sshra.s32 s20, $0x2;
	[tilespmem:s0+$0x8E80] =	vst v4;
	p0 =	sne.s32 s20, $0x1F00  }
.Ltmp3:
0xa3: {  	s20 =	sadd.s32 $0x40, s20;
	v5 =	vadd.f32 v3, v1;
	v1 =	vld [tilespmem:s23+$0x5000];
	[tilespmem:s0+$0x7EE0] =	vst v4;
	(pc) =	sbr.rel @p0 .LBB2_9-.Ltmp3, $4  }
0xa4: {  	s0 =	smov.u32 s21;
	s21 =	smov.u32 s23;
	v3 =	vld [tilespmem:s23+$0x5FA0]  }
0xa5: {  	v4 =	vadd.f32 v2, v5  }
0xa6: {  	v2 =	vld [tilespmem:s21+$0x6F40]  }
0xa7: {  	v4 =	vmax.f32 v4, $0.0e+00  }
0xa8: {  	_ = 	snop  }
0xa9: {  	s20 =	sshll.u32 s19, $0x1;
	v1 =	vadd.f32 v3, v1  }
0xaa: {  	s23 =	sadd.s32 $0x2, s20  }
0xab: {  	s24 =	smul.u32 $0x7D, s23;
	v1 =	vadd.f32 v2, v1  }
0xac: {  	[tilespmem:s0+$0x8E80] =	vst v4  }
0xad: {  	[tilespmem:s0+$0x7EE0] =	vst v4;
	s24 =	sadd.s32 s8, s24;
	v1 =	vmax.f32 v1, $0.0e+00  }
0xae: {  	s0 =	sshll.u32 s24, $0x1;
	[tilespmem:s21+$0x8E80] =	vst v1  }
0xaf: {  	s24 =	smul.u32 $0xFA, s19;
	[tilespmem:s21+$0x7EE0] =	vst v1;
	s0 =	sadd.s32 s2, s0;
	s21 =	simm.s32 $0x0  }
0xb0: {  	[tilespmem:s25], [sflag:$0x1] =	stream.linear.gather [hbm4b:s0+s21], $0x7D0, $0x38;
	[tilespmem:$0xEE20] =	vst v63  }
0xb1: {  	s0 =	sadd.s32 s8, s24  }
0xb2: {  	s23 =	sshll.u32 s23, $0x7;
	s0 =	sshll.u32 s0, $0x1  }
0xb3: {  	[tilespmem:s28], [sflag:$0x1] =	stream.indirect.gather [hbm4b:s5+s26], $0x10, s23, s26, $0xb8;
	[tilespmem:$0xEE20] =	vst v63  }
0xb4: {  	s23 =	sadd.s32 $0x2800, s23;
	s0 =	sand.u32 $0x1FFFFFFC, s0  }
0xb5: {  	[tilespmem:s29], [sflag:$0x1] =	stream.indirect.gather [hbm4b:s6+s26], $0x10, s23, s26, $0xb8;
	[tilespmem:$0xEE20] =	vst v63  }
0xb6: {  	s24 =	sshll.u32 s19, $0x8;
	s0 =	sadd.s32 s7, s0  }
0xb7: {  	[hbm4b:s0+s21] =	stream.linear.scatter [tilespmem:s10], [sflag:$0x3], $0x7D0, $0x38;
	[tilespmem:$0xEE20] =	vst v63  }
0xb8: {  	s0 =	sand.u32 $0x3FFFFF00, s24  }
0xb9: {  	s0 =	sadd.s32 $0x2800, s0  }
0xba: {  	[spmem:s3] =	stream.indirect.scatter.add.f32 [tilespmem:s12], [sflag:$0x5], $0x10, s0, s26, $0xb8;
	[tilespmem:$0xEE20] =	vst v63  }
0xbb: {  	_ =	swait.ge [sflag:s22], $0x7D0  }
0xbc: {  	[sflag:s22] =	ssyncset.done $0x0  }
0xbd: {  	[sflag:s22] =	ssyncadd.s32 $0xFFFFF830  }
0xbe: {  	_ =	swait.ge [sflag:s13], $0x7D0  }
0xbf: {  	[sflag:s13] =	ssyncset.done $0x0  }
0xc0: {  	[sflag:s13] =	ssyncadd.s32 $0xFFFFF830  }
0xc1: {  	_ =	swait.ge [sflag:s13], $0x7D0  }
0xc2: {  	[sflag:s13] =	ssyncset.done $0x0  }
0xc3: {  	[sflag:s13] =	ssyncadd.s32 $0xFFFFF830  }
0xc4: {  	_ =	swait.ge [sflag:s13], $0x7D0  }
0xc5: {  	[sflag:s13] =	ssyncset.done $0x0  }
0xc6: {  	[sflag:s13] =	ssyncadd.s32 $0xFFFFF830  }
0xc7: {  	_ =	swait.ge [sflag:s17], $0x7D0  }
0xc8: {  	[sflag:s17] =	ssyncset.done $0x0  }
0xc9: {  	s0 =	simm.s32 $0x0;
	[sflag:s17] =	ssyncadd.s32 $0xFFFFF830  }
0xca: {  	v1 =	vld [tilespmem:s0+$0x57D0]  }
0xcb: {  	v2 =	vld [tilespmem:s0+$0x6770];
	_ =	sdelay $0x1  }
0xcc: {  	v3 =	vld [tilespmem:s0+$0x7710];
	_ =	sdelay $0x2  }
0xcd: {  	s21 =	simm.s32 $0x10;
	v2 =	vadd.f32 v2, v1  }
0xce: {  	v1 =	vld [tilespmem:s21+$0x57D0]  }
0xcf: {  	v4 =	vadd.f32 v3, v2;
	v3 =	vld [tilespmem:s21+$0x6770];
	_ =	sdelay $0x1  }
0xd0: {  	v2 =	vld [tilespmem:s21+$0x7710]  }
0xd1: {  	s23 =	simm.s32 $0x80;
	v4 =	vmax.f32 v4, $0.0e+00  }
.LBB2_11:
0xd2: {  	s24 =	sshra.s32 s23, $0x2;
	[tilespmem:s0+$0x9650] =	vst v4;
	p0 =	sne.s32 s23, $0x1F00  }
.Ltmp4:
0xd3: {  	s23 =	sadd.s32 $0x40, s23;
	v5 =	vadd.f32 v3, v1;
	v1 =	vld [tilespmem:s24+$0x57D0];
	[tilespmem:s0+$0x86B0] =	vst v4;
	(pc) =	sbr.rel @p0 .LBB2_11-.Ltmp4, $4  }
0xd4: {  	s0 =	smov.u32 s21;
	s21 =	smov.u32 s24;
	v3 =	vld [tilespmem:s24+$0x6770]  }
0xd5: {  	v4 =	vadd.f32 v2, v5  }
0xd6: {  	v2 =	vld [tilespmem:s21+$0x7710]  }
0xd7: {  	v4 =	vmax.f32 v4, $0.0e+00  }
0xd8: {  	_ = 	snop  }
0xd9: {  	s23 =	sadd.s32 $0x3, s20;
	v1 =	vadd.f32 v3, v1  }
0xda: {  	s24 =	smul.u32 $0x7D, s23  }
0xdb: {  	v1 =	vadd.f32 v2, v1  }
0xdc: {  	[tilespmem:s0+$0x9650] =	vst v4;
	s24 =	sadd.s32 s8, s24  }
0xdd: {  	[tilespmem:s0+$0x86B0] =	vst v4;
	s24 =	sshll.u32 s24, $0x1;
	v1 =	vmax.f32 v1, $0.0e+00  }
0xde: {  	s0 =	sand.u32 $0x1FFFFFFE, s24;
	s24 =	sor.u32 $0x1, s20;
	[tilespmem:s21+$0x9650] =	vst v1  }
0xdf: {  	[tilespmem:s21+$0x86B0] =	vst v1;
	s0 =	sadd.s32 s2, s0;
	s21 =	smul.u32 $0x7D, s24  }
0xe0: {  	[tilespmem:s30], [sflag:$0x2] =	stream.linear.gather [hbm4b:s0+s4], $0x7D0, $0x38;
	[tilespmem:$0xEE20] =	vst v63  }
0xe1: {  	s23 =	sshll.u32 s23, $0x7;
	s0 =	sadd.s32 s8, s21  }
0xe2: {  	[tilespmem:s1], [sflag:$0x2] =	stream.indirect.gather [hbm4b:s5+s26], $0x10, s23, s26, $0xb8;
	[tilespmem:$0xEE20] =	vst v63  }
0xe3: {  	s0 =	sshll.u32 s0, $0x1  }
0xe4: {  	s21 =	sadd.s32 $0x2800, s23;
	s0 =	sand.u32 $0x1FFFFFFE, s0  }
0xe5: {  	[tilespmem:s31], [sflag:$0x2] =	stream.indirect.gather [hbm4b:s6+s26], $0x10, s21, s26, $0xb8;
	[tilespmem:$0xEE20] =	vst v63  }
0xe6: {  	s19 =	sadd.s32 $0x1, s19;
	s24 =	sshll.u32 s24, $0x7;
	s0 =	sadd.s32 s7, s0  }
0xe7: {  	[hbm4b:s0+s4] =	stream.linear.scatter [tilespmem:s14], [sflag:$0x4], $0x7D0, $0x38;
	[tilespmem:$0xEE20] =	vst v63  }
0xe8: {  	p0 =	sne.s32 s19, $0x27;
	s0 =	sand.u32 $0x3FFFFF80, s24  }
.Ltmp5:
0xe9: {  	s0 =	sadd.s32 $0x2800, s0;
	(pc) =	sbr.rel @p0 .LBB2_8-.Ltmp5, $4  }
0xea: {  	[spmem:s3] =	stream.indirect.scatter.add.f32 [tilespmem:s15], [sflag:$0x5], $0x10, s0, s26, $0xb8;
	[tilespmem:$0xEE20] =	vst v63  }
0xeb: {  	_ =	swait.ge [sflag:s22], $0x7D0  }
0xec: {  	[sflag:s22] =	ssyncset.done $0x0  }
0xed: {  	[sflag:s22] =	ssyncadd.s32 $0xFFFFF830  }
0xee: {  	_ =	swait.ge [sflag:s9], $0x7D0  }
0xef: {  	[sflag:s9] =	ssyncset.done $0x0  }
0xf0: {  	[sflag:s9] =	ssyncadd.s32 $0xFFFFF830  }
0xf1: {  	_ =	swait.ge [sflag:s9], $0x7D0  }
0xf2: {  	[sflag:s9] =	ssyncset.done $0x0  }
0xf3: {  	[sflag:s9] =	ssyncadd.s32 $0xFFFFF830  }
0xf4: {  	_ =	swait.ge [sflag:s9], $0x7D0  }
0xf5: {  	[sflag:s9] =	ssyncset.done $0x0  }
0xf6: {  	[sflag:s9] =	ssyncadd.s32 $0xFFFFF830  }
0xf7: {  	_ =	swait.ge [sflag:s16], $0x7D0  }
0xf8: {  	[sflag:s16] =	ssyncset.done $0x0  }
0xf9: {  	s0 =	simm.s32 $0x0;
	[sflag:s16] =	ssyncadd.s32 $0xFFFFF830  }
0xfa: {  	v1 =	vld [tilespmem:s0+$0x5000]  }
0xfb: {  	v2 =	vld [tilespmem:s0+$0x5FA0];
	_ =	sdelay $0x1  }
0xfc: {  	v3 =	vld [tilespmem:s0+$0x6F40];
	_ =	sdelay $0x2  }
0xfd: {  	s19 =	simm.s32 $0x10;
	v2 =	vadd.f32 v2, v1  }
0xfe: {  	v1 =	vld [tilespmem:s19+$0x5000]  }
0xff: {  	v4 =	vadd.f32 v3, v2;
	v3 =	vld [tilespmem:s19+$0x5FA0];
	_ =	sdelay $0x1  }
0x100: {  	v2 =	vld [tilespmem:s19+$0x6F40]  }
0x101: {  	s20 =	simm.s32 $0x80;
	v4 =	vmax.f32 v4, $0.0e+00  }
.LBB2_14:
0x102: {  	s21 =	sshra.s32 s20, $0x2;
	[tilespmem:s0+$0x8E80] =	vst v4;
	p0 =	sne.s32 s20, $0x1F00  }
.Ltmp6:
0x103: {  	s20 =	sadd.s32 $0x40, s20;
	v5 =	vadd.f32 v3, v1;
	v1 =	vld [tilespmem:s21+$0x5000];
	[tilespmem:s0+$0x7EE0] =	vst v4;
	(pc) =	sbr.rel @p0 .LBB2_14-.Ltmp6, $4  }
0x104: {  	s0 =	smov.u32 s19;
	s19 =	smov.u32 s21;
	v3 =	vld [tilespmem:s21+$0x5FA0]  }
0x105: {  	v4 =	vadd.f32 v2, v5  }
0x106: {  	v2 =	vld [tilespmem:s19+$0x6F40]  }
0x107: {  	v4 =	vmax.f32 v4, $0.0e+00  }
0x108: {  	_ = 	snop  }
0x109: {  	v1 =	vadd.f32 v3, v1;
	_ =	sdelay $0x1  }
0x10a: {  	v1 =	vadd.f32 v2, v1  }
0x10b: {  	[tilespmem:s0+$0x8E80] =	vst v4  }
0x10c: {  	[tilespmem:s0+$0x7EE0] =	vst v4;
	v1 =	vmax.f32 v1, $0.0e+00  }
0x10d: {  	[tilespmem:s19+$0x8E80] =	vst v1  }
0x10e: {  	s21 =	simm.s32 $0x0;
	s23 =	rddreg [dreg:$0xc];
	[tilespmem:s19+$0x7EE0] =	vst v1  }
0x10f: {  	[hbm4b:s23+s21] =	stream.linear.scatter [tilespmem:s10], [sflag:$0x3], $0x7D0, $0x38;
	[tilespmem:$0xEE20] =	vst v63  }
0x110: {  	s24 =	simm.s32 $0x4F00  }
0x111: {  	[spmem:s3] =	stream.indirect.scatter.add.f32 [tilespmem:s12], [sflag:$0x5], $0x10, s24, s26, $0xb8;
	[tilespmem:$0xEE20] =	vst v63  }
0x112: {  	_ =	swait.ge [sflag:s22], $0x7D0  }
0x113: {  	[sflag:s22] =	ssyncset.done $0x0  }
0x114: {  	[sflag:s22] =	ssyncadd.s32 $0xFFFFF830  }
0x115: {  	_ =	swait.ge [sflag:s13], $0x7D0  }
0x116: {  	[sflag:s13] =	ssyncset.done $0x0  }
0x117: {  	[sflag:s13] =	ssyncadd.s32 $0xFFFFF830  }
0x118: {  	_ =	swait.ge [sflag:s13], $0x7D0  }
0x119: {  	[sflag:s13] =	ssyncset.done $0x0  }
0x11a: {  	[sflag:s13] =	ssyncadd.s32 $0xFFFFF830  }
0x11b: {  	_ =	swait.ge [sflag:s13], $0x7D0  }
0x11c: {  	[sflag:s13] =	ssyncset.done $0x0  }
0x11d: {  	[sflag:s13] =	ssyncadd.s32 $0xFFFFF830  }
0x11e: {  	_ =	swait.ge [sflag:s17], $0x7D0  }
0x11f: {  	[sflag:s17] =	ssyncset.done $0x0  }
0x120: {  	s0 =	simm.s32 $0x0;
	[sflag:s17] =	ssyncadd.s32 $0xFFFFF830  }
0x121: {  	v1 =	vld [tilespmem:s0+$0x57D0]  }
0x122: {  	v2 =	vld [tilespmem:s0+$0x6770];
	_ =	sdelay $0x1  }
0x123: {  	v3 =	vld [tilespmem:s0+$0x7710];
	_ =	sdelay $0x2  }
0x124: {  	s19 =	simm.s32 $0x10;
	v2 =	vadd.f32 v2, v1  }
0x125: {  	v1 =	vld [tilespmem:s19+$0x57D0]  }
0x126: {  	v4 =	vadd.f32 v3, v2;
	v3 =	vld [tilespmem:s19+$0x6770];
	_ =	sdelay $0x1  }
0x127: {  	v2 =	vld [tilespmem:s19+$0x7710]  }
0x128: {  	s20 =	simm.s32 $0x80;
	s23 =	simm.s32 $0x2800;
	s24 =	simm.s32 $0x2880;
	v4 =	vmax.f32 v4, $0.0e+00  }
.LBB2_16:
0x129: {  	s21 =	sshra.s32 s20, $0x2;
	[tilespmem:s0+$0x9650] =	vst v4;
	p0 =	sne.s32 s20, $0x1F00  }
.Ltmp7:
0x12a: {  	s20 =	sadd.s32 $0x40, s20;
	v5 =	vadd.f32 v3, v1;
	v1 =	vld [tilespmem:s21+$0x57D0];
	[tilespmem:s0+$0x86B0] =	vst v4;
	(pc) =	sbr.rel @p0 .LBB2_16-.Ltmp7, $4  }
0x12b: {  	s0 =	smov.u32 s19;
	s19 =	smov.u32 s21;
	v3 =	vld [tilespmem:s21+$0x6770]  }
0x12c: {  	v4 =	vadd.f32 v2, v5  }
0x12d: {  	v2 =	vld [tilespmem:s19+$0x7710]  }
0x12e: {  	v4 =	vmax.f32 v4, $0.0e+00  }
0x12f: {  	_ = 	snop  }
0x130: {  	v1 =	vadd.f32 v3, v1;
	_ =	sdelay $0x1  }
0x131: {  	v1 =	vadd.f32 v2, v1  }
0x132: {  	[tilespmem:s0+$0x9650] =	vst v4  }
0x133: {  	[tilespmem:s0+$0x86B0] =	vst v4;
	v1 =	vmax.f32 v1, $0.0e+00  }
0x134: {  	[tilespmem:s19+$0x9650] =	vst v1  }
0x135: {  	s20 =	rddreg [dreg:$0xd];
	[tilespmem:s19+$0x86B0] =	vst v1  }
0x136: {  	[hbm4b:s20+s4] =	stream.linear.scatter [tilespmem:s14], [sflag:$0x4], $0x7D0, $0x38;
	[tilespmem:$0xEE20] =	vst v63  }
0x137: {  	s21 =	simm.s32 $0x4F80  }
0x138: {  	[spmem:s3] =	stream.indirect.scatter.add.f32 [tilespmem:s15], [sflag:$0x5], $0x10, s21, s26, $0xb8;
	[tilespmem:$0xEE20] =	vst v63  }
0x139: {  	_ =	swait.ge [sflag:s22], $0x7D0  }
0x13a: {  	[sflag:s22] =	ssyncset.done $0x0  }
0x13b: {  	[sflag:s22] =	ssyncadd.s32 $0xFFFFF830  }
0x13c: {  	_ =	swait.ge [sflag:s16], $0x7D0  }
0x13d: {  	[sflag:s16] =	ssyncset.done $0x0  }
0x13e: {  	[sflag:s16] =	ssyncadd.s32 $0xFFFFF830  }
0x13f: {  	_ =	swait.ge [sflag:s17], $0x7D0  }
0x140: {  	[sflag:s17] =	ssyncset.done $0x0  }
0x141: {  	[sflag:s17] =	ssyncadd.s32 $0xFFFFF830  }
0x142: {  	s20 =	simm.s32 $0x9E20;
	[bflag:$0x0] =	sbarrier.arrive $0xFFFF  }
0x143: {  	[tilespmem:s20], [sflag:$0x5] =	stream.linear.gather [spmem:s11], $0x2800, $0x38;
	[tilespmem:$0xEE20] =	vst v63  }
0x144: {  	_ =	swait.ge [sflag:s22], $0x2800  }
0x145: {  	[sflag:s22] =	ssyncset.done $0x0  }
0x146: {  	s19 =	rddreg [dreg:$0xe];
	[sflag:s22] =	ssyncadd.s32 $0xFFFFD800  }
0x147: {  	[hbm4b:s19+s4] =	stream.linear.scatter [tilespmem:s20], [sflag:$0x5], $0x2800, $0x38;
	[tilespmem:$0xEE20] =	vst v63  }
0x148: {  	_ =	swait.ge [sflag:s22], $0x2800  }
0x149: {  	s18 =	sadd.s32 $0x1, s18;
	s21 =	rddreg [dreg:$0xf]  }
0x14a: {  	p0 =	sne.s32 s18, s21  }
.Ltmp8:
0x14b: {  	_ = 	snop;
	(pc) =	sbr.rel @p0 .LBB2_1-.Ltmp8, $3  }
0x14c: {  	_ =	sdelay $0x1  }
0x14d: {  	[sflag:s22] =	ssyncset.done $0x0  }
0x14e: {  	[sflag:s22] =	ssyncadd.s32 $0xFFFFD800  }
0x14f: {  	_ =	sfence.sel $0x180000  }
0x150: {  	[bflag:$0x0] =	sbarrier.arrive $0xFFFF  }
0x151: {  	_ =	strace $0x9000004D  }
0x152: {  	s0 =	stileid.u32;
	[bflag:$0x2] =	sbarrier.arrive $0xFFFF  }
0x153: {  	p0 =	sne.s32 s0, $0x0;
	s0 =	rddreg [dreg:$0x3]  }
0x154: {  	s0 =	sadd.s32 @!p0 $0x100000, s0  }
0x155: {  	[sflag:s0] =	ssyncadd.tile.s32 @!p0 $0x1;
	_ =	shalt  }
.Lfunc_end2:
_tile_overlayer_lowered:
.L_overlay_start_2:
0x156: {  	(tag) =	ssettag $0x2  }
0x157: {  	s0 =	rddreg [dreg:$0x0];
	s2 =	stileid.u32  }
0x158: {  	s1 =	rddreg [dreg:$0x1];
	p0 =	sne.s32 s2, $0x0  }
0x159: {  	s3 =	rddreg [dreg:$0x2];
	[bflag:$0x3] =	sbarrier.arrive $0xFFFF;
	s2 =	simm.s32 @!p0 $0x1C05  }
0x15a: {  	[timem:s3], [sflag:s2] =	dma.local @!p0 [hbm:s0], s1  }
0x15b: {  	s0 =	simm.s32 @!p0 $0x5  }
0x15c: {  	_ =	swait.ge @!p0 [sflag:s0], s1  }
0x15d: {  	s1 =	ssub.s32 @!p0 $0x0, s1;
	[sflag:s0] =	ssyncset.done @!p0 $0x0  }
0x15e: {  	[sflag:s0] =	ssyncadd.s32 @!p0 s1  }
0x15f: {  	[bflag:$0x3] =	sbarrier.arrive $0xFFFF  }
0x160: {  	_ =	shalt  }

</sc_bundles>
